<compile_context>
chip_gen: v7x
topology: tpu7x:2x2x1
jax: 0.10.2.dev20260603
libtpu: 0.0.44.dev20260713+nightly
codegen_flags: <defaults>
</compile_context>

<pallas_src>
import jax
import jax.numpy as jnp
from jax import lax
from jax.experimental import pallas as pl
from jax.experimental.pallas import tpu as pltpu
from jax.experimental.pallas import tpu_sc as plsc

N = 10000
E = 160000
D = 256
HD = 128
KSTEPS = 2
P = 2.5

NTILES = 16
N_PAD = 10240
NPT = N_PAD // NTILES
E_T = 10240
E_PAD = E_T * NTILES
CH = 64
NCH = E_T // CH
NPAIR = NCH // 2
PADCH = 4
WB = 8
NWB = NPT // WB
NPADROWS = N_PAD - N


def _rsqrt_newton(x, iters):
    xi = lax.bitcast_convert_type(x, jnp.int32)
    yi = jnp.int32(0x5F3759DF) - (xi >> 1)
    y = lax.bitcast_convert_type(yi, jnp.float32)
    h = x * 0.5
    for _ in range(iters):
        y = y * (1.5 - h * y * y)
    return y


def _sc_body(featT, epk, h2, g, dnv,
             acc_sh, deg_sh, fi0, fi1, fj0, fj1,
             idx0, idx1, gsrc0, gsrc1, gdst0, gdst1, sidst0, sidst1,
             ones_v, dn_l, wb0, wb1, zbuf, zcol,
             sfi0, sfi1, sfj0, sfj1, sc0, sc1, si0, si1):
    c = lax.axis_index("c")
    s = lax.axis_index("s")
    coff = c * N_PAD
    node0 = s * NPT
    ci0 = s * NCH

    zero16 = jnp.zeros((16,), jnp.float32)
    one16 = jnp.ones((16,), jnp.float32)

    def rows(i):
        return pl.ds(node0 + jnp.minimum(i, NWB - 1) * WB, WB)

    def hrows(i):
        return pl.ds(coff + node0 + jnp.minimum(i, NWB - 1) * WB, WB)

    def zrow(r, u):
        for j in range(8):
            zbuf[r, pl.ds(j * 16, 16)] = zero16
        return u
    lax.fori_loop(0, WB, zrow, 0)

    def zcol_f(i, u):
        zcol[pl.ds(i * 16, 16)] = zero16
        return u
    lax.fori_loop(0, NPT // 16, zcol_f, 0)

    for j in range(CH // 16):
        ones_v[pl.ds(j * 16, 16)] = one16

    def zacc(i, u):
        pltpu.sync_copy(zbuf, acc_sh.at[rows(i)])
        return u
    lax.fori_loop(0, NWB, zacc, 0)
    pltpu.sync_copy(zcol, deg_sh.at[pl.ds(node0, NPT)])
    plsc.subcore_barrier()

    def dst_slice(chunk):
        return epk.at[pl.ds((ci0 + chunk) * 2 * CH + CH, CH)]

    pltpu.async_copy(dst_slice(0), sidst0, si0)
    pltpu.async_copy(dst_slice(1), sidst1, si1)

    def dpair(i2, u):
        pltpu.make_async_copy(dst_slice(2 * i2), sidst0, si0).wait()
        d0 = pltpu.async_copy(ones_v, deg_sh.at[sidst0], sc0, add=True)
        pltpu.make_async_copy(dst_slice(2 * i2 + 1), sidst1, si1).wait()
        d1 = pltpu.async_copy(ones_v, deg_sh.at[sidst1], sc1, add=True)
        d0.wait()
        pltpu.async_copy(dst_slice(2 * i2 + 2), sidst0, si0)
        d1.wait()
        pltpu.async_copy(dst_slice(2 * i2 + 3), sidst1, si1)
        return u
    lax.fori_loop(0, NPAIR, dpair, 0)
    pltpu.make_async_copy(dst_slice(NCH), sidst0, si0).wait()
    pltpu.make_async_copy(dst_slice(NCH + 1), sidst1, si1).wait()
    plsc.subcore_barrier()

    pltpu.sync_copy(deg_sh.at[pl.ds(node0, NPT)], dn_l.at[pl.ds(0, NPT)])

    def dnf(i, u):
        d = jnp.maximum(dn_l[pl.ds(i * 16, 16)], 1.0)
        dn_l[pl.ds(i * 16, 16)] = _rsqrt_newton(d, 3)
        return u
    lax.fori_loop(0, NPT // 16, dnf, 0)

    @pl.when(c == 0)
    def _():
        pltpu.sync_copy(dn_l.at[pl.ds(0, NPT)], dnv.at[pl.ds(node0, NPT)])

    def scale_rows(i, w, sq):
        def wrow(r, u):
            d = dn_l[pl.ds(jnp.minimum(i, NWB - 1) * WB + r, 16)][0]
            if sq:
                d = d * d
            for j in range(8):
                w[r, pl.ds(j * 16, 16)] = w[r, pl.ds(j * 16, 16)] * d
            return u
        lax.fori_loop(0, WB, wrow, 0)

    wbufs = ((wb0, sfi0, sc0, si0), (wb1, sfi1, sc1, si1))

    def pingpong(src_at, dst_at, sq, zero_acc):
        for k, (w, sr, sw, sz) in enumerate(wbufs):
            pltpu.async_copy(src_at(k), w, sr)

        def ppair(i2, u):
            for k, (w, sr, sw, sz) in enumerate(wbufs):
                i = 2 * i2 + k
                pltpu.make_async_copy(src_at(i), w, sr).wait()
                scale_rows(i, w, sq)
                dw = pltpu.async_copy(w, dst_at(i), sw)
                if zero_acc:
                    dz = pltpu.async_copy(zbuf, acc_sh.at[rows(i)], sz)
                dw.wait()
                if zero_acc:
                    dz.wait()
                pltpu.async_copy(src_at(i + 2), w, sr)
            return u
        lax.fori_loop(0, NWB // 2, ppair, 0)
        for k, (w, sr, sw, sz) in enumerate(wbufs):
            pltpu.make_async_copy(src_at(0), w, sr).wait()

    pingpong(lambda i: featT.at[hrows(i)], lambda i: g.at[hrows(i)],
             sq=False, zero_acc=False)
    plsc.subcore_barrier()

    bufs = (
        (fi0, fj0, idx0, gsrc0, gdst0, sidst0, sfi0, sfj0, sc0, si0),
        (fi1, fj1, idx1, gsrc1, gdst1, sidst1, sfi1, sfj1, sc1, si1),
    )

    def idx_slice(chunk):
        return epk.at[pl.ds((ci0 + chunk) * 2 * CH, 2 * CH)]

    def adjust(b):
        _, _, idx_b, gsrc_b, gdst_b, _, _, _, _, _ = b
        for j in range(CH // 16):
            sl = pl.ds(j * 16, 16)
            gsrc_b[sl] = idx_b[sl] + coff
            gdst_b[sl] = idx_b[pl.ds(CH + j * 16, 16)] + coff

    def gathers(b):
        fi_b, fj_b, _, gsrc_b, gdst_b, _, sfi_b, sfj_b, _, _ = b
        pltpu.async_copy(g.at[gsrc_b], fj_b, sfj_b)
        pltpu.async_copy(g.at[gdst_b], fi_b, sfi_b)

    def process(b, chunk):
        fi_b, fj_b, idx_b, gsrc_b, gdst_b, sidst_b, sfi_b, sfj_b, sc_b, si_b = b
        pltpu.make_async_copy(g.at[gdst_b], fi_b, sfi_b).wait()
        pltpu.make_async_copy(g.at[gsrc_b], fj_b, sfj_b).wait()

        def mrow(r, v):
            for j in range(8):
                sl = pl.ds(j * 16, 16)
                a = fi_b[r, sl]
                b_ = fj_b[r, sl]
                diff = a - b_
                nd = jnp.abs(diff) + 1e-9
                scale = nd * _rsqrt_newton(nd, 1)
                fi_b[r, sl] = a - scale * diff
            return v
        lax.fori_loop(0, CH, mrow, 0)

        for j in range(CH // 16):
            sl = pl.ds(j * 16, 16)
            sidst_b[sl] = gdst_b[sl] - coff
        d = pltpu.async_copy(fi_b, acc_sh.at[sidst_b], sc_b, add=True)

        pltpu.make_async_copy(idx_slice(chunk + 2), idx_b, si_b).wait()
        adjust(b)
        pltpu.async_copy(g.at[gsrc_b], fj_b, sfj_b)
        d.wait()
        pltpu.async_copy(g.at[gdst_b], fi_b, sfi_b)
        pltpu.async_copy(idx_slice(chunk + 4), idx_b, si_b)

    for step in range(KSTEPS):
        last = step == KSTEPS - 1

        for k, b in enumerate(bufs):
            pltpu.sync_copy(idx_slice(k), b[2])
            adjust(b)
            gathers(b)
        pltpu.async_copy(idx_slice(2), idx0, si0)
        pltpu.async_copy(idx_slice(3), idx1, si1)

        def pairf(i2, u):
            process(bufs[0], 2 * i2)
            process(bufs[1], 2 * i2 + 1)
            return u
        lax.fori_loop(0, NPAIR, pairf, 0)

        for k, b in enumerate(bufs):
            fi_b, fj_b, idx_b, gsrc_b, gdst_b, _, sfi_b, sfj_b, _, si_b = b
            pltpu.make_async_copy(g.at[gdst_b], fi_b, sfi_b).wait()
            pltpu.make_async_copy(g.at[gsrc_b], fj_b, sfj_b).wait()
            pltpu.make_async_copy(idx_slice(NCH + 2 + k), idx_b, si_b).wait()
        plsc.subcore_barrier()

        if not last:
            pingpong(lambda i: acc_sh.at[rows(i)], lambda i: g.at[hrows(i)],
                     sq=True, zero_acc=True)
            plsc.subcore_barrier()
        else:
            pingpong(lambda i: acc_sh.at[rows(i)], lambda i: h2.at[hrows(i)],
                     sq=False, zero_acc=False)


def _sc_propagate(featT, epk):
    mesh = plsc.VectorSubcoreMesh(core_axis_name="c", subcore_axis_name="s")
    f32 = jnp.float32
    run = pl.kernel(
        _sc_body,
        out_type=[
            jax.ShapeDtypeStruct((2 * N_PAD, HD), f32),
            jax.ShapeDtypeStruct((2 * N_PAD, HD), f32),
            jax.ShapeDtypeStruct((N_PAD,), f32),
        ],
        mesh=mesh,
        scratch_types=[
            pltpu.VMEM_SHARED((N_PAD, HD), f32),
            pltpu.VMEM_SHARED((N_PAD,), f32),
            pltpu.VMEM((CH, HD), f32),
            pltpu.VMEM((CH, HD), f32),
            pltpu.VMEM((CH, HD), f32),
            pltpu.VMEM((CH, HD), f32),
            pltpu.VMEM((2 * CH,), jnp.int32),
            pltpu.VMEM((2 * CH,), jnp.int32),
            pltpu.VMEM((CH,), jnp.int32),
            pltpu.VMEM((CH,), jnp.int32),
            pltpu.VMEM((CH,), jnp.int32),
            pltpu.VMEM((CH,), jnp.int32),
            pltpu.VMEM((CH,), jnp.int32),
            pltpu.VMEM((CH,), jnp.int32),
            pltpu.VMEM((CH,), f32),
            pltpu.VMEM((NPT + 16,), f32),
            pltpu.VMEM((WB, HD), f32),
            pltpu.VMEM((WB, HD), f32),
            pltpu.VMEM((WB, HD), f32),
            pltpu.VMEM((NPT,), f32),
            pltpu.SemaphoreType.DMA,
            pltpu.SemaphoreType.DMA,
            pltpu.SemaphoreType.DMA,
            pltpu.SemaphoreType.DMA,
            pltpu.SemaphoreType.DMA,
            pltpu.SemaphoreType.DMA,
            pltpu.SemaphoreType.DMA,
            pltpu.SemaphoreType.DMA,
        ],
    )
    return run(featT, epk)


BN = 1000


def _tc_body(al_r, b_r, dn_r, fL_r, fR_r, g1a_r, g1b_r, h2a_r, h2b_r, W_r, o_r):
    a0 = al_r[0, 0]
    a1 = al_r[0, 1]
    a2 = al_r[0, 2]
    a1dn = a1 / dn_r[...]
    SL = a0 * fL_r[...] + a1dn * g1a_r[...] + a2 * h2a_r[...]
    SR = a0 * fR_r[...] + a1dn * g1b_r[...] + a2 * h2b_r[...]
    wl = W_r[:, :HD]
    wr = W_r[:, HD:]
    dnum = (((1,), (1,)), ((), ()))
    acc = lax.dot_general(SL, wl, dnum, precision=lax.Precision.HIGHEST,
                          preferred_element_type=jnp.float32)
    acc = acc + lax.dot_general(SR, wr, dnum, precision=lax.Precision.HIGHEST,
                                preferred_element_type=jnp.float32)
    o_r[...] = acc + (KSTEPS + 1) * b_r[...]


def _tc_combine(alpha2, b2, dn1, fL, fR, g1a, g1b, h2a, h2b, W):
    f32 = jnp.float32
    half = pl.BlockSpec((BN, HD), lambda i: (i, 0))
    fixed = lambda shape: pl.BlockSpec(shape, lambda i: (0, 0))
    return pl.pallas_call(
        _tc_body,
        grid=(N // BN,),
        in_specs=[
            fixed((1, 3)),
            fixed((1, D)),
            pl.BlockSpec((BN, 1), lambda i: (i, 0)),
            half, half, half, half, half, half,
            fixed((D, D)),
        ],
        out_specs=pl.BlockSpec((BN, D), lambda i: (i, 0)),
        out_shape=jax.ShapeDtypeStruct((N, D), f32),
    )(alpha2, b2, dn1, fL, fR, g1a, g1b, h2a, h2b, W)


def kernel(feat, edge_index, W, b, alpha):
    f32 = jnp.float32
    src = edge_index[0].astype(jnp.int32)
    dst = edge_index[1].astype(jnp.int32)
    npad = E_PAD + PADCH * CH - E
    pad = (N + (jnp.arange(npad, dtype=jnp.int32) % NPADROWS)).astype(jnp.int32)
    srcp = jnp.concatenate([src, pad])
    dstp = jnp.concatenate([dst, pad])
    epk = jnp.stack([srcp.reshape(-1, CH), dstp.reshape(-1, CH)], axis=1).reshape(-1)

    featp = jnp.pad(feat.astype(f32), ((0, N_PAD - N), (0, 0)))
    featT = jnp.transpose(featp.reshape(N_PAD, 2, HD), (1, 0, 2)).reshape(2 * N_PAD, HD)

    h2, g1, dnv = _sc_propagate(featT, epk)

    g1a, g1b = g1[:N], g1[N_PAD:N_PAD + N]
    h2a, h2b = h2[:N], h2[N_PAD:N_PAD + N]
    fL, fR = feat[:, :HD], feat[:, HD:]
    alpha2 = alpha.reshape(1, 3).astype(f32)
    b2 = b.reshape(1, D).astype(f32)
    dn1 = dnv[:N].reshape(N, 1)

    return _tc_combine(alpha2, b2, dn1, fL, fR, g1a, g1b, h2a, h2b, W.astype(f32))

# --- scband reference (transcript-rebuilt; emitter-appended) ---
"""Pipeline reference for scband-lgconv-41755672051939 (READ-ONLY COPY).

The authoritative reference and input builder live on the scoring server;
editing this copy changes nothing except your own understanding.
"""

import jax, jax.numpy as jnp
import numpy as np

N = 10000
E = 160000
D_IN = 256
D_OUT = 256
K = 2
P = 2.5


def setup_inputs(seed: int = 0) -> dict:
    key = jax.random.key(seed)
    k1, k2, k3, k4, k5 = jax.random.split(key, 5)
    feat = jax.random.normal(k1, (N, D_IN), dtype=jnp.float32)
    src = jax.random.randint(k2, (E,), 0, N, dtype=jnp.int32)
    dst = jax.random.randint(k3, (E,), 0, N, dtype=jnp.int32)
    edge_index = jnp.stack([src, dst], axis=0)
    stdv = 1.0 / np.sqrt(D_OUT)
    W = jax.random.uniform(k4, (D_OUT, D_IN), minval=-stdv, maxval=stdv, dtype=jnp.float32)
    b = jnp.zeros((D_OUT,), dtype=jnp.float32)
    stdvk = 1.0 / np.sqrt(K + 1)
    alpha = jax.random.uniform(k5, (K + 1,), minval=-stdvk, maxval=stdvk, dtype=jnp.float32)
    return {"feat": feat, "edge_index": edge_index, "W": W, "b": b, "alpha": alpha}


def reference(feat, edge_index, W, b, alpha):
    src = edge_index[0]
    dst = edge_index[1]
    n = feat.shape[0]
    # in_degrees (messages are aggregated at dst), clamped to min 1
    degs = jax.ops.segment_sum(jnp.ones((src.shape[0],), dtype=jnp.float32), dst, num_segments=n)
    degs = jnp.clip(degs, 1.0, None)
    deg_norm = jnp.power(degs, -0.5)[:, None]
    hs = [feat]
    for _ in range(K):
        h_current = hs[-1] * deg_norm
        fi = h_current[dst]  # edges.dst['h']
        fj = h_current[src]  # edges.src['h']
        diff = fi - fj
        norm_diff = jnp.abs(diff) + 1e-09
        scale = jnp.power(norm_diff, P - 2.0)
        msg = scale * diff
        msg = fi - msg
        h_new = jax.ops.segment_sum(msg, dst, num_segments=n)
        h_new = h_new * deg_norm
        hs.append(h_new)
    out = jnp.zeros((n, W.shape[0]), dtype=feat.dtype)
    for i in range(K + 1):
        out = out + (alpha[i] * hs[i]) @ W.T + b
    return out

if __name__ == "__main__":
    import jax
    _d = setup_inputs()
    print(jax.jit(kernel)(*tuple(_d.values())))

</pallas_src>

<mosaic_0001>
#map = affine_map<(d0, d1) -> (0, 0)>
#map1 = affine_map<(d0, d1) -> (0)>
module attributes {stable_mosaic.version = 14 : i64} {
  func.func @_sc_body(%arg0: i32, %arg1: i32, %arg2: memref<20480x128xf32, #tpu.memory_space<hbm>>, %arg3: memref<328192xi32, #tpu.memory_space<hbm>>, %arg4: memref<20480x128xf32, #tpu.memory_space<hbm>>, %arg5: memref<20480x128xf32, #tpu.memory_space<hbm>>, %arg6: memref<10240xf32, #tpu.memory_space<hbm>>, %arg7: memref<10240x128xf32, #tpu.memory_space<vmem_shared>>, %arg8: memref<10240xf32, #tpu.memory_space<vmem_shared>>, %arg9: memref<64x128xf32, #tpu.memory_space<vmem>>, %arg10: memref<64x128xf32, #tpu.memory_space<vmem>>, %arg11: memref<64x128xf32, #tpu.memory_space<vmem>>, %arg12: memref<64x128xf32, #tpu.memory_space<vmem>>, %arg13: memref<128xi32, #tpu.memory_space<vmem>>, %arg14: memref<128xi32, #tpu.memory_space<vmem>>, %arg15: memref<64xi32, #tpu.memory_space<vmem>>, %arg16: memref<64xi32, #tpu.memory_space<vmem>>, %arg17: memref<64xi32, #tpu.memory_space<vmem>>, %arg18: memref<64xi32, #tpu.memory_space<vmem>>, %arg19: memref<64xi32, #tpu.memory_space<vmem>>, %arg20: memref<64xi32, #tpu.memory_space<vmem>>, %arg21: memref<64xf32, #tpu.memory_space<vmem>>, %arg22: memref<656xf32, #tpu.memory_space<vmem>>, %arg23: memref<8x128xf32, #tpu.memory_space<vmem>>, %arg24: memref<8x128xf32, #tpu.memory_space<vmem>>, %arg25: memref<8x128xf32, #tpu.memory_space<vmem>>, %arg26: memref<640xf32, #tpu.memory_space<vmem>>, %arg27: memref<!tpu.dma_semaphore, #tpu.memory_space<semaphore_mem>>, %arg28: memref<!tpu.dma_semaphore, #tpu.memory_space<semaphore_mem>>, %arg29: memref<!tpu.dma_semaphore, #tpu.memory_space<semaphore_mem>>, %arg30: memref<!tpu.dma_semaphore, #tpu.memory_space<semaphore_mem>>, %arg31: memref<!tpu.dma_semaphore, #tpu.memory_space<semaphore_mem>>, %arg32: memref<!tpu.dma_semaphore, #tpu.memory_space<semaphore_mem>>, %arg33: memref<!tpu.dma_semaphore, #tpu.memory_space<semaphore_mem>>, %arg34: memref<!tpu.dma_semaphore, #tpu.memory_space<semaphore_mem>>) attributes {dimension_semantics = [#tpu.dimension_semantics<core_parallel>, #tpu.dimension_semantics<subcore_parallel>], iteration_bounds = array<i64: 2, 16>, scalar_prefetch = 0 : i64, scratch_operands = 28 : i64, tpu.core_type = #tpu.core_type<sc_vector_subcore>, window_params = [{transform_indices = #map}, {transform_indices = #map1}, {transform_indices = #map}, {transform_indices = #map}, {transform_indices = #map1}]} {
    %mul3A = arith.constant 10240 : i32
    %mul3A_0 = arith.muli %arg0, %mul3A : i32
    %mul3A_1 = arith.constant 640 : i32
    %mul3A_2 = arith.muli %arg1, %mul3A_1 : i32
    %mul3A_3 = arith.constant 160 : i32
    %mul3A_4 = arith.muli %arg1, %mul3A_3 : i32
    %broadcast_in_dim3A = arith.constant 0.000000e+00 : f32
    %broadcast_in_dim3A_5 = vector.broadcast %broadcast_in_dim3A : f32 to vector<16xf32>
    %broadcast_in_dim3A_6 = arith.constant 1.000000e+00 : f32
    %broadcast_in_dim3A_7 = vector.broadcast %broadcast_in_dim3A_6 : f32 to vector<16xf32>
    %scan3A = arith.constant 0 : i32
    %scan3A_8 = arith.constant 0 : i32
    %scan3A_9 = arith.constant 8 : i32
    %scan3A_10 = arith.addi %scan3A_8, %scan3A_9 : i32
    %scan3A_11 = arith.constant 1 : i32
    scf.for %scan3A_672 = %scan3A_8 to %scan3A_10 step %scan3A_11  : i32 {
      %swap3A_673 = arith.index_cast %scan3A_672 : i32 to index
      %swap3A_674 = arith.constant 0 : index
      %swap3A_675 = tpu.vector_load %arg25[%swap3A_673, %swap3A_674] {strides = array<i32>} : memref<8x128xf32, #tpu.memory_space<vmem>>, vector<1x16xf32>,
      %swap3A_676 = vector.shape_cast %swap3A_675 : vector<1x16xf32> to vector<16xf32>
      %swap3A_677 = vector.shape_cast %broadcast_in_dim3A_5 : vector<16xf32> to vector<1x16xf32>
      tpu.vector_store %arg25[%swap3A_673, %swap3A_674], %swap3A_677 {strides = array<i32>} : memref<8x128xf32, #tpu.memory_space<vmem>>, vector<1x16xf32>,
      %swap3A_678 = arith.index_cast %scan3A_672 : i32 to index
      %swap3A_679 = arith.constant 16 : index
      %swap3A_680 = tpu.vector_load %arg25[%swap3A_678, %swap3A_679] {strides = array<i32>} : memref<8x128xf32, #tpu.memory_space<vmem>>, vector<1x16xf32>,
      %swap3A_681 = vector.shape_cast %swap3A_680 : vector<1x16xf32> to vector<16xf32>
      %swap3A_682 = vector.shape_cast %broadcast_in_dim3A_5 : vector<16xf32> to vector<1x16xf32>
      tpu.vector_store %arg25[%swap3A_678, %swap3A_679], %swap3A_682 {strides = array<i32>} : memref<8x128xf32, #tpu.memory_space<vmem>>, vector<1x16xf32>,
      %swap3A_683 = arith.index_cast %scan3A_672 : i32 to index
      %swap3A_684 = arith.constant 32 : index
      %swap3A_685 = tpu.vector_load %arg25[%swap3A_683, %swap3A_684] {strides = array<i32>} : memref<8x128xf32, #tpu.memory_space<vmem>>, vector<1x16xf32>,
      %swap3A_686 = vector.shape_cast %swap3A_685 : vector<1x16xf32> to vector<16xf32>
      %swap3A_687 = vector.shape_cast %broadcast_in_dim3A_5 : vector<16xf32> to vector<1x16xf32>
      tpu.vector_store %arg25[%swap3A_683, %swap3A_684], %swap3A_687 {strides = array<i32>} : memref<8x128xf32, #tpu.memory_space<vmem>>, vector<1x16xf32>,
      %swap3A_688 = arith.index_cast %scan3A_672 : i32 to index
      %swap3A_689 = arith.constant 48 : index
      %swap3A_690 = tpu.vector_load %arg25[%swap3A_688, %swap3A_689] {strides = array<i32>} : memref<8x128xf32, #tpu.memory_space<vmem>>, vector<1x16xf32>,
      %swap3A_691 = vector.shape_cast %swap3A_690 : vector<1x16xf32> to vector<16xf32>
      %swap3A_692 = vector.shape_cast %broadcast_in_dim3A_5 : vector<16xf32> to vector<1x16xf32>
      tpu.vector_store %arg25[%swap3A_688, %swap3A_689], %swap3A_692 {strides = array<i32>} : memref<8x128xf32, #tpu.memory_space<vmem>>, vector<1x16xf32>,
      %swap3A_693 = arith.index_cast %scan3A_672 : i32 to index
      %swap3A_694 = arith.constant 64 : index
      %swap3A_695 = tpu.vector_load %arg25[%swap3A_693, %swap3A_694] {strides = array<i32>} : memref<8x128xf32, #tpu.memory_space<vmem>>, vector<1x16xf32>,
      %swap3A_696 = vector.shape_cast %swap3A_695 : vector<1x16xf32> to vector<16xf32>
      %swap3A_697 = vector.shape_cast %broadcast_in_dim3A_5 : vector<16xf32> to vector<1x16xf32>
      tpu.vector_store %arg25[%swap3A_693, %swap3A_694], %swap3A_697 {strides = array<i32>} : memref<8x128xf32, #tpu.memory_space<vmem>>, vector<1x16xf32>,
      %swap3A_698 = arith.index_cast %scan3A_672 : i32 to index
      %swap3A_699 = arith.constant 80 : index
      %swap3A_700 = tpu.vector_load %arg25[%swap3A_698, %swap3A_699] {strides = array<i32>} : memref<8x128xf32, #tpu.memory_space<vmem>>, vector<1x16xf32>,
      %swap3A_701 = vector.shape_cast %swap3A_700 : vector<1x16xf32> to vector<16xf32>
      %swap3A_702 = vector.shape_cast %broadcast_in_dim3A_5 : vector<16xf32> to vector<1x16xf32>
      tpu.vector_store %arg25[%swap3A_698, %swap3A_699], %swap3A_702 {strides = array<i32>} : memref<8x128xf32, #tpu.memory_space<vmem>>, vector<1x16xf32>,
      %swap3A_703 = arith.index_cast %scan3A_672 : i32 to index
      %swap3A_704 = arith.constant 96 : index
      %swap3A_705 = tpu.vector_load %arg25[%swap3A_703, %swap3A_704] {strides = array<i32>} : memref<8x128xf32, #tpu.memory_space<vmem>>, vector<1x16xf32>,
      %swap3A_706 = vector.shape_cast %swap3A_705 : vector<1x16xf32> to vector<16xf32>
      %swap3A_707 = vector.shape_cast %broadcast_in_dim3A_5 : vector<16xf32> to vector<1x16xf32>
      tpu.vector_store %arg25[%swap3A_703, %swap3A_704], %swap3A_707 {strides = array<i32>} : memref<8x128xf32, #tpu.memory_space<vmem>>, vector<1x16xf32>,
      %swap3A_708 = arith.index_cast %scan3A_672 : i32 to index
      %swap3A_709 = arith.constant 112 : index
      %swap3A_710 = tpu.vector_load %arg25[%swap3A_708, %swap3A_709] {strides = array<i32>} : memref<8x128xf32, #tpu.memory_space<vmem>>, vector<1x16xf32>,
      %swap3A_711 = vector.shape_cast %swap3A_710 : vector<1x16xf32> to vector<16xf32>
      %swap3A_712 = vector.shape_cast %broadcast_in_dim3A_5 : vector<16xf32> to vector<1x16xf32>
      tpu.vector_store %arg25[%swap3A_708, %swap3A_709], %swap3A_712 {strides = array<i32>} : memref<8x128xf32, #tpu.memory_space<vmem>>, vector<1x16xf32>,
    }
    %scan3A_12 = arith.constant 8 : i32
    %scan3A_13 = arith.constant 0 : i32
    %scan3A_14 = arith.constant 0 : i32
    %scan3A_15 = arith.constant 40 : i32
    %scan3A_16 = arith.addi %scan3A_14, %scan3A_15 : i32
    %scan3A_17 = arith.constant 1 : i32
    scf.for %scan3A_672 = %scan3A_14 to %scan3A_16 step %scan3A_17  : i32 {
      %mul3A_673 = arith.constant 16 : i32
      %mul3A_674 = arith.muli %scan3A_672, %mul3A_673 : i32
      %swap3A_675 = arith.index_cast %mul3A_674 : i32 to index
      %swap3A_676 = tpu.vector_load %arg26[%swap3A_675] {strides = array<i32>} : memref<640xf32, #tpu.memory_space<vmem>>, vector<16xf32>,
      %swap3A_677 = vector.shape_cast %swap3A_676 : vector<16xf32> to vector<16xf32>
      %swap3A_678 = vector.shape_cast %broadcast_in_dim3A_5 : vector<16xf32> to vector<16xf32>
      tpu.vector_store %arg26[%swap3A_675], %swap3A_678 {strides = array<i32>} : memref<640xf32, #tpu.memory_space<vmem>>, vector<16xf32>,
    }
    %scan3A_18 = arith.constant 40 : i32
    %swap3A = arith.constant 0 : index
    %swap3A_19 = tpu.vector_load %arg21[%swap3A] {strides = array<i32>} : memref<64xf32, #tpu.memory_space<vmem>>, vector<16xf32>,
    %swap3A_20 = vector.shape_cast %swap3A_19 : vector<16xf32> to vector<16xf32>
    %swap3A_21 = vector.shape_cast %broadcast_in_dim3A_7 : vector<16xf32> to vector<16xf32>
    tpu.vector_store %arg21[%swap3A], %swap3A_21 {strides = array<i32>} : memref<64xf32, #tpu.memory_space<vmem>>, vector<16xf32>,
    %swap3A_22 = arith.constant 16 : index
    %swap3A_23 = tpu.vector_load %arg21[%swap3A_22] {strides = array<i32>} : memref<64xf32, #tpu.memory_space<vmem>>, vector<16xf32>,
    %swap3A_24 = vector.shape_cast %swap3A_23 : vector<16xf32> to vector<16xf32>
    %swap3A_25 = vector.shape_cast %broadcast_in_dim3A_7 : vector<16xf32> to vector<16xf32>
    tpu.vector_store %arg21[%swap3A_22], %swap3A_25 {strides = array<i32>} : memref<64xf32, #tpu.memory_space<vmem>>, vector<16xf32>,
    %swap3A_26 = arith.constant 32 : index
    %swap3A_27 = tpu.vector_load %arg21[%swap3A_26] {strides = array<i32>} : memref<64xf32, #tpu.memory_space<vmem>>, vector<16xf32>,
    %swap3A_28 = vector.shape_cast %swap3A_27 : vector<16xf32> to vector<16xf32>
    %swap3A_29 = vector.shape_cast %broadcast_in_dim3A_7 : vector<16xf32> to vector<16xf32>
    tpu.vector_store %arg21[%swap3A_26], %swap3A_29 {strides = array<i32>} : memref<64xf32, #tpu.memory_space<vmem>>, vector<16xf32>,
    %swap3A_30 = arith.constant 48 : index
    %swap3A_31 = tpu.vector_load %arg21[%swap3A_30] {strides = array<i32>} : memref<64xf32, #tpu.memory_space<vmem>>, vector<16xf32>,
    %swap3A_32 = vector.shape_cast %swap3A_31 : vector<16xf32> to vector<16xf32>
    %swap3A_33 = vector.shape_cast %broadcast_in_dim3A_7 : vector<16xf32> to vector<16xf32>
    tpu.vector_store %arg21[%swap3A_30], %swap3A_33 {strides = array<i32>} : memref<64xf32, #tpu.memory_space<vmem>>, vector<16xf32>,
    %scan3A_34 = arith.constant 0 : i32
    %scan3A_35 = arith.constant 0 : i32
    %scan3A_36 = arith.constant 80 : i32
    %scan3A_37 = arith.addi %scan3A_35, %scan3A_36 : i32
    %scan3A_38 = arith.constant 1 : i32
    scf.for %scan3A_672 = %scan3A_35 to %scan3A_37 step %scan3A_38  : i32 {
      %min3A_673 = arith.constant 79 : i32
      %min3A_674 = arith.minsi %scan3A_672, %min3A_673 : i32
      %mul3A_675 = arith.constant 8 : i32
      %mul3A_676 = arith.muli %min3A_674, %mul3A_675 : i32
      %add3A_677 = arith.addi %mul3A_2, %mul3A_676 : i32
      "tpu.region"() ({
        %run_scoped3A = tpu.sem_alloc : memref<!tpu.dma_semaphore, #tpu.memory_space<semaphore_mem>>
        %dma_start3A_678 = arith.constant 0 : i32
        %dma_start3A_679 = tpu.memref_slice %arg7[%add3A_677, %dma_start3A_678] : memref<10240x128xf32, #tpu.memory_space<vmem_shared>> -> memref<8x128xf32, #tpu.memory_space<vmem_shared>>
        %dma_start3A_680 = arith.constant 0 : i32
        %dma_start3A_681 = tpu.memref_slice %arg7[%add3A_677, %dma_start3A_680] : memref<10240x128xf32, #tpu.memory_space<vmem_shared>> -> memref<8x128xf32, #tpu.memory_space<vmem_shared>>
        tpu.enqueue_dma source(%arg25 : memref<8x128xf32, #tpu.memory_space<vmem>>) target(%dma_start3A_681 : memref<8x128xf32, #tpu.memory_space<vmem_shared>>) target_semaphore(%run_scoped3A : memref<!tpu.dma_semaphore, #tpu.memory_space<semaphore_mem>>)
        %dma_wait3A_682 = arith.constant 0 : i32
        %dma_wait3A_683 = tpu.memref_slice %arg7[%add3A_677, %dma_wait3A_682] : memref<10240x128xf32, #tpu.memory_space<vmem_shared>> -> memref<8x128xf32, #tpu.memory_space<vmem_shared>>
        %dma_wait3A_684 = arith.constant 0 : i32
        %dma_wait3A_685 = tpu.memref_slice %arg7[%add3A_677, %dma_wait3A_684] : memref<10240x128xf32, #tpu.memory_space<vmem_shared>> -> memref<8x128xf32, #tpu.memory_space<vmem_shared>>
        tpu.wait_dma2 semaphore(%run_scoped3A : memref<!tpu.dma_semaphore, #tpu.memory_space<semaphore_mem>>) src(%arg25 : memref<8x128xf32, #tpu.memory_space<vmem>>) dst(%dma_wait3A_685 : memref<8x128xf32, #tpu.memory_space<vmem_shared>>)
        tpu.yield
      }) : () -> ()
    }
    %scan3A_39 = arith.constant 80 : i32
    "tpu.region"() ({
      %run_scoped3A = tpu.sem_alloc : memref<!tpu.dma_semaphore, #tpu.memory_space<semaphore_mem>>
      %dma_start3A_672 = tpu.memref_slice %arg8[%mul3A_2] : memref<10240xf32, #tpu.memory_space<vmem_shared>> -> memref<640xf32, #tpu.memory_space<vmem_shared>>
      %dma_start3A_673 = tpu.memref_slice %arg8[%mul3A_2] : memref<10240xf32, #tpu.memory_space<vmem_shared>> -> memref<640xf32, #tpu.memory_space<vmem_shared>>
      tpu.enqueue_dma source(%arg26 : memref<640xf32, #tpu.memory_space<vmem>>) target(%dma_start3A_673 : memref<640xf32, #tpu.memory_space<vmem_shared>>) target_semaphore(%run_scoped3A : memref<!tpu.dma_semaphore, #tpu.memory_space<semaphore_mem>>)
      %dma_wait3A_674 = tpu.memref_slice %arg8[%mul3A_2] : memref<10240xf32, #tpu.memory_space<vmem_shared>> -> memref<640xf32, #tpu.memory_space<vmem_shared>>
      %dma_wait3A_675 = tpu.memref_slice %arg8[%mul3A_2] : memref<10240xf32, #tpu.memory_space<vmem_shared>> -> memref<640xf32, #tpu.memory_space<vmem_shared>>
      tpu.wait_dma2 semaphore(%run_scoped3A : memref<!tpu.dma_semaphore, #tpu.memory_space<semaphore_mem>>) src(%arg26 : memref<640xf32, #tpu.memory_space<vmem>>) dst(%dma_wait3A_675 : memref<640xf32, #tpu.memory_space<vmem_shared>>)
      tpu.yield
    }) : () -> ()
    %barrier3A = arith.constant 0 : index
    tpu.barrier barrier_id(%barrier3A)
    %add3A = arith.constant 0 : i32
    %add3A_40 = arith.addi %mul3A_4, %add3A : i32
    %mul3A_41 = arith.constant 2 : i32
    %mul3A_42 = arith.muli %add3A_40, %mul3A_41 : i32
    %mul3A_43 = arith.constant 64 : i32
    %mul3A_44 = arith.muli %mul3A_42, %mul3A_43 : i32
    %add3A_45 = arith.constant 64 : i32
    %add3A_46 = arith.addi %mul3A_44, %add3A_45 : i32
    %dma_start3A = tpu.memref_slice %arg3[%add3A_46] : memref<328192xi32, #tpu.memory_space<hbm>> -> memref<64xi32, #tpu.memory_space<hbm>>
    %dma_start3A_47 = tpu.memref_slice %arg3[%add3A_46] : memref<328192xi32, #tpu.memory_space<hbm>> -> memref<64xi32, #tpu.memory_space<hbm>>
    tpu.enqueue_dma source(%dma_start3A_47 : memref<64xi32, #tpu.memory_space<hbm>>) target(%arg19 : memref<64xi32, #tpu.memory_space<vmem>>) target_semaphore(%arg33 : memref<!tpu.dma_semaphore, #tpu.memory_space<semaphore_mem>>)
    %add3A_48 = arith.constant 1 : i32
    %add3A_49 = arith.addi %mul3A_4, %add3A_48 : i32
    %mul3A_50 = arith.constant 2 : i32
    %mul3A_51 = arith.muli %add3A_49, %mul3A_50 : i32
    %mul3A_52 = arith.constant 64 : i32
    %mul3A_53 = arith.muli %mul3A_51, %mul3A_52 : i32
    %add3A_54 = arith.constant 64 : i32
    %add3A_55 = arith.addi %mul3A_53, %add3A_54 : i32
    %dma_start3A_56 = tpu.memref_slice %arg3[%add3A_55] : memref<328192xi32, #tpu.memory_space<hbm>> -> memref<64xi32, #tpu.memory_space<hbm>>
    %dma_start3A_57 = tpu.memref_slice %arg3[%add3A_55] : memref<328192xi32, #tpu.memory_space<hbm>> -> memref<64xi32, #tpu.memory_space<hbm>>
    tpu.enqueue_dma source(%dma_start3A_57 : memref<64xi32, #tpu.memory_space<hbm>>) target(%arg20 : memref<64xi32, #tpu.memory_space<vmem>>) target_semaphore(%arg34 : memref<!tpu.dma_semaphore, #tpu.memory_space<semaphore_mem>>)
    %scan3A_58 = arith.constant 0 : i32
    %scan3A_59 = arith.constant 0 : i32
    %scan3A_60 = arith.constant 80 : i32
    %scan3A_61 = arith.addi %scan3A_59, %scan3A_60 : i32
    %scan3A_62 = arith.constant 1 : i32
    scf.for %scan3A_672 = %scan3A_59 to %scan3A_61 step %scan3A_62  : i32 {
      %mul3A_673 = arith.constant 2 : i32
      %mul3A_674 = arith.muli %mul3A_673, %scan3A_672 : i32
      %add3A_675 = arith.addi %mul3A_4, %mul3A_674 : i32
      %mul3A_676 = arith.constant 2 : i32
      %mul3A_677 = arith.muli %add3A_675, %mul3A_676 : i32
      %mul3A_678 = arith.constant 64 : i32
      %mul3A_679 = arith.muli %mul3A_677, %mul3A_678 : i32
      %add3A_680 = arith.constant 64 : i32
      %add3A_681 = arith.addi %mul3A_679, %add3A_680 : i32
      %dma_wait3A_682 = tpu.memref_slice %arg3[%add3A_681] : memref<328192xi32, #tpu.memory_space<hbm>> -> memref<64xi32, #tpu.memory_space<hbm>>
      %dma_wait3A_683 = tpu.memref_slice %arg3[%add3A_681] : memref<328192xi32, #tpu.memory_space<hbm>> -> memref<64xi32, #tpu.memory_space<hbm>>
      tpu.wait_dma2 semaphore(%arg33 : memref<!tpu.dma_semaphore, #tpu.memory_space<semaphore_mem>>) src(%dma_wait3A_683 : memref<64xi32, #tpu.memory_space<hbm>>) dst(%arg19 : memref<64xi32, #tpu.memory_space<vmem>>)
      %dma_start3A_684 = arith.constant 0 : i32
      %dma_start3A_685 = tpu.memref_slice %arg8[%dma_start3A_684] : memref<10240xf32, #tpu.memory_space<vmem_shared>> -> memref<10240xf32, #tpu.memory_space<vmem_shared>>
      tpu.enqueue_indirect_dma source(%arg21 : memref<64xf32, #tpu.memory_space<vmem>>) target(%dma_start3A_685 : memref<10240xf32, #tpu.memory_space<vmem_shared>>) offsets(%arg19 : memref<64xi32, #tpu.memory_space<vmem>>) semaphore(%arg31 : memref<!tpu.dma_semaphore, #tpu.memory_space<semaphore_mem>>) {add = true}
      %mul3A_686 = arith.constant 2 : i32
      %mul3A_687 = arith.muli %mul3A_686, %scan3A_672 : i32
      %add3A_688 = arith.constant 1 : i32
      %add3A_689 = arith.addi %mul3A_687, %add3A_688 : i32
      %add3A_690 = arith.addi %mul3A_4, %add3A_689 : i32
      %mul3A_691 = arith.constant 2 : i32
      %mul3A_692 = arith.muli %add3A_690, %mul3A_691 : i32
      %mul3A_693 = arith.constant 64 : i32
      %mul3A_694 = arith.muli %mul3A_692, %mul3A_693 : i32
      %add3A_695 = arith.constant 64 : i32
      %add3A_696 = arith.addi %mul3A_694, %add3A_695 : i32
      %dma_wait3A_697 = tpu.memref_slice %arg3[%add3A_696] : memref<328192xi32, #tpu.memory_space<hbm>> -> memref<64xi32, #tpu.memory_space<hbm>>
      %dma_wait3A_698 = tpu.memref_slice %arg3[%add3A_696] : memref<328192xi32, #tpu.memory_space<hbm>> -> memref<64xi32, #tpu.memory_space<hbm>>
      tpu.wait_dma2 semaphore(%arg34 : memref<!tpu.dma_semaphore, #tpu.memory_space<semaphore_mem>>) src(%dma_wait3A_698 : memref<64xi32, #tpu.memory_space<hbm>>) dst(%arg20 : memref<64xi32, #tpu.memory_space<vmem>>)
      %dma_start3A_699 = arith.constant 0 : i32
      %dma_start3A_700 = tpu.memref_slice %arg8[%dma_start3A_699] : memref<10240xf32, #tpu.memory_space<vmem_shared>> -> memref<10240xf32, #tpu.memory_space<vmem_shared>>
      tpu.enqueue_indirect_dma source(%arg21 : memref<64xf32, #tpu.memory_space<vmem>>) target(%dma_start3A_700 : memref<10240xf32, #tpu.memory_space<vmem_shared>>) offsets(%arg20 : memref<64xi32, #tpu.memory_space<vmem>>) semaphore(%arg32 : memref<!tpu.dma_semaphore, #tpu.memory_space<semaphore_mem>>) {add = true}
      %dma_wait3A_701 = arith.constant 0 : i32
      %dma_wait3A_702 = tpu.memref_slice %arg8[%dma_wait3A_701] : memref<10240xf32, #tpu.memory_space<vmem_shared>> -> memref<10240xf32, #tpu.memory_space<vmem_shared>>
      tpu.wait_indirect_dma semaphore(%arg31 : memref<!tpu.dma_semaphore, #tpu.memory_space<semaphore_mem>>) src(%arg21 : memref<64xf32, #tpu.memory_space<vmem>>) dst(%dma_wait3A_702 : memref<10240xf32, #tpu.memory_space<vmem_shared>>)
      %mul3A_703 = arith.constant 2 : i32
      %mul3A_704 = arith.muli %mul3A_703, %scan3A_672 : i32
      %add3A_705 = arith.constant 2 : i32
      %add3A_706 = arith.addi %mul3A_704, %add3A_705 : i32
      %add3A_707 = arith.addi %mul3A_4, %add3A_706 : i32
      %mul3A_708 = arith.constant 2 : i32
      %mul3A_709 = arith.muli %add3A_707, %mul3A_708 : i32
      %mul3A_710 = arith.constant 64 : i32
      %mul3A_711 = arith.muli %mul3A_709, %mul3A_710 : i32
      %add3A_712 = arith.constant 64 : i32
      %add3A_713 = arith.addi %mul3A_711, %add3A_712 : i32
      %dma_start3A_714 = tpu.memref_slice %arg3[%add3A_713] : memref<328192xi32, #tpu.memory_space<hbm>> -> memref<64xi32, #tpu.memory_space<hbm>>
      %dma_start3A_715 = tpu.memref_slice %arg3[%add3A_713] : memref<328192xi32, #tpu.memory_space<hbm>> -> memref<64xi32, #tpu.memory_space<hbm>>
      tpu.enqueue_dma source(%dma_start3A_715 : memref<64xi32, #tpu.memory_space<hbm>>) target(%arg19 : memref<64xi32, #tpu.memory_space<vmem>>) target_semaphore(%arg33 : memref<!tpu.dma_semaphore, #tpu.memory_space<semaphore_mem>>)
      %dma_wait3A_716 = arith.constant 0 : i32
      %dma_wait3A_717 = tpu.memref_slice %arg8[%dma_wait3A_716] : memref<10240xf32, #tpu.memory_space<vmem_shared>> -> memref<10240xf32, #tpu.memory_space<vmem_shared>>
      tpu.wait_indirect_dma semaphore(%arg32 : memref<!tpu.dma_semaphore, #tpu.memory_space<semaphore_mem>>) src(%arg21 : memref<64xf32, #tpu.memory_space<vmem>>) dst(%dma_wait3A_717 : memref<10240xf32, #tpu.memory_space<vmem_shared>>)
      %mul3A_718 = arith.constant 2 : i32
      %mul3A_719 = arith.muli %mul3A_718, %scan3A_672 : i32
      %add3A_720 = arith.constant 3 : i32
      %add3A_721 = arith.addi %mul3A_719, %add3A_720 : i32
      %add3A_722 = arith.addi %mul3A_4, %add3A_721 : i32
      %mul3A_723 = arith.constant 2 : i32
      %mul3A_724 = arith.muli %add3A_722, %mul3A_723 : i32
      %mul3A_725 = arith.constant 64 : i32
      %mul3A_726 = arith.muli %mul3A_724, %mul3A_725 : i32
      %add3A_727 = arith.constant 64 : i32
      %add3A_728 = arith.addi %mul3A_726, %add3A_727 : i32
      %dma_start3A_729 = tpu.memref_slice %arg3[%add3A_728] : memref<328192xi32, #tpu.memory_space<hbm>> -> memref<64xi32, #tpu.memory_space<hbm>>
      %dma_start3A_730 = tpu.memref_slice %arg3[%add3A_728] : memref<328192xi32, #tpu.memory_space<hbm>> -> memref<64xi32, #tpu.memory_space<hbm>>
      tpu.enqueue_dma source(%dma_start3A_730 : memref<64xi32, #tpu.memory_space<hbm>>) target(%arg20 : memref<64xi32, #tpu.memory_space<vmem>>) target_semaphore(%arg34 : memref<!tpu.dma_semaphore, #tpu.memory_space<semaphore_mem>>)
    }
    %scan3A_63 = arith.constant 80 : i32
    %add3A_64 = arith.constant 160 : i32
    %add3A_65 = arith.addi %mul3A_4, %add3A_64 : i32
    %mul3A_66 = arith.constant 2 : i32
    %mul3A_67 = arith.muli %add3A_65, %mul3A_66 : i32
    %mul3A_68 = arith.constant 64 : i32
    %mul3A_69 = arith.muli %mul3A_67, %mul3A_68 : i32
    %add3A_70 = arith.constant 64 : i32
    %add3A_71 = arith.addi %mul3A_69, %add3A_70 : i32
    %dma_wait3A = tpu.memref_slice %arg3[%add3A_71] : memref<328192xi32, #tpu.memory_space<hbm>> -> memref<64xi32, #tpu.memory_space<hbm>>
    %dma_wait3A_72 = tpu.memref_slice %arg3[%add3A_71] : memref<328192xi32, #tpu.memory_space<hbm>> -> memref<64xi32, #tpu.memory_space<hbm>>
    tpu.wait_dma2 semaphore(%arg33 : memref<!tpu.dma_semaphore, #tpu.memory_space<semaphore_mem>>) src(%dma_wait3A_72 : memref<64xi32, #tpu.memory_space<hbm>>) dst(%arg19 : memref<64xi32, #tpu.memory_space<vmem>>)
    %add3A_73 = arith.constant 161 : i32
    %add3A_74 = arith.addi %mul3A_4, %add3A_73 : i32
    %mul3A_75 = arith.constant 2 : i32
    %mul3A_76 = arith.muli %add3A_74, %mul3A_75 : i32
    %mul3A_77 = arith.constant 64 : i32
    %mul3A_78 = arith.muli %mul3A_76, %mul3A_77 : i32
    %add3A_79 = arith.constant 64 : i32
    %add3A_80 = arith.addi %mul3A_78, %add3A_79 : i32
    %dma_wait3A_81 = tpu.memref_slice %arg3[%add3A_80] : memref<328192xi32, #tpu.memory_space<hbm>> -> memref<64xi32, #tpu.memory_space<hbm>>
    %dma_wait3A_82 = tpu.memref_slice %arg3[%add3A_80] : memref<328192xi32, #tpu.memory_space<hbm>> -> memref<64xi32, #tpu.memory_space<hbm>>
    tpu.wait_dma2 semaphore(%arg34 : memref<!tpu.dma_semaphore, #tpu.memory_space<semaphore_mem>>) src(%dma_wait3A_82 : memref<64xi32, #tpu.memory_space<hbm>>) dst(%arg20 : memref<64xi32, #tpu.memory_space<vmem>>)
    %barrier3A_83 = arith.constant 0 : index
    tpu.barrier barrier_id(%barrier3A_83)
    "tpu.region"() ({
      %run_scoped3A = tpu.sem_alloc : memref<!tpu.dma_semaphore, #tpu.memory_space<semaphore_mem>>
      %dma_start3A_672 = arith.constant 0 : i32
      %dma_start3A_673 = tpu.memref_slice %arg22[%dma_start3A_672] : memref<656xf32, #tpu.memory_space<vmem>> -> memref<640xf32, #tpu.memory_space<vmem>>
      %dma_start3A_674 = tpu.memref_slice %arg8[%mul3A_2] : memref<10240xf32, #tpu.memory_space<vmem_shared>> -> memref<640xf32, #tpu.memory_space<vmem_shared>>
      %dma_start3A_675 = arith.constant 0 : i32
      %dma_start3A_676 = tpu.memref_slice %arg22[%dma_start3A_675] : memref<656xf32, #tpu.memory_space<vmem>> -> memref<640xf32, #tpu.memory_space<vmem>>
      %dma_start3A_677 = tpu.memref_slice %arg8[%mul3A_2] : memref<10240xf32, #tpu.memory_space<vmem_shared>> -> memref<640xf32, #tpu.memory_space<vmem_shared>>
      tpu.enqueue_dma source(%dma_start3A_677 : memref<640xf32, #tpu.memory_space<vmem_shared>>) target(%dma_start3A_676 : memref<640xf32, #tpu.memory_space<vmem>>) target_semaphore(%run_scoped3A : memref<!tpu.dma_semaphore, #tpu.memory_space<semaphore_mem>>)
      %dma_wait3A_678 = arith.constant 0 : i32
      %dma_wait3A_679 = tpu.memref_slice %arg22[%dma_wait3A_678] : memref<656xf32, #tpu.memory_space<vmem>> -> memref<640xf32, #tpu.memory_space<vmem>>
      %dma_wait3A_680 = tpu.memref_slice %arg8[%mul3A_2] : memref<10240xf32, #tpu.memory_space<vmem_shared>> -> memref<640xf32, #tpu.memory_space<vmem_shared>>
      %dma_wait3A_681 = arith.constant 0 : i32
      %dma_wait3A_682 = tpu.memref_slice %arg22[%dma_wait3A_681] : memref<656xf32, #tpu.memory_space<vmem>> -> memref<640xf32, #tpu.memory_space<vmem>>
      %dma_wait3A_683 = tpu.memref_slice %arg8[%mul3A_2] : memref<10240xf32, #tpu.memory_space<vmem_shared>> -> memref<640xf32, #tpu.memory_space<vmem_shared>>
      tpu.wait_dma2 semaphore(%run_scoped3A : memref<!tpu.dma_semaphore, #tpu.memory_space<semaphore_mem>>) src(%dma_wait3A_683 : memref<640xf32, #tpu.memory_space<vmem_shared>>) dst(%dma_wait3A_682 : memref<640xf32, #tpu.memory_space<vmem>>)
      tpu.yield
    }) : () -> ()
    %scan3A_84 = arith.constant 0 : i32
    %scan3A_85 = arith.constant 0 : i32
    %scan3A_86 = arith.constant 40 : i32
    %scan3A_87 = arith.addi %scan3A_85, %scan3A_86 : i32
    %scan3A_88 = arith.constant 1 : i32
    scf.for %scan3A_672 = %scan3A_85 to %scan3A_87 step %scan3A_88  : i32 {
      %mul3A_673 = arith.constant 16 : i32
      %mul3A_674 = arith.muli %scan3A_672, %mul3A_673 : i32
      %get3A_675 = arith.index_cast %mul3A_674 : i32 to index
      %get3A_676 = tpu.vector_load %arg22[%get3A_675] {strides = array<i32>} : memref<656xf32, #tpu.memory_space<vmem>>, vector<16xf32>,
      %get3A_677 = vector.shape_cast %get3A_676 : vector<16xf32> to vector<16xf32>
      %max3A = arith.constant 1.000000e+00 : f32
      %max3A_678 = vector.broadcast %max3A : f32 to vector<16xf32>
      %max3A_679 = arith.maximumf %get3A_677, %max3A_678 : vector<16xf32>
      %bitcast_convert_type3A = tpu.bitcast %max3A_679 : vector<16xf32> -> vector<16xi32>
      %shift_right_arithmetic3A = arith.constant 1 : i32
      %shift_right_arithmetic3A_680 = vector.broadcast %shift_right_arithmetic3A : i32 to vector<16xi32>
      %shift_right_arithmetic3A_681 = arith.shrsi %bitcast_convert_type3A, %shift_right_arithmetic3A_680 : vector<16xi32>
      %sub3A = arith.constant 1597463007 : i32
      %sub3A_682 = vector.broadcast %sub3A : i32 to vector<16xi32>
      %sub3A_683 = arith.subi %sub3A_682, %shift_right_arithmetic3A_681 : vector<16xi32>
      %bitcast_convert_type3A_684 = tpu.bitcast %sub3A_683 : vector<16xi32> -> vector<16xf32>
      %mul3A_685 = arith.constant 5.000000e-01 : f32
      %mul3A_686 = vector.broadcast %mul3A_685 : f32 to vector<16xf32>
      %mul3A_687 = arith.mulf %max3A_679, %mul3A_686 : vector<16xf32>
      %mul3A_688 = arith.mulf %mul3A_687, %bitcast_convert_type3A_684 : vector<16xf32>
      %mul3A_689 = arith.mulf %mul3A_688, %bitcast_convert_type3A_684 : vector<16xf32>
      %sub3A_690 = arith.constant 1.500000e+00 : f32
      %sub3A_691 = vector.broadcast %sub3A_690 : f32 to vector<16xf32>
      %sub3A_692 = arith.subf %sub3A_691, %mul3A_689 : vector<16xf32>
      %mul3A_693 = arith.mulf %bitcast_convert_type3A_684, %sub3A_692 : vector<16xf32>
      %mul3A_694 = arith.mulf %mul3A_687, %mul3A_693 : vector<16xf32>
      %mul3A_695 = arith.mulf %mul3A_694, %mul3A_693 : vector<16xf32>
      %sub3A_696 = arith.constant 1.500000e+00 : f32
      %sub3A_697 = vector.broadcast %sub3A_696 : f32 to vector<16xf32>
      %sub3A_698 = arith.subf %sub3A_697, %mul3A_695 : vector<16xf32>
      %mul3A_699 = arith.mulf %mul3A_693, %sub3A_698 : vector<16xf32>
      %mul3A_700 = arith.mulf %mul3A_687, %mul3A_699 : vector<16xf32>
      %mul3A_701 = arith.mulf %mul3A_700, %mul3A_699 : vector<16xf32>
      %sub3A_702 = arith.constant 1.500000e+00 : f32
      %sub3A_703 = vector.broadcast %sub3A_702 : f32 to vector<16xf32>
      %sub3A_704 = arith.subf %sub3A_703, %mul3A_701 : vector<16xf32>
      %mul3A_705 = arith.mulf %mul3A_699, %sub3A_704 : vector<16xf32>
      %mul3A_706 = arith.constant 16 : i32
      %mul3A_707 = arith.muli %scan3A_672, %mul3A_706 : i32
      %swap3A_708 = arith.index_cast %mul3A_707 : i32 to index
      %swap3A_709 = tpu.vector_load %arg22[%swap3A_708] {strides = array<i32>} : memref<656xf32, #tpu.memory_space<vmem>>, vector<16xf32>,
      %swap3A_710 = vector.shape_cast %swap3A_709 : vector<16xf32> to vector<16xf32>
      %swap3A_711 = vector.shape_cast %mul3A_705 : vector<16xf32> to vector<16xf32>
      tpu.vector_store %arg22[%swap3A_708], %swap3A_711 {strides = array<i32>} : memref<656xf32, #tpu.memory_space<vmem>>, vector<16xf32>,
    }
    %scan3A_89 = arith.constant 40 : i32
    %eq3A = arith.constant 0 : i32
    %eq3A_90 = arith.cmpi eq, %arg0, %eq3A : i32
    %convert_element_type3A = arith.extui %eq3A_90 : i1 to i32
    %cond3A = arith.constant 0 : i32
    %cond3A_91 = arith.cmpi ne, %convert_element_type3A, %cond3A : i32
    scf.if %cond3A_91 {
      "tpu.region"() ({
        %run_scoped3A = tpu.sem_alloc : memref<!tpu.dma_semaphore, #tpu.memory_space<semaphore_mem>>
        %dma_start3A_672 = arith.constant 0 : i32
        %dma_start3A_673 = tpu.memref_slice %arg22[%dma_start3A_672] : memref<656xf32, #tpu.memory_space<vmem>> -> memref<640xf32, #tpu.memory_space<vmem>>
        %dma_start3A_674 = tpu.memref_slice %arg6[%mul3A_2] : memref<10240xf32, #tpu.memory_space<hbm>> -> memref<640xf32, #tpu.memory_space<hbm>>
        %dma_start3A_675 = tpu.memref_slice %arg6[%mul3A_2] : memref<10240xf32, #tpu.memory_space<hbm>> -> memref<640xf32, #tpu.memory_space<hbm>>
        %dma_start3A_676 = arith.constant 0 : i32
        %dma_start3A_677 = tpu.memref_slice %arg22[%dma_start3A_676] : memref<656xf32, #tpu.memory_space<vmem>> -> memref<640xf32, #tpu.memory_space<vmem>>
        tpu.enqueue_dma source(%dma_start3A_677 : memref<640xf32, #tpu.memory_space<vmem>>) target(%dma_start3A_675 : memref<640xf32, #tpu.memory_space<hbm>>) target_semaphore(%run_scoped3A : memref<!tpu.dma_semaphore, #tpu.memory_space<semaphore_mem>>)
        %dma_wait3A_678 = arith.constant 0 : i32
        %dma_wait3A_679 = tpu.memref_slice %arg22[%dma_wait3A_678] : memref<656xf32, #tpu.memory_space<vmem>> -> memref<640xf32, #tpu.memory_space<vmem>>
        %dma_wait3A_680 = tpu.memref_slice %arg6[%mul3A_2] : memref<10240xf32, #tpu.memory_space<hbm>> -> memref<640xf32, #tpu.memory_space<hbm>>
        %dma_wait3A_681 = tpu.memref_slice %arg6[%mul3A_2] : memref<10240xf32, #tpu.memory_space<hbm>> -> memref<640xf32, #tpu.memory_space<hbm>>
        %dma_wait3A_682 = arith.constant 0 : i32
        %dma_wait3A_683 = tpu.memref_slice %arg22[%dma_wait3A_682] : memref<656xf32, #tpu.memory_space<vmem>> -> memref<640xf32, #tpu.memory_space<vmem>>
        tpu.wait_dma2 semaphore(%run_scoped3A : memref<!tpu.dma_semaphore, #tpu.memory_space<semaphore_mem>>) src(%dma_wait3A_683 : memref<640xf32, #tpu.memory_space<vmem>>) dst(%dma_wait3A_681 : memref<640xf32, #tpu.memory_space<hbm>>)
        tpu.yield
      }) : () -> ()
    } else {
    }
    %add3A_92 = arith.addi %mul3A_0, %mul3A_2 : i32
    %min3A = arith.constant 0 : i32
    %min3A_93 = arith.constant 79 : i32
    %min3A_94 = arith.minsi %min3A, %min3A_93 : i32
    %mul3A_95 = arith.constant 8 : i32
    %mul3A_96 = arith.muli %min3A_94, %mul3A_95 : i32
    %add3A_97 = arith.addi %add3A_92, %mul3A_96 : i32
    %dma_start3A_98 = arith.constant 0 : i32
    %dma_start3A_99 = tpu.memref_slice %arg2[%add3A_97, %dma_start3A_98] : memref<20480x128xf32, #tpu.memory_space<hbm>> -> memref<8x128xf32, #tpu.memory_space<hbm>>
    %dma_start3A_100 = arith.constant 0 : i32
    %dma_start3A_101 = tpu.memref_slice %arg2[%add3A_97, %dma_start3A_100] : memref<20480x128xf32, #tpu.memory_space<hbm>> -> memref<8x128xf32, #tpu.memory_space<hbm>>
    tpu.enqueue_dma source(%dma_start3A_101 : memref<8x128xf32, #tpu.memory_space<hbm>>) target(%arg23 : memref<8x128xf32, #tpu.memory_space<vmem>>) target_semaphore(%arg27 : memref<!tpu.dma_semaphore, #tpu.memory_space<semaphore_mem>>)
    %add3A_102 = arith.addi %mul3A_0, %mul3A_2 : i32
    %min3A_103 = arith.constant 1 : i32
    %min3A_104 = arith.constant 79 : i32
    %min3A_105 = arith.minsi %min3A_103, %min3A_104 : i32
    %mul3A_106 = arith.constant 8 : i32
    %mul3A_107 = arith.muli %min3A_105, %mul3A_106 : i32
    %add3A_108 = arith.addi %add3A_102, %mul3A_107 : i32
    %dma_start3A_109 = arith.constant 0 : i32
    %dma_start3A_110 = tpu.memref_slice %arg2[%add3A_108, %dma_start3A_109] : memref<20480x128xf32, #tpu.memory_space<hbm>> -> memref<8x128xf32, #tpu.memory_space<hbm>>
    %dma_start3A_111 = arith.constant 0 : i32
    %dma_start3A_112 = tpu.memref_slice %arg2[%add3A_108, %dma_start3A_111] : memref<20480x128xf32, #tpu.memory_space<hbm>> -> memref<8x128xf32, #tpu.memory_space<hbm>>
    tpu.enqueue_dma source(%dma_start3A_112 : memref<8x128xf32, #tpu.memory_space<hbm>>) target(%arg24 : memref<8x128xf32, #tpu.memory_space<vmem>>) target_semaphore(%arg28 : memref<!tpu.dma_semaphore, #tpu.memory_space<semaphore_mem>>)
    %scan3A_113 = arith.constant 0 : i32
    %scan3A_114 = arith.constant 0 : i32
    %scan3A_115 = arith.constant 40 : i32
    %scan3A_116 = arith.addi %scan3A_114, %scan3A_115 : i32
    %scan3A_117 = arith.constant 1 : i32
    scf.for %scan3A_672 = %scan3A_114 to %scan3A_116 step %scan3A_117  : i32 {
      %mul3A_673 = arith.constant 2 : i32
      %mul3A_674 = arith.muli %mul3A_673, %scan3A_672 : i32
      %add3A_675 = arith.constant 0 : i32
      %add3A_676 = arith.addi %mul3A_674, %add3A_675 : i32
      %add3A_677 = arith.addi %mul3A_0, %mul3A_2 : i32
      %min3A_678 = arith.constant 79 : i32
      %min3A_679 = arith.minsi %add3A_676, %min3A_678 : i32
      %mul3A_680 = arith.constant 8 : i32
      %mul3A_681 = arith.muli %min3A_679, %mul3A_680 : i32
      %add3A_682 = arith.addi %add3A_677, %mul3A_681 : i32
      %dma_wait3A_683 = arith.constant 0 : i32
      %dma_wait3A_684 = tpu.memref_slice %arg2[%add3A_682, %dma_wait3A_683] : memref<20480x128xf32, #tpu.memory_space<hbm>> -> memref<8x128xf32, #tpu.memory_space<hbm>>
      %dma_wait3A_685 = arith.constant 0 : i32
      %dma_wait3A_686 = tpu.memref_slice %arg2[%add3A_682, %dma_wait3A_685] : memref<20480x128xf32, #tpu.memory_space<hbm>> -> memref<8x128xf32, #tpu.memory_space<hbm>>
      tpu.wait_dma2 semaphore(%arg27 : memref<!tpu.dma_semaphore, #tpu.memory_space<semaphore_mem>>) src(%dma_wait3A_686 : memref<8x128xf32, #tpu.memory_space<hbm>>) dst(%arg23 : memref<8x128xf32, #tpu.memory_space<vmem>>)
      %scan3A_687 = arith.constant 0 : i32
      %scan3A_688 = arith.constant 0 : i32
      %scan3A_689 = arith.constant 8 : i32
      %scan3A_690 = arith.addi %scan3A_688, %scan3A_689 : i32
      %scan3A_691 = arith.constant 1 : i32
      scf.for %scan3A_765 = %scan3A_688 to %scan3A_690 step %scan3A_691  : i32 {
        %min3A_766 = arith.constant 79 : i32
        %min3A_767 = arith.minsi %add3A_676, %min3A_766 : i32
        %mul3A_768 = arith.constant 8 : i32
        %mul3A_769 = arith.muli %min3A_767, %mul3A_768 : i32
        %add3A_770 = arith.addi %mul3A_769, %scan3A_765 : i32
        %get3A_771 = arith.index_cast %add3A_770 : i32 to index
        %get3A_772 = tpu.vector_load %arg22[%get3A_771] {strides = array<i32>} : memref<656xf32, #tpu.memory_space<vmem>>, vector<16xf32>,
        %get3A_773 = vector.shape_cast %get3A_772 : vector<16xf32> to vector<16xf32>
        %slice3A = vector.extract_strided_slice %get3A_773 {offsets = [0], sizes = [1], strides = [1]} : vector<16xf32> to vector<1xf32>
        %squeeze3A = vector.extract %slice3A[0] : f32 from vector<1xf32>
        %get3A_774 = arith.index_cast %scan3A_765 : i32 to index
        %get3A_775 = arith.constant 0 : index
        %get3A_776 = tpu.vector_load %arg23[%get3A_774, %get3A_775] {strides = array<i32>} : memref<8x128xf32, #tpu.memory_space<vmem>>, vector<1x16xf32>,
        %get3A_777 = vector.shape_cast %get3A_776 : vector<1x16xf32> to vector<16xf32>
        %mul3A_778 = vector.broadcast %squeeze3A : f32 to vector<16xf32>
        %mul3A_779 = arith.mulf %get3A_777, %mul3A_778 : vector<16xf32>
        %swap3A_780 = arith.index_cast %scan3A_765 : i32 to index
        %swap3A_781 = arith.constant 0 : index
        %swap3A_782 = tpu.vector_load %arg23[%swap3A_780, %swap3A_781] {strides = array<i32>} : memref<8x128xf32, #tpu.memory_space<vmem>>, vector<1x16xf32>,
        %swap3A_783 = vector.shape_cast %swap3A_782 : vector<1x16xf32> to vector<16xf32>
        %swap3A_784 = vector.shape_cast %mul3A_779 : vector<16xf32> to vector<1x16xf32>
        tpu.vector_store %arg23[%swap3A_780, %swap3A_781], %swap3A_784 {strides = array<i32>} : memref<8x128xf32, #tpu.memory_space<vmem>>, vector<1x16xf32>,
        %get3A_785 = arith.index_cast %scan3A_765 : i32 to index
        %get3A_786 = arith.constant 16 : index
        %get3A_787 = tpu.vector_load %arg23[%get3A_785, %get3A_786] {strides = array<i32>} : memref<8x128xf32, #tpu.memory_space<vmem>>, vector<1x16xf32>,
        %get3A_788 = vector.shape_cast %get3A_787 : vector<1x16xf32> to vector<16xf32>
        %mul3A_789 = vector.broadcast %squeeze3A : f32 to vector<16xf32>
        %mul3A_790 = arith.mulf %get3A_788, %mul3A_789 : vector<16xf32>
        %swap3A_791 = arith.index_cast %scan3A_765 : i32 to index
        %swap3A_792 = arith.constant 16 : index
        %swap3A_793 = tpu.vector_load %arg23[%swap3A_791, %swap3A_792] {strides = array<i32>} : memref<8x128xf32, #tpu.memory_space<vmem>>, vector<1x16xf32>,
        %swap3A_794 = vector.shape_cast %swap3A_793 : vector<1x16xf32> to vector<16xf32>
        %swap3A_795 = vector.shape_cast %mul3A_790 : vector<16xf32> to vector<1x16xf32>
        tpu.vector_store %arg23[%swap3A_791, %swap3A_792], %swap3A_795 {strides = array<i32>} : memref<8x128xf32, #tpu.memory_space<vmem>>, vector<1x16xf32>,
        %get3A_796 = arith.index_cast %scan3A_765 : i32 to index
        %get3A_797 = arith.constant 32 : index
        %get3A_798 = tpu.vector_load %arg23[%get3A_796, %get3A_797] {strides = array<i32>} : memref<8x128xf32, #tpu.memory_space<vmem>>, vector<1x16xf32>,
        %get3A_799 = vector.shape_cast %get3A_798 : vector<1x16xf32> to vector<16xf32>
        %mul3A_800 = vector.broadcast %squeeze3A : f32 to vector<16xf32>
        %mul3A_801 = arith.mulf %get3A_799, %mul3A_800 : vector<16xf32>
        %swap3A_802 = arith.index_cast %scan3A_765 : i32 to index
        %swap3A_803 = arith.constant 32 : index
        %swap3A_804 = tpu.vector_load %arg23[%swap3A_802, %swap3A_803] {strides = array<i32>} : memref<8x128xf32, #tpu.memory_space<vmem>>, vector<1x16xf32>,
        %swap3A_805 = vector.shape_cast %swap3A_804 : vector<1x16xf32> to vector<16xf32>
        %swap3A_806 = vector.shape_cast %mul3A_801 : vector<16xf32> to vector<1x16xf32>
        tpu.vector_store %arg23[%swap3A_802, %swap3A_803], %swap3A_806 {strides = array<i32>} : memref<8x128xf32, #tpu.memory_space<vmem>>, vector<1x16xf32>,
        %get3A_807 = arith.index_cast %scan3A_765 : i32 to index
        %get3A_808 = arith.constant 48 : index
        %get3A_809 = tpu.vector_load %arg23[%get3A_807, %get3A_808] {strides = array<i32>} : memref<8x128xf32, #tpu.memory_space<vmem>>, vector<1x16xf32>,
        %get3A_810 = vector.shape_cast %get3A_809 : vector<1x16xf32> to vector<16xf32>
        %mul3A_811 = vector.broadcast %squeeze3A : f32 to vector<16xf32>
        %mul3A_812 = arith.mulf %get3A_810, %mul3A_811 : vector<16xf32>
        %swap3A_813 = arith.index_cast %scan3A_765 : i32 to index
        %swap3A_814 = arith.constant 48 : index
        %swap3A_815 = tpu.vector_load %arg23[%swap3A_813, %swap3A_814] {strides = array<i32>} : memref<8x128xf32, #tpu.memory_space<vmem>>, vector<1x16xf32>,
        %swap3A_816 = vector.shape_cast %swap3A_815 : vector<1x16xf32> to vector<16xf32>
        %swap3A_817 = vector.shape_cast %mul3A_812 : vector<16xf32> to vector<1x16xf32>
        tpu.vector_store %arg23[%swap3A_813, %swap3A_814], %swap3A_817 {strides = array<i32>} : memref<8x128xf32, #tpu.memory_space<vmem>>, vector<1x16xf32>,
        %get3A_818 = arith.index_cast %scan3A_765 : i32 to index
        %get3A_819 = arith.constant 64 : index
        %get3A_820 = tpu.vector_load %arg23[%get3A_818, %get3A_819] {strides = array<i32>} : memref<8x128xf32, #tpu.memory_space<vmem>>, vector<1x16xf32>,
        %get3A_821 = vector.shape_cast %get3A_820 : vector<1x16xf32> to vector<16xf32>
        %mul3A_822 = vector.broadcast %squeeze3A : f32 to vector<16xf32>
        %mul3A_823 = arith.mulf %get3A_821, %mul3A_822 : vector<16xf32>
        %swap3A_824 = arith.index_cast %scan3A_765 : i32 to index
        %swap3A_825 = arith.constant 64 : index
        %swap3A_826 = tpu.vector_load %arg23[%swap3A_824, %swap3A_825] {strides = array<i32>} : memref<8x128xf32, #tpu.memory_space<vmem>>, vector<1x16xf32>,
        %swap3A_827 = vector.shape_cast %swap3A_826 : vector<1x16xf32> to vector<16xf32>
        %swap3A_828 = vector.shape_cast %mul3A_823 : vector<16xf32> to vector<1x16xf32>
        tpu.vector_store %arg23[%swap3A_824, %swap3A_825], %swap3A_828 {strides = array<i32>} : memref<8x128xf32, #tpu.memory_space<vmem>>, vector<1x16xf32>,
        %get3A_829 = arith.index_cast %scan3A_765 : i32 to index
        %get3A_830 = arith.constant 80 : index
        %get3A_831 = tpu.vector_load %arg23[%get3A_829, %get3A_830] {strides = array<i32>} : memref<8x128xf32, #tpu.memory_space<vmem>>, vector<1x16xf32>,
        %get3A_832 = vector.shape_cast %get3A_831 : vector<1x16xf32> to vector<16xf32>
        %mul3A_833 = vector.broadcast %squeeze3A : f32 to vector<16xf32>
        %mul3A_834 = arith.mulf %get3A_832, %mul3A_833 : vector<16xf32>
        %swap3A_835 = arith.index_cast %scan3A_765 : i32 to index
        %swap3A_836 = arith.constant 80 : index
        %swap3A_837 = tpu.vector_load %arg23[%swap3A_835, %swap3A_836] {strides = array<i32>} : memref<8x128xf32, #tpu.memory_space<vmem>>, vector<1x16xf32>,
        %swap3A_838 = vector.shape_cast %swap3A_837 : vector<1x16xf32> to vector<16xf32>
        %swap3A_839 = vector.shape_cast %mul3A_834 : vector<16xf32> to vector<1x16xf32>
        tpu.vector_store %arg23[%swap3A_835, %swap3A_836], %swap3A_839 {strides = array<i32>} : memref<8x128xf32, #tpu.memory_space<vmem>>, vector<1x16xf32>,
        %get3A_840 = arith.index_cast %scan3A_765 : i32 to index
        %get3A_841 = arith.constant 96 : index
        %get3A_842 = tpu.vector_load %arg23[%get3A_840, %get3A_841] {strides = array<i32>} : memref<8x128xf32, #tpu.memory_space<vmem>>, vector<1x16xf32>,
        %get3A_843 = vector.shape_cast %get3A_842 : vector<1x16xf32> to vector<16xf32>
        %mul3A_844 = vector.broadcast %squeeze3A : f32 to vector<16xf32>
        %mul3A_845 = arith.mulf %get3A_843, %mul3A_844 : vector<16xf32>
        %swap3A_846 = arith.index_cast %scan3A_765 : i32 to index
        %swap3A_847 = arith.constant 96 : index
        %swap3A_848 = tpu.vector_load %arg23[%swap3A_846, %swap3A_847] {strides = array<i32>} : memref<8x128xf32, #tpu.memory_space<vmem>>, vector<1x16xf32>,
        %swap3A_849 = vector.shape_cast %swap3A_848 : vector<1x16xf32> to vector<16xf32>
        %swap3A_850 = vector.shape_cast %mul3A_845 : vector<16xf32> to vector<1x16xf32>
        tpu.vector_store %arg23[%swap3A_846, %swap3A_847], %swap3A_850 {strides = array<i32>} : memref<8x128xf32, #tpu.memory_space<vmem>>, vector<1x16xf32>,
        %get3A_851 = arith.index_cast %scan3A_765 : i32 to index
        %get3A_852 = arith.constant 112 : index
        %get3A_853 = tpu.vector_load %arg23[%get3A_851, %get3A_852] {strides = array<i32>} : memref<8x128xf32, #tpu.memory_space<vmem>>, vector<1x16xf32>,
        %get3A_854 = vector.shape_cast %get3A_853 : vector<1x16xf32> to vector<16xf32>
        %mul3A_855 = vector.broadcast %squeeze3A : f32 to vector<16xf32>
        %mul3A_856 = arith.mulf %get3A_854, %mul3A_855 : vector<16xf32>
        %swap3A_857 = arith.index_cast %scan3A_765 : i32 to index
        %swap3A_858 = arith.constant 112 : index
        %swap3A_859 = tpu.vector_load %arg23[%swap3A_857, %swap3A_858] {strides = array<i32>} : memref<8x128xf32, #tpu.memory_space<vmem>>, vector<1x16xf32>,
        %swap3A_860 = vector.shape_cast %swap3A_859 : vector<1x16xf32> to vector<16xf32>
        %swap3A_861 = vector.shape_cast %mul3A_856 : vector<16xf32> to vector<1x16xf32>
        tpu.vector_store %arg23[%swap3A_857, %swap3A_858], %swap3A_861 {strides = array<i32>} : memref<8x128xf32, #tpu.memory_space<vmem>>, vector<1x16xf32>,
      }
      %scan3A_692 = arith.constant 8 : i32
      %add3A_693 = arith.addi %mul3A_0, %mul3A_2 : i32
      %min3A_694 = arith.constant 79 : i32
      %min3A_695 = arith.minsi %add3A_676, %min3A_694 : i32
      %mul3A_696 = arith.constant 8 : i32
      %mul3A_697 = arith.muli %min3A_695, %mul3A_696 : i32
      %add3A_698 = arith.addi %add3A_693, %mul3A_697 : i32
      %dma_start3A_699 = arith.constant 0 : i32
      %dma_start3A_700 = tpu.memref_slice %arg5[%add3A_698, %dma_start3A_699] : memref<20480x128xf32, #tpu.memory_space<hbm>> -> memref<8x128xf32, #tpu.memory_space<hbm>>
      %dma_start3A_701 = arith.constant 0 : i32
      %dma_start3A_702 = tpu.memref_slice %arg5[%add3A_698, %dma_start3A_701] : memref<20480x128xf32, #tpu.memory_space<hbm>> -> memref<8x128xf32, #tpu.memory_space<hbm>>
      tpu.enqueue_dma source(%arg23 : memref<8x128xf32, #tpu.memory_space<vmem>>) target(%dma_start3A_702 : memref<8x128xf32, #tpu.memory_space<hbm>>) target_semaphore(%arg31 : memref<!tpu.dma_semaphore, #tpu.memory_space<semaphore_mem>>)
      %dma_wait3A_703 = arith.constant 0 : i32
      %dma_wait3A_704 = tpu.memref_slice %arg5[%add3A_698, %dma_wait3A_703] : memref<20480x128xf32, #tpu.memory_space<hbm>> -> memref<8x128xf32, #tpu.memory_space<hbm>>
      %dma_wait3A_705 = arith.constant 0 : i32
      %dma_wait3A_706 = tpu.memref_slice %arg5[%add3A_698, %dma_wait3A_705] : memref<20480x128xf32, #tpu.memory_space<hbm>> -> memref<8x128xf32, #tpu.memory_space<hbm>>
      tpu.wait_dma2 semaphore(%arg31 : memref<!tpu.dma_semaphore, #tpu.memory_space<semaphore_mem>>) src(%arg23 : memref<8x128xf32, #tpu.memory_space<vmem>>) dst(%dma_wait3A_706 : memref<8x128xf32, #tpu.memory_space<hbm>>)
      %add3A_707 = arith.constant 2 : i32
      %add3A_708 = arith.addi %add3A_676, %add3A_707 : i32
      %add3A_709 = arith.addi %mul3A_0, %mul3A_2 : i32
      %min3A_710 = arith.constant 79 : i32
      %min3A_711 = arith.minsi %add3A_708, %min3A_710 : i32
      %mul3A_712 = arith.constant 8 : i32
      %mul3A_713 = arith.muli %min3A_711, %mul3A_712 : i32
      %add3A_714 = arith.addi %add3A_709, %mul3A_713 : i32
      %dma_start3A_715 = arith.constant 0 : i32
      %dma_start3A_716 = tpu.memref_slice %arg2[%add3A_714, %dma_start3A_715] : memref<20480x128xf32, #tpu.memory_space<hbm>> -> memref<8x128xf32, #tpu.memory_space<hbm>>
      %dma_start3A_717 = arith.constant 0 : i32
      %dma_start3A_718 = tpu.memref_slice %arg2[%add3A_714, %dma_start3A_717] : memref<20480x128xf32, #tpu.memory_space<hbm>> -> memref<8x128xf32, #tpu.memory_space<hbm>>
      tpu.enqueue_dma source(%dma_start3A_718 : memref<8x128xf32, #tpu.memory_space<hbm>>) target(%arg23 : memref<8x128xf32, #tpu.memory_space<vmem>>) target_semaphore(%arg27 : memref<!tpu.dma_semaphore, #tpu.memory_space<semaphore_mem>>)
      %mul3A_719 = arith.constant 2 : i32
      %mul3A_720 = arith.muli %mul3A_719, %scan3A_672 : i32
      %add3A_721 = arith.constant 1 : i32
      %add3A_722 = arith.addi %mul3A_720, %add3A_721 : i32
      %add3A_723 = arith.addi %mul3A_0, %mul3A_2 : i32
      %min3A_724 = arith.constant 79 : i32
      %min3A_725 = arith.minsi %add3A_722, %min3A_724 : i32
      %mul3A_726 = arith.constant 8 : i32
      %mul3A_727 = arith.muli %min3A_725, %mul3A_726 : i32
      %add3A_728 = arith.addi %add3A_723, %mul3A_727 : i32
      %dma_wait3A_729 = arith.constant 0 : i32
      %dma_wait3A_730 = tpu.memref_slice %arg2[%add3A_728, %dma_wait3A_729] : memref<20480x128xf32, #tpu.memory_space<hbm>> -> memref<8x128xf32, #tpu.memory_space<hbm>>
      %dma_wait3A_731 = arith.constant 0 : i32
      %dma_wait3A_732 = tpu.memref_slice %arg2[%add3A_728, %dma_wait3A_731] : memref<20480x128xf32, #tpu.memory_space<hbm>> -> memref<8x128xf32, #tpu.memory_space<hbm>>
      tpu.wait_dma2 semaphore(%arg28 : memref<!tpu.dma_semaphore, #tpu.memory_space<semaphore_mem>>) src(%dma_wait3A_732 : memref<8x128xf32, #tpu.memory_space<hbm>>) dst(%arg24 : memref<8x128xf32, #tpu.memory_space<vmem>>)
      %scan3A_733 = arith.constant 0 : i32
      %scan3A_734 = arith.constant 0 : i32
      %scan3A_735 = arith.constant 8 : i32
      %scan3A_736 = arith.addi %scan3A_734, %scan3A_735 : i32
      %scan3A_737 = arith.constant 1 : i32
      scf.for %scan3A_765 = %scan3A_734 to %scan3A_736 step %scan3A_737  : i32 {
        %min3A_766 = arith.constant 79 : i32
        %min3A_767 = arith.minsi %add3A_722, %min3A_766 : i32
        %mul3A_768 = arith.constant 8 : i32
        %mul3A_769 = arith.muli %min3A_767, %mul3A_768 : i32
        %add3A_770 = arith.addi %mul3A_769, %scan3A_765 : i32
        %get3A_771 = arith.index_cast %add3A_770 : i32 to index
        %get3A_772 = tpu.vector_load %arg22[%get3A_771] {strides = array<i32>} : memref<656xf32, #tpu.memory_space<vmem>>, vector<16xf32>,
        %get3A_773 = vector.shape_cast %get3A_772 : vector<16xf32> to vector<16xf32>
        %slice3A = vector.extract_strided_slice %get3A_773 {offsets = [0], sizes = [1], strides = [1]} : vector<16xf32> to vector<1xf32>
        %squeeze3A = vector.extract %slice3A[0] : f32 from vector<1xf32>
        %get3A_774 = arith.index_cast %scan3A_765 : i32 to index
        %get3A_775 = arith.constant 0 : index
        %get3A_776 = tpu.vector_load %arg24[%get3A_774, %get3A_775] {strides = array<i32>} : memref<8x128xf32, #tpu.memory_space<vmem>>, vector<1x16xf32>,
        %get3A_777 = vector.shape_cast %get3A_776 : vector<1x16xf32> to vector<16xf32>
        %mul3A_778 = vector.broadcast %squeeze3A : f32 to vector<16xf32>
        %mul3A_779 = arith.mulf %get3A_777, %mul3A_778 : vector<16xf32>
        %swap3A_780 = arith.index_cast %scan3A_765 : i32 to index
        %swap3A_781 = arith.constant 0 : index
        %swap3A_782 = tpu.vector_load %arg24[%swap3A_780, %swap3A_781] {strides = array<i32>} : memref<8x128xf32, #tpu.memory_space<vmem>>, vector<1x16xf32>,
        %swap3A_783 = vector.shape_cast %swap3A_782 : vector<1x16xf32> to vector<16xf32>
        %swap3A_784 = vector.shape_cast %mul3A_779 : vector<16xf32> to vector<1x16xf32>
        tpu.vector_store %arg24[%swap3A_780, %swap3A_781], %swap3A_784 {strides = array<i32>} : memref<8x128xf32, #tpu.memory_space<vmem>>, vector<1x16xf32>,
        %get3A_785 = arith.index_cast %scan3A_765 : i32 to index
        %get3A_786 = arith.constant 16 : index
        %get3A_787 = tpu.vector_load %arg24[%get3A_785, %get3A_786] {strides = array<i32>} : memref<8x128xf32, #tpu.memory_space<vmem>>, vector<1x16xf32>,
        %get3A_788 = vector.shape_cast %get3A_787 : vector<1x16xf32> to vector<16xf32>
        %mul3A_789 = vector.broadcast %squeeze3A : f32 to vector<16xf32>
        %mul3A_790 = arith.mulf %get3A_788, %mul3A_789 : vector<16xf32>
        %swap3A_791 = arith.index_cast %scan3A_765 : i32 to index
        %swap3A_792 = arith.constant 16 : index
        %swap3A_793 = tpu.vector_load %arg24[%swap3A_791, %swap3A_792] {strides = array<i32>} : memref<8x128xf32, #tpu.memory_space<vmem>>, vector<1x16xf32>,
        %swap3A_794 = vector.shape_cast %swap3A_793 : vector<1x16xf32> to vector<16xf32>
        %swap3A_795 = vector.shape_cast %mul3A_790 : vector<16xf32> to vector<1x16xf32>
        tpu.vector_store %arg24[%swap3A_791, %swap3A_792], %swap3A_795 {strides = array<i32>} : memref<8x128xf32, #tpu.memory_space<vmem>>, vector<1x16xf32>,
        %get3A_796 = arith.index_cast %scan3A_765 : i32 to index
        %get3A_797 = arith.constant 32 : index
        %get3A_798 = tpu.vector_load %arg24[%get3A_796, %get3A_797] {strides = array<i32>} : memref<8x128xf32, #tpu.memory_space<vmem>>, vector<1x16xf32>,
        %get3A_799 = vector.shape_cast %get3A_798 : vector<1x16xf32> to vector<16xf32>
        %mul3A_800 = vector.broadcast %squeeze3A : f32 to vector<16xf32>
        %mul3A_801 = arith.mulf %get3A_799, %mul3A_800 : vector<16xf32>
        %swap3A_802 = arith.index_cast %scan3A_765 : i32 to index
        %swap3A_803 = arith.constant 32 : index
        %swap3A_804 = tpu.vector_load %arg24[%swap3A_802, %swap3A_803] {strides = array<i32>} : memref<8x128xf32, #tpu.memory_space<vmem>>, vector<1x16xf32>,
        %swap3A_805 = vector.shape_cast %swap3A_804 : vector<1x16xf32> to vector<16xf32>
        %swap3A_806 = vector.shape_cast %mul3A_801 : vector<16xf32> to vector<1x16xf32>
        tpu.vector_store %arg24[%swap3A_802, %swap3A_803], %swap3A_806 {strides = array<i32>} : memref<8x128xf32, #tpu.memory_space<vmem>>, vector<1x16xf32>,
        %get3A_807 = arith.index_cast %scan3A_765 : i32 to index
        %get3A_808 = arith.constant 48 : index
        %get3A_809 = tpu.vector_load %arg24[%get3A_807, %get3A_808] {strides = array<i32>} : memref<8x128xf32, #tpu.memory_space<vmem>>, vector<1x16xf32>,
        %get3A_810 = vector.shape_cast %get3A_809 : vector<1x16xf32> to vector<16xf32>
        %mul3A_811 = vector.broadcast %squeeze3A : f32 to vector<16xf32>
        %mul3A_812 = arith.mulf %get3A_810, %mul3A_811 : vector<16xf32>
        %swap3A_813 = arith.index_cast %scan3A_765 : i32 to index
        %swap3A_814 = arith.constant 48 : index
        %swap3A_815 = tpu.vector_load %arg24[%swap3A_813, %swap3A_814] {strides = array<i32>} : memref<8x128xf32, #tpu.memory_space<vmem>>, vector<1x16xf32>,
        %swap3A_816 = vector.shape_cast %swap3A_815 : vector<1x16xf32> to vector<16xf32>
        %swap3A_817 = vector.shape_cast %mul3A_812 : vector<16xf32> to vector<1x16xf32>
        tpu.vector_store %arg24[%swap3A_813, %swap3A_814], %swap3A_817 {strides = array<i32>} : memref<8x128xf32, #tpu.memory_space<vmem>>, vector<1x16xf32>,
        %get3A_818 = arith.index_cast %scan3A_765 : i32 to index
        %get3A_819 = arith.constant 64 : index
        %get3A_820 = tpu.vector_load %arg24[%get3A_818, %get3A_819] {strides = array<i32>} : memref<8x128xf32, #tpu.memory_space<vmem>>, vector<1x16xf32>,
        %get3A_821 = vector.shape_cast %get3A_820 : vector<1x16xf32> to vector<16xf32>
        %mul3A_822 = vector.broadcast %squeeze3A : f32 to vector<16xf32>
        %mul3A_823 = arith.mulf %get3A_821, %mul3A_822 : vector<16xf32>
        %swap3A_824 = arith.index_cast %scan3A_765 : i32 to index
        %swap3A_825 = arith.constant 64 : index
        %swap3A_826 = tpu.vector_load %arg24[%swap3A_824, %swap3A_825] {strides = array<i32>} : memref<8x128xf32, #tpu.memory_space<vmem>>, vector<1x16xf32>,
        %swap3A_827 = vector.shape_cast %swap3A_826 : vector<1x16xf32> to vector<16xf32>
        %swap3A_828 = vector.shape_cast %mul3A_823 : vector<16xf32> to vector<1x16xf32>
        tpu.vector_store %arg24[%swap3A_824, %swap3A_825], %swap3A_828 {strides = array<i32>} : memref<8x128xf32, #tpu.memory_space<vmem>>, vector<1x16xf32>,
        %get3A_829 = arith.index_cast %scan3A_765 : i32 to index
        %get3A_830 = arith.constant 80 : index
        %get3A_831 = tpu.vector_load %arg24[%get3A_829, %get3A_830] {strides = array<i32>} : memref<8x128xf32, #tpu.memory_space<vmem>>, vector<1x16xf32>,
        %get3A_832 = vector.shape_cast %get3A_831 : vector<1x16xf32> to vector<16xf32>
        %mul3A_833 = vector.broadcast %squeeze3A : f32 to vector<16xf32>
        %mul3A_834 = arith.mulf %get3A_832, %mul3A_833 : vector<16xf32>
        %swap3A_835 = arith.index_cast %scan3A_765 : i32 to index
        %swap3A_836 = arith.constant 80 : index
        %swap3A_837 = tpu.vector_load %arg24[%swap3A_835, %swap3A_836] {strides = array<i32>} : memref<8x128xf32, #tpu.memory_space<vmem>>, vector<1x16xf32>,
        %swap3A_838 = vector.shape_cast %swap3A_837 : vector<1x16xf32> to vector<16xf32>
        %swap3A_839 = vector.shape_cast %mul3A_834 : vector<16xf32> to vector<1x16xf32>
        tpu.vector_store %arg24[%swap3A_835, %swap3A_836], %swap3A_839 {strides = array<i32>} : memref<8x128xf32, #tpu.memory_space<vmem>>, vector<1x16xf32>,
        %get3A_840 = arith.index_cast %scan3A_765 : i32 to index
        %get3A_841 = arith.constant 96 : index
        %get3A_842 = tpu.vector_load %arg24[%get3A_840, %get3A_841] {strides = array<i32>} : memref<8x128xf32, #tpu.memory_space<vmem>>, vector<1x16xf32>,
        %get3A_843 = vector.shape_cast %get3A_842 : vector<1x16xf32> to vector<16xf32>
        %mul3A_844 = vector.broadcast %squeeze3A : f32 to vector<16xf32>
        %mul3A_845 = arith.mulf %get3A_843, %mul3A_844 : vector<16xf32>
        %swap3A_846 = arith.index_cast %scan3A_765 : i32 to index
        %swap3A_847 = arith.constant 96 : index
        %swap3A_848 = tpu.vector_load %arg24[%swap3A_846, %swap3A_847] {strides = array<i32>} : memref<8x128xf32, #tpu.memory_space<vmem>>, vector<1x16xf32>,
        %swap3A_849 = vector.shape_cast %swap3A_848 : vector<1x16xf32> to vector<16xf32>
        %swap3A_850 = vector.shape_cast %mul3A_845 : vector<16xf32> to vector<1x16xf32>
        tpu.vector_store %arg24[%swap3A_846, %swap3A_847], %swap3A_850 {strides = array<i32>} : memref<8x128xf32, #tpu.memory_space<vmem>>, vector<1x16xf32>,
        %get3A_851 = arith.index_cast %scan3A_765 : i32 to index
        %get3A_852 = arith.constant 112 : index
        %get3A_853 = tpu.vector_load %arg24[%get3A_851, %get3A_852] {strides = array<i32>} : memref<8x128xf32, #tpu.memory_space<vmem>>, vector<1x16xf32>,
        %get3A_854 = vector.shape_cast %get3A_853 : vector<1x16xf32> to vector<16xf32>
        %mul3A_855 = vector.broadcast %squeeze3A : f32 to vector<16xf32>
        %mul3A_856 = arith.mulf %get3A_854, %mul3A_855 : vector<16xf32>
        %swap3A_857 = arith.index_cast %scan3A_765 : i32 to index
        %swap3A_858 = arith.constant 112 : index
        %swap3A_859 = tpu.vector_load %arg24[%swap3A_857, %swap3A_858] {strides = array<i32>} : memref<8x128xf32, #tpu.memory_space<vmem>>, vector<1x16xf32>,
        %swap3A_860 = vector.shape_cast %swap3A_859 : vector<1x16xf32> to vector<16xf32>
        %swap3A_861 = vector.shape_cast %mul3A_856 : vector<16xf32> to vector<1x16xf32>
        tpu.vector_store %arg24[%swap3A_857, %swap3A_858], %swap3A_861 {strides = array<i32>} : memref<8x128xf32, #tpu.memory_space<vmem>>, vector<1x16xf32>,
      }
      %scan3A_738 = arith.constant 8 : i32
      %add3A_739 = arith.addi %mul3A_0, %mul3A_2 : i32
      %min3A_740 = arith.constant 79 : i32
      %min3A_741 = arith.minsi %add3A_722, %min3A_740 : i32
      %mul3A_742 = arith.constant 8 : i32
      %mul3A_743 = arith.muli %min3A_741, %mul3A_742 : i32
      %add3A_744 = arith.addi %add3A_739, %mul3A_743 : i32
      %dma_start3A_745 = arith.constant 0 : i32
      %dma_start3A_746 = tpu.memref_slice %arg5[%add3A_744, %dma_start3A_745] : memref<20480x128xf32, #tpu.memory_space<hbm>> -> memref<8x128xf32, #tpu.memory_space<hbm>>
      %dma_start3A_747 = arith.constant 0 : i32
      %dma_start3A_748 = tpu.memref_slice %arg5[%add3A_744, %dma_start3A_747] : memref<20480x128xf32, #tpu.memory_space<hbm>> -> memref<8x128xf32, #tpu.memory_space<hbm>>
      tpu.enqueue_dma source(%arg24 : memref<8x128xf32, #tpu.memory_space<vmem>>) target(%dma_start3A_748 : memref<8x128xf32, #tpu.memory_space<hbm>>) target_semaphore(%arg32 : memref<!tpu.dma_semaphore, #tpu.memory_space<semaphore_mem>>)
      %dma_wait3A_749 = arith.constant 0 : i32
      %dma_wait3A_750 = tpu.memref_slice %arg5[%add3A_744, %dma_wait3A_749] : memref<20480x128xf32, #tpu.memory_space<hbm>> -> memref<8x128xf32, #tpu.memory_space<hbm>>
      %dma_wait3A_751 = arith.constant 0 : i32
      %dma_wait3A_752 = tpu.memref_slice %arg5[%add3A_744, %dma_wait3A_751] : memref<20480x128xf32, #tpu.memory_space<hbm>> -> memref<8x128xf32, #tpu.memory_space<hbm>>
      tpu.wait_dma2 semaphore(%arg32 : memref<!tpu.dma_semaphore, #tpu.memory_space<semaphore_mem>>) src(%arg24 : memref<8x128xf32, #tpu.memory_space<vmem>>) dst(%dma_wait3A_752 : memref<8x128xf32, #tpu.memory_space<hbm>>)
      %add3A_753 = arith.constant 2 : i32
      %add3A_754 = arith.addi %add3A_722, %add3A_753 : i32
      %add3A_755 = arith.addi %mul3A_0, %mul3A_2 : i32
      %min3A_756 = arith.constant 79 : i32
      %min3A_757 = arith.minsi %add3A_754, %min3A_756 : i32
      %mul3A_758 = arith.constant 8 : i32
      %mul3A_759 = arith.muli %min3A_757, %mul3A_758 : i32
      %add3A_760 = arith.addi %add3A_755, %mul3A_759 : i32
      %dma_start3A_761 = arith.constant 0 : i32
      %dma_start3A_762 = tpu.memref_slice %arg2[%add3A_760, %dma_start3A_761] : memref<20480x128xf32, #tpu.memory_space<hbm>> -> memref<8x128xf32, #tpu.memory_space<hbm>>
      %dma_start3A_763 = arith.constant 0 : i32
      %dma_start3A_764 = tpu.memref_slice %arg2[%add3A_760, %dma_start3A_763] : memref<20480x128xf32, #tpu.memory_space<hbm>> -> memref<8x128xf32, #tpu.memory_space<hbm>>
      tpu.enqueue_dma source(%dma_start3A_764 : memref<8x128xf32, #tpu.memory_space<hbm>>) target(%arg24 : memref<8x128xf32, #tpu.memory_space<vmem>>) target_semaphore(%arg28 : memref<!tpu.dma_semaphore, #tpu.memory_space<semaphore_mem>>)
    }
    %scan3A_118 = arith.constant 40 : i32
    %add3A_119 = arith.addi %mul3A_0, %mul3A_2 : i32
    %min3A_120 = arith.constant 0 : i32
    %min3A_121 = arith.constant 79 : i32
    %min3A_122 = arith.minsi %min3A_120, %min3A_121 : i32
    %mul3A_123 = arith.constant 8 : i32
    %mul3A_124 = arith.muli %min3A_122, %mul3A_123 : i32
    %add3A_125 = arith.addi %add3A_119, %mul3A_124 : i32
    %dma_wait3A_126 = arith.constant 0 : i32
    %dma_wait3A_127 = tpu.memref_slice %arg2[%add3A_125, %dma_wait3A_126] : memref<20480x128xf32, #tpu.memory_space<hbm>> -> memref<8x128xf32, #tpu.memory_space<hbm>>
    %dma_wait3A_128 = arith.constant 0 : i32
    %dma_wait3A_129 = tpu.memref_slice %arg2[%add3A_125, %dma_wait3A_128] : memref<20480x128xf32, #tpu.memory_space<hbm>> -> memref<8x128xf32, #tpu.memory_space<hbm>>
    tpu.wait_dma2 semaphore(%arg27 : memref<!tpu.dma_semaphore, #tpu.memory_space<semaphore_mem>>) src(%dma_wait3A_129 : memref<8x128xf32, #tpu.memory_space<hbm>>) dst(%arg23 : memref<8x128xf32, #tpu.memory_space<vmem>>)
    %add3A_130 = arith.addi %mul3A_0, %mul3A_2 : i32
    %min3A_131 = arith.constant 0 : i32
    %min3A_132 = arith.constant 79 : i32
    %min3A_133 = arith.minsi %min3A_131, %min3A_132 : i32
    %mul3A_134 = arith.constant 8 : i32
    %mul3A_135 = arith.muli %min3A_133, %mul3A_134 : i32
    %add3A_136 = arith.addi %add3A_130, %mul3A_135 : i32
    %dma_wait3A_137 = arith.constant 0 : i32
    %dma_wait3A_138 = tpu.memref_slice %arg2[%add3A_136, %dma_wait3A_137] : memref<20480x128xf32, #tpu.memory_space<hbm>> -> memref<8x128xf32, #tpu.memory_space<hbm>>
    %dma_wait3A_139 = arith.constant 0 : i32
    %dma_wait3A_140 = tpu.memref_slice %arg2[%add3A_136, %dma_wait3A_139] : memref<20480x128xf32, #tpu.memory_space<hbm>> -> memref<8x128xf32, #tpu.memory_space<hbm>>
    tpu.wait_dma2 semaphore(%arg28 : memref<!tpu.dma_semaphore, #tpu.memory_space<semaphore_mem>>) src(%dma_wait3A_140 : memref<8x128xf32, #tpu.memory_space<hbm>>) dst(%arg24 : memref<8x128xf32, #tpu.memory_space<vmem>>)
    %barrier3A_141 = arith.constant 0 : index
    tpu.barrier barrier_id(%barrier3A_141)
    %add3A_142 = arith.constant 0 : i32
    %add3A_143 = arith.addi %mul3A_4, %add3A_142 : i32
    %mul3A_144 = arith.constant 2 : i32
    %mul3A_145 = arith.muli %add3A_143, %mul3A_144 : i32
    %mul3A_146 = arith.constant 64 : i32
    %mul3A_147 = arith.muli %mul3A_145, %mul3A_146 : i32
    "tpu.region"() ({
      %run_scoped3A = tpu.sem_alloc : memref<!tpu.dma_semaphore, #tpu.memory_space<semaphore_mem>>
      %dma_start3A_672 = tpu.memref_slice %arg3[%mul3A_147] : memref<328192xi32, #tpu.memory_space<hbm>> -> memref<128xi32, #tpu.memory_space<hbm>>
      %dma_start3A_673 = tpu.memref_slice %arg3[%mul3A_147] : memref<328192xi32, #tpu.memory_space<hbm>> -> memref<128xi32, #tpu.memory_space<hbm>>
      tpu.enqueue_dma source(%dma_start3A_673 : memref<128xi32, #tpu.memory_space<hbm>>) target(%arg13 : memref<128xi32, #tpu.memory_space<vmem>>) target_semaphore(%run_scoped3A : memref<!tpu.dma_semaphore, #tpu.memory_space<semaphore_mem>>)
      %dma_wait3A_674 = tpu.memref_slice %arg3[%mul3A_147] : memref<328192xi32, #tpu.memory_space<hbm>> -> memref<128xi32, #tpu.memory_space<hbm>>
      %dma_wait3A_675 = tpu.memref_slice %arg3[%mul3A_147] : memref<328192xi32, #tpu.memory_space<hbm>> -> memref<128xi32, #tpu.memory_space<hbm>>
      tpu.wait_dma2 semaphore(%run_scoped3A : memref<!tpu.dma_semaphore, #tpu.memory_space<semaphore_mem>>) src(%dma_wait3A_675 : memref<128xi32, #tpu.memory_space<hbm>>) dst(%arg13 : memref<128xi32, #tpu.memory_space<vmem>>)
      tpu.yield
    }) : () -> ()
    %get3A = arith.constant 0 : index
    %get3A_148 = tpu.vector_load %arg13[%get3A] {strides = array<i32>} : memref<128xi32, #tpu.memory_space<vmem>>, vector<16xi32>,
    %get3A_149 = vector.shape_cast %get3A_148 : vector<16xi32> to vector<16xi32>
    %add3A_150 = vector.broadcast %mul3A_0 : i32 to vector<16xi32>
    %add3A_151 = arith.addi %get3A_149, %add3A_150 : vector<16xi32>
    %swap3A_152 = arith.constant 0 : index
    %swap3A_153 = tpu.vector_load %arg15[%swap3A_152] {strides = array<i32>} : memref<64xi32, #tpu.memory_space<vmem>>, vector<16xi32>,
    %swap3A_154 = vector.shape_cast %swap3A_153 : vector<16xi32> to vector<16xi32>
    %swap3A_155 = vector.shape_cast %add3A_151 : vector<16xi32> to vector<16xi32>
    tpu.vector_store %arg15[%swap3A_152], %swap3A_155 {strides = array<i32>} : memref<64xi32, #tpu.memory_space<vmem>>, vector<16xi32>,
    %get3A_156 = arith.constant 64 : index
    %get3A_157 = tpu.vector_load %arg13[%get3A_156] {strides = array<i32>} : memref<128xi32, #tpu.memory_space<vmem>>, vector<16xi32>,
    %get3A_158 = vector.shape_cast %get3A_157 : vector<16xi32> to vector<16xi32>
    %add3A_159 = vector.broadcast %mul3A_0 : i32 to vector<16xi32>
    %add3A_160 = arith.addi %get3A_158, %add3A_159 : vector<16xi32>
    %swap3A_161 = arith.constant 0 : index
    %swap3A_162 = tpu.vector_load %arg17[%swap3A_161] {strides = array<i32>} : memref<64xi32, #tpu.memory_space<vmem>>, vector<16xi32>,
    %swap3A_163 = vector.shape_cast %swap3A_162 : vector<16xi32> to vector<16xi32>
    %swap3A_164 = vector.shape_cast %add3A_160 : vector<16xi32> to vector<16xi32>
    tpu.vector_store %arg17[%swap3A_161], %swap3A_164 {strides = array<i32>} : memref<64xi32, #tpu.memory_space<vmem>>, vector<16xi32>,
    %get3A_165 = arith.constant 16 : index
    %get3A_166 = tpu.vector_load %arg13[%get3A_165] {strides = array<i32>} : memref<128xi32, #tpu.memory_space<vmem>>, vector<16xi32>,
    %get3A_167 = vector.shape_cast %get3A_166 : vector<16xi32> to vector<16xi32>
    %add3A_168 = vector.broadcast %mul3A_0 : i32 to vector<16xi32>
    %add3A_169 = arith.addi %get3A_167, %add3A_168 : vector<16xi32>
    %swap3A_170 = arith.constant 16 : index
    %swap3A_171 = tpu.vector_load %arg15[%swap3A_170] {strides = array<i32>} : memref<64xi32, #tpu.memory_space<vmem>>, vector<16xi32>,
    %swap3A_172 = vector.shape_cast %swap3A_171 : vector<16xi32> to vector<16xi32>
    %swap3A_173 = vector.shape_cast %add3A_169 : vector<16xi32> to vector<16xi32>
    tpu.vector_store %arg15[%swap3A_170], %swap3A_173 {strides = array<i32>} : memref<64xi32, #tpu.memory_space<vmem>>, vector<16xi32>,
    %get3A_174 = arith.constant 80 : index
    %get3A_175 = tpu.vector_load %arg13[%get3A_174] {strides = array<i32>} : memref<128xi32, #tpu.memory_space<vmem>>, vector<16xi32>,
    %get3A_176 = vector.shape_cast %get3A_175 : vector<16xi32> to vector<16xi32>
    %add3A_177 = vector.broadcast %mul3A_0 : i32 to vector<16xi32>
    %add3A_178 = arith.addi %get3A_176, %add3A_177 : vector<16xi32>
    %swap3A_179 = arith.constant 16 : index
    %swap3A_180 = tpu.vector_load %arg17[%swap3A_179] {strides = array<i32>} : memref<64xi32, #tpu.memory_space<vmem>>, vector<16xi32>,
    %swap3A_181 = vector.shape_cast %swap3A_180 : vector<16xi32> to vector<16xi32>
    %swap3A_182 = vector.shape_cast %add3A_178 : vector<16xi32> to vector<16xi32>
    tpu.vector_store %arg17[%swap3A_179], %swap3A_182 {strides = array<i32>} : memref<64xi32, #tpu.memory_space<vmem>>, vector<16xi32>,
    %get3A_183 = arith.constant 32 : index
    %get3A_184 = tpu.vector_load %arg13[%get3A_183] {strides = array<i32>} : memref<128xi32, #tpu.memory_space<vmem>>, vector<16xi32>,
    %get3A_185 = vector.shape_cast %get3A_184 : vector<16xi32> to vector<16xi32>
    %add3A_186 = vector.broadcast %mul3A_0 : i32 to vector<16xi32>
    %add3A_187 = arith.addi %get3A_185, %add3A_186 : vector<16xi32>
    %swap3A_188 = arith.constant 32 : index
    %swap3A_189 = tpu.vector_load %arg15[%swap3A_188] {strides = array<i32>} : memref<64xi32, #tpu.memory_space<vmem>>, vector<16xi32>,
    %swap3A_190 = vector.shape_cast %swap3A_189 : vector<16xi32> to vector<16xi32>
    %swap3A_191 = vector.shape_cast %add3A_187 : vector<16xi32> to vector<16xi32>
    tpu.vector_store %arg15[%swap3A_188], %swap3A_191 {strides = array<i32>} : memref<64xi32, #tpu.memory_space<vmem>>, vector<16xi32>,
    %get3A_192 = arith.constant 96 : index
    %get3A_193 = tpu.vector_load %arg13[%get3A_192] {strides = array<i32>} : memref<128xi32, #tpu.memory_space<vmem>>, vector<16xi32>,
    %get3A_194 = vector.shape_cast %get3A_193 : vector<16xi32> to vector<16xi32>
    %add3A_195 = vector.broadcast %mul3A_0 : i32 to vector<16xi32>
    %add3A_196 = arith.addi %get3A_194, %add3A_195 : vector<16xi32>
    %swap3A_197 = arith.constant 32 : index
    %swap3A_198 = tpu.vector_load %arg17[%swap3A_197] {strides = array<i32>} : memref<64xi32, #tpu.memory_space<vmem>>, vector<16xi32>,
    %swap3A_199 = vector.shape_cast %swap3A_198 : vector<16xi32> to vector<16xi32>
    %swap3A_200 = vector.shape_cast %add3A_196 : vector<16xi32> to vector<16xi32>
    tpu.vector_store %arg17[%swap3A_197], %swap3A_200 {strides = array<i32>} : memref<64xi32, #tpu.memory_space<vmem>>, vector<16xi32>,
    %get3A_201 = arith.constant 48 : index
    %get3A_202 = tpu.vector_load %arg13[%get3A_201] {strides = array<i32>} : memref<128xi32, #tpu.memory_space<vmem>>, vector<16xi32>,
    %get3A_203 = vector.shape_cast %get3A_202 : vector<16xi32> to vector<16xi32>
    %add3A_204 = vector.broadcast %mul3A_0 : i32 to vector<16xi32>
    %add3A_205 = arith.addi %get3A_203, %add3A_204 : vector<16xi32>
    %swap3A_206 = arith.constant 48 : index
    %swap3A_207 = tpu.vector_load %arg15[%swap3A_206] {strides = array<i32>} : memref<64xi32, #tpu.memory_space<vmem>>, vector<16xi32>,
    %swap3A_208 = vector.shape_cast %swap3A_207 : vector<16xi32> to vector<16xi32>
    %swap3A_209 = vector.shape_cast %add3A_205 : vector<16xi32> to vector<16xi32>
    tpu.vector_store %arg15[%swap3A_206], %swap3A_209 {strides = array<i32>} : memref<64xi32, #tpu.memory_space<vmem>>, vector<16xi32>,
    %get3A_210 = arith.constant 112 : index
    %get3A_211 = tpu.vector_load %arg13[%get3A_210] {strides = array<i32>} : memref<128xi32, #tpu.memory_space<vmem>>, vector<16xi32>,
    %get3A_212 = vector.shape_cast %get3A_211 : vector<16xi32> to vector<16xi32>
    %add3A_213 = vector.broadcast %mul3A_0 : i32 to vector<16xi32>
    %add3A_214 = arith.addi %get3A_212, %add3A_213 : vector<16xi32>
    %swap3A_215 = arith.constant 48 : index
    %swap3A_216 = tpu.vector_load %arg17[%swap3A_215] {strides = array<i32>} : memref<64xi32, #tpu.memory_space<vmem>>, vector<16xi32>,
    %swap3A_217 = vector.shape_cast %swap3A_216 : vector<16xi32> to vector<16xi32>
    %swap3A_218 = vector.shape_cast %add3A_214 : vector<16xi32> to vector<16xi32>
    tpu.vector_store %arg17[%swap3A_215], %swap3A_218 {strides = array<i32>} : memref<64xi32, #tpu.memory_space<vmem>>, vector<16xi32>,
    %dma_start3A_219 = arith.constant 0 : i32
    %dma_start3A_220 = arith.constant 0 : i32
    %dma_start3A_221 = tpu.memref_slice %arg5[%dma_start3A_219, %dma_start3A_220] : memref<20480x128xf32, #tpu.memory_space<hbm>> -> memref<20480x128xf32, #tpu.memory_space<hbm>>
    tpu.enqueue_indirect_dma source(%dma_start3A_221 : memref<20480x128xf32, #tpu.memory_space<hbm>>) target(%arg11 : memref<64x128xf32, #tpu.memory_space<vmem>>) offsets(%arg15 : memref<64xi32, #tpu.memory_space<vmem>>) semaphore(%arg29 : memref<!tpu.dma_semaphore, #tpu.memory_space<semaphore_mem>>)
    %dma_start3A_222 = arith.constant 0 : i32
    %dma_start3A_223 = arith.constant 0 : i32
    %dma_start3A_224 = tpu.memref_slice %arg5[%dma_start3A_222, %dma_start3A_223] : memref<20480x128xf32, #tpu.memory_space<hbm>> -> memref<20480x128xf32, #tpu.memory_space<hbm>>
    tpu.enqueue_indirect_dma source(%dma_start3A_224 : memref<20480x128xf32, #tpu.memory_space<hbm>>) target(%arg9 : memref<64x128xf32, #tpu.memory_space<vmem>>) offsets(%arg17 : memref<64xi32, #tpu.memory_space<vmem>>) semaphore(%arg27 : memref<!tpu.dma_semaphore, #tpu.memory_space<semaphore_mem>>)
    %add3A_225 = arith.constant 1 : i32
    %add3A_226 = arith.addi %mul3A_4, %add3A_225 : i32
    %mul3A_227 = arith.constant 2 : i32
    %mul3A_228 = arith.muli %add3A_226, %mul3A_227 : i32
    %mul3A_229 = arith.constant 64 : i32
    %mul3A_230 = arith.muli %mul3A_228, %mul3A_229 : i32
    "tpu.region"() ({
      %run_scoped3A = tpu.sem_alloc : memref<!tpu.dma_semaphore, #tpu.memory_space<semaphore_mem>>
      %dma_start3A_672 = tpu.memref_slice %arg3[%mul3A_230] : memref<328192xi32, #tpu.memory_space<hbm>> -> memref<128xi32, #tpu.memory_space<hbm>>
      %dma_start3A_673 = tpu.memref_slice %arg3[%mul3A_230] : memref<328192xi32, #tpu.memory_space<hbm>> -> memref<128xi32, #tpu.memory_space<hbm>>
      tpu.enqueue_dma source(%dma_start3A_673 : memref<128xi32, #tpu.memory_space<hbm>>) target(%arg14 : memref<128xi32, #tpu.memory_space<vmem>>) target_semaphore(%run_scoped3A : memref<!tpu.dma_semaphore, #tpu.memory_space<semaphore_mem>>)
      %dma_wait3A_674 = tpu.memref_slice %arg3[%mul3A_230] : memref<328192xi32, #tpu.memory_space<hbm>> -> memref<128xi32, #tpu.memory_space<hbm>>
      %dma_wait3A_675 = tpu.memref_slice %arg3[%mul3A_230] : memref<328192xi32, #tpu.memory_space<hbm>> -> memref<128xi32, #tpu.memory_space<hbm>>
      tpu.wait_dma2 semaphore(%run_scoped3A : memref<!tpu.dma_semaphore, #tpu.memory_space<semaphore_mem>>) src(%dma_wait3A_675 : memref<128xi32, #tpu.memory_space<hbm>>) dst(%arg14 : memref<128xi32, #tpu.memory_space<vmem>>)
      tpu.yield
    }) : () -> ()
    %get3A_231 = arith.constant 0 : index
    %get3A_232 = tpu.vector_load %arg14[%get3A_231] {strides = array<i32>} : memref<128xi32, #tpu.memory_space<vmem>>, vector<16xi32>,
    %get3A_233 = vector.shape_cast %get3A_232 : vector<16xi32> to vector<16xi32>
    %add3A_234 = vector.broadcast %mul3A_0 : i32 to vector<16xi32>
    %add3A_235 = arith.addi %get3A_233, %add3A_234 : vector<16xi32>
    %swap3A_236 = arith.constant 0 : index
    %swap3A_237 = tpu.vector_load %arg16[%swap3A_236] {strides = array<i32>} : memref<64xi32, #tpu.memory_space<vmem>>, vector<16xi32>,
    %swap3A_238 = vector.shape_cast %swap3A_237 : vector<16xi32> to vector<16xi32>
    %swap3A_239 = vector.shape_cast %add3A_235 : vector<16xi32> to vector<16xi32>
    tpu.vector_store %arg16[%swap3A_236], %swap3A_239 {strides = array<i32>} : memref<64xi32, #tpu.memory_space<vmem>>, vector<16xi32>,
    %get3A_240 = arith.constant 64 : index
    %get3A_241 = tpu.vector_load %arg14[%get3A_240] {strides = array<i32>} : memref<128xi32, #tpu.memory_space<vmem>>, vector<16xi32>,
    %get3A_242 = vector.shape_cast %get3A_241 : vector<16xi32> to vector<16xi32>
    %add3A_243 = vector.broadcast %mul3A_0 : i32 to vector<16xi32>
    %add3A_244 = arith.addi %get3A_242, %add3A_243 : vector<16xi32>
    %swap3A_245 = arith.constant 0 : index
    %swap3A_246 = tpu.vector_load %arg18[%swap3A_245] {strides = array<i32>} : memref<64xi32, #tpu.memory_space<vmem>>, vector<16xi32>,
    %swap3A_247 = vector.shape_cast %swap3A_246 : vector<16xi32> to vector<16xi32>
    %swap3A_248 = vector.shape_cast %add3A_244 : vector<16xi32> to vector<16xi32>
    tpu.vector_store %arg18[%swap3A_245], %swap3A_248 {strides = array<i32>} : memref<64xi32, #tpu.memory_space<vmem>>, vector<16xi32>,
    %get3A_249 = arith.constant 16 : index
    %get3A_250 = tpu.vector_load %arg14[%get3A_249] {strides = array<i32>} : memref<128xi32, #tpu.memory_space<vmem>>, vector<16xi32>,
    %get3A_251 = vector.shape_cast %get3A_250 : vector<16xi32> to vector<16xi32>
    %add3A_252 = vector.broadcast %mul3A_0 : i32 to vector<16xi32>
    %add3A_253 = arith.addi %get3A_251, %add3A_252 : vector<16xi32>
    %swap3A_254 = arith.constant 16 : index
    %swap3A_255 = tpu.vector_load %arg16[%swap3A_254] {strides = array<i32>} : memref<64xi32, #tpu.memory_space<vmem>>, vector<16xi32>,
    %swap3A_256 = vector.shape_cast %swap3A_255 : vector<16xi32> to vector<16xi32>
    %swap3A_257 = vector.shape_cast %add3A_253 : vector<16xi32> to vector<16xi32>
    tpu.vector_store %arg16[%swap3A_254], %swap3A_257 {strides = array<i32>} : memref<64xi32, #tpu.memory_space<vmem>>, vector<16xi32>,
    %get3A_258 = arith.constant 80 : index
    %get3A_259 = tpu.vector_load %arg14[%get3A_258] {strides = array<i32>} : memref<128xi32, #tpu.memory_space<vmem>>, vector<16xi32>,
    %get3A_260 = vector.shape_cast %get3A_259 : vector<16xi32> to vector<16xi32>
    %add3A_261 = vector.broadcast %mul3A_0 : i32 to vector<16xi32>
    %add3A_262 = arith.addi %get3A_260, %add3A_261 : vector<16xi32>
    %swap3A_263 = arith.constant 16 : index
    %swap3A_264 = tpu.vector_load %arg18[%swap3A_263] {strides = array<i32>} : memref<64xi32, #tpu.memory_space<vmem>>, vector<16xi32>,
    %swap3A_265 = vector.shape_cast %swap3A_264 : vector<16xi32> to vector<16xi32>
    %swap3A_266 = vector.shape_cast %add3A_262 : vector<16xi32> to vector<16xi32>
    tpu.vector_store %arg18[%swap3A_263], %swap3A_266 {strides = array<i32>} : memref<64xi32, #tpu.memory_space<vmem>>, vector<16xi32>,
    %get3A_267 = arith.constant 32 : index
    %get3A_268 = tpu.vector_load %arg14[%get3A_267] {strides = array<i32>} : memref<128xi32, #tpu.memory_space<vmem>>, vector<16xi32>,
    %get3A_269 = vector.shape_cast %get3A_268 : vector<16xi32> to vector<16xi32>
    %add3A_270 = vector.broadcast %mul3A_0 : i32 to vector<16xi32>
    %add3A_271 = arith.addi %get3A_269, %add3A_270 : vector<16xi32>
    %swap3A_272 = arith.constant 32 : index
    %swap3A_273 = tpu.vector_load %arg16[%swap3A_272] {strides = array<i32>} : memref<64xi32, #tpu.memory_space<vmem>>, vector<16xi32>,
    %swap3A_274 = vector.shape_cast %swap3A_273 : vector<16xi32> to vector<16xi32>
    %swap3A_275 = vector.shape_cast %add3A_271 : vector<16xi32> to vector<16xi32>
    tpu.vector_store %arg16[%swap3A_272], %swap3A_275 {strides = array<i32>} : memref<64xi32, #tpu.memory_space<vmem>>, vector<16xi32>,
    %get3A_276 = arith.constant 96 : index
    %get3A_277 = tpu.vector_load %arg14[%get3A_276] {strides = array<i32>} : memref<128xi32, #tpu.memory_space<vmem>>, vector<16xi32>,
    %get3A_278 = vector.shape_cast %get3A_277 : vector<16xi32> to vector<16xi32>
    %add3A_279 = vector.broadcast %mul3A_0 : i32 to vector<16xi32>
    %add3A_280 = arith.addi %get3A_278, %add3A_279 : vector<16xi32>
    %swap3A_281 = arith.constant 32 : index
    %swap3A_282 = tpu.vector_load %arg18[%swap3A_281] {strides = array<i32>} : memref<64xi32, #tpu.memory_space<vmem>>, vector<16xi32>,
    %swap3A_283 = vector.shape_cast %swap3A_282 : vector<16xi32> to vector<16xi32>
    %swap3A_284 = vector.shape_cast %add3A_280 : vector<16xi32> to vector<16xi32>
    tpu.vector_store %arg18[%swap3A_281], %swap3A_284 {strides = array<i32>} : memref<64xi32, #tpu.memory_space<vmem>>, vector<16xi32>,
    %get3A_285 = arith.constant 48 : index
    %get3A_286 = tpu.vector_load %arg14[%get3A_285] {strides = array<i32>} : memref<128xi32, #tpu.memory_space<vmem>>, vector<16xi32>,
    %get3A_287 = vector.shape_cast %get3A_286 : vector<16xi32> to vector<16xi32>
    %add3A_288 = vector.broadcast %mul3A_0 : i32 to vector<16xi32>
    %add3A_289 = arith.addi %get3A_287, %add3A_288 : vector<16xi32>
    %swap3A_290 = arith.constant 48 : index
    %swap3A_291 = tpu.vector_load %arg16[%swap3A_290] {strides = array<i32>} : memref<64xi32, #tpu.memory_space<vmem>>, vector<16xi32>,
    %swap3A_292 = vector.shape_cast %swap3A_291 : vector<16xi32> to vector<16xi32>
    %swap3A_293 = vector.shape_cast %add3A_289 : vector<16xi32> to vector<16xi32>
    tpu.vector_store %arg16[%swap3A_290], %swap3A_293 {strides = array<i32>} : memref<64xi32, #tpu.memory_space<vmem>>, vector<16xi32>,
    %get3A_294 = arith.constant 112 : index
    %get3A_295 = tpu.vector_load %arg14[%get3A_294] {strides = array<i32>} : memref<128xi32, #tpu.memory_space<vmem>>, vector<16xi32>,
    %get3A_296 = vector.shape_cast %get3A_295 : vector<16xi32> to vector<16xi32>
    %add3A_297 = vector.broadcast %mul3A_0 : i32 to vector<16xi32>
    %add3A_298 = arith.addi %get3A_296, %add3A_297 : vector<16xi32>
    %swap3A_299 = arith.constant 48 : index
    %swap3A_300 = tpu.vector_load %arg18[%swap3A_299] {strides = array<i32>} : memref<64xi32, #tpu.memory_space<vmem>>, vector<16xi32>,
    %swap3A_301 = vector.shape_cast %swap3A_300 : vector<16xi32> to vector<16xi32>
    %swap3A_302 = vector.shape_cast %add3A_298 : vector<16xi32> to vector<16xi32>
    tpu.vector_store %arg18[%swap3A_299], %swap3A_302 {strides = array<i32>} : memref<64xi32, #tpu.memory_space<vmem>>, vector<16xi32>,
    %dma_start3A_303 = arith.constant 0 : i32
    %dma_start3A_304 = arith.constant 0 : i32
    %dma_start3A_305 = tpu.memref_slice %arg5[%dma_start3A_303, %dma_start3A_304] : memref<20480x128xf32, #tpu.memory_space<hbm>> -> memref<20480x128xf32, #tpu.memory_space<hbm>>
    tpu.enqueue_indirect_dma source(%dma_start3A_305 : memref<20480x128xf32, #tpu.memory_space<hbm>>) target(%arg12 : memref<64x128xf32, #tpu.memory_space<vmem>>) offsets(%arg16 : memref<64xi32, #tpu.memory_space<vmem>>) semaphore(%arg30 : memref<!tpu.dma_semaphore, #tpu.memory_space<semaphore_mem>>)
    %dma_start3A_306 = arith.constant 0 : i32
    %dma_start3A_307 = arith.constant 0 : i32
    %dma_start3A_308 = tpu.memref_slice %arg5[%dma_start3A_306, %dma_start3A_307] : memref<20480x128xf32, #tpu.memory_space<hbm>> -> memref<20480x128xf32, #tpu.memory_space<hbm>>
    tpu.enqueue_indirect_dma source(%dma_start3A_308 : memref<20480x128xf32, #tpu.memory_space<hbm>>) target(%arg10 : memref<64x128xf32, #tpu.memory_space<vmem>>) offsets(%arg18 : memref<64xi32, #tpu.memory_space<vmem>>) semaphore(%arg28 : memref<!tpu.dma_semaphore, #tpu.memory_space<semaphore_mem>>)
    %add3A_309 = arith.constant 2 : i32
    %add3A_310 = arith.addi %mul3A_4, %add3A_309 : i32
    %mul3A_311 = arith.constant 2 : i32
    %mul3A_312 = arith.muli %add3A_310, %mul3A_311 : i32
    %mul3A_313 = arith.constant 64 : i32
    %mul3A_314 = arith.muli %mul3A_312, %mul3A_313 : i32
    %dma_start3A_315 = tpu.memref_slice %arg3[%mul3A_314] : memref<328192xi32, #tpu.memory_space<hbm>> -> memref<128xi32, #tpu.memory_space<hbm>>
    %dma_start3A_316 = tpu.memref_slice %arg3[%mul3A_314] : memref<328192xi32, #tpu.memory_space<hbm>> -> memref<128xi32, #tpu.memory_space<hbm>>
    tpu.enqueue_dma source(%dma_start3A_316 : memref<128xi32, #tpu.memory_space<hbm>>) target(%arg13 : memref<128xi32, #tpu.memory_space<vmem>>) target_semaphore(%arg33 : memref<!tpu.dma_semaphore, #tpu.memory_space<semaphore_mem>>)
    %add3A_317 = arith.constant 3 : i32
    %add3A_318 = arith.addi %mul3A_4, %add3A_317 : i32
    %mul3A_319 = arith.constant 2 : i32
    %mul3A_320 = arith.muli %add3A_318, %mul3A_319 : i32
    %mul3A_321 = arith.constant 64 : i32
    %mul3A_322 = arith.muli %mul3A_320, %mul3A_321 : i32
    %dma_start3A_323 = tpu.memref_slice %arg3[%mul3A_322] : memref<328192xi32, #tpu.memory_space<hbm>> -> memref<128xi32, #tpu.memory_space<hbm>>
    %dma_start3A_324 = tpu.memref_slice %arg3[%mul3A_322] : memref<328192xi32, #tpu.memory_space<hbm>> -> memref<128xi32, #tpu.memory_space<hbm>>
    tpu.enqueue_dma source(%dma_start3A_324 : memref<128xi32, #tpu.memory_space<hbm>>) target(%arg14 : memref<128xi32, #tpu.memory_space<vmem>>) target_semaphore(%arg34 : memref<!tpu.dma_semaphore, #tpu.memory_space<semaphore_mem>>)
    %scan3A_325 = arith.constant 0 : i32
    %scan3A_326 = arith.constant 0 : i32
    %scan3A_327 = arith.constant 80 : i32
    %scan3A_328 = arith.addi %scan3A_326, %scan3A_327 : i32
    %scan3A_329 = arith.constant 1 : i32
    scf.for %scan3A_672 = %scan3A_326 to %scan3A_328 step %scan3A_329  : i32 {
      %mul3A_673 = arith.constant 2 : i32
      %mul3A_674 = arith.muli %mul3A_673, %scan3A_672 : i32
      %dma_wait3A_675 = arith.constant 0 : i32
      %dma_wait3A_676 = arith.constant 0 : i32
      %dma_wait3A_677 = tpu.memref_slice %arg5[%dma_wait3A_675, %dma_wait3A_676] : memref<20480x128xf32, #tpu.memory_space<hbm>> -> memref<20480x128xf32, #tpu.memory_space<hbm>>
      tpu.wait_indirect_dma semaphore(%arg27 : memref<!tpu.dma_semaphore, #tpu.memory_space<semaphore_mem>>) src(%dma_wait3A_677 : memref<20480x128xf32, #tpu.memory_space<hbm>>) dst(%arg9 : memref<64x128xf32, #tpu.memory_space<vmem>>)
      %dma_wait3A_678 = arith.constant 0 : i32
      %dma_wait3A_679 = arith.constant 0 : i32
      %dma_wait3A_680 = tpu.memref_slice %arg5[%dma_wait3A_678, %dma_wait3A_679] : memref<20480x128xf32, #tpu.memory_space<hbm>> -> memref<20480x128xf32, #tpu.memory_space<hbm>>
      tpu.wait_indirect_dma semaphore(%arg29 : memref<!tpu.dma_semaphore, #tpu.memory_space<semaphore_mem>>) src(%dma_wait3A_680 : memref<20480x128xf32, #tpu.memory_space<hbm>>) dst(%arg11 : memref<64x128xf32, #tpu.memory_space<vmem>>)
      %scan3A_681 = arith.constant 0 : i32
      %scan3A_682 = arith.constant 0 : i32
      %scan3A_683 = arith.constant 64 : i32
      %scan3A_684 = arith.addi %scan3A_682, %scan3A_683 : i32
      %scan3A_685 = arith.constant 1 : i32
      scf.for %scan3A_978 = %scan3A_682 to %scan3A_684 step %scan3A_685  : i32 {
        %get3A_979 = arith.index_cast %scan3A_978 : i32 to index
        %get3A_980 = arith.constant 0 : index
        %get3A_981 = tpu.vector_load %arg9[%get3A_979, %get3A_980] {strides = array<i32>} : memref<64x128xf32, #tpu.memory_space<vmem>>, vector<1x16xf32>,
        %get3A_982 = vector.shape_cast %get3A_981 : vector<1x16xf32> to vector<16xf32>
        %get3A_983 = arith.index_cast %scan3A_978 : i32 to index
        %get3A_984 = arith.constant 0 : index
        %get3A_985 = tpu.vector_load %arg11[%get3A_983, %get3A_984] {strides = array<i32>} : memref<64x128xf32, #tpu.memory_space<vmem>>, vector<1x16xf32>,
        %get3A_986 = vector.shape_cast %get3A_985 : vector<1x16xf32> to vector<16xf32>
        %sub3A_987 = arith.subf %get3A_982, %get3A_986 : vector<16xf32>
        %abs3A = math.absf %sub3A_987 : vector<16xf32>
        %add3A_988 = arith.constant 9.99999971E-10 : f32
        %add3A_989 = vector.broadcast %add3A_988 : f32 to vector<16xf32>
        %add3A_990 = arith.addf %abs3A, %add3A_989 : vector<16xf32>
        %bitcast_convert_type3A = tpu.bitcast %add3A_990 : vector<16xf32> -> vector<16xi32>
        %shift_right_arithmetic3A = arith.constant 1 : i32
        %shift_right_arithmetic3A_991 = vector.broadcast %shift_right_arithmetic3A : i32 to vector<16xi32>
        %shift_right_arithmetic3A_992 = arith.shrsi %bitcast_convert_type3A, %shift_right_arithmetic3A_991 : vector<16xi32>
        %sub3A_993 = arith.constant 1597463007 : i32
        %sub3A_994 = vector.broadcast %sub3A_993 : i32 to vector<16xi32>
        %sub3A_995 = arith.subi %sub3A_994, %shift_right_arithmetic3A_992 : vector<16xi32>
        %bitcast_convert_type3A_996 = tpu.bitcast %sub3A_995 : vector<16xi32> -> vector<16xf32>
        %mul3A_997 = arith.constant 5.000000e-01 : f32
        %mul3A_998 = vector.broadcast %mul3A_997 : f32 to vector<16xf32>
        %mul3A_999 = arith.mulf %add3A_990, %mul3A_998 : vector<16xf32>
        %mul3A_1000 = arith.mulf %mul3A_999, %bitcast_convert_type3A_996 : vector<16xf32>
        %mul3A_1001 = arith.mulf %mul3A_1000, %bitcast_convert_type3A_996 : vector<16xf32>
        %sub3A_1002 = arith.constant 1.500000e+00 : f32
        %sub3A_1003 = vector.broadcast %sub3A_1002 : f32 to vector<16xf32>
        %sub3A_1004 = arith.subf %sub3A_1003, %mul3A_1001 : vector<16xf32>
        %mul3A_1005 = arith.mulf %bitcast_convert_type3A_996, %sub3A_1004 : vector<16xf32>
        %mul3A_1006 = arith.mulf %add3A_990, %mul3A_1005 : vector<16xf32>
        %mul3A_1007 = arith.mulf %mul3A_1006, %sub3A_987 : vector<16xf32>
        %sub3A_1008 = arith.subf %get3A_982, %mul3A_1007 : vector<16xf32>
        %swap3A_1009 = arith.index_cast %scan3A_978 : i32 to index
        %swap3A_1010 = arith.constant 0 : index
        %swap3A_1011 = tpu.vector_load %arg9[%swap3A_1009, %swap3A_1010] {strides = array<i32>} : memref<64x128xf32, #tpu.memory_space<vmem>>, vector<1x16xf32>,
        %swap3A_1012 = vector.shape_cast %swap3A_1011 : vector<1x16xf32> to vector<16xf32>
        %swap3A_1013 = vector.shape_cast %sub3A_1008 : vector<16xf32> to vector<1x16xf32>
        tpu.vector_store %arg9[%swap3A_1009, %swap3A_1010], %swap3A_1013 {strides = array<i32>} : memref<64x128xf32, #tpu.memory_space<vmem>>, vector<1x16xf32>,
        %get3A_1014 = arith.index_cast %scan3A_978 : i32 to index
        %get3A_1015 = arith.constant 16 : index
        %get3A_1016 = tpu.vector_load %arg9[%get3A_1014, %get3A_1015] {strides = array<i32>} : memref<64x128xf32, #tpu.memory_space<vmem>>, vector<1x16xf32>,
        %get3A_1017 = vector.shape_cast %get3A_1016 : vector<1x16xf32> to vector<16xf32>
        %get3A_1018 = arith.index_cast %scan3A_978 : i32 to index
        %get3A_1019 = arith.constant 16 : index
        %get3A_1020 = tpu.vector_load %arg11[%get3A_1018, %get3A_1019] {strides = array<i32>} : memref<64x128xf32, #tpu.memory_space<vmem>>, vector<1x16xf32>,
        %get3A_1021 = vector.shape_cast %get3A_1020 : vector<1x16xf32> to vector<16xf32>
        %sub3A_1022 = arith.subf %get3A_1017, %get3A_1021 : vector<16xf32>
        %abs3A_1023 = math.absf %sub3A_1022 : vector<16xf32>
        %add3A_1024 = arith.constant 9.99999971E-10 : f32
        %add3A_1025 = vector.broadcast %add3A_1024 : f32 to vector<16xf32>
        %add3A_1026 = arith.addf %abs3A_1023, %add3A_1025 : vector<16xf32>
        %bitcast_convert_type3A_1027 = tpu.bitcast %add3A_1026 : vector<16xf32> -> vector<16xi32>
        %shift_right_arithmetic3A_1028 = arith.constant 1 : i32
        %shift_right_arithmetic3A_1029 = vector.broadcast %shift_right_arithmetic3A_1028 : i32 to vector<16xi32>
        %shift_right_arithmetic3A_1030 = arith.shrsi %bitcast_convert_type3A_1027, %shift_right_arithmetic3A_1029 : vector<16xi32>
        %sub3A_1031 = arith.constant 1597463007 : i32
        %sub3A_1032 = vector.broadcast %sub3A_1031 : i32 to vector<16xi32>
        %sub3A_1033 = arith.subi %sub3A_1032, %shift_right_arithmetic3A_1030 : vector<16xi32>
        %bitcast_convert_type3A_1034 = tpu.bitcast %sub3A_1033 : vector<16xi32> -> vector<16xf32>
        %mul3A_1035 = arith.constant 5.000000e-01 : f32
        %mul3A_1036 = vector.broadcast %mul3A_1035 : f32 to vector<16xf32>
        %mul3A_1037 = arith.mulf %add3A_1026, %mul3A_1036 : vector<16xf32>
        %mul3A_1038 = arith.mulf %mul3A_1037, %bitcast_convert_type3A_1034 : vector<16xf32>
        %mul3A_1039 = arith.mulf %mul3A_1038, %bitcast_convert_type3A_1034 : vector<16xf32>
        %sub3A_1040 = arith.constant 1.500000e+00 : f32
        %sub3A_1041 = vector.broadcast %sub3A_1040 : f32 to vector<16xf32>
        %sub3A_1042 = arith.subf %sub3A_1041, %mul3A_1039 : vector<16xf32>
        %mul3A_1043 = arith.mulf %bitcast_convert_type3A_1034, %sub3A_1042 : vector<16xf32>
        %mul3A_1044 = arith.mulf %add3A_1026, %mul3A_1043 : vector<16xf32>
        %mul3A_1045 = arith.mulf %mul3A_1044, %sub3A_1022 : vector<16xf32>
        %sub3A_1046 = arith.subf %get3A_1017, %mul3A_1045 : vector<16xf32>
        %swap3A_1047 = arith.index_cast %scan3A_978 : i32 to index
        %swap3A_1048 = arith.constant 16 : index
        %swap3A_1049 = tpu.vector_load %arg9[%swap3A_1047, %swap3A_1048] {strides = array<i32>} : memref<64x128xf32, #tpu.memory_space<vmem>>, vector<1x16xf32>,
        %swap3A_1050 = vector.shape_cast %swap3A_1049 : vector<1x16xf32> to vector<16xf32>
        %swap3A_1051 = vector.shape_cast %sub3A_1046 : vector<16xf32> to vector<1x16xf32>
        tpu.vector_store %arg9[%swap3A_1047, %swap3A_1048], %swap3A_1051 {strides = array<i32>} : memref<64x128xf32, #tpu.memory_space<vmem>>, vector<1x16xf32>,
        %get3A_1052 = arith.index_cast %scan3A_978 : i32 to index
        %get3A_1053 = arith.constant 32 : index
        %get3A_1054 = tpu.vector_load %arg9[%get3A_1052, %get3A_1053] {strides = array<i32>} : memref<64x128xf32, #tpu.memory_space<vmem>>, vector<1x16xf32>,
        %get3A_1055 = vector.shape_cast %get3A_1054 : vector<1x16xf32> to vector<16xf32>
        %get3A_1056 = arith.index_cast %scan3A_978 : i32 to index
        %get3A_1057 = arith.constant 32 : index
        %get3A_1058 = tpu.vector_load %arg11[%get3A_1056, %get3A_1057] {strides = array<i32>} : memref<64x128xf32, #tpu.memory_space<vmem>>, vector<1x16xf32>,
        %get3A_1059 = vector.shape_cast %get3A_1058 : vector<1x16xf32> to vector<16xf32>
        %sub3A_1060 = arith.subf %get3A_1055, %get3A_1059 : vector<16xf32>
        %abs3A_1061 = math.absf %sub3A_1060 : vector<16xf32>
        %add3A_1062 = arith.constant 9.99999971E-10 : f32
        %add3A_1063 = vector.broadcast %add3A_1062 : f32 to vector<16xf32>
        %add3A_1064 = arith.addf %abs3A_1061, %add3A_1063 : vector<16xf32>
        %bitcast_convert_type3A_1065 = tpu.bitcast %add3A_1064 : vector<16xf32> -> vector<16xi32>
        %shift_right_arithmetic3A_1066 = arith.constant 1 : i32
        %shift_right_arithmetic3A_1067 = vector.broadcast %shift_right_arithmetic3A_1066 : i32 to vector<16xi32>
        %shift_right_arithmetic3A_1068 = arith.shrsi %bitcast_convert_type3A_1065, %shift_right_arithmetic3A_1067 : vector<16xi32>
        %sub3A_1069 = arith.constant 1597463007 : i32
        %sub3A_1070 = vector.broadcast %sub3A_1069 : i32 to vector<16xi32>
        %sub3A_1071 = arith.subi %sub3A_1070, %shift_right_arithmetic3A_1068 : vector<16xi32>
        %bitcast_convert_type3A_1072 = tpu.bitcast %sub3A_1071 : vector<16xi32> -> vector<16xf32>
        %mul3A_1073 = arith.constant 5.000000e-01 : f32
        %mul3A_1074 = vector.broadcast %mul3A_1073 : f32 to vector<16xf32>
        %mul3A_1075 = arith.mulf %add3A_1064, %mul3A_1074 : vector<16xf32>
        %mul3A_1076 = arith.mulf %mul3A_1075, %bitcast_convert_type3A_1072 : vector<16xf32>
        %mul3A_1077 = arith.mulf %mul3A_1076, %bitcast_convert_type3A_1072 : vector<16xf32>
        %sub3A_1078 = arith.constant 1.500000e+00 : f32
        %sub3A_1079 = vector.broadcast %sub3A_1078 : f32 to vector<16xf32>
        %sub3A_1080 = arith.subf %sub3A_1079, %mul3A_1077 : vector<16xf32>
        %mul3A_1081 = arith.mulf %bitcast_convert_type3A_1072, %sub3A_1080 : vector<16xf32>
        %mul3A_1082 = arith.mulf %add3A_1064, %mul3A_1081 : vector<16xf32>
        %mul3A_1083 = arith.mulf %mul3A_1082, %sub3A_1060 : vector<16xf32>
        %sub3A_1084 = arith.subf %get3A_1055, %mul3A_1083 : vector<16xf32>
        %swap3A_1085 = arith.index_cast %scan3A_978 : i32 to index
        %swap3A_1086 = arith.constant 32 : index
        %swap3A_1087 = tpu.vector_load %arg9[%swap3A_1085, %swap3A_1086] {strides = array<i32>} : memref<64x128xf32, #tpu.memory_space<vmem>>, vector<1x16xf32>,
        %swap3A_1088 = vector.shape_cast %swap3A_1087 : vector<1x16xf32> to vector<16xf32>
        %swap3A_1089 = vector.shape_cast %sub3A_1084 : vector<16xf32> to vector<1x16xf32>
        tpu.vector_store %arg9[%swap3A_1085, %swap3A_1086], %swap3A_1089 {strides = array<i32>} : memref<64x128xf32, #tpu.memory_space<vmem>>, vector<1x16xf32>,
        %get3A_1090 = arith.index_cast %scan3A_978 : i32 to index
        %get3A_1091 = arith.constant 48 : index
        %get3A_1092 = tpu.vector_load %arg9[%get3A_1090, %get3A_1091] {strides = array<i32>} : memref<64x128xf32, #tpu.memory_space<vmem>>, vector<1x16xf32>,
        %get3A_1093 = vector.shape_cast %get3A_1092 : vector<1x16xf32> to vector<16xf32>
        %get3A_1094 = arith.index_cast %scan3A_978 : i32 to index
        %get3A_1095 = arith.constant 48 : index
        %get3A_1096 = tpu.vector_load %arg11[%get3A_1094, %get3A_1095] {strides = array<i32>} : memref<64x128xf32, #tpu.memory_space<vmem>>, vector<1x16xf32>,
        %get3A_1097 = vector.shape_cast %get3A_1096 : vector<1x16xf32> to vector<16xf32>
        %sub3A_1098 = arith.subf %get3A_1093, %get3A_1097 : vector<16xf32>
        %abs3A_1099 = math.absf %sub3A_1098 : vector<16xf32>
        %add3A_1100 = arith.constant 9.99999971E-10 : f32
        %add3A_1101 = vector.broadcast %add3A_1100 : f32 to vector<16xf32>
        %add3A_1102 = arith.addf %abs3A_1099, %add3A_1101 : vector<16xf32>
        %bitcast_convert_type3A_1103 = tpu.bitcast %add3A_1102 : vector<16xf32> -> vector<16xi32>
        %shift_right_arithmetic3A_1104 = arith.constant 1 : i32
        %shift_right_arithmetic3A_1105 = vector.broadcast %shift_right_arithmetic3A_1104 : i32 to vector<16xi32>
        %shift_right_arithmetic3A_1106 = arith.shrsi %bitcast_convert_type3A_1103, %shift_right_arithmetic3A_1105 : vector<16xi32>
        %sub3A_1107 = arith.constant 1597463007 : i32
        %sub3A_1108 = vector.broadcast %sub3A_1107 : i32 to vector<16xi32>
        %sub3A_1109 = arith.subi %sub3A_1108, %shift_right_arithmetic3A_1106 : vector<16xi32>
        %bitcast_convert_type3A_1110 = tpu.bitcast %sub3A_1109 : vector<16xi32> -> vector<16xf32>
        %mul3A_1111 = arith.constant 5.000000e-01 : f32
        %mul3A_1112 = vector.broadcast %mul3A_1111 : f32 to vector<16xf32>
        %mul3A_1113 = arith.mulf %add3A_1102, %mul3A_1112 : vector<16xf32>
        %mul3A_1114 = arith.mulf %mul3A_1113, %bitcast_convert_type3A_1110 : vector<16xf32>
        %mul3A_1115 = arith.mulf %mul3A_1114, %bitcast_convert_type3A_1110 : vector<16xf32>
        %sub3A_1116 = arith.constant 1.500000e+00 : f32
        %sub3A_1117 = vector.broadcast %sub3A_1116 : f32 to vector<16xf32>
        %sub3A_1118 = arith.subf %sub3A_1117, %mul3A_1115 : vector<16xf32>
        %mul3A_1119 = arith.mulf %bitcast_convert_type3A_1110, %sub3A_1118 : vector<16xf32>
        %mul3A_1120 = arith.mulf %add3A_1102, %mul3A_1119 : vector<16xf32>
        %mul3A_1121 = arith.mulf %mul3A_1120, %sub3A_1098 : vector<16xf32>
        %sub3A_1122 = arith.subf %get3A_1093, %mul3A_1121 : vector<16xf32>
        %swap3A_1123 = arith.index_cast %scan3A_978 : i32 to index
        %swap3A_1124 = arith.constant 48 : index
        %swap3A_1125 = tpu.vector_load %arg9[%swap3A_1123, %swap3A_1124] {strides = array<i32>} : memref<64x128xf32, #tpu.memory_space<vmem>>, vector<1x16xf32>,
        %swap3A_1126 = vector.shape_cast %swap3A_1125 : vector<1x16xf32> to vector<16xf32>
        %swap3A_1127 = vector.shape_cast %sub3A_1122 : vector<16xf32> to vector<1x16xf32>
        tpu.vector_store %arg9[%swap3A_1123, %swap3A_1124], %swap3A_1127 {strides = array<i32>} : memref<64x128xf32, #tpu.memory_space<vmem>>, vector<1x16xf32>,
        %get3A_1128 = arith.index_cast %scan3A_978 : i32 to index
        %get3A_1129 = arith.constant 64 : index
        %get3A_1130 = tpu.vector_load %arg9[%get3A_1128, %get3A_1129] {strides = array<i32>} : memref<64x128xf32, #tpu.memory_space<vmem>>, vector<1x16xf32>,
        %get3A_1131 = vector.shape_cast %get3A_1130 : vector<1x16xf32> to vector<16xf32>
        %get3A_1132 = arith.index_cast %scan3A_978 : i32 to index
        %get3A_1133 = arith.constant 64 : index
        %get3A_1134 = tpu.vector_load %arg11[%get3A_1132, %get3A_1133] {strides = array<i32>} : memref<64x128xf32, #tpu.memory_space<vmem>>, vector<1x16xf32>,
        %get3A_1135 = vector.shape_cast %get3A_1134 : vector<1x16xf32> to vector<16xf32>
        %sub3A_1136 = arith.subf %get3A_1131, %get3A_1135 : vector<16xf32>
        %abs3A_1137 = math.absf %sub3A_1136 : vector<16xf32>
        %add3A_1138 = arith.constant 9.99999971E-10 : f32
        %add3A_1139 = vector.broadcast %add3A_1138 : f32 to vector<16xf32>
        %add3A_1140 = arith.addf %abs3A_1137, %add3A_1139 : vector<16xf32>
        %bitcast_convert_type3A_1141 = tpu.bitcast %add3A_1140 : vector<16xf32> -> vector<16xi32>
        %shift_right_arithmetic3A_1142 = arith.constant 1 : i32
        %shift_right_arithmetic3A_1143 = vector.broadcast %shift_right_arithmetic3A_1142 : i32 to vector<16xi32>
        %shift_right_arithmetic3A_1144 = arith.shrsi %bitcast_convert_type3A_1141, %shift_right_arithmetic3A_1143 : vector<16xi32>
        %sub3A_1145 = arith.constant 1597463007 : i32
        %sub3A_1146 = vector.broadcast %sub3A_1145 : i32 to vector<16xi32>
        %sub3A_1147 = arith.subi %sub3A_1146, %shift_right_arithmetic3A_1144 : vector<16xi32>
        %bitcast_convert_type3A_1148 = tpu.bitcast %sub3A_1147 : vector<16xi32> -> vector<16xf32>
        %mul3A_1149 = arith.constant 5.000000e-01 : f32
        %mul3A_1150 = vector.broadcast %mul3A_1149 : f32 to vector<16xf32>
        %mul3A_1151 = arith.mulf %add3A_1140, %mul3A_1150 : vector<16xf32>
        %mul3A_1152 = arith.mulf %mul3A_1151, %bitcast_convert_type3A_1148 : vector<16xf32>
        %mul3A_1153 = arith.mulf %mul3A_1152, %bitcast_convert_type3A_1148 : vector<16xf32>
        %sub3A_1154 = arith.constant 1.500000e+00 : f32
        %sub3A_1155 = vector.broadcast %sub3A_1154 : f32 to vector<16xf32>
        %sub3A_1156 = arith.subf %sub3A_1155, %mul3A_1153 : vector<16xf32>
        %mul3A_1157 = arith.mulf %bitcast_convert_type3A_1148, %sub3A_1156 : vector<16xf32>
        %mul3A_1158 = arith.mulf %add3A_1140, %mul3A_1157 : vector<16xf32>
        %mul3A_1159 = arith.mulf %mul3A_1158, %sub3A_1136 : vector<16xf32>
        %sub3A_1160 = arith.subf %get3A_1131, %mul3A_1159 : vector<16xf32>
        %swap3A_1161 = arith.index_cast %scan3A_978 : i32 to index
        %swap3A_1162 = arith.constant 64 : index
        %swap3A_1163 = tpu.vector_load %arg9[%swap3A_1161, %swap3A_1162] {strides = array<i32>} : memref<64x128xf32, #tpu.memory_space<vmem>>, vector<1x16xf32>,
        %swap3A_1164 = vector.shape_cast %swap3A_1163 : vector<1x16xf32> to vector<16xf32>
        %swap3A_1165 = vector.shape_cast %sub3A_1160 : vector<16xf32> to vector<1x16xf32>
        tpu.vector_store %arg9[%swap3A_1161, %swap3A_1162], %swap3A_1165 {strides = array<i32>} : memref<64x128xf32, #tpu.memory_space<vmem>>, vector<1x16xf32>,
        %get3A_1166 = arith.index_cast %scan3A_978 : i32 to index
        %get3A_1167 = arith.constant 80 : index
        %get3A_1168 = tpu.vector_load %arg9[%get3A_1166, %get3A_1167] {strides = array<i32>} : memref<64x128xf32, #tpu.memory_space<vmem>>, vector<1x16xf32>,
        %get3A_1169 = vector.shape_cast %get3A_1168 : vector<1x16xf32> to vector<16xf32>
        %get3A_1170 = arith.index_cast %scan3A_978 : i32 to index
        %get3A_1171 = arith.constant 80 : index
        %get3A_1172 = tpu.vector_load %arg11[%get3A_1170, %get3A_1171] {strides = array<i32>} : memref<64x128xf32, #tpu.memory_space<vmem>>, vector<1x16xf32>,
        %get3A_1173 = vector.shape_cast %get3A_1172 : vector<1x16xf32> to vector<16xf32>
        %sub3A_1174 = arith.subf %get3A_1169, %get3A_1173 : vector<16xf32>
        %abs3A_1175 = math.absf %sub3A_1174 : vector<16xf32>
        %add3A_1176 = arith.constant 9.99999971E-10 : f32
        %add3A_1177 = vector.broadcast %add3A_1176 : f32 to vector<16xf32>
        %add3A_1178 = arith.addf %abs3A_1175, %add3A_1177 : vector<16xf32>
        %bitcast_convert_type3A_1179 = tpu.bitcast %add3A_1178 : vector<16xf32> -> vector<16xi32>
        %shift_right_arithmetic3A_1180 = arith.constant 1 : i32
        %shift_right_arithmetic3A_1181 = vector.broadcast %shift_right_arithmetic3A_1180 : i32 to vector<16xi32>
        %shift_right_arithmetic3A_1182 = arith.shrsi %bitcast_convert_type3A_1179, %shift_right_arithmetic3A_1181 : vector<16xi32>
        %sub3A_1183 = arith.constant 1597463007 : i32
        %sub3A_1184 = vector.broadcast %sub3A_1183 : i32 to vector<16xi32>
        %sub3A_1185 = arith.subi %sub3A_1184, %shift_right_arithmetic3A_1182 : vector<16xi32>
        %bitcast_convert_type3A_1186 = tpu.bitcast %sub3A_1185 : vector<16xi32> -> vector<16xf32>
        %mul3A_1187 = arith.constant 5.000000e-01 : f32
        %mul3A_1188 = vector.broadcast %mul3A_1187 : f32 to vector<16xf32>
        %mul3A_1189 = arith.mulf %add3A_1178, %mul3A_1188 : vector<16xf32>
        %mul3A_1190 = arith.mulf %mul3A_1189, %bitcast_convert_type3A_1186 : vector<16xf32>
        %mul3A_1191 = arith.mulf %mul3A_1190, %bitcast_convert_type3A_1186 : vector<16xf32>
        %sub3A_1192 = arith.constant 1.500000e+00 : f32
        %sub3A_1193 = vector.broadcast %sub3A_1192 : f32 to vector<16xf32>
        %sub3A_1194 = arith.subf %sub3A_1193, %mul3A_1191 : vector<16xf32>
        %mul3A_1195 = arith.mulf %bitcast_convert_type3A_1186, %sub3A_1194 : vector<16xf32>
        %mul3A_1196 = arith.mulf %add3A_1178, %mul3A_1195 : vector<16xf32>
        %mul3A_1197 = arith.mulf %mul3A_1196, %sub3A_1174 : vector<16xf32>
        %sub3A_1198 = arith.subf %get3A_1169, %mul3A_1197 : vector<16xf32>
        %swap3A_1199 = arith.index_cast %scan3A_978 : i32 to index
        %swap3A_1200 = arith.constant 80 : index
        %swap3A_1201 = tpu.vector_load %arg9[%swap3A_1199, %swap3A_1200] {strides = array<i32>} : memref<64x128xf32, #tpu.memory_space<vmem>>, vector<1x16xf32>,
        %swap3A_1202 = vector.shape_cast %swap3A_1201 : vector<1x16xf32> to vector<16xf32>
        %swap3A_1203 = vector.shape_cast %sub3A_1198 : vector<16xf32> to vector<1x16xf32>
        tpu.vector_store %arg9[%swap3A_1199, %swap3A_1200], %swap3A_1203 {strides = array<i32>} : memref<64x128xf32, #tpu.memory_space<vmem>>, vector<1x16xf32>,
        %get3A_1204 = arith.index_cast %scan3A_978 : i32 to index
        %get3A_1205 = arith.constant 96 : index
        %get3A_1206 = tpu.vector_load %arg9[%get3A_1204, %get3A_1205] {strides = array<i32>} : memref<64x128xf32, #tpu.memory_space<vmem>>, vector<1x16xf32>,
        %get3A_1207 = vector.shape_cast %get3A_1206 : vector<1x16xf32> to vector<16xf32>
        %get3A_1208 = arith.index_cast %scan3A_978 : i32 to index
        %get3A_1209 = arith.constant 96 : index
        %get3A_1210 = tpu.vector_load %arg11[%get3A_1208, %get3A_1209] {strides = array<i32>} : memref<64x128xf32, #tpu.memory_space<vmem>>, vector<1x16xf32>,
        %get3A_1211 = vector.shape_cast %get3A_1210 : vector<1x16xf32> to vector<16xf32>
        %sub3A_1212 = arith.subf %get3A_1207, %get3A_1211 : vector<16xf32>
        %abs3A_1213 = math.absf %sub3A_1212 : vector<16xf32>
        %add3A_1214 = arith.constant 9.99999971E-10 : f32
        %add3A_1215 = vector.broadcast %add3A_1214 : f32 to vector<16xf32>
        %add3A_1216 = arith.addf %abs3A_1213, %add3A_1215 : vector<16xf32>
        %bitcast_convert_type3A_1217 = tpu.bitcast %add3A_1216 : vector<16xf32> -> vector<16xi32>
        %shift_right_arithmetic3A_1218 = arith.constant 1 : i32
        %shift_right_arithmetic3A_1219 = vector.broadcast %shift_right_arithmetic3A_1218 : i32 to vector<16xi32>
        %shift_right_arithmetic3A_1220 = arith.shrsi %bitcast_convert_type3A_1217, %shift_right_arithmetic3A_1219 : vector<16xi32>
        %sub3A_1221 = arith.constant 1597463007 : i32
        %sub3A_1222 = vector.broadcast %sub3A_1221 : i32 to vector<16xi32>
        %sub3A_1223 = arith.subi %sub3A_1222, %shift_right_arithmetic3A_1220 : vector<16xi32>
        %bitcast_convert_type3A_1224 = tpu.bitcast %sub3A_1223 : vector<16xi32> -> vector<16xf32>
        %mul3A_1225 = arith.constant 5.000000e-01 : f32
        %mul3A_1226 = vector.broadcast %mul3A_1225 : f32 to vector<16xf32>
        %mul3A_1227 = arith.mulf %add3A_1216, %mul3A_1226 : vector<16xf32>
        %mul3A_1228 = arith.mulf %mul3A_1227, %bitcast_convert_type3A_1224 : vector<16xf32>
        %mul3A_1229 = arith.mulf %mul3A_1228, %bitcast_convert_type3A_1224 : vector<16xf32>
        %sub3A_1230 = arith.constant 1.500000e+00 : f32
        %sub3A_1231 = vector.broadcast %sub3A_1230 : f32 to vector<16xf32>
        %sub3A_1232 = arith.subf %sub3A_1231, %mul3A_1229 : vector<16xf32>
        %mul3A_1233 = arith.mulf %bitcast_convert_type3A_1224, %sub3A_1232 : vector<16xf32>
        %mul3A_1234 = arith.mulf %add3A_1216, %mul3A_1233 : vector<16xf32>
        %mul3A_1235 = arith.mulf %mul3A_1234, %sub3A_1212 : vector<16xf32>
        %sub3A_1236 = arith.subf %get3A_1207, %mul3A_1235 : vector<16xf32>
        %swap3A_1237 = arith.index_cast %scan3A_978 : i32 to index
        %swap3A_1238 = arith.constant 96 : index
        %swap3A_1239 = tpu.vector_load %arg9[%swap3A_1237, %swap3A_1238] {strides = array<i32>} : memref<64x128xf32, #tpu.memory_space<vmem>>, vector<1x16xf32>,
        %swap3A_1240 = vector.shape_cast %swap3A_1239 : vector<1x16xf32> to vector<16xf32>
        %swap3A_1241 = vector.shape_cast %sub3A_1236 : vector<16xf32> to vector<1x16xf32>
        tpu.vector_store %arg9[%swap3A_1237, %swap3A_1238], %swap3A_1241 {strides = array<i32>} : memref<64x128xf32, #tpu.memory_space<vmem>>, vector<1x16xf32>,
        %get3A_1242 = arith.index_cast %scan3A_978 : i32 to index
        %get3A_1243 = arith.constant 112 : index
        %get3A_1244 = tpu.vector_load %arg9[%get3A_1242, %get3A_1243] {strides = array<i32>} : memref<64x128xf32, #tpu.memory_space<vmem>>, vector<1x16xf32>,
        %get3A_1245 = vector.shape_cast %get3A_1244 : vector<1x16xf32> to vector<16xf32>
        %get3A_1246 = arith.index_cast %scan3A_978 : i32 to index
        %get3A_1247 = arith.constant 112 : index
        %get3A_1248 = tpu.vector_load %arg11[%get3A_1246, %get3A_1247] {strides = array<i32>} : memref<64x128xf32, #tpu.memory_space<vmem>>, vector<1x16xf32>,
        %get3A_1249 = vector.shape_cast %get3A_1248 : vector<1x16xf32> to vector<16xf32>
        %sub3A_1250 = arith.subf %get3A_1245, %get3A_1249 : vector<16xf32>
        %abs3A_1251 = math.absf %sub3A_1250 : vector<16xf32>
        %add3A_1252 = arith.constant 9.99999971E-10 : f32
        %add3A_1253 = vector.broadcast %add3A_1252 : f32 to vector<16xf32>
        %add3A_1254 = arith.addf %abs3A_1251, %add3A_1253 : vector<16xf32>
        %bitcast_convert_type3A_1255 = tpu.bitcast %add3A_1254 : vector<16xf32> -> vector<16xi32>
        %shift_right_arithmetic3A_1256 = arith.constant 1 : i32
        %shift_right_arithmetic3A_1257 = vector.broadcast %shift_right_arithmetic3A_1256 : i32 to vector<16xi32>
        %shift_right_arithmetic3A_1258 = arith.shrsi %bitcast_convert_type3A_1255, %shift_right_arithmetic3A_1257 : vector<16xi32>
        %sub3A_1259 = arith.constant 1597463007 : i32
        %sub3A_1260 = vector.broadcast %sub3A_1259 : i32 to vector<16xi32>
        %sub3A_1261 = arith.subi %sub3A_1260, %shift_right_arithmetic3A_1258 : vector<16xi32>
        %bitcast_convert_type3A_1262 = tpu.bitcast %sub3A_1261 : vector<16xi32> -> vector<16xf32>
        %mul3A_1263 = arith.constant 5.000000e-01 : f32
        %mul3A_1264 = vector.broadcast %mul3A_1263 : f32 to vector<16xf32>
        %mul3A_1265 = arith.mulf %add3A_1254, %mul3A_1264 : vector<16xf32>
        %mul3A_1266 = arith.mulf %mul3A_1265, %bitcast_convert_type3A_1262 : vector<16xf32>
        %mul3A_1267 = arith.mulf %mul3A_1266, %bitcast_convert_type3A_1262 : vector<16xf32>
        %sub3A_1268 = arith.constant 1.500000e+00 : f32
        %sub3A_1269 = vector.broadcast %sub3A_1268 : f32 to vector<16xf32>
        %sub3A_1270 = arith.subf %sub3A_1269, %mul3A_1267 : vector<16xf32>
        %mul3A_1271 = arith.mulf %bitcast_convert_type3A_1262, %sub3A_1270 : vector<16xf32>
        %mul3A_1272 = arith.mulf %add3A_1254, %mul3A_1271 : vector<16xf32>
        %mul3A_1273 = arith.mulf %mul3A_1272, %sub3A_1250 : vector<16xf32>
        %sub3A_1274 = arith.subf %get3A_1245, %mul3A_1273 : vector<16xf32>
        %swap3A_1275 = arith.index_cast %scan3A_978 : i32 to index
        %swap3A_1276 = arith.constant 112 : index
        %swap3A_1277 = tpu.vector_load %arg9[%swap3A_1275, %swap3A_1276] {strides = array<i32>} : memref<64x128xf32, #tpu.memory_space<vmem>>, vector<1x16xf32>,
        %swap3A_1278 = vector.shape_cast %swap3A_1277 : vector<1x16xf32> to vector<16xf32>
        %swap3A_1279 = vector.shape_cast %sub3A_1274 : vector<16xf32> to vector<1x16xf32>
        tpu.vector_store %arg9[%swap3A_1275, %swap3A_1276], %swap3A_1279 {strides = array<i32>} : memref<64x128xf32, #tpu.memory_space<vmem>>, vector<1x16xf32>,
      }
      %scan3A_686 = arith.constant 64 : i32
      %get3A_687 = arith.constant 0 : index
      %get3A_688 = tpu.vector_load %arg17[%get3A_687] {strides = array<i32>} : memref<64xi32, #tpu.memory_space<vmem>>, vector<16xi32>,
      %get3A_689 = vector.shape_cast %get3A_688 : vector<16xi32> to vector<16xi32>
      %sub3A = vector.broadcast %mul3A_0 : i32 to vector<16xi32>
      %sub3A_690 = arith.subi %get3A_689, %sub3A : vector<16xi32>
      %swap3A_691 = arith.constant 0 : index
      %swap3A_692 = tpu.vector_load %arg19[%swap3A_691] {strides = array<i32>} : memref<64xi32, #tpu.memory_space<vmem>>, vector<16xi32>,
      %swap3A_693 = vector.shape_cast %swap3A_692 : vector<16xi32> to vector<16xi32>
      %swap3A_694 = vector.shape_cast %sub3A_690 : vector<16xi32> to vector<16xi32>
      tpu.vector_store %arg19[%swap3A_691], %swap3A_694 {strides = array<i32>} : memref<64xi32, #tpu.memory_space<vmem>>, vector<16xi32>,
      %get3A_695 = arith.constant 16 : index
      %get3A_696 = tpu.vector_load %arg17[%get3A_695] {strides = array<i32>} : memref<64xi32, #tpu.memory_space<vmem>>, vector<16xi32>,
      %get3A_697 = vector.shape_cast %get3A_696 : vector<16xi32> to vector<16xi32>
      %sub3A_698 = vector.broadcast %mul3A_0 : i32 to vector<16xi32>
      %sub3A_699 = arith.subi %get3A_697, %sub3A_698 : vector<16xi32>
      %swap3A_700 = arith.constant 16 : index
      %swap3A_701 = tpu.vector_load %arg19[%swap3A_700] {strides = array<i32>} : memref<64xi32, #tpu.memory_space<vmem>>, vector<16xi32>,
      %swap3A_702 = vector.shape_cast %swap3A_701 : vector<16xi32> to vector<16xi32>
      %swap3A_703 = vector.shape_cast %sub3A_699 : vector<16xi32> to vector<16xi32>
      tpu.vector_store %arg19[%swap3A_700], %swap3A_703 {strides = array<i32>} : memref<64xi32, #tpu.memory_space<vmem>>, vector<16xi32>,
      %get3A_704 = arith.constant 32 : index
      %get3A_705 = tpu.vector_load %arg17[%get3A_704] {strides = array<i32>} : memref<64xi32, #tpu.memory_space<vmem>>, vector<16xi32>,
      %get3A_706 = vector.shape_cast %get3A_705 : vector<16xi32> to vector<16xi32>
      %sub3A_707 = vector.broadcast %mul3A_0 : i32 to vector<16xi32>
      %sub3A_708 = arith.subi %get3A_706, %sub3A_707 : vector<16xi32>
      %swap3A_709 = arith.constant 32 : index
      %swap3A_710 = tpu.vector_load %arg19[%swap3A_709] {strides = array<i32>} : memref<64xi32, #tpu.memory_space<vmem>>, vector<16xi32>,
      %swap3A_711 = vector.shape_cast %swap3A_710 : vector<16xi32> to vector<16xi32>
      %swap3A_712 = vector.shape_cast %sub3A_708 : vector<16xi32> to vector<16xi32>
      tpu.vector_store %arg19[%swap3A_709], %swap3A_712 {strides = array<i32>} : memref<64xi32, #tpu.memory_space<vmem>>, vector<16xi32>,
      %get3A_713 = arith.constant 48 : index
      %get3A_714 = tpu.vector_load %arg17[%get3A_713] {strides = array<i32>} : memref<64xi32, #tpu.memory_space<vmem>>, vector<16xi32>,
      %get3A_715 = vector.shape_cast %get3A_714 : vector<16xi32> to vector<16xi32>
      %sub3A_716 = vector.broadcast %mul3A_0 : i32 to vector<16xi32>
      %sub3A_717 = arith.subi %get3A_715, %sub3A_716 : vector<16xi32>
      %swap3A_718 = arith.constant 48 : index
      %swap3A_719 = tpu.vector_load %arg19[%swap3A_718] {strides = array<i32>} : memref<64xi32, #tpu.memory_space<vmem>>, vector<16xi32>,
      %swap3A_720 = vector.shape_cast %swap3A_719 : vector<16xi32> to vector<16xi32>
      %swap3A_721 = vector.shape_cast %sub3A_717 : vector<16xi32> to vector<16xi32>
      tpu.vector_store %arg19[%swap3A_718], %swap3A_721 {strides = array<i32>} : memref<64xi32, #tpu.memory_space<vmem>>, vector<16xi32>,
      %dma_start3A_722 = arith.constant 0 : i32
      %dma_start3A_723 = arith.constant 0 : i32
      %dma_start3A_724 = tpu.memref_slice %arg7[%dma_start3A_722, %dma_start3A_723] : memref<10240x128xf32, #tpu.memory_space<vmem_shared>> -> memref<10240x128xf32, #tpu.memory_space<vmem_shared>>
      tpu.enqueue_indirect_dma source(%arg9 : memref<64x128xf32, #tpu.memory_space<vmem>>) target(%dma_start3A_724 : memref<10240x128xf32, #tpu.memory_space<vmem_shared>>) offsets(%arg19 : memref<64xi32, #tpu.memory_space<vmem>>) semaphore(%arg31 : memref<!tpu.dma_semaphore, #tpu.memory_space<semaphore_mem>>) {add = true}
      %add3A_725 = arith.constant 2 : i32
      %add3A_726 = arith.addi %mul3A_674, %add3A_725 : i32
      %add3A_727 = arith.addi %mul3A_4, %add3A_726 : i32
      %mul3A_728 = arith.constant 2 : i32
      %mul3A_729 = arith.muli %add3A_727, %mul3A_728 : i32
      %mul3A_730 = arith.constant 64 : i32
      %mul3A_731 = arith.muli %mul3A_729, %mul3A_730 : i32
      %dma_wait3A_732 = tpu.memref_slice %arg3[%mul3A_731] : memref<328192xi32, #tpu.memory_space<hbm>> -> memref<128xi32, #tpu.memory_space<hbm>>
      %dma_wait3A_733 = tpu.memref_slice %arg3[%mul3A_731] : memref<328192xi32, #tpu.memory_space<hbm>> -> memref<128xi32, #tpu.memory_space<hbm>>
      tpu.wait_dma2 semaphore(%arg33 : memref<!tpu.dma_semaphore, #tpu.memory_space<semaphore_mem>>) src(%dma_wait3A_733 : memref<128xi32, #tpu.memory_space<hbm>>) dst(%arg13 : memref<128xi32, #tpu.memory_space<vmem>>)
      %get3A_734 = arith.constant 0 : index
      %get3A_735 = tpu.vector_load %arg13[%get3A_734] {strides = array<i32>} : memref<128xi32, #tpu.memory_space<vmem>>, vector<16xi32>,
      %get3A_736 = vector.shape_cast %get3A_735 : vector<16xi32> to vector<16xi32>
      %add3A_737 = vector.broadcast %mul3A_0 : i32 to vector<16xi32>
      %add3A_738 = arith.addi %get3A_736, %add3A_737 : vector<16xi32>
      %swap3A_739 = arith.constant 0 : index
      %swap3A_740 = tpu.vector_load %arg15[%swap3A_739] {strides = array<i32>} : memref<64xi32, #tpu.memory_space<vmem>>, vector<16xi32>,
      %swap3A_741 = vector.shape_cast %swap3A_740 : vector<16xi32> to vector<16xi32>
      %swap3A_742 = vector.shape_cast %add3A_738 : vector<16xi32> to vector<16xi32>
      tpu.vector_store %arg15[%swap3A_739], %swap3A_742 {strides = array<i32>} : memref<64xi32, #tpu.memory_space<vmem>>, vector<16xi32>,
      %get3A_743 = arith.constant 64 : index
      %get3A_744 = tpu.vector_load %arg13[%get3A_743] {strides = array<i32>} : memref<128xi32, #tpu.memory_space<vmem>>, vector<16xi32>,
      %get3A_745 = vector.shape_cast %get3A_744 : vector<16xi32> to vector<16xi32>
      %add3A_746 = vector.broadcast %mul3A_0 : i32 to vector<16xi32>
      %add3A_747 = arith.addi %get3A_745, %add3A_746 : vector<16xi32>
      %swap3A_748 = arith.constant 0 : index
      %swap3A_749 = tpu.vector_load %arg17[%swap3A_748] {strides = array<i32>} : memref<64xi32, #tpu.memory_space<vmem>>, vector<16xi32>,
      %swap3A_750 = vector.shape_cast %swap3A_749 : vector<16xi32> to vector<16xi32>
      %swap3A_751 = vector.shape_cast %add3A_747 : vector<16xi32> to vector<16xi32>
      tpu.vector_store %arg17[%swap3A_748], %swap3A_751 {strides = array<i32>} : memref<64xi32, #tpu.memory_space<vmem>>, vector<16xi32>,
      %get3A_752 = arith.constant 16 : index
      %get3A_753 = tpu.vector_load %arg13[%get3A_752] {strides = array<i32>} : memref<128xi32, #tpu.memory_space<vmem>>, vector<16xi32>,
      %get3A_754 = vector.shape_cast %get3A_753 : vector<16xi32> to vector<16xi32>
      %add3A_755 = vector.broadcast %mul3A_0 : i32 to vector<16xi32>
      %add3A_756 = arith.addi %get3A_754, %add3A_755 : vector<16xi32>
      %swap3A_757 = arith.constant 16 : index
      %swap3A_758 = tpu.vector_load %arg15[%swap3A_757] {strides = array<i32>} : memref<64xi32, #tpu.memory_space<vmem>>, vector<16xi32>,
      %swap3A_759 = vector.shape_cast %swap3A_758 : vector<16xi32> to vector<16xi32>
      %swap3A_760 = vector.shape_cast %add3A_756 : vector<16xi32> to vector<16xi32>
      tpu.vector_store %arg15[%swap3A_757], %swap3A_760 {strides = array<i32>} : memref<64xi32, #tpu.memory_space<vmem>>, vector<16xi32>,
      %get3A_761 = arith.constant 80 : index
      %get3A_762 = tpu.vector_load %arg13[%get3A_761] {strides = array<i32>} : memref<128xi32, #tpu.memory_space<vmem>>, vector<16xi32>,
      %get3A_763 = vector.shape_cast %get3A_762 : vector<16xi32> to vector<16xi32>
      %add3A_764 = vector.broadcast %mul3A_0 : i32 to vector<16xi32>
      %add3A_765 = arith.addi %get3A_763, %add3A_764 : vector<16xi32>
      %swap3A_766 = arith.constant 16 : index
      %swap3A_767 = tpu.vector_load %arg17[%swap3A_766] {strides = array<i32>} : memref<64xi32, #tpu.memory_space<vmem>>, vector<16xi32>,
      %swap3A_768 = vector.shape_cast %swap3A_767 : vector<16xi32> to vector<16xi32>
      %swap3A_769 = vector.shape_cast %add3A_765 : vector<16xi32> to vector<16xi32>
      tpu.vector_store %arg17[%swap3A_766], %swap3A_769 {strides = array<i32>} : memref<64xi32, #tpu.memory_space<vmem>>, vector<16xi32>,
      %get3A_770 = arith.constant 32 : index
      %get3A_771 = tpu.vector_load %arg13[%get3A_770] {strides = array<i32>} : memref<128xi32, #tpu.memory_space<vmem>>, vector<16xi32>,
      %get3A_772 = vector.shape_cast %get3A_771 : vector<16xi32> to vector<16xi32>
      %add3A_773 = vector.broadcast %mul3A_0 : i32 to vector<16xi32>
      %add3A_774 = arith.addi %get3A_772, %add3A_773 : vector<16xi32>
      %swap3A_775 = arith.constant 32 : index
      %swap3A_776 = tpu.vector_load %arg15[%swap3A_775] {strides = array<i32>} : memref<64xi32, #tpu.memory_space<vmem>>, vector<16xi32>,
      %swap3A_777 = vector.shape_cast %swap3A_776 : vector<16xi32> to vector<16xi32>
      %swap3A_778 = vector.shape_cast %add3A_774 : vector<16xi32> to vector<16xi32>
      tpu.vector_store %arg15[%swap3A_775], %swap3A_778 {strides = array<i32>} : memref<64xi32, #tpu.memory_space<vmem>>, vector<16xi32>,
      %get3A_779 = arith.constant 96 : index
      %get3A_780 = tpu.vector_load %arg13[%get3A_779] {strides = array<i32>} : memref<128xi32, #tpu.memory_space<vmem>>, vector<16xi32>,
      %get3A_781 = vector.shape_cast %get3A_780 : vector<16xi32> to vector<16xi32>
      %add3A_782 = vector.broadcast %mul3A_0 : i32 to vector<16xi32>
      %add3A_783 = arith.addi %get3A_781, %add3A_782 : vector<16xi32>
      %swap3A_784 = arith.constant 32 : index
      %swap3A_785 = tpu.vector_load %arg17[%swap3A_784] {strides = array<i32>} : memref<64xi32, #tpu.memory_space<vmem>>, vector<16xi32>,
      %swap3A_786 = vector.shape_cast %swap3A_785 : vector<16xi32> to vector<16xi32>
      %swap3A_787 = vector.shape_cast %add3A_783 : vector<16xi32> to vector<16xi32>
      tpu.vector_store %arg17[%swap3A_784], %swap3A_787 {strides = array<i32>} : memref<64xi32, #tpu.memory_space<vmem>>, vector<16xi32>,
      %get3A_788 = arith.constant 48 : index
      %get3A_789 = tpu.vector_load %arg13[%get3A_788] {strides = array<i32>} : memref<128xi32, #tpu.memory_space<vmem>>, vector<16xi32>,
      %get3A_790 = vector.shape_cast %get3A_789 : vector<16xi32> to vector<16xi32>
      %add3A_791 = vector.broadcast %mul3A_0 : i32 to vector<16xi32>
      %add3A_792 = arith.addi %get3A_790, %add3A_791 : vector<16xi32>
      %swap3A_793 = arith.constant 48 : index
      %swap3A_794 = tpu.vector_load %arg15[%swap3A_793] {strides = array<i32>} : memref<64xi32, #tpu.memory_space<vmem>>, vector<16xi32>,
      %swap3A_795 = vector.shape_cast %swap3A_794 : vector<16xi32> to vector<16xi32>
      %swap3A_796 = vector.shape_cast %add3A_792 : vector<16xi32> to vector<16xi32>
      tpu.vector_store %arg15[%swap3A_793], %swap3A_796 {strides = array<i32>} : memref<64xi32, #tpu.memory_space<vmem>>, vector<16xi32>,
      %get3A_797 = arith.constant 112 : index
      %get3A_798 = tpu.vector_load %arg13[%get3A_797] {strides = array<i32>} : memref<128xi32, #tpu.memory_space<vmem>>, vector<16xi32>,
      %get3A_799 = vector.shape_cast %get3A_798 : vector<16xi32> to vector<16xi32>
      %add3A_800 = vector.broadcast %mul3A_0 : i32 to vector<16xi32>
      %add3A_801 = arith.addi %get3A_799, %add3A_800 : vector<16xi32>
      %swap3A_802 = arith.constant 48 : index
      %swap3A_803 = tpu.vector_load %arg17[%swap3A_802] {strides = array<i32>} : memref<64xi32, #tpu.memory_space<vmem>>, vector<16xi32>,
      %swap3A_804 = vector.shape_cast %swap3A_803 : vector<16xi32> to vector<16xi32>
      %swap3A_805 = vector.shape_cast %add3A_801 : vector<16xi32> to vector<16xi32>
      tpu.vector_store %arg17[%swap3A_802], %swap3A_805 {strides = array<i32>} : memref<64xi32, #tpu.memory_space<vmem>>, vector<16xi32>,
      %dma_start3A_806 = arith.constant 0 : i32
      %dma_start3A_807 = arith.constant 0 : i32
      %dma_start3A_808 = tpu.memref_slice %arg5[%dma_start3A_806, %dma_start3A_807] : memref<20480x128xf32, #tpu.memory_space<hbm>> -> memref<20480x128xf32, #tpu.memory_space<hbm>>
      tpu.enqueue_indirect_dma source(%dma_start3A_808 : memref<20480x128xf32, #tpu.memory_space<hbm>>) target(%arg11 : memref<64x128xf32, #tpu.memory_space<vmem>>) offsets(%arg15 : memref<64xi32, #tpu.memory_space<vmem>>) semaphore(%arg29 : memref<!tpu.dma_semaphore, #tpu.memory_space<semaphore_mem>>)
      %dma_wait3A_809 = arith.constant 0 : i32
      %dma_wait3A_810 = arith.constant 0 : i32
      %dma_wait3A_811 = tpu.memref_slice %arg7[%dma_wait3A_809, %dma_wait3A_810] : memref<10240x128xf32, #tpu.memory_space<vmem_shared>> -> memref<10240x128xf32, #tpu.memory_space<vmem_shared>>
      tpu.wait_indirect_dma semaphore(%arg31 : memref<!tpu.dma_semaphore, #tpu.memory_space<semaphore_mem>>) src(%arg9 : memref<64x128xf32, #tpu.memory_space<vmem>>) dst(%dma_wait3A_811 : memref<10240x128xf32, #tpu.memory_space<vmem_shared>>)
      %dma_start3A_812 = arith.constant 0 : i32
      %dma_start3A_813 = arith.constant 0 : i32
      %dma_start3A_814 = tpu.memref_slice %arg5[%dma_start3A_812, %dma_start3A_813] : memref<20480x128xf32, #tpu.memory_space<hbm>> -> memref<20480x128xf32, #tpu.memory_space<hbm>>
      tpu.enqueue_indirect_dma source(%dma_start3A_814 : memref<20480x128xf32, #tpu.memory_space<hbm>>) target(%arg9 : memref<64x128xf32, #tpu.memory_space<vmem>>) offsets(%arg17 : memref<64xi32, #tpu.memory_space<vmem>>) semaphore(%arg27 : memref<!tpu.dma_semaphore, #tpu.memory_space<semaphore_mem>>)
      %add3A_815 = arith.constant 4 : i32
      %add3A_816 = arith.addi %mul3A_674, %add3A_815 : i32
      %add3A_817 = arith.addi %mul3A_4, %add3A_816 : i32
      %mul3A_818 = arith.constant 2 : i32
      %mul3A_819 = arith.muli %add3A_817, %mul3A_818 : i32
      %mul3A_820 = arith.constant 64 : i32
      %mul3A_821 = arith.muli %mul3A_819, %mul3A_820 : i32
      %dma_start3A_822 = tpu.memref_slice %arg3[%mul3A_821] : memref<328192xi32, #tpu.memory_space<hbm>> -> memref<128xi32, #tpu.memory_space<hbm>>
      %dma_start3A_823 = tpu.memref_slice %arg3[%mul3A_821] : memref<328192xi32, #tpu.memory_space<hbm>> -> memref<128xi32, #tpu.memory_space<hbm>>
      tpu.enqueue_dma source(%dma_start3A_823 : memref<128xi32, #tpu.memory_space<hbm>>) target(%arg13 : memref<128xi32, #tpu.memory_space<vmem>>) target_semaphore(%arg33 : memref<!tpu.dma_semaphore, #tpu.memory_space<semaphore_mem>>)
      %mul3A_824 = arith.constant 2 : i32
      %mul3A_825 = arith.muli %mul3A_824, %scan3A_672 : i32
      %add3A_826 = arith.constant 1 : i32
      %add3A_827 = arith.addi %mul3A_825, %add3A_826 : i32
      %dma_wait3A_828 = arith.constant 0 : i32
      %dma_wait3A_829 = arith.constant 0 : i32
      %dma_wait3A_830 = tpu.memref_slice %arg5[%dma_wait3A_828, %dma_wait3A_829] : memref<20480x128xf32, #tpu.memory_space<hbm>> -> memref<20480x128xf32, #tpu.memory_space<hbm>>
      tpu.wait_indirect_dma semaphore(%arg28 : memref<!tpu.dma_semaphore, #tpu.memory_space<semaphore_mem>>) src(%dma_wait3A_830 : memref<20480x128xf32, #tpu.memory_space<hbm>>) dst(%arg10 : memref<64x128xf32, #tpu.memory_space<vmem>>)
      %dma_wait3A_831 = arith.constant 0 : i32
      %dma_wait3A_832 = arith.constant 0 : i32
      %dma_wait3A_833 = tpu.memref_slice %arg5[%dma_wait3A_831, %dma_wait3A_832] : memref<20480x128xf32, #tpu.memory_space<hbm>> -> memref<20480x128xf32, #tpu.memory_space<hbm>>
      tpu.wait_indirect_dma semaphore(%arg30 : memref<!tpu.dma_semaphore, #tpu.memory_space<semaphore_mem>>) src(%dma_wait3A_833 : memref<20480x128xf32, #tpu.memory_space<hbm>>) dst(%arg12 : memref<64x128xf32, #tpu.memory_space<vmem>>)
      %scan3A_834 = arith.constant 0 : i32
      %scan3A_835 = arith.constant 0 : i32
      %scan3A_836 = arith.constant 64 : i32
      %scan3A_837 = arith.addi %scan3A_835, %scan3A_836 : i32
      %scan3A_838 = arith.constant 1 : i32
      scf.for %scan3A_978 = %scan3A_835 to %scan3A_837 step %scan3A_838  : i32 {
        %get3A_979 = arith.index_cast %scan3A_978 : i32 to index
        %get3A_980 = arith.constant 0 : index
        %get3A_981 = tpu.vector_load %arg10[%get3A_979, %get3A_980] {strides = array<i32>} : memref<64x128xf32, #tpu.memory_space<vmem>>, vector<1x16xf32>,
        %get3A_982 = vector.shape_cast %get3A_981 : vector<1x16xf32> to vector<16xf32>
        %get3A_983 = arith.index_cast %scan3A_978 : i32 to index
        %get3A_984 = arith.constant 0 : index
        %get3A_985 = tpu.vector_load %arg12[%get3A_983, %get3A_984] {strides = array<i32>} : memref<64x128xf32, #tpu.memory_space<vmem>>, vector<1x16xf32>,
        %get3A_986 = vector.shape_cast %get3A_985 : vector<1x16xf32> to vector<16xf32>
        %sub3A_987 = arith.subf %get3A_982, %get3A_986 : vector<16xf32>
        %abs3A = math.absf %sub3A_987 : vector<16xf32>
        %add3A_988 = arith.constant 9.99999971E-10 : f32
        %add3A_989 = vector.broadcast %add3A_988 : f32 to vector<16xf32>
        %add3A_990 = arith.addf %abs3A, %add3A_989 : vector<16xf32>
        %bitcast_convert_type3A = tpu.bitcast %add3A_990 : vector<16xf32> -> vector<16xi32>
        %shift_right_arithmetic3A = arith.constant 1 : i32
        %shift_right_arithmetic3A_991 = vector.broadcast %shift_right_arithmetic3A : i32 to vector<16xi32>
        %shift_right_arithmetic3A_992 = arith.shrsi %bitcast_convert_type3A, %shift_right_arithmetic3A_991 : vector<16xi32>
        %sub3A_993 = arith.constant 1597463007 : i32
        %sub3A_994 = vector.broadcast %sub3A_993 : i32 to vector<16xi32>
        %sub3A_995 = arith.subi %sub3A_994, %shift_right_arithmetic3A_992 : vector<16xi32>
        %bitcast_convert_type3A_996 = tpu.bitcast %sub3A_995 : vector<16xi32> -> vector<16xf32>
        %mul3A_997 = arith.constant 5.000000e-01 : f32
        %mul3A_998 = vector.broadcast %mul3A_997 : f32 to vector<16xf32>
        %mul3A_999 = arith.mulf %add3A_990, %mul3A_998 : vector<16xf32>
        %mul3A_1000 = arith.mulf %mul3A_999, %bitcast_convert_type3A_996 : vector<16xf32>
        %mul3A_1001 = arith.mulf %mul3A_1000, %bitcast_convert_type3A_996 : vector<16xf32>
        %sub3A_1002 = arith.constant 1.500000e+00 : f32
        %sub3A_1003 = vector.broadcast %sub3A_1002 : f32 to vector<16xf32>
        %sub3A_1004 = arith.subf %sub3A_1003, %mul3A_1001 : vector<16xf32>
        %mul3A_1005 = arith.mulf %bitcast_convert_type3A_996, %sub3A_1004 : vector<16xf32>
        %mul3A_1006 = arith.mulf %add3A_990, %mul3A_1005 : vector<16xf32>
        %mul3A_1007 = arith.mulf %mul3A_1006, %sub3A_987 : vector<16xf32>
        %sub3A_1008 = arith.subf %get3A_982, %mul3A_1007 : vector<16xf32>
        %swap3A_1009 = arith.index_cast %scan3A_978 : i32 to index
        %swap3A_1010 = arith.constant 0 : index
        %swap3A_1011 = tpu.vector_load %arg10[%swap3A_1009, %swap3A_1010] {strides = array<i32>} : memref<64x128xf32, #tpu.memory_space<vmem>>, vector<1x16xf32>,
        %swap3A_1012 = vector.shape_cast %swap3A_1011 : vector<1x16xf32> to vector<16xf32>
        %swap3A_1013 = vector.shape_cast %sub3A_1008 : vector<16xf32> to vector<1x16xf32>
        tpu.vector_store %arg10[%swap3A_1009, %swap3A_1010], %swap3A_1013 {strides = array<i32>} : memref<64x128xf32, #tpu.memory_space<vmem>>, vector<1x16xf32>,
        %get3A_1014 = arith.index_cast %scan3A_978 : i32 to index
        %get3A_1015 = arith.constant 16 : index
        %get3A_1016 = tpu.vector_load %arg10[%get3A_1014, %get3A_1015] {strides = array<i32>} : memref<64x128xf32, #tpu.memory_space<vmem>>, vector<1x16xf32>,
        %get3A_1017 = vector.shape_cast %get3A_1016 : vector<1x16xf32> to vector<16xf32>
        %get3A_1018 = arith.index_cast %scan3A_978 : i32 to index
        %get3A_1019 = arith.constant 16 : index
        %get3A_1020 = tpu.vector_load %arg12[%get3A_1018, %get3A_1019] {strides = array<i32>} : memref<64x128xf32, #tpu.memory_space<vmem>>, vector<1x16xf32>,
        %get3A_1021 = vector.shape_cast %get3A_1020 : vector<1x16xf32> to vector<16xf32>
        %sub3A_1022 = arith.subf %get3A_1017, %get3A_1021 : vector<16xf32>
        %abs3A_1023 = math.absf %sub3A_1022 : vector<16xf32>
        %add3A_1024 = arith.constant 9.99999971E-10 : f32
        %add3A_1025 = vector.broadcast %add3A_1024 : f32 to vector<16xf32>
        %add3A_1026 = arith.addf %abs3A_1023, %add3A_1025 : vector<16xf32>
        %bitcast_convert_type3A_1027 = tpu.bitcast %add3A_1026 : vector<16xf32> -> vector<16xi32>
        %shift_right_arithmetic3A_1028 = arith.constant 1 : i32
        %shift_right_arithmetic3A_1029 = vector.broadcast %shift_right_arithmetic3A_1028 : i32 to vector<16xi32>
        %shift_right_arithmetic3A_1030 = arith.shrsi %bitcast_convert_type3A_1027, %shift_right_arithmetic3A_1029 : vector<16xi32>
        %sub3A_1031 = arith.constant 1597463007 : i32
        %sub3A_1032 = vector.broadcast %sub3A_1031 : i32 to vector<16xi32>
        %sub3A_1033 = arith.subi %sub3A_1032, %shift_right_arithmetic3A_1030 : vector<16xi32>
        %bitcast_convert_type3A_1034 = tpu.bitcast %sub3A_1033 : vector<16xi32> -> vector<16xf32>
        %mul3A_1035 = arith.constant 5.000000e-01 : f32
        %mul3A_1036 = vector.broadcast %mul3A_1035 : f32 to vector<16xf32>
        %mul3A_1037 = arith.mulf %add3A_1026, %mul3A_1036 : vector<16xf32>
        %mul3A_1038 = arith.mulf %mul3A_1037, %bitcast_convert_type3A_1034 : vector<16xf32>
        %mul3A_1039 = arith.mulf %mul3A_1038, %bitcast_convert_type3A_1034 : vector<16xf32>
        %sub3A_1040 = arith.constant 1.500000e+00 : f32
        %sub3A_1041 = vector.broadcast %sub3A_1040 : f32 to vector<16xf32>
        %sub3A_1042 = arith.subf %sub3A_1041, %mul3A_1039 : vector<16xf32>
        %mul3A_1043 = arith.mulf %bitcast_convert_type3A_1034, %sub3A_1042 : vector<16xf32>
        %mul3A_1044 = arith.mulf %add3A_1026, %mul3A_1043 : vector<16xf32>
        %mul3A_1045 = arith.mulf %mul3A_1044, %sub3A_1022 : vector<16xf32>
        %sub3A_1046 = arith.subf %get3A_1017, %mul3A_1045 : vector<16xf32>
        %swap3A_1047 = arith.index_cast %scan3A_978 : i32 to index
        %swap3A_1048 = arith.constant 16 : index
        %swap3A_1049 = tpu.vector_load %arg10[%swap3A_1047, %swap3A_1048] {strides = array<i32>} : memref<64x128xf32, #tpu.memory_space<vmem>>, vector<1x16xf32>,
        %swap3A_1050 = vector.shape_cast %swap3A_1049 : vector<1x16xf32> to vector<16xf32>
        %swap3A_1051 = vector.shape_cast %sub3A_1046 : vector<16xf32> to vector<1x16xf32>
        tpu.vector_store %arg10[%swap3A_1047, %swap3A_1048], %swap3A_1051 {strides = array<i32>} : memref<64x128xf32, #tpu.memory_space<vmem>>, vector<1x16xf32>,
        %get3A_1052 = arith.index_cast %scan3A_978 : i32 to index
        %get3A_1053 = arith.constant 32 : index
        %get3A_1054 = tpu.vector_load %arg10[%get3A_1052, %get3A_1053] {strides = array<i32>} : memref<64x128xf32, #tpu.memory_space<vmem>>, vector<1x16xf32>,
        %get3A_1055 = vector.shape_cast %get3A_1054 : vector<1x16xf32> to vector<16xf32>
        %get3A_1056 = arith.index_cast %scan3A_978 : i32 to index
        %get3A_1057 = arith.constant 32 : index
        %get3A_1058 = tpu.vector_load %arg12[%get3A_1056, %get3A_1057] {strides = array<i32>} : memref<64x128xf32, #tpu.memory_space<vmem>>, vector<1x16xf32>,
        %get3A_1059 = vector.shape_cast %get3A_1058 : vector<1x16xf32> to vector<16xf32>
        %sub3A_1060 = arith.subf %get3A_1055, %get3A_1059 : vector<16xf32>
        %abs3A_1061 = math.absf %sub3A_1060 : vector<16xf32>
        %add3A_1062 = arith.constant 9.99999971E-10 : f32
        %add3A_1063 = vector.broadcast %add3A_1062 : f32 to vector<16xf32>
        %add3A_1064 = arith.addf %abs3A_1061, %add3A_1063 : vector<16xf32>
        %bitcast_convert_type3A_1065 = tpu.bitcast %add3A_1064 : vector<16xf32> -> vector<16xi32>
        %shift_right_arithmetic3A_1066 = arith.constant 1 : i32
        %shift_right_arithmetic3A_1067 = vector.broadcast %shift_right_arithmetic3A_1066 : i32 to vector<16xi32>
        %shift_right_arithmetic3A_1068 = arith.shrsi %bitcast_convert_type3A_1065, %shift_right_arithmetic3A_1067 : vector<16xi32>
        %sub3A_1069 = arith.constant 1597463007 : i32
        %sub3A_1070 = vector.broadcast %sub3A_1069 : i32 to vector<16xi32>
        %sub3A_1071 = arith.subi %sub3A_1070, %shift_right_arithmetic3A_1068 : vector<16xi32>
        %bitcast_convert_type3A_1072 = tpu.bitcast %sub3A_1071 : vector<16xi32> -> vector<16xf32>
        %mul3A_1073 = arith.constant 5.000000e-01 : f32
        %mul3A_1074 = vector.broadcast %mul3A_1073 : f32 to vector<16xf32>
        %mul3A_1075 = arith.mulf %add3A_1064, %mul3A_1074 : vector<16xf32>
        %mul3A_1076 = arith.mulf %mul3A_1075, %bitcast_convert_type3A_1072 : vector<16xf32>
        %mul3A_1077 = arith.mulf %mul3A_1076, %bitcast_convert_type3A_1072 : vector<16xf32>
        %sub3A_1078 = arith.constant 1.500000e+00 : f32
        %sub3A_1079 = vector.broadcast %sub3A_1078 : f32 to vector<16xf32>
        %sub3A_1080 = arith.subf %sub3A_1079, %mul3A_1077 : vector<16xf32>
        %mul3A_1081 = arith.mulf %bitcast_convert_type3A_1072, %sub3A_1080 : vector<16xf32>
        %mul3A_1082 = arith.mulf %add3A_1064, %mul3A_1081 : vector<16xf32>
        %mul3A_1083 = arith.mulf %mul3A_1082, %sub3A_1060 : vector<16xf32>
        %sub3A_1084 = arith.subf %get3A_1055, %mul3A_1083 : vector<16xf32>
        %swap3A_1085 = arith.index_cast %scan3A_978 : i32 to index
        %swap3A_1086 = arith.constant 32 : index
        %swap3A_1087 = tpu.vector_load %arg10[%swap3A_1085, %swap3A_1086] {strides = array<i32>} : memref<64x128xf32, #tpu.memory_space<vmem>>, vector<1x16xf32>,
        %swap3A_1088 = vector.shape_cast %swap3A_1087 : vector<1x16xf32> to vector<16xf32>
        %swap3A_1089 = vector.shape_cast %sub3A_1084 : vector<16xf32> to vector<1x16xf32>
        tpu.vector_store %arg10[%swap3A_1085, %swap3A_1086], %swap3A_1089 {strides = array<i32>} : memref<64x128xf32, #tpu.memory_space<vmem>>, vector<1x16xf32>,
        %get3A_1090 = arith.index_cast %scan3A_978 : i32 to index
        %get3A_1091 = arith.constant 48 : index
        %get3A_1092 = tpu.vector_load %arg10[%get3A_1090, %get3A_1091] {strides = array<i32>} : memref<64x128xf32, #tpu.memory_space<vmem>>, vector<1x16xf32>,
        %get3A_1093 = vector.shape_cast %get3A_1092 : vector<1x16xf32> to vector<16xf32>
        %get3A_1094 = arith.index_cast %scan3A_978 : i32 to index
        %get3A_1095 = arith.constant 48 : index
        %get3A_1096 = tpu.vector_load %arg12[%get3A_1094, %get3A_1095] {strides = array<i32>} : memref<64x128xf32, #tpu.memory_space<vmem>>, vector<1x16xf32>,
        %get3A_1097 = vector.shape_cast %get3A_1096 : vector<1x16xf32> to vector<16xf32>
        %sub3A_1098 = arith.subf %get3A_1093, %get3A_1097 : vector<16xf32>
        %abs3A_1099 = math.absf %sub3A_1098 : vector<16xf32>
        %add3A_1100 = arith.constant 9.99999971E-10 : f32
        %add3A_1101 = vector.broadcast %add3A_1100 : f32 to vector<16xf32>
        %add3A_1102 = arith.addf %abs3A_1099, %add3A_1101 : vector<16xf32>
        %bitcast_convert_type3A_1103 = tpu.bitcast %add3A_1102 : vector<16xf32> -> vector<16xi32>
        %shift_right_arithmetic3A_1104 = arith.constant 1 : i32
        %shift_right_arithmetic3A_1105 = vector.broadcast %shift_right_arithmetic3A_1104 : i32 to vector<16xi32>
        %shift_right_arithmetic3A_1106 = arith.shrsi %bitcast_convert_type3A_1103, %shift_right_arithmetic3A_1105 : vector<16xi32>
        %sub3A_1107 = arith.constant 1597463007 : i32
        %sub3A_1108 = vector.broadcast %sub3A_1107 : i32 to vector<16xi32>
        %sub3A_1109 = arith.subi %sub3A_1108, %shift_right_arithmetic3A_1106 : vector<16xi32>
        %bitcast_convert_type3A_1110 = tpu.bitcast %sub3A_1109 : vector<16xi32> -> vector<16xf32>
        %mul3A_1111 = arith.constant 5.000000e-01 : f32
        %mul3A_1112 = vector.broadcast %mul3A_1111 : f32 to vector<16xf32>
        %mul3A_1113 = arith.mulf %add3A_1102, %mul3A_1112 : vector<16xf32>
        %mul3A_1114 = arith.mulf %mul3A_1113, %bitcast_convert_type3A_1110 : vector<16xf32>
        %mul3A_1115 = arith.mulf %mul3A_1114, %bitcast_convert_type3A_1110 : vector<16xf32>
        %sub3A_1116 = arith.constant 1.500000e+00 : f32
        %sub3A_1117 = vector.broadcast %sub3A_1116 : f32 to vector<16xf32>
        %sub3A_1118 = arith.subf %sub3A_1117, %mul3A_1115 : vector<16xf32>
        %mul3A_1119 = arith.mulf %bitcast_convert_type3A_1110, %sub3A_1118 : vector<16xf32>
        %mul3A_1120 = arith.mulf %add3A_1102, %mul3A_1119 : vector<16xf32>
        %mul3A_1121 = arith.mulf %mul3A_1120, %sub3A_1098 : vector<16xf32>
        %sub3A_1122 = arith.subf %get3A_1093, %mul3A_1121 : vector<16xf32>
        %swap3A_1123 = arith.index_cast %scan3A_978 : i32 to index
        %swap3A_1124 = arith.constant 48 : index
        %swap3A_1125 = tpu.vector_load %arg10[%swap3A_1123, %swap3A_1124] {strides = array<i32>} : memref<64x128xf32, #tpu.memory_space<vmem>>, vector<1x16xf32>,
        %swap3A_1126 = vector.shape_cast %swap3A_1125 : vector<1x16xf32> to vector<16xf32>
        %swap3A_1127 = vector.shape_cast %sub3A_1122 : vector<16xf32> to vector<1x16xf32>
        tpu.vector_store %arg10[%swap3A_1123, %swap3A_1124], %swap3A_1127 {strides = array<i32>} : memref<64x128xf32, #tpu.memory_space<vmem>>, vector<1x16xf32>,
        %get3A_1128 = arith.index_cast %scan3A_978 : i32 to index
        %get3A_1129 = arith.constant 64 : index
        %get3A_1130 = tpu.vector_load %arg10[%get3A_1128, %get3A_1129] {strides = array<i32>} : memref<64x128xf32, #tpu.memory_space<vmem>>, vector<1x16xf32>,
        %get3A_1131 = vector.shape_cast %get3A_1130 : vector<1x16xf32> to vector<16xf32>
        %get3A_1132 = arith.index_cast %scan3A_978 : i32 to index
        %get3A_1133 = arith.constant 64 : index
        %get3A_1134 = tpu.vector_load %arg12[%get3A_1132, %get3A_1133] {strides = array<i32>} : memref<64x128xf32, #tpu.memory_space<vmem>>, vector<1x16xf32>,
        %get3A_1135 = vector.shape_cast %get3A_1134 : vector<1x16xf32> to vector<16xf32>
        %sub3A_1136 = arith.subf %get3A_1131, %get3A_1135 : vector<16xf32>
        %abs3A_1137 = math.absf %sub3A_1136 : vector<16xf32>
        %add3A_1138 = arith.constant 9.99999971E-10 : f32
        %add3A_1139 = vector.broadcast %add3A_1138 : f32 to vector<16xf32>
        %add3A_1140 = arith.addf %abs3A_1137, %add3A_1139 : vector<16xf32>
        %bitcast_convert_type3A_1141 = tpu.bitcast %add3A_1140 : vector<16xf32> -> vector<16xi32>
        %shift_right_arithmetic3A_1142 = arith.constant 1 : i32
        %shift_right_arithmetic3A_1143 = vector.broadcast %shift_right_arithmetic3A_1142 : i32 to vector<16xi32>
        %shift_right_arithmetic3A_1144 = arith.shrsi %bitcast_convert_type3A_1141, %shift_right_arithmetic3A_1143 : vector<16xi32>
        %sub3A_1145 = arith.constant 1597463007 : i32
        %sub3A_1146 = vector.broadcast %sub3A_1145 : i32 to vector<16xi32>
        %sub3A_1147 = arith.subi %sub3A_1146, %shift_right_arithmetic3A_1144 : vector<16xi32>
        %bitcast_convert_type3A_1148 = tpu.bitcast %sub3A_1147 : vector<16xi32> -> vector<16xf32>
        %mul3A_1149 = arith.constant 5.000000e-01 : f32
        %mul3A_1150 = vector.broadcast %mul3A_1149 : f32 to vector<16xf32>
        %mul3A_1151 = arith.mulf %add3A_1140, %mul3A_1150 : vector<16xf32>
        %mul3A_1152 = arith.mulf %mul3A_1151, %bitcast_convert_type3A_1148 : vector<16xf32>
        %mul3A_1153 = arith.mulf %mul3A_1152, %bitcast_convert_type3A_1148 : vector<16xf32>
        %sub3A_1154 = arith.constant 1.500000e+00 : f32
        %sub3A_1155 = vector.broadcast %sub3A_1154 : f32 to vector<16xf32>
        %sub3A_1156 = arith.subf %sub3A_1155, %mul3A_1153 : vector<16xf32>
        %mul3A_1157 = arith.mulf %bitcast_convert_type3A_1148, %sub3A_1156 : vector<16xf32>
        %mul3A_1158 = arith.mulf %add3A_1140, %mul3A_1157 : vector<16xf32>
        %mul3A_1159 = arith.mulf %mul3A_1158, %sub3A_1136 : vector<16xf32>
        %sub3A_1160 = arith.subf %get3A_1131, %mul3A_1159 : vector<16xf32>
        %swap3A_1161 = arith.index_cast %scan3A_978 : i32 to index
        %swap3A_1162 = arith.constant 64 : index
        %swap3A_1163 = tpu.vector_load %arg10[%swap3A_1161, %swap3A_1162] {strides = array<i32>} : memref<64x128xf32, #tpu.memory_space<vmem>>, vector<1x16xf32>,
        %swap3A_1164 = vector.shape_cast %swap3A_1163 : vector<1x16xf32> to vector<16xf32>
        %swap3A_1165 = vector.shape_cast %sub3A_1160 : vector<16xf32> to vector<1x16xf32>
        tpu.vector_store %arg10[%swap3A_1161, %swap3A_1162], %swap3A_1165 {strides = array<i32>} : memref<64x128xf32, #tpu.memory_space<vmem>>, vector<1x16xf32>,
        %get3A_1166 = arith.index_cast %scan3A_978 : i32 to index
        %get3A_1167 = arith.constant 80 : index
        %get3A_1168 = tpu.vector_load %arg10[%get3A_1166, %get3A_1167] {strides = array<i32>} : memref<64x128xf32, #tpu.memory_space<vmem>>, vector<1x16xf32>,
        %get3A_1169 = vector.shape_cast %get3A_1168 : vector<1x16xf32> to vector<16xf32>
        %get3A_1170 = arith.index_cast %scan3A_978 : i32 to index
        %get3A_1171 = arith.constant 80 : index
        %get3A_1172 = tpu.vector_load %arg12[%get3A_1170, %get3A_1171] {strides = array<i32>} : memref<64x128xf32, #tpu.memory_space<vmem>>, vector<1x16xf32>,
        %get3A_1173 = vector.shape_cast %get3A_1172 : vector<1x16xf32> to vector<16xf32>
        %sub3A_1174 = arith.subf %get3A_1169, %get3A_1173 : vector<16xf32>
        %abs3A_1175 = math.absf %sub3A_1174 : vector<16xf32>
        %add3A_1176 = arith.constant 9.99999971E-10 : f32
        %add3A_1177 = vector.broadcast %add3A_1176 : f32 to vector<16xf32>
        %add3A_1178 = arith.addf %abs3A_1175, %add3A_1177 : vector<16xf32>
        %bitcast_convert_type3A_1179 = tpu.bitcast %add3A_1178 : vector<16xf32> -> vector<16xi32>
        %shift_right_arithmetic3A_1180 = arith.constant 1 : i32
        %shift_right_arithmetic3A_1181 = vector.broadcast %shift_right_arithmetic3A_1180 : i32 to vector<16xi32>
        %shift_right_arithmetic3A_1182 = arith.shrsi %bitcast_convert_type3A_1179, %shift_right_arithmetic3A_1181 : vector<16xi32>
        %sub3A_1183 = arith.constant 1597463007 : i32
        %sub3A_1184 = vector.broadcast %sub3A_1183 : i32 to vector<16xi32>
        %sub3A_1185 = arith.subi %sub3A_1184, %shift_right_arithmetic3A_1182 : vector<16xi32>
        %bitcast_convert_type3A_1186 = tpu.bitcast %sub3A_1185 : vector<16xi32> -> vector<16xf32>
        %mul3A_1187 = arith.constant 5.000000e-01 : f32
        %mul3A_1188 = vector.broadcast %mul3A_1187 : f32 to vector<16xf32>
        %mul3A_1189 = arith.mulf %add3A_1178, %mul3A_1188 : vector<16xf32>
        %mul3A_1190 = arith.mulf %mul3A_1189, %bitcast_convert_type3A_1186 : vector<16xf32>
        %mul3A_1191 = arith.mulf %mul3A_1190, %bitcast_convert_type3A_1186 : vector<16xf32>
        %sub3A_1192 = arith.constant 1.500000e+00 : f32
        %sub3A_1193 = vector.broadcast %sub3A_1192 : f32 to vector<16xf32>
        %sub3A_1194 = arith.subf %sub3A_1193, %mul3A_1191 : vector<16xf32>
        %mul3A_1195 = arith.mulf %bitcast_convert_type3A_1186, %sub3A_1194 : vector<16xf32>
        %mul3A_1196 = arith.mulf %add3A_1178, %mul3A_1195 : vector<16xf32>
        %mul3A_1197 = arith.mulf %mul3A_1196, %sub3A_1174 : vector<16xf32>
        %sub3A_1198 = arith.subf %get3A_1169, %mul3A_1197 : vector<16xf32>
        %swap3A_1199 = arith.index_cast %scan3A_978 : i32 to index
        %swap3A_1200 = arith.constant 80 : index
        %swap3A_1201 = tpu.vector_load %arg10[%swap3A_1199, %swap3A_1200] {strides = array<i32>} : memref<64x128xf32, #tpu.memory_space<vmem>>, vector<1x16xf32>,
        %swap3A_1202 = vector.shape_cast %swap3A_1201 : vector<1x16xf32> to vector<16xf32>
        %swap3A_1203 = vector.shape_cast %sub3A_1198 : vector<16xf32> to vector<1x16xf32>
        tpu.vector_store %arg10[%swap3A_1199, %swap3A_1200], %swap3A_1203 {strides = array<i32>} : memref<64x128xf32, #tpu.memory_space<vmem>>, vector<1x16xf32>,
        %get3A_1204 = arith.index_cast %scan3A_978 : i32 to index
        %get3A_1205 = arith.constant 96 : index
        %get3A_1206 = tpu.vector_load %arg10[%get3A_1204, %get3A_1205] {strides = array<i32>} : memref<64x128xf32, #tpu.memory_space<vmem>>, vector<1x16xf32>,
        %get3A_1207 = vector.shape_cast %get3A_1206 : vector<1x16xf32> to vector<16xf32>
        %get3A_1208 = arith.index_cast %scan3A_978 : i32 to index
        %get3A_1209 = arith.constant 96 : index
        %get3A_1210 = tpu.vector_load %arg12[%get3A_1208, %get3A_1209] {strides = array<i32>} : memref<64x128xf32, #tpu.memory_space<vmem>>, vector<1x16xf32>,
        %get3A_1211 = vector.shape_cast %get3A_1210 : vector<1x16xf32> to vector<16xf32>
        %sub3A_1212 = arith.subf %get3A_1207, %get3A_1211 : vector<16xf32>
        %abs3A_1213 = math.absf %sub3A_1212 : vector<16xf32>
        %add3A_1214 = arith.constant 9.99999971E-10 : f32
        %add3A_1215 = vector.broadcast %add3A_1214 : f32 to vector<16xf32>
        %add3A_1216 = arith.addf %abs3A_1213, %add3A_1215 : vector<16xf32>
        %bitcast_convert_type3A_1217 = tpu.bitcast %add3A_1216 : vector<16xf32> -> vector<16xi32>
        %shift_right_arithmetic3A_1218 = arith.constant 1 : i32
        %shift_right_arithmetic3A_1219 = vector.broadcast %shift_right_arithmetic3A_1218 : i32 to vector<16xi32>
        %shift_right_arithmetic3A_1220 = arith.shrsi %bitcast_convert_type3A_1217, %shift_right_arithmetic3A_1219 : vector<16xi32>
        %sub3A_1221 = arith.constant 1597463007 : i32
        %sub3A_1222 = vector.broadcast %sub3A_1221 : i32 to vector<16xi32>
        %sub3A_1223 = arith.subi %sub3A_1222, %shift_right_arithmetic3A_1220 : vector<16xi32>
        %bitcast_convert_type3A_1224 = tpu.bitcast %sub3A_1223 : vector<16xi32> -> vector<16xf32>
        %mul3A_1225 = arith.constant 5.000000e-01 : f32
        %mul3A_1226 = vector.broadcast %mul3A_1225 : f32 to vector<16xf32>
        %mul3A_1227 = arith.mulf %add3A_1216, %mul3A_1226 : vector<16xf32>
        %mul3A_1228 = arith.mulf %mul3A_1227, %bitcast_convert_type3A_1224 : vector<16xf32>
        %mul3A_1229 = arith.mulf %mul3A_1228, %bitcast_convert_type3A_1224 : vector<16xf32>
        %sub3A_1230 = arith.constant 1.500000e+00 : f32
        %sub3A_1231 = vector.broadcast %sub3A_1230 : f32 to vector<16xf32>
        %sub3A_1232 = arith.subf %sub3A_1231, %mul3A_1229 : vector<16xf32>
        %mul3A_1233 = arith.mulf %bitcast_convert_type3A_1224, %sub3A_1232 : vector<16xf32>
        %mul3A_1234 = arith.mulf %add3A_1216, %mul3A_1233 : vector<16xf32>
        %mul3A_1235 = arith.mulf %mul3A_1234, %sub3A_1212 : vector<16xf32>
        %sub3A_1236 = arith.subf %get3A_1207, %mul3A_1235 : vector<16xf32>
        %swap3A_1237 = arith.index_cast %scan3A_978 : i32 to index
        %swap3A_1238 = arith.constant 96 : index
        %swap3A_1239 = tpu.vector_load %arg10[%swap3A_1237, %swap3A_1238] {strides = array<i32>} : memref<64x128xf32, #tpu.memory_space<vmem>>, vector<1x16xf32>,
        %swap3A_1240 = vector.shape_cast %swap3A_1239 : vector<1x16xf32> to vector<16xf32>
        %swap3A_1241 = vector.shape_cast %sub3A_1236 : vector<16xf32> to vector<1x16xf32>
        tpu.vector_store %arg10[%swap3A_1237, %swap3A_1238], %swap3A_1241 {strides = array<i32>} : memref<64x128xf32, #tpu.memory_space<vmem>>, vector<1x16xf32>,
        %get3A_1242 = arith.index_cast %scan3A_978 : i32 to index
        %get3A_1243 = arith.constant 112 : index
        %get3A_1244 = tpu.vector_load %arg10[%get3A_1242, %get3A_1243] {strides = array<i32>} : memref<64x128xf32, #tpu.memory_space<vmem>>, vector<1x16xf32>,
        %get3A_1245 = vector.shape_cast %get3A_1244 : vector<1x16xf32> to vector<16xf32>
        %get3A_1246 = arith.index_cast %scan3A_978 : i32 to index
        %get3A_1247 = arith.constant 112 : index
        %get3A_1248 = tpu.vector_load %arg12[%get3A_1246, %get3A_1247] {strides = array<i32>} : memref<64x128xf32, #tpu.memory_space<vmem>>, vector<1x16xf32>,
        %get3A_1249 = vector.shape_cast %get3A_1248 : vector<1x16xf32> to vector<16xf32>
        %sub3A_1250 = arith.subf %get3A_1245, %get3A_1249 : vector<16xf32>
        %abs3A_1251 = math.absf %sub3A_1250 : vector<16xf32>
        %add3A_1252 = arith.constant 9.99999971E-10 : f32
        %add3A_1253 = vector.broadcast %add3A_1252 : f32 to vector<16xf32>
        %add3A_1254 = arith.addf %abs3A_1251, %add3A_1253 : vector<16xf32>
        %bitcast_convert_type3A_1255 = tpu.bitcast %add3A_1254 : vector<16xf32> -> vector<16xi32>
        %shift_right_arithmetic3A_1256 = arith.constant 1 : i32
        %shift_right_arithmetic3A_1257 = vector.broadcast %shift_right_arithmetic3A_1256 : i32 to vector<16xi32>
        %shift_right_arithmetic3A_1258 = arith.shrsi %bitcast_convert_type3A_1255, %shift_right_arithmetic3A_1257 : vector<16xi32>
        %sub3A_1259 = arith.constant 1597463007 : i32
        %sub3A_1260 = vector.broadcast %sub3A_1259 : i32 to vector<16xi32>
        %sub3A_1261 = arith.subi %sub3A_1260, %shift_right_arithmetic3A_1258 : vector<16xi32>
        %bitcast_convert_type3A_1262 = tpu.bitcast %sub3A_1261 : vector<16xi32> -> vector<16xf32>
        %mul3A_1263 = arith.constant 5.000000e-01 : f32
        %mul3A_1264 = vector.broadcast %mul3A_1263 : f32 to vector<16xf32>
        %mul3A_1265 = arith.mulf %add3A_1254, %mul3A_1264 : vector<16xf32>
        %mul3A_1266 = arith.mulf %mul3A_1265, %bitcast_convert_type3A_1262 : vector<16xf32>
        %mul3A_1267 = arith.mulf %mul3A_1266, %bitcast_convert_type3A_1262 : vector<16xf32>
        %sub3A_1268 = arith.constant 1.500000e+00 : f32
        %sub3A_1269 = vector.broadcast %sub3A_1268 : f32 to vector<16xf32>
        %sub3A_1270 = arith.subf %sub3A_1269, %mul3A_1267 : vector<16xf32>
        %mul3A_1271 = arith.mulf %bitcast_convert_type3A_1262, %sub3A_1270 : vector<16xf32>
        %mul3A_1272 = arith.mulf %add3A_1254, %mul3A_1271 : vector<16xf32>
        %mul3A_1273 = arith.mulf %mul3A_1272, %sub3A_1250 : vector<16xf32>
        %sub3A_1274 = arith.subf %get3A_1245, %mul3A_1273 : vector<16xf32>
        %swap3A_1275 = arith.index_cast %scan3A_978 : i32 to index
        %swap3A_1276 = arith.constant 112 : index
        %swap3A_1277 = tpu.vector_load %arg10[%swap3A_1275, %swap3A_1276] {strides = array<i32>} : memref<64x128xf32, #tpu.memory_space<vmem>>, vector<1x16xf32>,
        %swap3A_1278 = vector.shape_cast %swap3A_1277 : vector<1x16xf32> to vector<16xf32>
        %swap3A_1279 = vector.shape_cast %sub3A_1274 : vector<16xf32> to vector<1x16xf32>
        tpu.vector_store %arg10[%swap3A_1275, %swap3A_1276], %swap3A_1279 {strides = array<i32>} : memref<64x128xf32, #tpu.memory_space<vmem>>, vector<1x16xf32>,
      }
      %scan3A_839 = arith.constant 64 : i32
      %get3A_840 = arith.constant 0 : index
      %get3A_841 = tpu.vector_load %arg18[%get3A_840] {strides = array<i32>} : memref<64xi32, #tpu.memory_space<vmem>>, vector<16xi32>,
      %get3A_842 = vector.shape_cast %get3A_841 : vector<16xi32> to vector<16xi32>
      %sub3A_843 = vector.broadcast %mul3A_0 : i32 to vector<16xi32>
      %sub3A_844 = arith.subi %get3A_842, %sub3A_843 : vector<16xi32>
      %swap3A_845 = arith.constant 0 : index
      %swap3A_846 = tpu.vector_load %arg20[%swap3A_845] {strides = array<i32>} : memref<64xi32, #tpu.memory_space<vmem>>, vector<16xi32>,
      %swap3A_847 = vector.shape_cast %swap3A_846 : vector<16xi32> to vector<16xi32>
      %swap3A_848 = vector.shape_cast %sub3A_844 : vector<16xi32> to vector<16xi32>
      tpu.vector_store %arg20[%swap3A_845], %swap3A_848 {strides = array<i32>} : memref<64xi32, #tpu.memory_space<vmem>>, vector<16xi32>,
      %get3A_849 = arith.constant 16 : index
      %get3A_850 = tpu.vector_load %arg18[%get3A_849] {strides = array<i32>} : memref<64xi32, #tpu.memory_space<vmem>>, vector<16xi32>,
      %get3A_851 = vector.shape_cast %get3A_850 : vector<16xi32> to vector<16xi32>
      %sub3A_852 = vector.broadcast %mul3A_0 : i32 to vector<16xi32>
      %sub3A_853 = arith.subi %get3A_851, %sub3A_852 : vector<16xi32>
      %swap3A_854 = arith.constant 16 : index
      %swap3A_855 = tpu.vector_load %arg20[%swap3A_854] {strides = array<i32>} : memref<64xi32, #tpu.memory_space<vmem>>, vector<16xi32>,
      %swap3A_856 = vector.shape_cast %swap3A_855 : vector<16xi32> to vector<16xi32>
      %swap3A_857 = vector.shape_cast %sub3A_853 : vector<16xi32> to vector<16xi32>
      tpu.vector_store %arg20[%swap3A_854], %swap3A_857 {strides = array<i32>} : memref<64xi32, #tpu.memory_space<vmem>>, vector<16xi32>,
      %get3A_858 = arith.constant 32 : index
      %get3A_859 = tpu.vector_load %arg18[%get3A_858] {strides = array<i32>} : memref<64xi32, #tpu.memory_space<vmem>>, vector<16xi32>,
      %get3A_860 = vector.shape_cast %get3A_859 : vector<16xi32> to vector<16xi32>
      %sub3A_861 = vector.broadcast %mul3A_0 : i32 to vector<16xi32>
      %sub3A_862 = arith.subi %get3A_860, %sub3A_861 : vector<16xi32>
      %swap3A_863 = arith.constant 32 : index
      %swap3A_864 = tpu.vector_load %arg20[%swap3A_863] {strides = array<i32>} : memref<64xi32, #tpu.memory_space<vmem>>, vector<16xi32>,
      %swap3A_865 = vector.shape_cast %swap3A_864 : vector<16xi32> to vector<16xi32>
      %swap3A_866 = vector.shape_cast %sub3A_862 : vector<16xi32> to vector<16xi32>
      tpu.vector_store %arg20[%swap3A_863], %swap3A_866 {strides = array<i32>} : memref<64xi32, #tpu.memory_space<vmem>>, vector<16xi32>,
      %get3A_867 = arith.constant 48 : index
      %get3A_868 = tpu.vector_load %arg18[%get3A_867] {strides = array<i32>} : memref<64xi32, #tpu.memory_space<vmem>>, vector<16xi32>,
      %get3A_869 = vector.shape_cast %get3A_868 : vector<16xi32> to vector<16xi32>
      %sub3A_870 = vector.broadcast %mul3A_0 : i32 to vector<16xi32>
      %sub3A_871 = arith.subi %get3A_869, %sub3A_870 : vector<16xi32>
      %swap3A_872 = arith.constant 48 : index
      %swap3A_873 = tpu.vector_load %arg20[%swap3A_872] {strides = array<i32>} : memref<64xi32, #tpu.memory_space<vmem>>, vector<16xi32>,
      %swap3A_874 = vector.shape_cast %swap3A_873 : vector<16xi32> to vector<16xi32>
      %swap3A_875 = vector.shape_cast %sub3A_871 : vector<16xi32> to vector<16xi32>
      tpu.vector_store %arg20[%swap3A_872], %swap3A_875 {strides = array<i32>} : memref<64xi32, #tpu.memory_space<vmem>>, vector<16xi32>,
      %dma_start3A_876 = arith.constant 0 : i32
      %dma_start3A_877 = arith.constant 0 : i32
      %dma_start3A_878 = tpu.memref_slice %arg7[%dma_start3A_876, %dma_start3A_877] : memref<10240x128xf32, #tpu.memory_space<vmem_shared>> -> memref<10240x128xf32, #tpu.memory_space<vmem_shared>>
      tpu.enqueue_indirect_dma source(%arg10 : memref<64x128xf32, #tpu.memory_space<vmem>>) target(%dma_start3A_878 : memref<10240x128xf32, #tpu.memory_space<vmem_shared>>) offsets(%arg20 : memref<64xi32, #tpu.memory_space<vmem>>) semaphore(%arg32 : memref<!tpu.dma_semaphore, #tpu.memory_space<semaphore_mem>>) {add = true}
      %add3A_879 = arith.constant 2 : i32
      %add3A_880 = arith.addi %add3A_827, %add3A_879 : i32
      %add3A_881 = arith.addi %mul3A_4, %add3A_880 : i32
      %mul3A_882 = arith.constant 2 : i32
      %mul3A_883 = arith.muli %add3A_881, %mul3A_882 : i32
      %mul3A_884 = arith.constant 64 : i32
      %mul3A_885 = arith.muli %mul3A_883, %mul3A_884 : i32
      %dma_wait3A_886 = tpu.memref_slice %arg3[%mul3A_885] : memref<328192xi32, #tpu.memory_space<hbm>> -> memref<128xi32, #tpu.memory_space<hbm>>
      %dma_wait3A_887 = tpu.memref_slice %arg3[%mul3A_885] : memref<328192xi32, #tpu.memory_space<hbm>> -> memref<128xi32, #tpu.memory_space<hbm>>
      tpu.wait_dma2 semaphore(%arg34 : memref<!tpu.dma_semaphore, #tpu.memory_space<semaphore_mem>>) src(%dma_wait3A_887 : memref<128xi32, #tpu.memory_space<hbm>>) dst(%arg14 : memref<128xi32, #tpu.memory_space<vmem>>)
      %get3A_888 = arith.constant 0 : index
      %get3A_889 = tpu.vector_load %arg14[%get3A_888] {strides = array<i32>} : memref<128xi32, #tpu.memory_space<vmem>>, vector<16xi32>,
      %get3A_890 = vector.shape_cast %get3A_889 : vector<16xi32> to vector<16xi32>
      %add3A_891 = vector.broadcast %mul3A_0 : i32 to vector<16xi32>
      %add3A_892 = arith.addi %get3A_890, %add3A_891 : vector<16xi32>
      %swap3A_893 = arith.constant 0 : index
      %swap3A_894 = tpu.vector_load %arg16[%swap3A_893] {strides = array<i32>} : memref<64xi32, #tpu.memory_space<vmem>>, vector<16xi32>,
      %swap3A_895 = vector.shape_cast %swap3A_894 : vector<16xi32> to vector<16xi32>
      %swap3A_896 = vector.shape_cast %add3A_892 : vector<16xi32> to vector<16xi32>
      tpu.vector_store %arg16[%swap3A_893], %swap3A_896 {strides = array<i32>} : memref<64xi32, #tpu.memory_space<vmem>>, vector<16xi32>,
      %get3A_897 = arith.constant 64 : index
      %get3A_898 = tpu.vector_load %arg14[%get3A_897] {strides = array<i32>} : memref<128xi32, #tpu.memory_space<vmem>>, vector<16xi32>,
      %get3A_899 = vector.shape_cast %get3A_898 : vector<16xi32> to vector<16xi32>
      %add3A_900 = vector.broadcast %mul3A_0 : i32 to vector<16xi32>
      %add3A_901 = arith.addi %get3A_899, %add3A_900 : vector<16xi32>
      %swap3A_902 = arith.constant 0 : index
      %swap3A_903 = tpu.vector_load %arg18[%swap3A_902] {strides = array<i32>} : memref<64xi32, #tpu.memory_space<vmem>>, vector<16xi32>,
      %swap3A_904 = vector.shape_cast %swap3A_903 : vector<16xi32> to vector<16xi32>
      %swap3A_905 = vector.shape_cast %add3A_901 : vector<16xi32> to vector<16xi32>
      tpu.vector_store %arg18[%swap3A_902], %swap3A_905 {strides = array<i32>} : memref<64xi32, #tpu.memory_space<vmem>>, vector<16xi32>,
      %get3A_906 = arith.constant 16 : index
      %get3A_907 = tpu.vector_load %arg14[%get3A_906] {strides = array<i32>} : memref<128xi32, #tpu.memory_space<vmem>>, vector<16xi32>,
      %get3A_908 = vector.shape_cast %get3A_907 : vector<16xi32> to vector<16xi32>
      %add3A_909 = vector.broadcast %mul3A_0 : i32 to vector<16xi32>
      %add3A_910 = arith.addi %get3A_908, %add3A_909 : vector<16xi32>
      %swap3A_911 = arith.constant 16 : index
      %swap3A_912 = tpu.vector_load %arg16[%swap3A_911] {strides = array<i32>} : memref<64xi32, #tpu.memory_space<vmem>>, vector<16xi32>,
      %swap3A_913 = vector.shape_cast %swap3A_912 : vector<16xi32> to vector<16xi32>
      %swap3A_914 = vector.shape_cast %add3A_910 : vector<16xi32> to vector<16xi32>
      tpu.vector_store %arg16[%swap3A_911], %swap3A_914 {strides = array<i32>} : memref<64xi32, #tpu.memory_space<vmem>>, vector<16xi32>,
      %get3A_915 = arith.constant 80 : index
      %get3A_916 = tpu.vector_load %arg14[%get3A_915] {strides = array<i32>} : memref<128xi32, #tpu.memory_space<vmem>>, vector<16xi32>,
      %get3A_917 = vector.shape_cast %get3A_916 : vector<16xi32> to vector<16xi32>
      %add3A_918 = vector.broadcast %mul3A_0 : i32 to vector<16xi32>
      %add3A_919 = arith.addi %get3A_917, %add3A_918 : vector<16xi32>
      %swap3A_920 = arith.constant 16 : index
      %swap3A_921 = tpu.vector_load %arg18[%swap3A_920] {strides = array<i32>} : memref<64xi32, #tpu.memory_space<vmem>>, vector<16xi32>,
      %swap3A_922 = vector.shape_cast %swap3A_921 : vector<16xi32> to vector<16xi32>
      %swap3A_923 = vector.shape_cast %add3A_919 : vector<16xi32> to vector<16xi32>
      tpu.vector_store %arg18[%swap3A_920], %swap3A_923 {strides = array<i32>} : memref<64xi32, #tpu.memory_space<vmem>>, vector<16xi32>,
      %get3A_924 = arith.constant 32 : index
      %get3A_925 = tpu.vector_load %arg14[%get3A_924] {strides = array<i32>} : memref<128xi32, #tpu.memory_space<vmem>>, vector<16xi32>,
      %get3A_926 = vector.shape_cast %get3A_925 : vector<16xi32> to vector<16xi32>
      %add3A_927 = vector.broadcast %mul3A_0 : i32 to vector<16xi32>
      %add3A_928 = arith.addi %get3A_926, %add3A_927 : vector<16xi32>
      %swap3A_929 = arith.constant 32 : index
      %swap3A_930 = tpu.vector_load %arg16[%swap3A_929] {strides = array<i32>} : memref<64xi32, #tpu.memory_space<vmem>>, vector<16xi32>,
      %swap3A_931 = vector.shape_cast %swap3A_930 : vector<16xi32> to vector<16xi32>
      %swap3A_932 = vector.shape_cast %add3A_928 : vector<16xi32> to vector<16xi32>
      tpu.vector_store %arg16[%swap3A_929], %swap3A_932 {strides = array<i32>} : memref<64xi32, #tpu.memory_space<vmem>>, vector<16xi32>,
      %get3A_933 = arith.constant 96 : index
      %get3A_934 = tpu.vector_load %arg14[%get3A_933] {strides = array<i32>} : memref<128xi32, #tpu.memory_space<vmem>>, vector<16xi32>,
      %get3A_935 = vector.shape_cast %get3A_934 : vector<16xi32> to vector<16xi32>
      %add3A_936 = vector.broadcast %mul3A_0 : i32 to vector<16xi32>
      %add3A_937 = arith.addi %get3A_935, %add3A_936 : vector<16xi32>
      %swap3A_938 = arith.constant 32 : index
      %swap3A_939 = tpu.vector_load %arg18[%swap3A_938] {strides = array<i32>} : memref<64xi32, #tpu.memory_space<vmem>>, vector<16xi32>,
      %swap3A_940 = vector.shape_cast %swap3A_939 : vector<16xi32> to vector<16xi32>
      %swap3A_941 = vector.shape_cast %add3A_937 : vector<16xi32> to vector<16xi32>
      tpu.vector_store %arg18[%swap3A_938], %swap3A_941 {strides = array<i32>} : memref<64xi32, #tpu.memory_space<vmem>>, vector<16xi32>,
      %get3A_942 = arith.constant 48 : index
      %get3A_943 = tpu.vector_load %arg14[%get3A_942] {strides = array<i32>} : memref<128xi32, #tpu.memory_space<vmem>>, vector<16xi32>,
      %get3A_944 = vector.shape_cast %get3A_943 : vector<16xi32> to vector<16xi32>
      %add3A_945 = vector.broadcast %mul3A_0 : i32 to vector<16xi32>
      %add3A_946 = arith.addi %get3A_944, %add3A_945 : vector<16xi32>
      %swap3A_947 = arith.constant 48 : index
      %swap3A_948 = tpu.vector_load %arg16[%swap3A_947] {strides = array<i32>} : memref<64xi32, #tpu.memory_space<vmem>>, vector<16xi32>,
      %swap3A_949 = vector.shape_cast %swap3A_948 : vector<16xi32> to vector<16xi32>
      %swap3A_950 = vector.shape_cast %add3A_946 : vector<16xi32> to vector<16xi32>
      tpu.vector_store %arg16[%swap3A_947], %swap3A_950 {strides = array<i32>} : memref<64xi32, #tpu.memory_space<vmem>>, vector<16xi32>,
      %get3A_951 = arith.constant 112 : index
      %get3A_952 = tpu.vector_load %arg14[%get3A_951] {strides = array<i32>} : memref<128xi32, #tpu.memory_space<vmem>>, vector<16xi32>,
      %get3A_953 = vector.shape_cast %get3A_952 : vector<16xi32> to vector<16xi32>
      %add3A_954 = vector.broadcast %mul3A_0 : i32 to vector<16xi32>
      %add3A_955 = arith.addi %get3A_953, %add3A_954 : vector<16xi32>
      %swap3A_956 = arith.constant 48 : index
      %swap3A_957 = tpu.vector_load %arg18[%swap3A_956] {strides = array<i32>} : memref<64xi32, #tpu.memory_space<vmem>>, vector<16xi32>,
      %swap3A_958 = vector.shape_cast %swap3A_957 : vector<16xi32> to vector<16xi32>
      %swap3A_959 = vector.shape_cast %add3A_955 : vector<16xi32> to vector<16xi32>
      tpu.vector_store %arg18[%swap3A_956], %swap3A_959 {strides = array<i32>} : memref<64xi32, #tpu.memory_space<vmem>>, vector<16xi32>,
      %dma_start3A_960 = arith.constant 0 : i32
      %dma_start3A_961 = arith.constant 0 : i32
      %dma_start3A_962 = tpu.memref_slice %arg5[%dma_start3A_960, %dma_start3A_961] : memref<20480x128xf32, #tpu.memory_space<hbm>> -> memref<20480x128xf32, #tpu.memory_space<hbm>>
      tpu.enqueue_indirect_dma source(%dma_start3A_962 : memref<20480x128xf32, #tpu.memory_space<hbm>>) target(%arg12 : memref<64x128xf32, #tpu.memory_space<vmem>>) offsets(%arg16 : memref<64xi32, #tpu.memory_space<vmem>>) semaphore(%arg30 : memref<!tpu.dma_semaphore, #tpu.memory_space<semaphore_mem>>)
      %dma_wait3A_963 = arith.constant 0 : i32
      %dma_wait3A_964 = arith.constant 0 : i32
      %dma_wait3A_965 = tpu.memref_slice %arg7[%dma_wait3A_963, %dma_wait3A_964] : memref<10240x128xf32, #tpu.memory_space<vmem_shared>> -> memref<10240x128xf32, #tpu.memory_space<vmem_shared>>
      tpu.wait_indirect_dma semaphore(%arg32 : memref<!tpu.dma_semaphore, #tpu.memory_space<semaphore_mem>>) src(%arg10 : memref<64x128xf32, #tpu.memory_space<vmem>>) dst(%dma_wait3A_965 : memref<10240x128xf32, #tpu.memory_space<vmem_shared>>)
      %dma_start3A_966 = arith.constant 0 : i32
      %dma_start3A_967 = arith.constant 0 : i32
      %dma_start3A_968 = tpu.memref_slice %arg5[%dma_start3A_966, %dma_start3A_967] : memref<20480x128xf32, #tpu.memory_space<hbm>> -> memref<20480x128xf32, #tpu.memory_space<hbm>>
      tpu.enqueue_indirect_dma source(%dma_start3A_968 : memref<20480x128xf32, #tpu.memory_space<hbm>>) target(%arg10 : memref<64x128xf32, #tpu.memory_space<vmem>>) offsets(%arg18 : memref<64xi32, #tpu.memory_space<vmem>>) semaphore(%arg28 : memref<!tpu.dma_semaphore, #tpu.memory_space<semaphore_mem>>)
      %add3A_969 = arith.constant 4 : i32
      %add3A_970 = arith.addi %add3A_827, %add3A_969 : i32
      %add3A_971 = arith.addi %mul3A_4, %add3A_970 : i32
      %mul3A_972 = arith.constant 2 : i32
      %mul3A_973 = arith.muli %add3A_971, %mul3A_972 : i32
      %mul3A_974 = arith.constant 64 : i32
      %mul3A_975 = arith.muli %mul3A_973, %mul3A_974 : i32
      %dma_start3A_976 = tpu.memref_slice %arg3[%mul3A_975] : memref<328192xi32, #tpu.memory_space<hbm>> -> memref<128xi32, #tpu.memory_space<hbm>>
      %dma_start3A_977 = tpu.memref_slice %arg3[%mul3A_975] : memref<328192xi32, #tpu.memory_space<hbm>> -> memref<128xi32, #tpu.memory_space<hbm>>
      tpu.enqueue_dma source(%dma_start3A_977 : memref<128xi32, #tpu.memory_space<hbm>>) target(%arg14 : memref<128xi32, #tpu.memory_space<vmem>>) target_semaphore(%arg34 : memref<!tpu.dma_semaphore, #tpu.memory_space<semaphore_mem>>)
    }
    %scan3A_330 = arith.constant 80 : i32
    %dma_wait3A_331 = arith.constant 0 : i32
    %dma_wait3A_332 = arith.constant 0 : i32
    %dma_wait3A_333 = tpu.memref_slice %arg5[%dma_wait3A_331, %dma_wait3A_332] : memref<20480x128xf32, #tpu.memory_space<hbm>> -> memref<20480x128xf32, #tpu.memory_space<hbm>>
    tpu.wait_indirect_dma semaphore(%arg27 : memref<!tpu.dma_semaphore, #tpu.memory_space<semaphore_mem>>) src(%dma_wait3A_333 : memref<20480x128xf32, #tpu.memory_space<hbm>>) dst(%arg9 : memref<64x128xf32, #tpu.memory_space<vmem>>)
    %dma_wait3A_334 = arith.constant 0 : i32
    %dma_wait3A_335 = arith.constant 0 : i32
    %dma_wait3A_336 = tpu.memref_slice %arg5[%dma_wait3A_334, %dma_wait3A_335] : memref<20480x128xf32, #tpu.memory_space<hbm>> -> memref<20480x128xf32, #tpu.memory_space<hbm>>
    tpu.wait_indirect_dma semaphore(%arg29 : memref<!tpu.dma_semaphore, #tpu.memory_space<semaphore_mem>>) src(%dma_wait3A_336 : memref<20480x128xf32, #tpu.memory_space<hbm>>) dst(%arg11 : memref<64x128xf32, #tpu.memory_space<vmem>>)
    %add3A_337 = arith.constant 162 : i32
    %add3A_338 = arith.addi %mul3A_4, %add3A_337 : i32
    %mul3A_339 = arith.constant 2 : i32
    %mul3A_340 = arith.muli %add3A_338, %mul3A_339 : i32
    %mul3A_341 = arith.constant 64 : i32
    %mul3A_342 = arith.muli %mul3A_340, %mul3A_341 : i32
    %dma_wait3A_343 = tpu.memref_slice %arg3[%mul3A_342] : memref<328192xi32, #tpu.memory_space<hbm>> -> memref<128xi32, #tpu.memory_space<hbm>>
    %dma_wait3A_344 = tpu.memref_slice %arg3[%mul3A_342] : memref<328192xi32, #tpu.memory_space<hbm>> -> memref<128xi32, #tpu.memory_space<hbm>>
    tpu.wait_dma2 semaphore(%arg33 : memref<!tpu.dma_semaphore, #tpu.memory_space<semaphore_mem>>) src(%dma_wait3A_344 : memref<128xi32, #tpu.memory_space<hbm>>) dst(%arg13 : memref<128xi32, #tpu.memory_space<vmem>>)
    %dma_wait3A_345 = arith.constant 0 : i32
    %dma_wait3A_346 = arith.constant 0 : i32
    %dma_wait3A_347 = tpu.memref_slice %arg5[%dma_wait3A_345, %dma_wait3A_346] : memref<20480x128xf32, #tpu.memory_space<hbm>> -> memref<20480x128xf32, #tpu.memory_space<hbm>>
    tpu.wait_indirect_dma semaphore(%arg28 : memref<!tpu.dma_semaphore, #tpu.memory_space<semaphore_mem>>) src(%dma_wait3A_347 : memref<20480x128xf32, #tpu.memory_space<hbm>>) dst(%arg10 : memref<64x128xf32, #tpu.memory_space<vmem>>)
    %dma_wait3A_348 = arith.constant 0 : i32
    %dma_wait3A_349 = arith.constant 0 : i32
    %dma_wait3A_350 = tpu.memref_slice %arg5[%dma_wait3A_348, %dma_wait3A_349] : memref<20480x128xf32, #tpu.memory_space<hbm>> -> memref<20480x128xf32, #tpu.memory_space<hbm>>
    tpu.wait_indirect_dma semaphore(%arg30 : memref<!tpu.dma_semaphore, #tpu.memory_space<semaphore_mem>>) src(%dma_wait3A_350 : memref<20480x128xf32, #tpu.memory_space<hbm>>) dst(%arg12 : memref<64x128xf32, #tpu.memory_space<vmem>>)
    %add3A_351 = arith.constant 163 : i32
    %add3A_352 = arith.addi %mul3A_4, %add3A_351 : i32
    %mul3A_353 = arith.constant 2 : i32
    %mul3A_354 = arith.muli %add3A_352, %mul3A_353 : i32
    %mul3A_355 = arith.constant 64 : i32
    %mul3A_356 = arith.muli %mul3A_354, %mul3A_355 : i32
    %dma_wait3A_357 = tpu.memref_slice %arg3[%mul3A_356] : memref<328192xi32, #tpu.memory_space<hbm>> -> memref<128xi32, #tpu.memory_space<hbm>>
    %dma_wait3A_358 = tpu.memref_slice %arg3[%mul3A_356] : memref<328192xi32, #tpu.memory_space<hbm>> -> memref<128xi32, #tpu.memory_space<hbm>>
    tpu.wait_dma2 semaphore(%arg34 : memref<!tpu.dma_semaphore, #tpu.memory_space<semaphore_mem>>) src(%dma_wait3A_358 : memref<128xi32, #tpu.memory_space<hbm>>) dst(%arg14 : memref<128xi32, #tpu.memory_space<vmem>>)
    %barrier3A_359 = arith.constant 0 : index
    tpu.barrier barrier_id(%barrier3A_359)
    %min3A_360 = arith.constant 0 : i32
    %min3A_361 = arith.constant 79 : i32
    %min3A_362 = arith.minsi %min3A_360, %min3A_361 : i32
    %mul3A_363 = arith.constant 8 : i32
    %mul3A_364 = arith.muli %min3A_362, %mul3A_363 : i32
    %add3A_365 = arith.addi %mul3A_2, %mul3A_364 : i32
    %dma_start3A_366 = arith.constant 0 : i32
    %dma_start3A_367 = tpu.memref_slice %arg7[%add3A_365, %dma_start3A_366] : memref<10240x128xf32, #tpu.memory_space<vmem_shared>> -> memref<8x128xf32, #tpu.memory_space<vmem_shared>>
    %dma_start3A_368 = arith.constant 0 : i32
    %dma_start3A_369 = tpu.memref_slice %arg7[%add3A_365, %dma_start3A_368] : memref<10240x128xf32, #tpu.memory_space<vmem_shared>> -> memref<8x128xf32, #tpu.memory_space<vmem_shared>>
    tpu.enqueue_dma source(%dma_start3A_369 : memref<8x128xf32, #tpu.memory_space<vmem_shared>>) target(%arg23 : memref<8x128xf32, #tpu.memory_space<vmem>>) target_semaphore(%arg27 : memref<!tpu.dma_semaphore, #tpu.memory_space<semaphore_mem>>)
    %min3A_370 = arith.constant 1 : i32
    %min3A_371 = arith.constant 79 : i32
    %min3A_372 = arith.minsi %min3A_370, %min3A_371 : i32
    %mul3A_373 = arith.constant 8 : i32
    %mul3A_374 = arith.muli %min3A_372, %mul3A_373 : i32
    %add3A_375 = arith.addi %mul3A_2, %mul3A_374 : i32
    %dma_start3A_376 = arith.constant 0 : i32
    %dma_start3A_377 = tpu.memref_slice %arg7[%add3A_375, %dma_start3A_376] : memref<10240x128xf32, #tpu.memory_space<vmem_shared>> -> memref<8x128xf32, #tpu.memory_space<vmem_shared>>
    %dma_start3A_378 = arith.constant 0 : i32
    %dma_start3A_379 = tpu.memref_slice %arg7[%add3A_375, %dma_start3A_378] : memref<10240x128xf32, #tpu.memory_space<vmem_shared>> -> memref<8x128xf32, #tpu.memory_space<vmem_shared>>
    tpu.enqueue_dma source(%dma_start3A_379 : memref<8x128xf32, #tpu.memory_space<vmem_shared>>) target(%arg24 : memref<8x128xf32, #tpu.memory_space<vmem>>) target_semaphore(%arg28 : memref<!tpu.dma_semaphore, #tpu.memory_space<semaphore_mem>>)
    %scan3A_380 = arith.constant 0 : i32
    %scan3A_381 = arith.constant 0 : i32
    %scan3A_382 = arith.constant 40 : i32
    %scan3A_383 = arith.addi %scan3A_381, %scan3A_382 : i32
    %scan3A_384 = arith.constant 1 : i32
    scf.for %scan3A_672 = %scan3A_381 to %scan3A_383 step %scan3A_384  : i32 {
      %mul3A_673 = arith.constant 2 : i32
      %mul3A_674 = arith.muli %mul3A_673, %scan3A_672 : i32
      %add3A_675 = arith.constant 0 : i32
      %add3A_676 = arith.addi %mul3A_674, %add3A_675 : i32
      %min3A_677 = arith.constant 79 : i32
      %min3A_678 = arith.minsi %add3A_676, %min3A_677 : i32
      %mul3A_679 = arith.constant 8 : i32
      %mul3A_680 = arith.muli %min3A_678, %mul3A_679 : i32
      %add3A_681 = arith.addi %mul3A_2, %mul3A_680 : i32
      %dma_wait3A_682 = arith.constant 0 : i32
      %dma_wait3A_683 = tpu.memref_slice %arg7[%add3A_681, %dma_wait3A_682] : memref<10240x128xf32, #tpu.memory_space<vmem_shared>> -> memref<8x128xf32, #tpu.memory_space<vmem_shared>>
      %dma_wait3A_684 = arith.constant 0 : i32
      %dma_wait3A_685 = tpu.memref_slice %arg7[%add3A_681, %dma_wait3A_684] : memref<10240x128xf32, #tpu.memory_space<vmem_shared>> -> memref<8x128xf32, #tpu.memory_space<vmem_shared>>
      tpu.wait_dma2 semaphore(%arg27 : memref<!tpu.dma_semaphore, #tpu.memory_space<semaphore_mem>>) src(%dma_wait3A_685 : memref<8x128xf32, #tpu.memory_space<vmem_shared>>) dst(%arg23 : memref<8x128xf32, #tpu.memory_space<vmem>>)
      %scan3A_686 = arith.constant 0 : i32
      %scan3A_687 = arith.constant 0 : i32
      %scan3A_688 = arith.constant 8 : i32
      %scan3A_689 = arith.addi %scan3A_687, %scan3A_688 : i32
      %scan3A_690 = arith.constant 1 : i32
      scf.for %scan3A_787 = %scan3A_687 to %scan3A_689 step %scan3A_690  : i32 {
        %min3A_788 = arith.constant 79 : i32
        %min3A_789 = arith.minsi %add3A_676, %min3A_788 : i32
        %mul3A_790 = arith.constant 8 : i32
        %mul3A_791 = arith.muli %min3A_789, %mul3A_790 : i32
        %add3A_792 = arith.addi %mul3A_791, %scan3A_787 : i32
        %get3A_793 = arith.index_cast %add3A_792 : i32 to index
        %get3A_794 = tpu.vector_load %arg22[%get3A_793] {strides = array<i32>} : memref<656xf32, #tpu.memory_space<vmem>>, vector<16xf32>,
        %get3A_795 = vector.shape_cast %get3A_794 : vector<16xf32> to vector<16xf32>
        %slice3A = vector.extract_strided_slice %get3A_795 {offsets = [0], sizes = [1], strides = [1]} : vector<16xf32> to vector<1xf32>
        %squeeze3A = vector.extract %slice3A[0] : f32 from vector<1xf32>
        %mul3A_796 = arith.mulf %squeeze3A, %squeeze3A : f32
        %get3A_797 = arith.index_cast %scan3A_787 : i32 to index
        %get3A_798 = arith.constant 0 : index
        %get3A_799 = tpu.vector_load %arg23[%get3A_797, %get3A_798] {strides = array<i32>} : memref<8x128xf32, #tpu.memory_space<vmem>>, vector<1x16xf32>,
        %get3A_800 = vector.shape_cast %get3A_799 : vector<1x16xf32> to vector<16xf32>
        %mul3A_801 = vector.broadcast %mul3A_796 : f32 to vector<16xf32>
        %mul3A_802 = arith.mulf %get3A_800, %mul3A_801 : vector<16xf32>
        %swap3A_803 = arith.index_cast %scan3A_787 : i32 to index
        %swap3A_804 = arith.constant 0 : index
        %swap3A_805 = tpu.vector_load %arg23[%swap3A_803, %swap3A_804] {strides = array<i32>} : memref<8x128xf32, #tpu.memory_space<vmem>>, vector<1x16xf32>,
        %swap3A_806 = vector.shape_cast %swap3A_805 : vector<1x16xf32> to vector<16xf32>
        %swap3A_807 = vector.shape_cast %mul3A_802 : vector<16xf32> to vector<1x16xf32>
        tpu.vector_store %arg23[%swap3A_803, %swap3A_804], %swap3A_807 {strides = array<i32>} : memref<8x128xf32, #tpu.memory_space<vmem>>, vector<1x16xf32>,
        %get3A_808 = arith.index_cast %scan3A_787 : i32 to index
        %get3A_809 = arith.constant 16 : index
        %get3A_810 = tpu.vector_load %arg23[%get3A_808, %get3A_809] {strides = array<i32>} : memref<8x128xf32, #tpu.memory_space<vmem>>, vector<1x16xf32>,
        %get3A_811 = vector.shape_cast %get3A_810 : vector<1x16xf32> to vector<16xf32>
        %mul3A_812 = vector.broadcast %mul3A_796 : f32 to vector<16xf32>
        %mul3A_813 = arith.mulf %get3A_811, %mul3A_812 : vector<16xf32>
        %swap3A_814 = arith.index_cast %scan3A_787 : i32 to index
        %swap3A_815 = arith.constant 16 : index
        %swap3A_816 = tpu.vector_load %arg23[%swap3A_814, %swap3A_815] {strides = array<i32>} : memref<8x128xf32, #tpu.memory_space<vmem>>, vector<1x16xf32>,
        %swap3A_817 = vector.shape_cast %swap3A_816 : vector<1x16xf32> to vector<16xf32>
        %swap3A_818 = vector.shape_cast %mul3A_813 : vector<16xf32> to vector<1x16xf32>
        tpu.vector_store %arg23[%swap3A_814, %swap3A_815], %swap3A_818 {strides = array<i32>} : memref<8x128xf32, #tpu.memory_space<vmem>>, vector<1x16xf32>,
        %get3A_819 = arith.index_cast %scan3A_787 : i32 to index
        %get3A_820 = arith.constant 32 : index
        %get3A_821 = tpu.vector_load %arg23[%get3A_819, %get3A_820] {strides = array<i32>} : memref<8x128xf32, #tpu.memory_space<vmem>>, vector<1x16xf32>,
        %get3A_822 = vector.shape_cast %get3A_821 : vector<1x16xf32> to vector<16xf32>
        %mul3A_823 = vector.broadcast %mul3A_796 : f32 to vector<16xf32>
        %mul3A_824 = arith.mulf %get3A_822, %mul3A_823 : vector<16xf32>
        %swap3A_825 = arith.index_cast %scan3A_787 : i32 to index
        %swap3A_826 = arith.constant 32 : index
        %swap3A_827 = tpu.vector_load %arg23[%swap3A_825, %swap3A_826] {strides = array<i32>} : memref<8x128xf32, #tpu.memory_space<vmem>>, vector<1x16xf32>,
        %swap3A_828 = vector.shape_cast %swap3A_827 : vector<1x16xf32> to vector<16xf32>
        %swap3A_829 = vector.shape_cast %mul3A_824 : vector<16xf32> to vector<1x16xf32>
        tpu.vector_store %arg23[%swap3A_825, %swap3A_826], %swap3A_829 {strides = array<i32>} : memref<8x128xf32, #tpu.memory_space<vmem>>, vector<1x16xf32>,
        %get3A_830 = arith.index_cast %scan3A_787 : i32 to index
        %get3A_831 = arith.constant 48 : index
        %get3A_832 = tpu.vector_load %arg23[%get3A_830, %get3A_831] {strides = array<i32>} : memref<8x128xf32, #tpu.memory_space<vmem>>, vector<1x16xf32>,
        %get3A_833 = vector.shape_cast %get3A_832 : vector<1x16xf32> to vector<16xf32>
        %mul3A_834 = vector.broadcast %mul3A_796 : f32 to vector<16xf32>
        %mul3A_835 = arith.mulf %get3A_833, %mul3A_834 : vector<16xf32>
        %swap3A_836 = arith.index_cast %scan3A_787 : i32 to index
        %swap3A_837 = arith.constant 48 : index
        %swap3A_838 = tpu.vector_load %arg23[%swap3A_836, %swap3A_837] {strides = array<i32>} : memref<8x128xf32, #tpu.memory_space<vmem>>, vector<1x16xf32>,
        %swap3A_839 = vector.shape_cast %swap3A_838 : vector<1x16xf32> to vector<16xf32>
        %swap3A_840 = vector.shape_cast %mul3A_835 : vector<16xf32> to vector<1x16xf32>
        tpu.vector_store %arg23[%swap3A_836, %swap3A_837], %swap3A_840 {strides = array<i32>} : memref<8x128xf32, #tpu.memory_space<vmem>>, vector<1x16xf32>,
        %get3A_841 = arith.index_cast %scan3A_787 : i32 to index
        %get3A_842 = arith.constant 64 : index
        %get3A_843 = tpu.vector_load %arg23[%get3A_841, %get3A_842] {strides = array<i32>} : memref<8x128xf32, #tpu.memory_space<vmem>>, vector<1x16xf32>,
        %get3A_844 = vector.shape_cast %get3A_843 : vector<1x16xf32> to vector<16xf32>
        %mul3A_845 = vector.broadcast %mul3A_796 : f32 to vector<16xf32>
        %mul3A_846 = arith.mulf %get3A_844, %mul3A_845 : vector<16xf32>
        %swap3A_847 = arith.index_cast %scan3A_787 : i32 to index
        %swap3A_848 = arith.constant 64 : index
        %swap3A_849 = tpu.vector_load %arg23[%swap3A_847, %swap3A_848] {strides = array<i32>} : memref<8x128xf32, #tpu.memory_space<vmem>>, vector<1x16xf32>,
        %swap3A_850 = vector.shape_cast %swap3A_849 : vector<1x16xf32> to vector<16xf32>
        %swap3A_851 = vector.shape_cast %mul3A_846 : vector<16xf32> to vector<1x16xf32>
        tpu.vector_store %arg23[%swap3A_847, %swap3A_848], %swap3A_851 {strides = array<i32>} : memref<8x128xf32, #tpu.memory_space<vmem>>, vector<1x16xf32>,
        %get3A_852 = arith.index_cast %scan3A_787 : i32 to index
        %get3A_853 = arith.constant 80 : index
        %get3A_854 = tpu.vector_load %arg23[%get3A_852, %get3A_853] {strides = array<i32>} : memref<8x128xf32, #tpu.memory_space<vmem>>, vector<1x16xf32>,
        %get3A_855 = vector.shape_cast %get3A_854 : vector<1x16xf32> to vector<16xf32>
        %mul3A_856 = vector.broadcast %mul3A_796 : f32 to vector<16xf32>
        %mul3A_857 = arith.mulf %get3A_855, %mul3A_856 : vector<16xf32>
        %swap3A_858 = arith.index_cast %scan3A_787 : i32 to index
        %swap3A_859 = arith.constant 80 : index
        %swap3A_860 = tpu.vector_load %arg23[%swap3A_858, %swap3A_859] {strides = array<i32>} : memref<8x128xf32, #tpu.memory_space<vmem>>, vector<1x16xf32>,
        %swap3A_861 = vector.shape_cast %swap3A_860 : vector<1x16xf32> to vector<16xf32>
        %swap3A_862 = vector.shape_cast %mul3A_857 : vector<16xf32> to vector<1x16xf32>
        tpu.vector_store %arg23[%swap3A_858, %swap3A_859], %swap3A_862 {strides = array<i32>} : memref<8x128xf32, #tpu.memory_space<vmem>>, vector<1x16xf32>,
        %get3A_863 = arith.index_cast %scan3A_787 : i32 to index
        %get3A_864 = arith.constant 96 : index
        %get3A_865 = tpu.vector_load %arg23[%get3A_863, %get3A_864] {strides = array<i32>} : memref<8x128xf32, #tpu.memory_space<vmem>>, vector<1x16xf32>,
        %get3A_866 = vector.shape_cast %get3A_865 : vector<1x16xf32> to vector<16xf32>
        %mul3A_867 = vector.broadcast %mul3A_796 : f32 to vector<16xf32>
        %mul3A_868 = arith.mulf %get3A_866, %mul3A_867 : vector<16xf32>
        %swap3A_869 = arith.index_cast %scan3A_787 : i32 to index
        %swap3A_870 = arith.constant 96 : index
        %swap3A_871 = tpu.vector_load %arg23[%swap3A_869, %swap3A_870] {strides = array<i32>} : memref<8x128xf32, #tpu.memory_space<vmem>>, vector<1x16xf32>,
        %swap3A_872 = vector.shape_cast %swap3A_871 : vector<1x16xf32> to vector<16xf32>
        %swap3A_873 = vector.shape_cast %mul3A_868 : vector<16xf32> to vector<1x16xf32>
        tpu.vector_store %arg23[%swap3A_869, %swap3A_870], %swap3A_873 {strides = array<i32>} : memref<8x128xf32, #tpu.memory_space<vmem>>, vector<1x16xf32>,
        %get3A_874 = arith.index_cast %scan3A_787 : i32 to index
        %get3A_875 = arith.constant 112 : index
        %get3A_876 = tpu.vector_load %arg23[%get3A_874, %get3A_875] {strides = array<i32>} : memref<8x128xf32, #tpu.memory_space<vmem>>, vector<1x16xf32>,
        %get3A_877 = vector.shape_cast %get3A_876 : vector<1x16xf32> to vector<16xf32>
        %mul3A_878 = vector.broadcast %mul3A_796 : f32 to vector<16xf32>
        %mul3A_879 = arith.mulf %get3A_877, %mul3A_878 : vector<16xf32>
        %swap3A_880 = arith.index_cast %scan3A_787 : i32 to index
        %swap3A_881 = arith.constant 112 : index
        %swap3A_882 = tpu.vector_load %arg23[%swap3A_880, %swap3A_881] {strides = array<i32>} : memref<8x128xf32, #tpu.memory_space<vmem>>, vector<1x16xf32>,
        %swap3A_883 = vector.shape_cast %swap3A_882 : vector<1x16xf32> to vector<16xf32>
        %swap3A_884 = vector.shape_cast %mul3A_879 : vector<16xf32> to vector<1x16xf32>
        tpu.vector_store %arg23[%swap3A_880, %swap3A_881], %swap3A_884 {strides = array<i32>} : memref<8x128xf32, #tpu.memory_space<vmem>>, vector<1x16xf32>,
      }
      %scan3A_691 = arith.constant 8 : i32
      %add3A_692 = arith.addi %mul3A_0, %mul3A_2 : i32
      %min3A_693 = arith.constant 79 : i32
      %min3A_694 = arith.minsi %add3A_676, %min3A_693 : i32
      %mul3A_695 = arith.constant 8 : i32
      %mul3A_696 = arith.muli %min3A_694, %mul3A_695 : i32
      %add3A_697 = arith.addi %add3A_692, %mul3A_696 : i32
      %dma_start3A_698 = arith.constant 0 : i32
      %dma_start3A_699 = tpu.memref_slice %arg5[%add3A_697, %dma_start3A_698] : memref<20480x128xf32, #tpu.memory_space<hbm>> -> memref<8x128xf32, #tpu.memory_space<hbm>>
      %dma_start3A_700 = arith.constant 0 : i32
      %dma_start3A_701 = tpu.memref_slice %arg5[%add3A_697, %dma_start3A_700] : memref<20480x128xf32, #tpu.memory_space<hbm>> -> memref<8x128xf32, #tpu.memory_space<hbm>>
      tpu.enqueue_dma source(%arg23 : memref<8x128xf32, #tpu.memory_space<vmem>>) target(%dma_start3A_701 : memref<8x128xf32, #tpu.memory_space<hbm>>) target_semaphore(%arg31 : memref<!tpu.dma_semaphore, #tpu.memory_space<semaphore_mem>>)
      %min3A_702 = arith.constant 79 : i32
      %min3A_703 = arith.minsi %add3A_676, %min3A_702 : i32
      %mul3A_704 = arith.constant 8 : i32
      %mul3A_705 = arith.muli %min3A_703, %mul3A_704 : i32
      %add3A_706 = arith.addi %mul3A_2, %mul3A_705 : i32
      %dma_start3A_707 = arith.constant 0 : i32
      %dma_start3A_708 = tpu.memref_slice %arg7[%add3A_706, %dma_start3A_707] : memref<10240x128xf32, #tpu.memory_space<vmem_shared>> -> memref<8x128xf32, #tpu.memory_space<vmem_shared>>
      %dma_start3A_709 = arith.constant 0 : i32
      %dma_start3A_710 = tpu.memref_slice %arg7[%add3A_706, %dma_start3A_709] : memref<10240x128xf32, #tpu.memory_space<vmem_shared>> -> memref<8x128xf32, #tpu.memory_space<vmem_shared>>
      tpu.enqueue_dma source(%arg25 : memref<8x128xf32, #tpu.memory_space<vmem>>) target(%dma_start3A_710 : memref<8x128xf32, #tpu.memory_space<vmem_shared>>) target_semaphore(%arg33 : memref<!tpu.dma_semaphore, #tpu.memory_space<semaphore_mem>>)
      %dma_wait3A_711 = arith.constant 0 : i32
      %dma_wait3A_712 = tpu.memref_slice %arg5[%add3A_697, %dma_wait3A_711] : memref<20480x128xf32, #tpu.memory_space<hbm>> -> memref<8x128xf32, #tpu.memory_space<hbm>>
      %dma_wait3A_713 = arith.constant 0 : i32
      %dma_wait3A_714 = tpu.memref_slice %arg5[%add3A_697, %dma_wait3A_713] : memref<20480x128xf32, #tpu.memory_space<hbm>> -> memref<8x128xf32, #tpu.memory_space<hbm>>
      tpu.wait_dma2 semaphore(%arg31 : memref<!tpu.dma_semaphore, #tpu.memory_space<semaphore_mem>>) src(%arg23 : memref<8x128xf32, #tpu.memory_space<vmem>>) dst(%dma_wait3A_714 : memref<8x128xf32, #tpu.memory_space<hbm>>)
      %dma_wait3A_715 = arith.constant 0 : i32
      %dma_wait3A_716 = tpu.memref_slice %arg7[%add3A_706, %dma_wait3A_715] : memref<10240x128xf32, #tpu.memory_space<vmem_shared>> -> memref<8x128xf32, #tpu.memory_space<vmem_shared>>
      %dma_wait3A_717 = arith.constant 0 : i32
      %dma_wait3A_718 = tpu.memref_slice %arg7[%add3A_706, %dma_wait3A_717] : memref<10240x128xf32, #tpu.memory_space<vmem_shared>> -> memref<8x128xf32, #tpu.memory_space<vmem_shared>>
      tpu.wait_dma2 semaphore(%arg33 : memref<!tpu.dma_semaphore, #tpu.memory_space<semaphore_mem>>) src(%arg25 : memref<8x128xf32, #tpu.memory_space<vmem>>) dst(%dma_wait3A_718 : memref<8x128xf32, #tpu.memory_space<vmem_shared>>)
      %add3A_719 = arith.constant 2 : i32
      %add3A_720 = arith.addi %add3A_676, %add3A_719 : i32
      %min3A_721 = arith.constant 79 : i32
      %min3A_722 = arith.minsi %add3A_720, %min3A_721 : i32
      %mul3A_723 = arith.constant 8 : i32
      %mul3A_724 = arith.muli %min3A_722, %mul3A_723 : i32
      %add3A_725 = arith.addi %mul3A_2, %mul3A_724 : i32
      %dma_start3A_726 = arith.constant 0 : i32
      %dma_start3A_727 = tpu.memref_slice %arg7[%add3A_725, %dma_start3A_726] : memref<10240x128xf32, #tpu.memory_space<vmem_shared>> -> memref<8x128xf32, #tpu.memory_space<vmem_shared>>
      %dma_start3A_728 = arith.constant 0 : i32
      %dma_start3A_729 = tpu.memref_slice %arg7[%add3A_725, %dma_start3A_728] : memref<10240x128xf32, #tpu.memory_space<vmem_shared>> -> memref<8x128xf32, #tpu.memory_space<vmem_shared>>
      tpu.enqueue_dma source(%dma_start3A_729 : memref<8x128xf32, #tpu.memory_space<vmem_shared>>) target(%arg23 : memref<8x128xf32, #tpu.memory_space<vmem>>) target_semaphore(%arg27 : memref<!tpu.dma_semaphore, #tpu.memory_space<semaphore_mem>>)
      %mul3A_730 = arith.constant 2 : i32
      %mul3A_731 = arith.muli %mul3A_730, %scan3A_672 : i32
      %add3A_732 = arith.constant 1 : i32
      %add3A_733 = arith.addi %mul3A_731, %add3A_732 : i32
      %min3A_734 = arith.constant 79 : i32
      %min3A_735 = arith.minsi %add3A_733, %min3A_734 : i32
      %mul3A_736 = arith.constant 8 : i32
      %mul3A_737 = arith.muli %min3A_735, %mul3A_736 : i32
      %add3A_738 = arith.addi %mul3A_2, %mul3A_737 : i32
      %dma_wait3A_739 = arith.constant 0 : i32
      %dma_wait3A_740 = tpu.memref_slice %arg7[%add3A_738, %dma_wait3A_739] : memref<10240x128xf32, #tpu.memory_space<vmem_shared>> -> memref<8x128xf32, #tpu.memory_space<vmem_shared>>
      %dma_wait3A_741 = arith.constant 0 : i32
      %dma_wait3A_742 = tpu.memref_slice %arg7[%add3A_738, %dma_wait3A_741] : memref<10240x128xf32, #tpu.memory_space<vmem_shared>> -> memref<8x128xf32, #tpu.memory_space<vmem_shared>>
      tpu.wait_dma2 semaphore(%arg28 : memref<!tpu.dma_semaphore, #tpu.memory_space<semaphore_mem>>) src(%dma_wait3A_742 : memref<8x128xf32, #tpu.memory_space<vmem_shared>>) dst(%arg24 : memref<8x128xf32, #tpu.memory_space<vmem>>)
      %scan3A_743 = arith.constant 0 : i32
      %scan3A_744 = arith.constant 0 : i32
      %scan3A_745 = arith.constant 8 : i32
      %scan3A_746 = arith.addi %scan3A_744, %scan3A_745 : i32
      %scan3A_747 = arith.constant 1 : i32
      scf.for %scan3A_787 = %scan3A_744 to %scan3A_746 step %scan3A_747  : i32 {
        %min3A_788 = arith.constant 79 : i32
        %min3A_789 = arith.minsi %add3A_733, %min3A_788 : i32
        %mul3A_790 = arith.constant 8 : i32
        %mul3A_791 = arith.muli %min3A_789, %mul3A_790 : i32
        %add3A_792 = arith.addi %mul3A_791, %scan3A_787 : i32
        %get3A_793 = arith.index_cast %add3A_792 : i32 to index
        %get3A_794 = tpu.vector_load %arg22[%get3A_793] {strides = array<i32>} : memref<656xf32, #tpu.memory_space<vmem>>, vector<16xf32>,
        %get3A_795 = vector.shape_cast %get3A_794 : vector<16xf32> to vector<16xf32>
        %slice3A = vector.extract_strided_slice %get3A_795 {offsets = [0], sizes = [1], strides = [1]} : vector<16xf32> to vector<1xf32>
        %squeeze3A = vector.extract %slice3A[0] : f32 from vector<1xf32>
        %mul3A_796 = arith.mulf %squeeze3A, %squeeze3A : f32
        %get3A_797 = arith.index_cast %scan3A_787 : i32 to index
        %get3A_798 = arith.constant 0 : index
        %get3A_799 = tpu.vector_load %arg24[%get3A_797, %get3A_798] {strides = array<i32>} : memref<8x128xf32, #tpu.memory_space<vmem>>, vector<1x16xf32>,
        %get3A_800 = vector.shape_cast %get3A_799 : vector<1x16xf32> to vector<16xf32>
        %mul3A_801 = vector.broadcast %mul3A_796 : f32 to vector<16xf32>
        %mul3A_802 = arith.mulf %get3A_800, %mul3A_801 : vector<16xf32>
        %swap3A_803 = arith.index_cast %scan3A_787 : i32 to index
        %swap3A_804 = arith.constant 0 : index
        %swap3A_805 = tpu.vector_load %arg24[%swap3A_803, %swap3A_804] {strides = array<i32>} : memref<8x128xf32, #tpu.memory_space<vmem>>, vector<1x16xf32>,
        %swap3A_806 = vector.shape_cast %swap3A_805 : vector<1x16xf32> to vector<16xf32>
        %swap3A_807 = vector.shape_cast %mul3A_802 : vector<16xf32> to vector<1x16xf32>
        tpu.vector_store %arg24[%swap3A_803, %swap3A_804], %swap3A_807 {strides = array<i32>} : memref<8x128xf32, #tpu.memory_space<vmem>>, vector<1x16xf32>,
        %get3A_808 = arith.index_cast %scan3A_787 : i32 to index
        %get3A_809 = arith.constant 16 : index
        %get3A_810 = tpu.vector_load %arg24[%get3A_808, %get3A_809] {strides = array<i32>} : memref<8x128xf32, #tpu.memory_space<vmem>>, vector<1x16xf32>,
        %get3A_811 = vector.shape_cast %get3A_810 : vector<1x16xf32> to vector<16xf32>
        %mul3A_812 = vector.broadcast %mul3A_796 : f32 to vector<16xf32>
        %mul3A_813 = arith.mulf %get3A_811, %mul3A_812 : vector<16xf32>
        %swap3A_814 = arith.index_cast %scan3A_787 : i32 to index
        %swap3A_815 = arith.constant 16 : index
        %swap3A_816 = tpu.vector_load %arg24[%swap3A_814, %swap3A_815] {strides = array<i32>} : memref<8x128xf32, #tpu.memory_space<vmem>>, vector<1x16xf32>,
        %swap3A_817 = vector.shape_cast %swap3A_816 : vector<1x16xf32> to vector<16xf32>
        %swap3A_818 = vector.shape_cast %mul3A_813 : vector<16xf32> to vector<1x16xf32>
        tpu.vector_store %arg24[%swap3A_814, %swap3A_815], %swap3A_818 {strides = array<i32>} : memref<8x128xf32, #tpu.memory_space<vmem>>, vector<1x16xf32>,
        %get3A_819 = arith.index_cast %scan3A_787 : i32 to index
        %get3A_820 = arith.constant 32 : index
        %get3A_821 = tpu.vector_load %arg24[%get3A_819, %get3A_820] {strides = array<i32>} : memref<8x128xf32, #tpu.memory_space<vmem>>, vector<1x16xf32>,
        %get3A_822 = vector.shape_cast %get3A_821 : vector<1x16xf32> to vector<16xf32>
        %mul3A_823 = vector.broadcast %mul3A_796 : f32 to vector<16xf32>
        %mul3A_824 = arith.mulf %get3A_822, %mul3A_823 : vector<16xf32>
        %swap3A_825 = arith.index_cast %scan3A_787 : i32 to index
        %swap3A_826 = arith.constant 32 : index
        %swap3A_827 = tpu.vector_load %arg24[%swap3A_825, %swap3A_826] {strides = array<i32>} : memref<8x128xf32, #tpu.memory_space<vmem>>, vector<1x16xf32>,
        %swap3A_828 = vector.shape_cast %swap3A_827 : vector<1x16xf32> to vector<16xf32>
        %swap3A_829 = vector.shape_cast %mul3A_824 : vector<16xf32> to vector<1x16xf32>
        tpu.vector_store %arg24[%swap3A_825, %swap3A_826], %swap3A_829 {strides = array<i32>} : memref<8x128xf32, #tpu.memory_space<vmem>>, vector<1x16xf32>,
        %get3A_830 = arith.index_cast %scan3A_787 : i32 to index
        %get3A_831 = arith.constant 48 : index
        %get3A_832 = tpu.vector_load %arg24[%get3A_830, %get3A_831] {strides = array<i32>} : memref<8x128xf32, #tpu.memory_space<vmem>>, vector<1x16xf32>,
        %get3A_833 = vector.shape_cast %get3A_832 : vector<1x16xf32> to vector<16xf32>
        %mul3A_834 = vector.broadcast %mul3A_796 : f32 to vector<16xf32>
        %mul3A_835 = arith.mulf %get3A_833, %mul3A_834 : vector<16xf32>
        %swap3A_836 = arith.index_cast %scan3A_787 : i32 to index
        %swap3A_837 = arith.constant 48 : index
        %swap3A_838 = tpu.vector_load %arg24[%swap3A_836, %swap3A_837] {strides = array<i32>} : memref<8x128xf32, #tpu.memory_space<vmem>>, vector<1x16xf32>,
        %swap3A_839 = vector.shape_cast %swap3A_838 : vector<1x16xf32> to vector<16xf32>
        %swap3A_840 = vector.shape_cast %mul3A_835 : vector<16xf32> to vector<1x16xf32>
        tpu.vector_store %arg24[%swap3A_836, %swap3A_837], %swap3A_840 {strides = array<i32>} : memref<8x128xf32, #tpu.memory_space<vmem>>, vector<1x16xf32>,
        %get3A_841 = arith.index_cast %scan3A_787 : i32 to index
        %get3A_842 = arith.constant 64 : index
        %get3A_843 = tpu.vector_load %arg24[%get3A_841, %get3A_842] {strides = array<i32>} : memref<8x128xf32, #tpu.memory_space<vmem>>, vector<1x16xf32>,
        %get3A_844 = vector.shape_cast %get3A_843 : vector<1x16xf32> to vector<16xf32>
        %mul3A_845 = vector.broadcast %mul3A_796 : f32 to vector<16xf32>
        %mul3A_846 = arith.mulf %get3A_844, %mul3A_845 : vector<16xf32>
        %swap3A_847 = arith.index_cast %scan3A_787 : i32 to index
        %swap3A_848 = arith.constant 64 : index
        %swap3A_849 = tpu.vector_load %arg24[%swap3A_847, %swap3A_848] {strides = array<i32>} : memref<8x128xf32, #tpu.memory_space<vmem>>, vector<1x16xf32>,
        %swap3A_850 = vector.shape_cast %swap3A_849 : vector<1x16xf32> to vector<16xf32>
        %swap3A_851 = vector.shape_cast %mul3A_846 : vector<16xf32> to vector<1x16xf32>
        tpu.vector_store %arg24[%swap3A_847, %swap3A_848], %swap3A_851 {strides = array<i32>} : memref<8x128xf32, #tpu.memory_space<vmem>>, vector<1x16xf32>,
        %get3A_852 = arith.index_cast %scan3A_787 : i32 to index
        %get3A_853 = arith.constant 80 : index
        %get3A_854 = tpu.vector_load %arg24[%get3A_852, %get3A_853] {strides = array<i32>} : memref<8x128xf32, #tpu.memory_space<vmem>>, vector<1x16xf32>,
        %get3A_855 = vector.shape_cast %get3A_854 : vector<1x16xf32> to vector<16xf32>
        %mul3A_856 = vector.broadcast %mul3A_796 : f32 to vector<16xf32>
        %mul3A_857 = arith.mulf %get3A_855, %mul3A_856 : vector<16xf32>
        %swap3A_858 = arith.index_cast %scan3A_787 : i32 to index
        %swap3A_859 = arith.constant 80 : index
        %swap3A_860 = tpu.vector_load %arg24[%swap3A_858, %swap3A_859] {strides = array<i32>} : memref<8x128xf32, #tpu.memory_space<vmem>>, vector<1x16xf32>,
        %swap3A_861 = vector.shape_cast %swap3A_860 : vector<1x16xf32> to vector<16xf32>
        %swap3A_862 = vector.shape_cast %mul3A_857 : vector<16xf32> to vector<1x16xf32>
        tpu.vector_store %arg24[%swap3A_858, %swap3A_859], %swap3A_862 {strides = array<i32>} : memref<8x128xf32, #tpu.memory_space<vmem>>, vector<1x16xf32>,
        %get3A_863 = arith.index_cast %scan3A_787 : i32 to index
        %get3A_864 = arith.constant 96 : index
        %get3A_865 = tpu.vector_load %arg24[%get3A_863, %get3A_864] {strides = array<i32>} : memref<8x128xf32, #tpu.memory_space<vmem>>, vector<1x16xf32>,
        %get3A_866 = vector.shape_cast %get3A_865 : vector<1x16xf32> to vector<16xf32>
        %mul3A_867 = vector.broadcast %mul3A_796 : f32 to vector<16xf32>
        %mul3A_868 = arith.mulf %get3A_866, %mul3A_867 : vector<16xf32>
        %swap3A_869 = arith.index_cast %scan3A_787 : i32 to index
        %swap3A_870 = arith.constant 96 : index
        %swap3A_871 = tpu.vector_load %arg24[%swap3A_869, %swap3A_870] {strides = array<i32>} : memref<8x128xf32, #tpu.memory_space<vmem>>, vector<1x16xf32>,
        %swap3A_872 = vector.shape_cast %swap3A_871 : vector<1x16xf32> to vector<16xf32>
        %swap3A_873 = vector.shape_cast %mul3A_868 : vector<16xf32> to vector<1x16xf32>
        tpu.vector_store %arg24[%swap3A_869, %swap3A_870], %swap3A_873 {strides = array<i32>} : memref<8x128xf32, #tpu.memory_space<vmem>>, vector<1x16xf32>,
        %get3A_874 = arith.index_cast %scan3A_787 : i32 to index
        %get3A_875 = arith.constant 112 : index
        %get3A_876 = tpu.vector_load %arg24[%get3A_874, %get3A_875] {strides = array<i32>} : memref<8x128xf32, #tpu.memory_space<vmem>>, vector<1x16xf32>,
        %get3A_877 = vector.shape_cast %get3A_876 : vector<1x16xf32> to vector<16xf32>
        %mul3A_878 = vector.broadcast %mul3A_796 : f32 to vector<16xf32>
        %mul3A_879 = arith.mulf %get3A_877, %mul3A_878 : vector<16xf32>
        %swap3A_880 = arith.index_cast %scan3A_787 : i32 to index
        %swap3A_881 = arith.constant 112 : index
        %swap3A_882 = tpu.vector_load %arg24[%swap3A_880, %swap3A_881] {strides = array<i32>} : memref<8x128xf32, #tpu.memory_space<vmem>>, vector<1x16xf32>,
        %swap3A_883 = vector.shape_cast %swap3A_882 : vector<1x16xf32> to vector<16xf32>
        %swap3A_884 = vector.shape_cast %mul3A_879 : vector<16xf32> to vector<1x16xf32>
        tpu.vector_store %arg24[%swap3A_880, %swap3A_881], %swap3A_884 {strides = array<i32>} : memref<8x128xf32, #tpu.memory_space<vmem>>, vector<1x16xf32>,
      }
      %scan3A_748 = arith.constant 8 : i32
      %add3A_749 = arith.addi %mul3A_0, %mul3A_2 : i32
      %min3A_750 = arith.constant 79 : i32
      %min3A_751 = arith.minsi %add3A_733, %min3A_750 : i32
      %mul3A_752 = arith.constant 8 : i32
      %mul3A_753 = arith.muli %min3A_751, %mul3A_752 : i32
      %add3A_754 = arith.addi %add3A_749, %mul3A_753 : i32
      %dma_start3A_755 = arith.constant 0 : i32
      %dma_start3A_756 = tpu.memref_slice %arg5[%add3A_754, %dma_start3A_755] : memref<20480x128xf32, #tpu.memory_space<hbm>> -> memref<8x128xf32, #tpu.memory_space<hbm>>
      %dma_start3A_757 = arith.constant 0 : i32
      %dma_start3A_758 = tpu.memref_slice %arg5[%add3A_754, %dma_start3A_757] : memref<20480x128xf32, #tpu.memory_space<hbm>> -> memref<8x128xf32, #tpu.memory_space<hbm>>
      tpu.enqueue_dma source(%arg24 : memref<8x128xf32, #tpu.memory_space<vmem>>) target(%dma_start3A_758 : memref<8x128xf32, #tpu.memory_space<hbm>>) target_semaphore(%arg32 : memref<!tpu.dma_semaphore, #tpu.memory_space<semaphore_mem>>)
      %min3A_759 = arith.constant 79 : i32
      %min3A_760 = arith.minsi %add3A_733, %min3A_759 : i32
      %mul3A_761 = arith.constant 8 : i32
      %mul3A_762 = arith.muli %min3A_760, %mul3A_761 : i32
      %add3A_763 = arith.addi %mul3A_2, %mul3A_762 : i32
      %dma_start3A_764 = arith.constant 0 : i32
      %dma_start3A_765 = tpu.memref_slice %arg7[%add3A_763, %dma_start3A_764] : memref<10240x128xf32, #tpu.memory_space<vmem_shared>> -> memref<8x128xf32, #tpu.memory_space<vmem_shared>>
      %dma_start3A_766 = arith.constant 0 : i32
      %dma_start3A_767 = tpu.memref_slice %arg7[%add3A_763, %dma_start3A_766] : memref<10240x128xf32, #tpu.memory_space<vmem_shared>> -> memref<8x128xf32, #tpu.memory_space<vmem_shared>>
      tpu.enqueue_dma source(%arg25 : memref<8x128xf32, #tpu.memory_space<vmem>>) target(%dma_start3A_767 : memref<8x128xf32, #tpu.memory_space<vmem_shared>>) target_semaphore(%arg34 : memref<!tpu.dma_semaphore, #tpu.memory_space<semaphore_mem>>)
      %dma_wait3A_768 = arith.constant 0 : i32
      %dma_wait3A_769 = tpu.memref_slice %arg5[%add3A_754, %dma_wait3A_768] : memref<20480x128xf32, #tpu.memory_space<hbm>> -> memref<8x128xf32, #tpu.memory_space<hbm>>
      %dma_wait3A_770 = arith.constant 0 : i32
      %dma_wait3A_771 = tpu.memref_slice %arg5[%add3A_754, %dma_wait3A_770] : memref<20480x128xf32, #tpu.memory_space<hbm>> -> memref<8x128xf32, #tpu.memory_space<hbm>>
      tpu.wait_dma2 semaphore(%arg32 : memref<!tpu.dma_semaphore, #tpu.memory_space<semaphore_mem>>) src(%arg24 : memref<8x128xf32, #tpu.memory_space<vmem>>) dst(%dma_wait3A_771 : memref<8x128xf32, #tpu.memory_space<hbm>>)
      %dma_wait3A_772 = arith.constant 0 : i32
      %dma_wait3A_773 = tpu.memref_slice %arg7[%add3A_763, %dma_wait3A_772] : memref<10240x128xf32, #tpu.memory_space<vmem_shared>> -> memref<8x128xf32, #tpu.memory_space<vmem_shared>>
      %dma_wait3A_774 = arith.constant 0 : i32
      %dma_wait3A_775 = tpu.memref_slice %arg7[%add3A_763, %dma_wait3A_774] : memref<10240x128xf32, #tpu.memory_space<vmem_shared>> -> memref<8x128xf32, #tpu.memory_space<vmem_shared>>
      tpu.wait_dma2 semaphore(%arg34 : memref<!tpu.dma_semaphore, #tpu.memory_space<semaphore_mem>>) src(%arg25 : memref<8x128xf32, #tpu.memory_space<vmem>>) dst(%dma_wait3A_775 : memref<8x128xf32, #tpu.memory_space<vmem_shared>>)
      %add3A_776 = arith.constant 2 : i32
      %add3A_777 = arith.addi %add3A_733, %add3A_776 : i32
      %min3A_778 = arith.constant 79 : i32
      %min3A_779 = arith.minsi %add3A_777, %min3A_778 : i32
      %mul3A_780 = arith.constant 8 : i32
      %mul3A_781 = arith.muli %min3A_779, %mul3A_780 : i32
      %add3A_782 = arith.addi %mul3A_2, %mul3A_781 : i32
      %dma_start3A_783 = arith.constant 0 : i32
      %dma_start3A_784 = tpu.memref_slice %arg7[%add3A_782, %dma_start3A_783] : memref<10240x128xf32, #tpu.memory_space<vmem_shared>> -> memref<8x128xf32, #tpu.memory_space<vmem_shared>>
      %dma_start3A_785 = arith.constant 0 : i32
      %dma_start3A_786 = tpu.memref_slice %arg7[%add3A_782, %dma_start3A_785] : memref<10240x128xf32, #tpu.memory_space<vmem_shared>> -> memref<8x128xf32, #tpu.memory_space<vmem_shared>>
      tpu.enqueue_dma source(%dma_start3A_786 : memref<8x128xf32, #tpu.memory_space<vmem_shared>>) target(%arg24 : memref<8x128xf32, #tpu.memory_space<vmem>>) target_semaphore(%arg28 : memref<!tpu.dma_semaphore, #tpu.memory_space<semaphore_mem>>)
    }
    %scan3A_385 = arith.constant 40 : i32
    %min3A_386 = arith.constant 0 : i32
    %min3A_387 = arith.constant 79 : i32
    %min3A_388 = arith.minsi %min3A_386, %min3A_387 : i32
    %mul3A_389 = arith.constant 8 : i32
    %mul3A_390 = arith.muli %min3A_388, %mul3A_389 : i32
    %add3A_391 = arith.addi %mul3A_2, %mul3A_390 : i32
    %dma_wait3A_392 = arith.constant 0 : i32
    %dma_wait3A_393 = tpu.memref_slice %arg7[%add3A_391, %dma_wait3A_392] : memref<10240x128xf32, #tpu.memory_space<vmem_shared>> -> memref<8x128xf32, #tpu.memory_space<vmem_shared>>
    %dma_wait3A_394 = arith.constant 0 : i32
    %dma_wait3A_395 = tpu.memref_slice %arg7[%add3A_391, %dma_wait3A_394] : memref<10240x128xf32, #tpu.memory_space<vmem_shared>> -> memref<8x128xf32, #tpu.memory_space<vmem_shared>>
    tpu.wait_dma2 semaphore(%arg27 : memref<!tpu.dma_semaphore, #tpu.memory_space<semaphore_mem>>) src(%dma_wait3A_395 : memref<8x128xf32, #tpu.memory_space<vmem_shared>>) dst(%arg23 : memref<8x128xf32, #tpu.memory_space<vmem>>)
    %min3A_396 = arith.constant 0 : i32
    %min3A_397 = arith.constant 79 : i32
    %min3A_398 = arith.minsi %min3A_396, %min3A_397 : i32
    %mul3A_399 = arith.constant 8 : i32
    %mul3A_400 = arith.muli %min3A_398, %mul3A_399 : i32
    %add3A_401 = arith.addi %mul3A_2, %mul3A_400 : i32
    %dma_wait3A_402 = arith.constant 0 : i32
    %dma_wait3A_403 = tpu.memref_slice %arg7[%add3A_401, %dma_wait3A_402] : memref<10240x128xf32, #tpu.memory_space<vmem_shared>> -> memref<8x128xf32, #tpu.memory_space<vmem_shared>>
    %dma_wait3A_404 = arith.constant 0 : i32
    %dma_wait3A_405 = tpu.memref_slice %arg7[%add3A_401, %dma_wait3A_404] : memref<10240x128xf32, #tpu.memory_space<vmem_shared>> -> memref<8x128xf32, #tpu.memory_space<vmem_shared>>
    tpu.wait_dma2 semaphore(%arg28 : memref<!tpu.dma_semaphore, #tpu.memory_space<semaphore_mem>>) src(%dma_wait3A_405 : memref<8x128xf32, #tpu.memory_space<vmem_shared>>) dst(%arg24 : memref<8x128xf32, #tpu.memory_space<vmem>>)
    %barrier3A_406 = arith.constant 0 : index
    tpu.barrier barrier_id(%barrier3A_406)
    %add3A_407 = arith.constant 0 : i32
    %add3A_408 = arith.addi %mul3A_4, %add3A_407 : i32
    %mul3A_409 = arith.constant 2 : i32
    %mul3A_410 = arith.muli %add3A_408, %mul3A_409 : i32
    %mul3A_411 = arith.constant 64 : i32
    %mul3A_412 = arith.muli %mul3A_410, %mul3A_411 : i32
    "tpu.region"() ({
      %run_scoped3A = tpu.sem_alloc : memref<!tpu.dma_semaphore, #tpu.memory_space<semaphore_mem>>
      %dma_start3A_672 = tpu.memref_slice %arg3[%mul3A_412] : memref<328192xi32, #tpu.memory_space<hbm>> -> memref<128xi32, #tpu.memory_space<hbm>>
      %dma_start3A_673 = tpu.memref_slice %arg3[%mul3A_412] : memref<328192xi32, #tpu.memory_space<hbm>> -> memref<128xi32, #tpu.memory_space<hbm>>
      tpu.enqueue_dma source(%dma_start3A_673 : memref<128xi32, #tpu.memory_space<hbm>>) target(%arg13 : memref<128xi32, #tpu.memory_space<vmem>>) target_semaphore(%run_scoped3A : memref<!tpu.dma_semaphore, #tpu.memory_space<semaphore_mem>>)
      %dma_wait3A_674 = tpu.memref_slice %arg3[%mul3A_412] : memref<328192xi32, #tpu.memory_space<hbm>> -> memref<128xi32, #tpu.memory_space<hbm>>
      %dma_wait3A_675 = tpu.memref_slice %arg3[%mul3A_412] : memref<328192xi32, #tpu.memory_space<hbm>> -> memref<128xi32, #tpu.memory_space<hbm>>
      tpu.wait_dma2 semaphore(%run_scoped3A : memref<!tpu.dma_semaphore, #tpu.memory_space<semaphore_mem>>) src(%dma_wait3A_675 : memref<128xi32, #tpu.memory_space<hbm>>) dst(%arg13 : memref<128xi32, #tpu.memory_space<vmem>>)
      tpu.yield
    }) : () -> ()
    %get3A_413 = arith.constant 0 : index
    %get3A_414 = tpu.vector_load %arg13[%get3A_413] {strides = array<i32>} : memref<128xi32, #tpu.memory_space<vmem>>, vector<16xi32>,
    %get3A_415 = vector.shape_cast %get3A_414 : vector<16xi32> to vector<16xi32>
    %add3A_416 = vector.broadcast %mul3A_0 : i32 to vector<16xi32>
    %add3A_417 = arith.addi %get3A_415, %add3A_416 : vector<16xi32>
    %swap3A_418 = arith.constant 0 : index
    %swap3A_419 = tpu.vector_load %arg15[%swap3A_418] {strides = array<i32>} : memref<64xi32, #tpu.memory_space<vmem>>, vector<16xi32>,
    %swap3A_420 = vector.shape_cast %swap3A_419 : vector<16xi32> to vector<16xi32>
    %swap3A_421 = vector.shape_cast %add3A_417 : vector<16xi32> to vector<16xi32>
    tpu.vector_store %arg15[%swap3A_418], %swap3A_421 {strides = array<i32>} : memref<64xi32, #tpu.memory_space<vmem>>, vector<16xi32>,
    %get3A_422 = arith.constant 64 : index
    %get3A_423 = tpu.vector_load %arg13[%get3A_422] {strides = array<i32>} : memref<128xi32, #tpu.memory_space<vmem>>, vector<16xi32>,
    %get3A_424 = vector.shape_cast %get3A_423 : vector<16xi32> to vector<16xi32>
    %add3A_425 = vector.broadcast %mul3A_0 : i32 to vector<16xi32>
    %add3A_426 = arith.addi %get3A_424, %add3A_425 : vector<16xi32>
    %swap3A_427 = arith.constant 0 : index
    %swap3A_428 = tpu.vector_load %arg17[%swap3A_427] {strides = array<i32>} : memref<64xi32, #tpu.memory_space<vmem>>, vector<16xi32>,
    %swap3A_429 = vector.shape_cast %swap3A_428 : vector<16xi32> to vector<16xi32>
    %swap3A_430 = vector.shape_cast %add3A_426 : vector<16xi32> to vector<16xi32>
    tpu.vector_store %arg17[%swap3A_427], %swap3A_430 {strides = array<i32>} : memref<64xi32, #tpu.memory_space<vmem>>, vector<16xi32>,
    %get3A_431 = arith.constant 16 : index
    %get3A_432 = tpu.vector_load %arg13[%get3A_431] {strides = array<i32>} : memref<128xi32, #tpu.memory_space<vmem>>, vector<16xi32>,
    %get3A_433 = vector.shape_cast %get3A_432 : vector<16xi32> to vector<16xi32>
    %add3A_434 = vector.broadcast %mul3A_0 : i32 to vector<16xi32>
    %add3A_435 = arith.addi %get3A_433, %add3A_434 : vector<16xi32>
    %swap3A_436 = arith.constant 16 : index
    %swap3A_437 = tpu.vector_load %arg15[%swap3A_436] {strides = array<i32>} : memref<64xi32, #tpu.memory_space<vmem>>, vector<16xi32>,
    %swap3A_438 = vector.shape_cast %swap3A_437 : vector<16xi32> to vector<16xi32>
    %swap3A_439 = vector.shape_cast %add3A_435 : vector<16xi32> to vector<16xi32>
    tpu.vector_store %arg15[%swap3A_436], %swap3A_439 {strides = array<i32>} : memref<64xi32, #tpu.memory_space<vmem>>, vector<16xi32>,
    %get3A_440 = arith.constant 80 : index
    %get3A_441 = tpu.vector_load %arg13[%get3A_440] {strides = array<i32>} : memref<128xi32, #tpu.memory_space<vmem>>, vector<16xi32>,
    %get3A_442 = vector.shape_cast %get3A_441 : vector<16xi32> to vector<16xi32>
    %add3A_443 = vector.broadcast %mul3A_0 : i32 to vector<16xi32>
    %add3A_444 = arith.addi %get3A_442, %add3A_443 : vector<16xi32>
    %swap3A_445 = arith.constant 16 : index
    %swap3A_446 = tpu.vector_load %arg17[%swap3A_445] {strides = array<i32>} : memref<64xi32, #tpu.memory_space<vmem>>, vector<16xi32>,
    %swap3A_447 = vector.shape_cast %swap3A_446 : vector<16xi32> to vector<16xi32>
    %swap3A_448 = vector.shape_cast %add3A_444 : vector<16xi32> to vector<16xi32>
    tpu.vector_store %arg17[%swap3A_445], %swap3A_448 {strides = array<i32>} : memref<64xi32, #tpu.memory_space<vmem>>, vector<16xi32>,
    %get3A_449 = arith.constant 32 : index
    %get3A_450 = tpu.vector_load %arg13[%get3A_449] {strides = array<i32>} : memref<128xi32, #tpu.memory_space<vmem>>, vector<16xi32>,
    %get3A_451 = vector.shape_cast %get3A_450 : vector<16xi32> to vector<16xi32>
    %add3A_452 = vector.broadcast %mul3A_0 : i32 to vector<16xi32>
    %add3A_453 = arith.addi %get3A_451, %add3A_452 : vector<16xi32>
    %swap3A_454 = arith.constant 32 : index
    %swap3A_455 = tpu.vector_load %arg15[%swap3A_454] {strides = array<i32>} : memref<64xi32, #tpu.memory_space<vmem>>, vector<16xi32>,
    %swap3A_456 = vector.shape_cast %swap3A_455 : vector<16xi32> to vector<16xi32>
    %swap3A_457 = vector.shape_cast %add3A_453 : vector<16xi32> to vector<16xi32>
    tpu.vector_store %arg15[%swap3A_454], %swap3A_457 {strides = array<i32>} : memref<64xi32, #tpu.memory_space<vmem>>, vector<16xi32>,
    %get3A_458 = arith.constant 96 : index
    %get3A_459 = tpu.vector_load %arg13[%get3A_458] {strides = array<i32>} : memref<128xi32, #tpu.memory_space<vmem>>, vector<16xi32>,
    %get3A_460 = vector.shape_cast %get3A_459 : vector<16xi32> to vector<16xi32>
    %add3A_461 = vector.broadcast %mul3A_0 : i32 to vector<16xi32>
    %add3A_462 = arith.addi %get3A_460, %add3A_461 : vector<16xi32>
    %swap3A_463 = arith.constant 32 : index
    %swap3A_464 = tpu.vector_load %arg17[%swap3A_463] {strides = array<i32>} : memref<64xi32, #tpu.memory_space<vmem>>, vector<16xi32>,
    %swap3A_465 = vector.shape_cast %swap3A_464 : vector<16xi32> to vector<16xi32>
    %swap3A_466 = vector.shape_cast %add3A_462 : vector<16xi32> to vector<16xi32>
    tpu.vector_store %arg17[%swap3A_463], %swap3A_466 {strides = array<i32>} : memref<64xi32, #tpu.memory_space<vmem>>, vector<16xi32>,
    %get3A_467 = arith.constant 48 : index
    %get3A_468 = tpu.vector_load %arg13[%get3A_467] {strides = array<i32>} : memref<128xi32, #tpu.memory_space<vmem>>, vector<16xi32>,
    %get3A_469 = vector.shape_cast %get3A_468 : vector<16xi32> to vector<16xi32>
    %add3A_470 = vector.broadcast %mul3A_0 : i32 to vector<16xi32>
    %add3A_471 = arith.addi %get3A_469, %add3A_470 : vector<16xi32>
    %swap3A_472 = arith.constant 48 : index
    %swap3A_473 = tpu.vector_load %arg15[%swap3A_472] {strides = array<i32>} : memref<64xi32, #tpu.memory_space<vmem>>, vector<16xi32>,
    %swap3A_474 = vector.shape_cast %swap3A_473 : vector<16xi32> to vector<16xi32>
    %swap3A_475 = vector.shape_cast %add3A_471 : vector<16xi32> to vector<16xi32>
    tpu.vector_store %arg15[%swap3A_472], %swap3A_475 {strides = array<i32>} : memref<64xi32, #tpu.memory_space<vmem>>, vector<16xi32>,
    %get3A_476 = arith.constant 112 : index
    %get3A_477 = tpu.vector_load %arg13[%get3A_476] {strides = array<i32>} : memref<128xi32, #tpu.memory_space<vmem>>, vector<16xi32>,
    %get3A_478 = vector.shape_cast %get3A_477 : vector<16xi32> to vector<16xi32>
    %add3A_479 = vector.broadcast %mul3A_0 : i32 to vector<16xi32>
    %add3A_480 = arith.addi %get3A_478, %add3A_479 : vector<16xi32>
    %swap3A_481 = arith.constant 48 : index
    %swap3A_482 = tpu.vector_load %arg17[%swap3A_481] {strides = array<i32>} : memref<64xi32, #tpu.memory_space<vmem>>, vector<16xi32>,
    %swap3A_483 = vector.shape_cast %swap3A_482 : vector<16xi32> to vector<16xi32>
    %swap3A_484 = vector.shape_cast %add3A_480 : vector<16xi32> to vector<16xi32>
    tpu.vector_store %arg17[%swap3A_481], %swap3A_484 {strides = array<i32>} : memref<64xi32, #tpu.memory_space<vmem>>, vector<16xi32>,
    %dma_start3A_485 = arith.constant 0 : i32
    %dma_start3A_486 = arith.constant 0 : i32
    %dma_start3A_487 = tpu.memref_slice %arg5[%dma_start3A_485, %dma_start3A_486] : memref<20480x128xf32, #tpu.memory_space<hbm>> -> memref<20480x128xf32, #tpu.memory_space<hbm>>
    tpu.enqueue_indirect_dma source(%dma_start3A_487 : memref<20480x128xf32, #tpu.memory_space<hbm>>) target(%arg11 : memref<64x128xf32, #tpu.memory_space<vmem>>) offsets(%arg15 : memref<64xi32, #tpu.memory_space<vmem>>) semaphore(%arg29 : memref<!tpu.dma_semaphore, #tpu.memory_space<semaphore_mem>>)
    %dma_start3A_488 = arith.constant 0 : i32
    %dma_start3A_489 = arith.constant 0 : i32
    %dma_start3A_490 = tpu.memref_slice %arg5[%dma_start3A_488, %dma_start3A_489] : memref<20480x128xf32, #tpu.memory_space<hbm>> -> memref<20480x128xf32, #tpu.memory_space<hbm>>
    tpu.enqueue_indirect_dma source(%dma_start3A_490 : memref<20480x128xf32, #tpu.memory_space<hbm>>) target(%arg9 : memref<64x128xf32, #tpu.memory_space<vmem>>) offsets(%arg17 : memref<64xi32, #tpu.memory_space<vmem>>) semaphore(%arg27 : memref<!tpu.dma_semaphore, #tpu.memory_space<semaphore_mem>>)
    %add3A_491 = arith.constant 1 : i32
    %add3A_492 = arith.addi %mul3A_4, %add3A_491 : i32
    %mul3A_493 = arith.constant 2 : i32
    %mul3A_494 = arith.muli %add3A_492, %mul3A_493 : i32
    %mul3A_495 = arith.constant 64 : i32
    %mul3A_496 = arith.muli %mul3A_494, %mul3A_495 : i32
    "tpu.region"() ({
      %run_scoped3A = tpu.sem_alloc : memref<!tpu.dma_semaphore, #tpu.memory_space<semaphore_mem>>
      %dma_start3A_672 = tpu.memref_slice %arg3[%mul3A_496] : memref<328192xi32, #tpu.memory_space<hbm>> -> memref<128xi32, #tpu.memory_space<hbm>>
      %dma_start3A_673 = tpu.memref_slice %arg3[%mul3A_496] : memref<328192xi32, #tpu.memory_space<hbm>> -> memref<128xi32, #tpu.memory_space<hbm>>
      tpu.enqueue_dma source(%dma_start3A_673 : memref<128xi32, #tpu.memory_space<hbm>>) target(%arg14 : memref<128xi32, #tpu.memory_space<vmem>>) target_semaphore(%run_scoped3A : memref<!tpu.dma_semaphore, #tpu.memory_space<semaphore_mem>>)
      %dma_wait3A_674 = tpu.memref_slice %arg3[%mul3A_496] : memref<328192xi32, #tpu.memory_space<hbm>> -> memref<128xi32, #tpu.memory_space<hbm>>
      %dma_wait3A_675 = tpu.memref_slice %arg3[%mul3A_496] : memref<328192xi32, #tpu.memory_space<hbm>> -> memref<128xi32, #tpu.memory_space<hbm>>
      tpu.wait_dma2 semaphore(%run_scoped3A : memref<!tpu.dma_semaphore, #tpu.memory_space<semaphore_mem>>) src(%dma_wait3A_675 : memref<128xi32, #tpu.memory_space<hbm>>) dst(%arg14 : memref<128xi32, #tpu.memory_space<vmem>>)
      tpu.yield
    }) : () -> ()
    %get3A_497 = arith.constant 0 : index
    %get3A_498 = tpu.vector_load %arg14[%get3A_497] {strides = array<i32>} : memref<128xi32, #tpu.memory_space<vmem>>, vector<16xi32>,
    %get3A_499 = vector.shape_cast %get3A_498 : vector<16xi32> to vector<16xi32>
    %add3A_500 = vector.broadcast %mul3A_0 : i32 to vector<16xi32>
    %add3A_501 = arith.addi %get3A_499, %add3A_500 : vector<16xi32>
    %swap3A_502 = arith.constant 0 : index
    %swap3A_503 = tpu.vector_load %arg16[%swap3A_502] {strides = array<i32>} : memref<64xi32, #tpu.memory_space<vmem>>, vector<16xi32>,
    %swap3A_504 = vector.shape_cast %swap3A_503 : vector<16xi32> to vector<16xi32>
    %swap3A_505 = vector.shape_cast %add3A_501 : vector<16xi32> to vector<16xi32>
    tpu.vector_store %arg16[%swap3A_502], %swap3A_505 {strides = array<i32>} : memref<64xi32, #tpu.memory_space<vmem>>, vector<16xi32>,
    %get3A_506 = arith.constant 64 : index
    %get3A_507 = tpu.vector_load %arg14[%get3A_506] {strides = array<i32>} : memref<128xi32, #tpu.memory_space<vmem>>, vector<16xi32>,
    %get3A_508 = vector.shape_cast %get3A_507 : vector<16xi32> to vector<16xi32>
    %add3A_509 = vector.broadcast %mul3A_0 : i32 to vector<16xi32>
    %add3A_510 = arith.addi %get3A_508, %add3A_509 : vector<16xi32>
    %swap3A_511 = arith.constant 0 : index
    %swap3A_512 = tpu.vector_load %arg18[%swap3A_511] {strides = array<i32>} : memref<64xi32, #tpu.memory_space<vmem>>, vector<16xi32>,
    %swap3A_513 = vector.shape_cast %swap3A_512 : vector<16xi32> to vector<16xi32>
    %swap3A_514 = vector.shape_cast %add3A_510 : vector<16xi32> to vector<16xi32>
    tpu.vector_store %arg18[%swap3A_511], %swap3A_514 {strides = array<i32>} : memref<64xi32, #tpu.memory_space<vmem>>, vector<16xi32>,
    %get3A_515 = arith.constant 16 : index
    %get3A_516 = tpu.vector_load %arg14[%get3A_515] {strides = array<i32>} : memref<128xi32, #tpu.memory_space<vmem>>, vector<16xi32>,
    %get3A_517 = vector.shape_cast %get3A_516 : vector<16xi32> to vector<16xi32>
    %add3A_518 = vector.broadcast %mul3A_0 : i32 to vector<16xi32>
    %add3A_519 = arith.addi %get3A_517, %add3A_518 : vector<16xi32>
    %swap3A_520 = arith.constant 16 : index
    %swap3A_521 = tpu.vector_load %arg16[%swap3A_520] {strides = array<i32>} : memref<64xi32, #tpu.memory_space<vmem>>, vector<16xi32>,
    %swap3A_522 = vector.shape_cast %swap3A_521 : vector<16xi32> to vector<16xi32>
    %swap3A_523 = vector.shape_cast %add3A_519 : vector<16xi32> to vector<16xi32>
    tpu.vector_store %arg16[%swap3A_520], %swap3A_523 {strides = array<i32>} : memref<64xi32, #tpu.memory_space<vmem>>, vector<16xi32>,
    %get3A_524 = arith.constant 80 : index
    %get3A_525 = tpu.vector_load %arg14[%get3A_524] {strides = array<i32>} : memref<128xi32, #tpu.memory_space<vmem>>, vector<16xi32>,
    %get3A_526 = vector.shape_cast %get3A_525 : vector<16xi32> to vector<16xi32>
    %add3A_527 = vector.broadcast %mul3A_0 : i32 to vector<16xi32>
    %add3A_528 = arith.addi %get3A_526, %add3A_527 : vector<16xi32>
    %swap3A_529 = arith.constant 16 : index
    %swap3A_530 = tpu.vector_load %arg18[%swap3A_529] {strides = array<i32>} : memref<64xi32, #tpu.memory_space<vmem>>, vector<16xi32>,
    %swap3A_531 = vector.shape_cast %swap3A_530 : vector<16xi32> to vector<16xi32>
    %swap3A_532 = vector.shape_cast %add3A_528 : vector<16xi32> to vector<16xi32>
    tpu.vector_store %arg18[%swap3A_529], %swap3A_532 {strides = array<i32>} : memref<64xi32, #tpu.memory_space<vmem>>, vector<16xi32>,
    %get3A_533 = arith.constant 32 : index
    %get3A_534 = tpu.vector_load %arg14[%get3A_533] {strides = array<i32>} : memref<128xi32, #tpu.memory_space<vmem>>, vector<16xi32>,
    %get3A_535 = vector.shape_cast %get3A_534 : vector<16xi32> to vector<16xi32>
    %add3A_536 = vector.broadcast %mul3A_0 : i32 to vector<16xi32>
    %add3A_537 = arith.addi %get3A_535, %add3A_536 : vector<16xi32>
    %swap3A_538 = arith.constant 32 : index
    %swap3A_539 = tpu.vector_load %arg16[%swap3A_538] {strides = array<i32>} : memref<64xi32, #tpu.memory_space<vmem>>, vector<16xi32>,
    %swap3A_540 = vector.shape_cast %swap3A_539 : vector<16xi32> to vector<16xi32>
    %swap3A_541 = vector.shape_cast %add3A_537 : vector<16xi32> to vector<16xi32>
    tpu.vector_store %arg16[%swap3A_538], %swap3A_541 {strides = array<i32>} : memref<64xi32, #tpu.memory_space<vmem>>, vector<16xi32>,
    %get3A_542 = arith.constant 96 : index
    %get3A_543 = tpu.vector_load %arg14[%get3A_542] {strides = array<i32>} : memref<128xi32, #tpu.memory_space<vmem>>, vector<16xi32>,
    %get3A_544 = vector.shape_cast %get3A_543 : vector<16xi32> to vector<16xi32>
    %add3A_545 = vector.broadcast %mul3A_0 : i32 to vector<16xi32>
    %add3A_546 = arith.addi %get3A_544, %add3A_545 : vector<16xi32>
    %swap3A_547 = arith.constant 32 : index
    %swap3A_548 = tpu.vector_load %arg18[%swap3A_547] {strides = array<i32>} : memref<64xi32, #tpu.memory_space<vmem>>, vector<16xi32>,
    %swap3A_549 = vector.shape_cast %swap3A_548 : vector<16xi32> to vector<16xi32>
    %swap3A_550 = vector.shape_cast %add3A_546 : vector<16xi32> to vector<16xi32>
    tpu.vector_store %arg18[%swap3A_547], %swap3A_550 {strides = array<i32>} : memref<64xi32, #tpu.memory_space<vmem>>, vector<16xi32>,
    %get3A_551 = arith.constant 48 : index
    %get3A_552 = tpu.vector_load %arg14[%get3A_551] {strides = array<i32>} : memref<128xi32, #tpu.memory_space<vmem>>, vector<16xi32>,
    %get3A_553 = vector.shape_cast %get3A_552 : vector<16xi32> to vector<16xi32>
    %add3A_554 = vector.broadcast %mul3A_0 : i32 to vector<16xi32>
    %add3A_555 = arith.addi %get3A_553, %add3A_554 : vector<16xi32>
    %swap3A_556 = arith.constant 48 : index
    %swap3A_557 = tpu.vector_load %arg16[%swap3A_556] {strides = array<i32>} : memref<64xi32, #tpu.memory_space<vmem>>, vector<16xi32>,
    %swap3A_558 = vector.shape_cast %swap3A_557 : vector<16xi32> to vector<16xi32>
    %swap3A_559 = vector.shape_cast %add3A_555 : vector<16xi32> to vector<16xi32>
    tpu.vector_store %arg16[%swap3A_556], %swap3A_559 {strides = array<i32>} : memref<64xi32, #tpu.memory_space<vmem>>, vector<16xi32>,
    %get3A_560 = arith.constant 112 : index
    %get3A_561 = tpu.vector_load %arg14[%get3A_560] {strides = array<i32>} : memref<128xi32, #tpu.memory_space<vmem>>, vector<16xi32>,
    %get3A_562 = vector.shape_cast %get3A_561 : vector<16xi32> to vector<16xi32>
    %add3A_563 = vector.broadcast %mul3A_0 : i32 to vector<16xi32>
    %add3A_564 = arith.addi %get3A_562, %add3A_563 : vector<16xi32>
    %swap3A_565 = arith.constant 48 : index
    %swap3A_566 = tpu.vector_load %arg18[%swap3A_565] {strides = array<i32>} : memref<64xi32, #tpu.memory_space<vmem>>, vector<16xi32>,
    %swap3A_567 = vector.shape_cast %swap3A_566 : vector<16xi32> to vector<16xi32>
    %swap3A_568 = vector.shape_cast %add3A_564 : vector<16xi32> to vector<16xi32>
    tpu.vector_store %arg18[%swap3A_565], %swap3A_568 {strides = array<i32>} : memref<64xi32, #tpu.memory_space<vmem>>, vector<16xi32>,
    %dma_start3A_569 = arith.constant 0 : i32
    %dma_start3A_570 = arith.constant 0 : i32
    %dma_start3A_571 = tpu.memref_slice %arg5[%dma_start3A_569, %dma_start3A_570] : memref<20480x128xf32, #tpu.memory_space<hbm>> -> memref<20480x128xf32, #tpu.memory_space<hbm>>
    tpu.enqueue_indirect_dma source(%dma_start3A_571 : memref<20480x128xf32, #tpu.memory_space<hbm>>) target(%arg12 : memref<64x128xf32, #tpu.memory_space<vmem>>) offsets(%arg16 : memref<64xi32, #tpu.memory_space<vmem>>) semaphore(%arg30 : memref<!tpu.dma_semaphore, #tpu.memory_space<semaphore_mem>>)
    %dma_start3A_572 = arith.constant 0 : i32
    %dma_start3A_573 = arith.constant 0 : i32
    %dma_start3A_574 = tpu.memref_slice %arg5[%dma_start3A_572, %dma_start3A_573] : memref<20480x128xf32, #tpu.memory_space<hbm>> -> memref<20480x128xf32, #tpu.memory_space<hbm>>
    tpu.enqueue_indirect_dma source(%dma_start3A_574 : memref<20480x128xf32, #tpu.memory_space<hbm>>) target(%arg10 : memref<64x128xf32, #tpu.memory_space<vmem>>) offsets(%arg18 : memref<64xi32, #tpu.memory_space<vmem>>) semaphore(%arg28 : memref<!tpu.dma_semaphore, #tpu.memory_space<semaphore_mem>>)
    %add3A_575 = arith.constant 2 : i32
    %add3A_576 = arith.addi %mul3A_4, %add3A_575 : i32
    %mul3A_577 = arith.constant 2 : i32
    %mul3A_578 = arith.muli %add3A_576, %mul3A_577 : i32
    %mul3A_579 = arith.constant 64 : i32
    %mul3A_580 = arith.muli %mul3A_578, %mul3A_579 : i32
    %dma_start3A_581 = tpu.memref_slice %arg3[%mul3A_580] : memref<328192xi32, #tpu.memory_space<hbm>> -> memref<128xi32, #tpu.memory_space<hbm>>
    %dma_start3A_582 = tpu.memref_slice %arg3[%mul3A_580] : memref<328192xi32, #tpu.memory_space<hbm>> -> memref<128xi32, #tpu.memory_space<hbm>>
    tpu.enqueue_dma source(%dma_start3A_582 : memref<128xi32, #tpu.memory_space<hbm>>) target(%arg13 : memref<128xi32, #tpu.memory_space<vmem>>) target_semaphore(%arg33 : memref<!tpu.dma_semaphore, #tpu.memory_space<semaphore_mem>>)
    %add3A_583 = arith.constant 3 : i32
    %add3A_584 = arith.addi %mul3A_4, %add3A_583 : i32
    %mul3A_585 = arith.constant 2 : i32
    %mul3A_586 = arith.muli %add3A_584, %mul3A_585 : i32
    %mul3A_587 = arith.constant 64 : i32
    %mul3A_588 = arith.muli %mul3A_586, %mul3A_587 : i32
    %dma_start3A_589 = tpu.memref_slice %arg3[%mul3A_588] : memref<328192xi32, #tpu.memory_space<hbm>> -> memref<128xi32, #tpu.memory_space<hbm>>
    %dma_start3A_590 = tpu.memref_slice %arg3[%mul3A_588] : memref<328192xi32, #tpu.memory_space<hbm>> -> memref<128xi32, #tpu.memory_space<hbm>>
    tpu.enqueue_dma source(%dma_start3A_590 : memref<128xi32, #tpu.memory_space<hbm>>) target(%arg14 : memref<128xi32, #tpu.memory_space<vmem>>) target_semaphore(%arg34 : memref<!tpu.dma_semaphore, #tpu.memory_space<semaphore_mem>>)
    %scan3A_591 = arith.constant 0 : i32
    %scan3A_592 = arith.constant 0 : i32
    %scan3A_593 = arith.constant 80 : i32
    %scan3A_594 = arith.addi %scan3A_592, %scan3A_593 : i32
    %scan3A_595 = arith.constant 1 : i32
    scf.for %scan3A_672 = %scan3A_592 to %scan3A_594 step %scan3A_595  : i32 {
      %mul3A_673 = arith.constant 2 : i32
      %mul3A_674 = arith.muli %mul3A_673, %scan3A_672 : i32
      %dma_wait3A_675 = arith.constant 0 : i32
      %dma_wait3A_676 = arith.constant 0 : i32
      %dma_wait3A_677 = tpu.memref_slice %arg5[%dma_wait3A_675, %dma_wait3A_676] : memref<20480x128xf32, #tpu.memory_space<hbm>> -> memref<20480x128xf32, #tpu.memory_space<hbm>>
      tpu.wait_indirect_dma semaphore(%arg27 : memref<!tpu.dma_semaphore, #tpu.memory_space<semaphore_mem>>) src(%dma_wait3A_677 : memref<20480x128xf32, #tpu.memory_space<hbm>>) dst(%arg9 : memref<64x128xf32, #tpu.memory_space<vmem>>)
      %dma_wait3A_678 = arith.constant 0 : i32
      %dma_wait3A_679 = arith.constant 0 : i32
      %dma_wait3A_680 = tpu.memref_slice %arg5[%dma_wait3A_678, %dma_wait3A_679] : memref<20480x128xf32, #tpu.memory_space<hbm>> -> memref<20480x128xf32, #tpu.memory_space<hbm>>
      tpu.wait_indirect_dma semaphore(%arg29 : memref<!tpu.dma_semaphore, #tpu.memory_space<semaphore_mem>>) src(%dma_wait3A_680 : memref<20480x128xf32, #tpu.memory_space<hbm>>) dst(%arg11 : memref<64x128xf32, #tpu.memory_space<vmem>>)
      %scan3A_681 = arith.constant 0 : i32
      %scan3A_682 = arith.constant 0 : i32
      %scan3A_683 = arith.constant 64 : i32
      %scan3A_684 = arith.addi %scan3A_682, %scan3A_683 : i32
      %scan3A_685 = arith.constant 1 : i32
      scf.for %scan3A_978 = %scan3A_682 to %scan3A_684 step %scan3A_685  : i32 {
        %get3A_979 = arith.index_cast %scan3A_978 : i32 to index
        %get3A_980 = arith.constant 0 : index
        %get3A_981 = tpu.vector_load %arg9[%get3A_979, %get3A_980] {strides = array<i32>} : memref<64x128xf32, #tpu.memory_space<vmem>>, vector<1x16xf32>,
        %get3A_982 = vector.shape_cast %get3A_981 : vector<1x16xf32> to vector<16xf32>
        %get3A_983 = arith.index_cast %scan3A_978 : i32 to index
        %get3A_984 = arith.constant 0 : index
        %get3A_985 = tpu.vector_load %arg11[%get3A_983, %get3A_984] {strides = array<i32>} : memref<64x128xf32, #tpu.memory_space<vmem>>, vector<1x16xf32>,
        %get3A_986 = vector.shape_cast %get3A_985 : vector<1x16xf32> to vector<16xf32>
        %sub3A_987 = arith.subf %get3A_982, %get3A_986 : vector<16xf32>
        %abs3A = math.absf %sub3A_987 : vector<16xf32>
        %add3A_988 = arith.constant 9.99999971E-10 : f32
        %add3A_989 = vector.broadcast %add3A_988 : f32 to vector<16xf32>
        %add3A_990 = arith.addf %abs3A, %add3A_989 : vector<16xf32>
        %bitcast_convert_type3A = tpu.bitcast %add3A_990 : vector<16xf32> -> vector<16xi32>
        %shift_right_arithmetic3A = arith.constant 1 : i32
        %shift_right_arithmetic3A_991 = vector.broadcast %shift_right_arithmetic3A : i32 to vector<16xi32>
        %shift_right_arithmetic3A_992 = arith.shrsi %bitcast_convert_type3A, %shift_right_arithmetic3A_991 : vector<16xi32>
        %sub3A_993 = arith.constant 1597463007 : i32
        %sub3A_994 = vector.broadcast %sub3A_993 : i32 to vector<16xi32>
        %sub3A_995 = arith.subi %sub3A_994, %shift_right_arithmetic3A_992 : vector<16xi32>
        %bitcast_convert_type3A_996 = tpu.bitcast %sub3A_995 : vector<16xi32> -> vector<16xf32>
        %mul3A_997 = arith.constant 5.000000e-01 : f32
        %mul3A_998 = vector.broadcast %mul3A_997 : f32 to vector<16xf32>
        %mul3A_999 = arith.mulf %add3A_990, %mul3A_998 : vector<16xf32>
        %mul3A_1000 = arith.mulf %mul3A_999, %bitcast_convert_type3A_996 : vector<16xf32>
        %mul3A_1001 = arith.mulf %mul3A_1000, %bitcast_convert_type3A_996 : vector<16xf32>
        %sub3A_1002 = arith.constant 1.500000e+00 : f32
        %sub3A_1003 = vector.broadcast %sub3A_1002 : f32 to vector<16xf32>
        %sub3A_1004 = arith.subf %sub3A_1003, %mul3A_1001 : vector<16xf32>
        %mul3A_1005 = arith.mulf %bitcast_convert_type3A_996, %sub3A_1004 : vector<16xf32>
        %mul3A_1006 = arith.mulf %add3A_990, %mul3A_1005 : vector<16xf32>
        %mul3A_1007 = arith.mulf %mul3A_1006, %sub3A_987 : vector<16xf32>
        %sub3A_1008 = arith.subf %get3A_982, %mul3A_1007 : vector<16xf32>
        %swap3A_1009 = arith.index_cast %scan3A_978 : i32 to index
        %swap3A_1010 = arith.constant 0 : index
        %swap3A_1011 = tpu.vector_load %arg9[%swap3A_1009, %swap3A_1010] {strides = array<i32>} : memref<64x128xf32, #tpu.memory_space<vmem>>, vector<1x16xf32>,
        %swap3A_1012 = vector.shape_cast %swap3A_1011 : vector<1x16xf32> to vector<16xf32>
        %swap3A_1013 = vector.shape_cast %sub3A_1008 : vector<16xf32> to vector<1x16xf32>
        tpu.vector_store %arg9[%swap3A_1009, %swap3A_1010], %swap3A_1013 {strides = array<i32>} : memref<64x128xf32, #tpu.memory_space<vmem>>, vector<1x16xf32>,
        %get3A_1014 = arith.index_cast %scan3A_978 : i32 to index
        %get3A_1015 = arith.constant 16 : index
        %get3A_1016 = tpu.vector_load %arg9[%get3A_1014, %get3A_1015] {strides = array<i32>} : memref<64x128xf32, #tpu.memory_space<vmem>>, vector<1x16xf32>,
        %get3A_1017 = vector.shape_cast %get3A_1016 : vector<1x16xf32> to vector<16xf32>
        %get3A_1018 = arith.index_cast %scan3A_978 : i32 to index
        %get3A_1019 = arith.constant 16 : index
        %get3A_1020 = tpu.vector_load %arg11[%get3A_1018, %get3A_1019] {strides = array<i32>} : memref<64x128xf32, #tpu.memory_space<vmem>>, vector<1x16xf32>,
        %get3A_1021 = vector.shape_cast %get3A_1020 : vector<1x16xf32> to vector<16xf32>
        %sub3A_1022 = arith.subf %get3A_1017, %get3A_1021 : vector<16xf32>
        %abs3A_1023 = math.absf %sub3A_1022 : vector<16xf32>
        %add3A_1024 = arith.constant 9.99999971E-10 : f32
        %add3A_1025 = vector.broadcast %add3A_1024 : f32 to vector<16xf32>
        %add3A_1026 = arith.addf %abs3A_1023, %add3A_1025 : vector<16xf32>
        %bitcast_convert_type3A_1027 = tpu.bitcast %add3A_1026 : vector<16xf32> -> vector<16xi32>
        %shift_right_arithmetic3A_1028 = arith.constant 1 : i32
        %shift_right_arithmetic3A_1029 = vector.broadcast %shift_right_arithmetic3A_1028 : i32 to vector<16xi32>
        %shift_right_arithmetic3A_1030 = arith.shrsi %bitcast_convert_type3A_1027, %shift_right_arithmetic3A_1029 : vector<16xi32>
        %sub3A_1031 = arith.constant 1597463007 : i32
        %sub3A_1032 = vector.broadcast %sub3A_1031 : i32 to vector<16xi32>
        %sub3A_1033 = arith.subi %sub3A_1032, %shift_right_arithmetic3A_1030 : vector<16xi32>
        %bitcast_convert_type3A_1034 = tpu.bitcast %sub3A_1033 : vector<16xi32> -> vector<16xf32>
        %mul3A_1035 = arith.constant 5.000000e-01 : f32
        %mul3A_1036 = vector.broadcast %mul3A_1035 : f32 to vector<16xf32>
        %mul3A_1037 = arith.mulf %add3A_1026, %mul3A_1036 : vector<16xf32>
        %mul3A_1038 = arith.mulf %mul3A_1037, %bitcast_convert_type3A_1034 : vector<16xf32>
        %mul3A_1039 = arith.mulf %mul3A_1038, %bitcast_convert_type3A_1034 : vector<16xf32>
        %sub3A_1040 = arith.constant 1.500000e+00 : f32
        %sub3A_1041 = vector.broadcast %sub3A_1040 : f32 to vector<16xf32>
        %sub3A_1042 = arith.subf %sub3A_1041, %mul3A_1039 : vector<16xf32>
        %mul3A_1043 = arith.mulf %bitcast_convert_type3A_1034, %sub3A_1042 : vector<16xf32>
        %mul3A_1044 = arith.mulf %add3A_1026, %mul3A_1043 : vector<16xf32>
        %mul3A_1045 = arith.mulf %mul3A_1044, %sub3A_1022 : vector<16xf32>
        %sub3A_1046 = arith.subf %get3A_1017, %mul3A_1045 : vector<16xf32>
        %swap3A_1047 = arith.index_cast %scan3A_978 : i32 to index
        %swap3A_1048 = arith.constant 16 : index
        %swap3A_1049 = tpu.vector_load %arg9[%swap3A_1047, %swap3A_1048] {strides = array<i32>} : memref<64x128xf32, #tpu.memory_space<vmem>>, vector<1x16xf32>,
        %swap3A_1050 = vector.shape_cast %swap3A_1049 : vector<1x16xf32> to vector<16xf32>
        %swap3A_1051 = vector.shape_cast %sub3A_1046 : vector<16xf32> to vector<1x16xf32>
        tpu.vector_store %arg9[%swap3A_1047, %swap3A_1048], %swap3A_1051 {strides = array<i32>} : memref<64x128xf32, #tpu.memory_space<vmem>>, vector<1x16xf32>,
        %get3A_1052 = arith.index_cast %scan3A_978 : i32 to index
        %get3A_1053 = arith.constant 32 : index
        %get3A_1054 = tpu.vector_load %arg9[%get3A_1052, %get3A_1053] {strides = array<i32>} : memref<64x128xf32, #tpu.memory_space<vmem>>, vector<1x16xf32>,
        %get3A_1055 = vector.shape_cast %get3A_1054 : vector<1x16xf32> to vector<16xf32>
        %get3A_1056 = arith.index_cast %scan3A_978 : i32 to index
        %get3A_1057 = arith.constant 32 : index
        %get3A_1058 = tpu.vector_load %arg11[%get3A_1056, %get3A_1057] {strides = array<i32>} : memref<64x128xf32, #tpu.memory_space<vmem>>, vector<1x16xf32>,
        %get3A_1059 = vector.shape_cast %get3A_1058 : vector<1x16xf32> to vector<16xf32>
        %sub3A_1060 = arith.subf %get3A_1055, %get3A_1059 : vector<16xf32>
        %abs3A_1061 = math.absf %sub3A_1060 : vector<16xf32>
        %add3A_1062 = arith.constant 9.99999971E-10 : f32
        %add3A_1063 = vector.broadcast %add3A_1062 : f32 to vector<16xf32>
        %add3A_1064 = arith.addf %abs3A_1061, %add3A_1063 : vector<16xf32>
        %bitcast_convert_type3A_1065 = tpu.bitcast %add3A_1064 : vector<16xf32> -> vector<16xi32>
        %shift_right_arithmetic3A_1066 = arith.constant 1 : i32
        %shift_right_arithmetic3A_1067 = vector.broadcast %shift_right_arithmetic3A_1066 : i32 to vector<16xi32>
        %shift_right_arithmetic3A_1068 = arith.shrsi %bitcast_convert_type3A_1065, %shift_right_arithmetic3A_1067 : vector<16xi32>
        %sub3A_1069 = arith.constant 1597463007 : i32
        %sub3A_1070 = vector.broadcast %sub3A_1069 : i32 to vector<16xi32>
        %sub3A_1071 = arith.subi %sub3A_1070, %shift_right_arithmetic3A_1068 : vector<16xi32>
        %bitcast_convert_type3A_1072 = tpu.bitcast %sub3A_1071 : vector<16xi32> -> vector<16xf32>
        %mul3A_1073 = arith.constant 5.000000e-01 : f32
        %mul3A_1074 = vector.broadcast %mul3A_1073 : f32 to vector<16xf32>
        %mul3A_1075 = arith.mulf %add3A_1064, %mul3A_1074 : vector<16xf32>
        %mul3A_1076 = arith.mulf %mul3A_1075, %bitcast_convert_type3A_1072 : vector<16xf32>
        %mul3A_1077 = arith.mulf %mul3A_1076, %bitcast_convert_type3A_1072 : vector<16xf32>
        %sub3A_1078 = arith.constant 1.500000e+00 : f32
        %sub3A_1079 = vector.broadcast %sub3A_1078 : f32 to vector<16xf32>
        %sub3A_1080 = arith.subf %sub3A_1079, %mul3A_1077 : vector<16xf32>
        %mul3A_1081 = arith.mulf %bitcast_convert_type3A_1072, %sub3A_1080 : vector<16xf32>
        %mul3A_1082 = arith.mulf %add3A_1064, %mul3A_1081 : vector<16xf32>
        %mul3A_1083 = arith.mulf %mul3A_1082, %sub3A_1060 : vector<16xf32>
        %sub3A_1084 = arith.subf %get3A_1055, %mul3A_1083 : vector<16xf32>
        %swap3A_1085 = arith.index_cast %scan3A_978 : i32 to index
        %swap3A_1086 = arith.constant 32 : index
        %swap3A_1087 = tpu.vector_load %arg9[%swap3A_1085, %swap3A_1086] {strides = array<i32>} : memref<64x128xf32, #tpu.memory_space<vmem>>, vector<1x16xf32>,
        %swap3A_1088 = vector.shape_cast %swap3A_1087 : vector<1x16xf32> to vector<16xf32>
        %swap3A_1089 = vector.shape_cast %sub3A_1084 : vector<16xf32> to vector<1x16xf32>
        tpu.vector_store %arg9[%swap3A_1085, %swap3A_1086], %swap3A_1089 {strides = array<i32>} : memref<64x128xf32, #tpu.memory_space<vmem>>, vector<1x16xf32>,
        %get3A_1090 = arith.index_cast %scan3A_978 : i32 to index
        %get3A_1091 = arith.constant 48 : index
        %get3A_1092 = tpu.vector_load %arg9[%get3A_1090, %get3A_1091] {strides = array<i32>} : memref<64x128xf32, #tpu.memory_space<vmem>>, vector<1x16xf32>,
        %get3A_1093 = vector.shape_cast %get3A_1092 : vector<1x16xf32> to vector<16xf32>
        %get3A_1094 = arith.index_cast %scan3A_978 : i32 to index
        %get3A_1095 = arith.constant 48 : index
        %get3A_1096 = tpu.vector_load %arg11[%get3A_1094, %get3A_1095] {strides = array<i32>} : memref<64x128xf32, #tpu.memory_space<vmem>>, vector<1x16xf32>,
        %get3A_1097 = vector.shape_cast %get3A_1096 : vector<1x16xf32> to vector<16xf32>
        %sub3A_1098 = arith.subf %get3A_1093, %get3A_1097 : vector<16xf32>
        %abs3A_1099 = math.absf %sub3A_1098 : vector<16xf32>
        %add3A_1100 = arith.constant 9.99999971E-10 : f32
        %add3A_1101 = vector.broadcast %add3A_1100 : f32 to vector<16xf32>
        %add3A_1102 = arith.addf %abs3A_1099, %add3A_1101 : vector<16xf32>
        %bitcast_convert_type3A_1103 = tpu.bitcast %add3A_1102 : vector<16xf32> -> vector<16xi32>
        %shift_right_arithmetic3A_1104 = arith.constant 1 : i32
        %shift_right_arithmetic3A_1105 = vector.broadcast %shift_right_arithmetic3A_1104 : i32 to vector<16xi32>
        %shift_right_arithmetic3A_1106 = arith.shrsi %bitcast_convert_type3A_1103, %shift_right_arithmetic3A_1105 : vector<16xi32>
        %sub3A_1107 = arith.constant 1597463007 : i32
        %sub3A_1108 = vector.broadcast %sub3A_1107 : i32 to vector<16xi32>
        %sub3A_1109 = arith.subi %sub3A_1108, %shift_right_arithmetic3A_1106 : vector<16xi32>
        %bitcast_convert_type3A_1110 = tpu.bitcast %sub3A_1109 : vector<16xi32> -> vector<16xf32>
        %mul3A_1111 = arith.constant 5.000000e-01 : f32
        %mul3A_1112 = vector.broadcast %mul3A_1111 : f32 to vector<16xf32>
        %mul3A_1113 = arith.mulf %add3A_1102, %mul3A_1112 : vector<16xf32>
        %mul3A_1114 = arith.mulf %mul3A_1113, %bitcast_convert_type3A_1110 : vector<16xf32>
        %mul3A_1115 = arith.mulf %mul3A_1114, %bitcast_convert_type3A_1110 : vector<16xf32>
        %sub3A_1116 = arith.constant 1.500000e+00 : f32
        %sub3A_1117 = vector.broadcast %sub3A_1116 : f32 to vector<16xf32>
        %sub3A_1118 = arith.subf %sub3A_1117, %mul3A_1115 : vector<16xf32>
        %mul3A_1119 = arith.mulf %bitcast_convert_type3A_1110, %sub3A_1118 : vector<16xf32>
        %mul3A_1120 = arith.mulf %add3A_1102, %mul3A_1119 : vector<16xf32>
        %mul3A_1121 = arith.mulf %mul3A_1120, %sub3A_1098 : vector<16xf32>
        %sub3A_1122 = arith.subf %get3A_1093, %mul3A_1121 : vector<16xf32>
        %swap3A_1123 = arith.index_cast %scan3A_978 : i32 to index
        %swap3A_1124 = arith.constant 48 : index
        %swap3A_1125 = tpu.vector_load %arg9[%swap3A_1123, %swap3A_1124] {strides = array<i32>} : memref<64x128xf32, #tpu.memory_space<vmem>>, vector<1x16xf32>,
        %swap3A_1126 = vector.shape_cast %swap3A_1125 : vector<1x16xf32> to vector<16xf32>
        %swap3A_1127 = vector.shape_cast %sub3A_1122 : vector<16xf32> to vector<1x16xf32>
        tpu.vector_store %arg9[%swap3A_1123, %swap3A_1124], %swap3A_1127 {strides = array<i32>} : memref<64x128xf32, #tpu.memory_space<vmem>>, vector<1x16xf32>,
        %get3A_1128 = arith.index_cast %scan3A_978 : i32 to index
        %get3A_1129 = arith.constant 64 : index
        %get3A_1130 = tpu.vector_load %arg9[%get3A_1128, %get3A_1129] {strides = array<i32>} : memref<64x128xf32, #tpu.memory_space<vmem>>, vector<1x16xf32>,
        %get3A_1131 = vector.shape_cast %get3A_1130 : vector<1x16xf32> to vector<16xf32>
        %get3A_1132 = arith.index_cast %scan3A_978 : i32 to index
        %get3A_1133 = arith.constant 64 : index
        %get3A_1134 = tpu.vector_load %arg11[%get3A_1132, %get3A_1133] {strides = array<i32>} : memref<64x128xf32, #tpu.memory_space<vmem>>, vector<1x16xf32>,
        %get3A_1135 = vector.shape_cast %get3A_1134 : vector<1x16xf32> to vector<16xf32>
        %sub3A_1136 = arith.subf %get3A_1131, %get3A_1135 : vector<16xf32>
        %abs3A_1137 = math.absf %sub3A_1136 : vector<16xf32>
        %add3A_1138 = arith.constant 9.99999971E-10 : f32
        %add3A_1139 = vector.broadcast %add3A_1138 : f32 to vector<16xf32>
        %add3A_1140 = arith.addf %abs3A_1137, %add3A_1139 : vector<16xf32>
        %bitcast_convert_type3A_1141 = tpu.bitcast %add3A_1140 : vector<16xf32> -> vector<16xi32>
        %shift_right_arithmetic3A_1142 = arith.constant 1 : i32
        %shift_right_arithmetic3A_1143 = vector.broadcast %shift_right_arithmetic3A_1142 : i32 to vector<16xi32>
        %shift_right_arithmetic3A_1144 = arith.shrsi %bitcast_convert_type3A_1141, %shift_right_arithmetic3A_1143 : vector<16xi32>
        %sub3A_1145 = arith.constant 1597463007 : i32
        %sub3A_1146 = vector.broadcast %sub3A_1145 : i32 to vector<16xi32>
        %sub3A_1147 = arith.subi %sub3A_1146, %shift_right_arithmetic3A_1144 : vector<16xi32>
        %bitcast_convert_type3A_1148 = tpu.bitcast %sub3A_1147 : vector<16xi32> -> vector<16xf32>
        %mul3A_1149 = arith.constant 5.000000e-01 : f32
        %mul3A_1150 = vector.broadcast %mul3A_1149 : f32 to vector<16xf32>
        %mul3A_1151 = arith.mulf %add3A_1140, %mul3A_1150 : vector<16xf32>
        %mul3A_1152 = arith.mulf %mul3A_1151, %bitcast_convert_type3A_1148 : vector<16xf32>
        %mul3A_1153 = arith.mulf %mul3A_1152, %bitcast_convert_type3A_1148 : vector<16xf32>
        %sub3A_1154 = arith.constant 1.500000e+00 : f32
        %sub3A_1155 = vector.broadcast %sub3A_1154 : f32 to vector<16xf32>
        %sub3A_1156 = arith.subf %sub3A_1155, %mul3A_1153 : vector<16xf32>
        %mul3A_1157 = arith.mulf %bitcast_convert_type3A_1148, %sub3A_1156 : vector<16xf32>
        %mul3A_1158 = arith.mulf %add3A_1140, %mul3A_1157 : vector<16xf32>
        %mul3A_1159 = arith.mulf %mul3A_1158, %sub3A_1136 : vector<16xf32>
        %sub3A_1160 = arith.subf %get3A_1131, %mul3A_1159 : vector<16xf32>
        %swap3A_1161 = arith.index_cast %scan3A_978 : i32 to index
        %swap3A_1162 = arith.constant 64 : index
        %swap3A_1163 = tpu.vector_load %arg9[%swap3A_1161, %swap3A_1162] {strides = array<i32>} : memref<64x128xf32, #tpu.memory_space<vmem>>, vector<1x16xf32>,
        %swap3A_1164 = vector.shape_cast %swap3A_1163 : vector<1x16xf32> to vector<16xf32>
        %swap3A_1165 = vector.shape_cast %sub3A_1160 : vector<16xf32> to vector<1x16xf32>
        tpu.vector_store %arg9[%swap3A_1161, %swap3A_1162], %swap3A_1165 {strides = array<i32>} : memref<64x128xf32, #tpu.memory_space<vmem>>, vector<1x16xf32>,
        %get3A_1166 = arith.index_cast %scan3A_978 : i32 to index
        %get3A_1167 = arith.constant 80 : index
        %get3A_1168 = tpu.vector_load %arg9[%get3A_1166, %get3A_1167] {strides = array<i32>} : memref<64x128xf32, #tpu.memory_space<vmem>>, vector<1x16xf32>,
        %get3A_1169 = vector.shape_cast %get3A_1168 : vector<1x16xf32> to vector<16xf32>
        %get3A_1170 = arith.index_cast %scan3A_978 : i32 to index
        %get3A_1171 = arith.constant 80 : index
        %get3A_1172 = tpu.vector_load %arg11[%get3A_1170, %get3A_1171] {strides = array<i32>} : memref<64x128xf32, #tpu.memory_space<vmem>>, vector<1x16xf32>,
        %get3A_1173 = vector.shape_cast %get3A_1172 : vector<1x16xf32> to vector<16xf32>
        %sub3A_1174 = arith.subf %get3A_1169, %get3A_1173 : vector<16xf32>
        %abs3A_1175 = math.absf %sub3A_1174 : vector<16xf32>
        %add3A_1176 = arith.constant 9.99999971E-10 : f32
        %add3A_1177 = vector.broadcast %add3A_1176 : f32 to vector<16xf32>
        %add3A_1178 = arith.addf %abs3A_1175, %add3A_1177 : vector<16xf32>
        %bitcast_convert_type3A_1179 = tpu.bitcast %add3A_1178 : vector<16xf32> -> vector<16xi32>
        %shift_right_arithmetic3A_1180 = arith.constant 1 : i32
        %shift_right_arithmetic3A_1181 = vector.broadcast %shift_right_arithmetic3A_1180 : i32 to vector<16xi32>
        %shift_right_arithmetic3A_1182 = arith.shrsi %bitcast_convert_type3A_1179, %shift_right_arithmetic3A_1181 : vector<16xi32>
        %sub3A_1183 = arith.constant 1597463007 : i32
        %sub3A_1184 = vector.broadcast %sub3A_1183 : i32 to vector<16xi32>
        %sub3A_1185 = arith.subi %sub3A_1184, %shift_right_arithmetic3A_1182 : vector<16xi32>
        %bitcast_convert_type3A_1186 = tpu.bitcast %sub3A_1185 : vector<16xi32> -> vector<16xf32>
        %mul3A_1187 = arith.constant 5.000000e-01 : f32
        %mul3A_1188 = vector.broadcast %mul3A_1187 : f32 to vector<16xf32>
        %mul3A_1189 = arith.mulf %add3A_1178, %mul3A_1188 : vector<16xf32>
        %mul3A_1190 = arith.mulf %mul3A_1189, %bitcast_convert_type3A_1186 : vector<16xf32>
        %mul3A_1191 = arith.mulf %mul3A_1190, %bitcast_convert_type3A_1186 : vector<16xf32>
        %sub3A_1192 = arith.constant 1.500000e+00 : f32
        %sub3A_1193 = vector.broadcast %sub3A_1192 : f32 to vector<16xf32>
        %sub3A_1194 = arith.subf %sub3A_1193, %mul3A_1191 : vector<16xf32>
        %mul3A_1195 = arith.mulf %bitcast_convert_type3A_1186, %sub3A_1194 : vector<16xf32>
        %mul3A_1196 = arith.mulf %add3A_1178, %mul3A_1195 : vector<16xf32>
        %mul3A_1197 = arith.mulf %mul3A_1196, %sub3A_1174 : vector<16xf32>
        %sub3A_1198 = arith.subf %get3A_1169, %mul3A_1197 : vector<16xf32>
        %swap3A_1199 = arith.index_cast %scan3A_978 : i32 to index
        %swap3A_1200 = arith.constant 80 : index
        %swap3A_1201 = tpu.vector_load %arg9[%swap3A_1199, %swap3A_1200] {strides = array<i32>} : memref<64x128xf32, #tpu.memory_space<vmem>>, vector<1x16xf32>,
        %swap3A_1202 = vector.shape_cast %swap3A_1201 : vector<1x16xf32> to vector<16xf32>
        %swap3A_1203 = vector.shape_cast %sub3A_1198 : vector<16xf32> to vector<1x16xf32>
        tpu.vector_store %arg9[%swap3A_1199, %swap3A_1200], %swap3A_1203 {strides = array<i32>} : memref<64x128xf32, #tpu.memory_space<vmem>>, vector<1x16xf32>,
        %get3A_1204 = arith.index_cast %scan3A_978 : i32 to index
        %get3A_1205 = arith.constant 96 : index
        %get3A_1206 = tpu.vector_load %arg9[%get3A_1204, %get3A_1205] {strides = array<i32>} : memref<64x128xf32, #tpu.memory_space<vmem>>, vector<1x16xf32>,
        %get3A_1207 = vector.shape_cast %get3A_1206 : vector<1x16xf32> to vector<16xf32>
        %get3A_1208 = arith.index_cast %scan3A_978 : i32 to index
        %get3A_1209 = arith.constant 96 : index
        %get3A_1210 = tpu.vector_load %arg11[%get3A_1208, %get3A_1209] {strides = array<i32>} : memref<64x128xf32, #tpu.memory_space<vmem>>, vector<1x16xf32>,
        %get3A_1211 = vector.shape_cast %get3A_1210 : vector<1x16xf32> to vector<16xf32>
        %sub3A_1212 = arith.subf %get3A_1207, %get3A_1211 : vector<16xf32>
        %abs3A_1213 = math.absf %sub3A_1212 : vector<16xf32>
        %add3A_1214 = arith.constant 9.99999971E-10 : f32
        %add3A_1215 = vector.broadcast %add3A_1214 : f32 to vector<16xf32>
        %add3A_1216 = arith.addf %abs3A_1213, %add3A_1215 : vector<16xf32>
        %bitcast_convert_type3A_1217 = tpu.bitcast %add3A_1216 : vector<16xf32> -> vector<16xi32>
        %shift_right_arithmetic3A_1218 = arith.constant 1 : i32
        %shift_right_arithmetic3A_1219 = vector.broadcast %shift_right_arithmetic3A_1218 : i32 to vector<16xi32>
        %shift_right_arithmetic3A_1220 = arith.shrsi %bitcast_convert_type3A_1217, %shift_right_arithmetic3A_1219 : vector<16xi32>
        %sub3A_1221 = arith.constant 1597463007 : i32
        %sub3A_1222 = vector.broadcast %sub3A_1221 : i32 to vector<16xi32>
        %sub3A_1223 = arith.subi %sub3A_1222, %shift_right_arithmetic3A_1220 : vector<16xi32>
        %bitcast_convert_type3A_1224 = tpu.bitcast %sub3A_1223 : vector<16xi32> -> vector<16xf32>
        %mul3A_1225 = arith.constant 5.000000e-01 : f32
        %mul3A_1226 = vector.broadcast %mul3A_1225 : f32 to vector<16xf32>
        %mul3A_1227 = arith.mulf %add3A_1216, %mul3A_1226 : vector<16xf32>
        %mul3A_1228 = arith.mulf %mul3A_1227, %bitcast_convert_type3A_1224 : vector<16xf32>
        %mul3A_1229 = arith.mulf %mul3A_1228, %bitcast_convert_type3A_1224 : vector<16xf32>
        %sub3A_1230 = arith.constant 1.500000e+00 : f32
        %sub3A_1231 = vector.broadcast %sub3A_1230 : f32 to vector<16xf32>
        %sub3A_1232 = arith.subf %sub3A_1231, %mul3A_1229 : vector<16xf32>
        %mul3A_1233 = arith.mulf %bitcast_convert_type3A_1224, %sub3A_1232 : vector<16xf32>
        %mul3A_1234 = arith.mulf %add3A_1216, %mul3A_1233 : vector<16xf32>
        %mul3A_1235 = arith.mulf %mul3A_1234, %sub3A_1212 : vector<16xf32>
        %sub3A_1236 = arith.subf %get3A_1207, %mul3A_1235 : vector<16xf32>
        %swap3A_1237 = arith.index_cast %scan3A_978 : i32 to index
        %swap3A_1238 = arith.constant 96 : index
        %swap3A_1239 = tpu.vector_load %arg9[%swap3A_1237, %swap3A_1238] {strides = array<i32>} : memref<64x128xf32, #tpu.memory_space<vmem>>, vector<1x16xf32>,
        %swap3A_1240 = vector.shape_cast %swap3A_1239 : vector<1x16xf32> to vector<16xf32>
        %swap3A_1241 = vector.shape_cast %sub3A_1236 : vector<16xf32> to vector<1x16xf32>
        tpu.vector_store %arg9[%swap3A_1237, %swap3A_1238], %swap3A_1241 {strides = array<i32>} : memref<64x128xf32, #tpu.memory_space<vmem>>, vector<1x16xf32>,
        %get3A_1242 = arith.index_cast %scan3A_978 : i32 to index
        %get3A_1243 = arith.constant 112 : index
        %get3A_1244 = tpu.vector_load %arg9[%get3A_1242, %get3A_1243] {strides = array<i32>} : memref<64x128xf32, #tpu.memory_space<vmem>>, vector<1x16xf32>,
        %get3A_1245 = vector.shape_cast %get3A_1244 : vector<1x16xf32> to vector<16xf32>
        %get3A_1246 = arith.index_cast %scan3A_978 : i32 to index
        %get3A_1247 = arith.constant 112 : index
        %get3A_1248 = tpu.vector_load %arg11[%get3A_1246, %get3A_1247] {strides = array<i32>} : memref<64x128xf32, #tpu.memory_space<vmem>>, vector<1x16xf32>,
        %get3A_1249 = vector.shape_cast %get3A_1248 : vector<1x16xf32> to vector<16xf32>
        %sub3A_1250 = arith.subf %get3A_1245, %get3A_1249 : vector<16xf32>
        %abs3A_1251 = math.absf %sub3A_1250 : vector<16xf32>
        %add3A_1252 = arith.constant 9.99999971E-10 : f32
        %add3A_1253 = vector.broadcast %add3A_1252 : f32 to vector<16xf32>
        %add3A_1254 = arith.addf %abs3A_1251, %add3A_1253 : vector<16xf32>
        %bitcast_convert_type3A_1255 = tpu.bitcast %add3A_1254 : vector<16xf32> -> vector<16xi32>
        %shift_right_arithmetic3A_1256 = arith.constant 1 : i32
        %shift_right_arithmetic3A_1257 = vector.broadcast %shift_right_arithmetic3A_1256 : i32 to vector<16xi32>
        %shift_right_arithmetic3A_1258 = arith.shrsi %bitcast_convert_type3A_1255, %shift_right_arithmetic3A_1257 : vector<16xi32>
        %sub3A_1259 = arith.constant 1597463007 : i32
        %sub3A_1260 = vector.broadcast %sub3A_1259 : i32 to vector<16xi32>
        %sub3A_1261 = arith.subi %sub3A_1260, %shift_right_arithmetic3A_1258 : vector<16xi32>
        %bitcast_convert_type3A_1262 = tpu.bitcast %sub3A_1261 : vector<16xi32> -> vector<16xf32>
        %mul3A_1263 = arith.constant 5.000000e-01 : f32
        %mul3A_1264 = vector.broadcast %mul3A_1263 : f32 to vector<16xf32>
        %mul3A_1265 = arith.mulf %add3A_1254, %mul3A_1264 : vector<16xf32>
        %mul3A_1266 = arith.mulf %mul3A_1265, %bitcast_convert_type3A_1262 : vector<16xf32>
        %mul3A_1267 = arith.mulf %mul3A_1266, %bitcast_convert_type3A_1262 : vector<16xf32>
        %sub3A_1268 = arith.constant 1.500000e+00 : f32
        %sub3A_1269 = vector.broadcast %sub3A_1268 : f32 to vector<16xf32>
        %sub3A_1270 = arith.subf %sub3A_1269, %mul3A_1267 : vector<16xf32>
        %mul3A_1271 = arith.mulf %bitcast_convert_type3A_1262, %sub3A_1270 : vector<16xf32>
        %mul3A_1272 = arith.mulf %add3A_1254, %mul3A_1271 : vector<16xf32>
        %mul3A_1273 = arith.mulf %mul3A_1272, %sub3A_1250 : vector<16xf32>
        %sub3A_1274 = arith.subf %get3A_1245, %mul3A_1273 : vector<16xf32>
        %swap3A_1275 = arith.index_cast %scan3A_978 : i32 to index
        %swap3A_1276 = arith.constant 112 : index
        %swap3A_1277 = tpu.vector_load %arg9[%swap3A_1275, %swap3A_1276] {strides = array<i32>} : memref<64x128xf32, #tpu.memory_space<vmem>>, vector<1x16xf32>,
        %swap3A_1278 = vector.shape_cast %swap3A_1277 : vector<1x16xf32> to vector<16xf32>
        %swap3A_1279 = vector.shape_cast %sub3A_1274 : vector<16xf32> to vector<1x16xf32>
        tpu.vector_store %arg9[%swap3A_1275, %swap3A_1276], %swap3A_1279 {strides = array<i32>} : memref<64x128xf32, #tpu.memory_space<vmem>>, vector<1x16xf32>,
      }
      %scan3A_686 = arith.constant 64 : i32
      %get3A_687 = arith.constant 0 : index
      %get3A_688 = tpu.vector_load %arg17[%get3A_687] {strides = array<i32>} : memref<64xi32, #tpu.memory_space<vmem>>, vector<16xi32>,
      %get3A_689 = vector.shape_cast %get3A_688 : vector<16xi32> to vector<16xi32>
      %sub3A = vector.broadcast %mul3A_0 : i32 to vector<16xi32>
      %sub3A_690 = arith.subi %get3A_689, %sub3A : vector<16xi32>
      %swap3A_691 = arith.constant 0 : index
      %swap3A_692 = tpu.vector_load %arg19[%swap3A_691] {strides = array<i32>} : memref<64xi32, #tpu.memory_space<vmem>>, vector<16xi32>,
      %swap3A_693 = vector.shape_cast %swap3A_692 : vector<16xi32> to vector<16xi32>
      %swap3A_694 = vector.shape_cast %sub3A_690 : vector<16xi32> to vector<16xi32>
      tpu.vector_store %arg19[%swap3A_691], %swap3A_694 {strides = array<i32>} : memref<64xi32, #tpu.memory_space<vmem>>, vector<16xi32>,
      %get3A_695 = arith.constant 16 : index
      %get3A_696 = tpu.vector_load %arg17[%get3A_695] {strides = array<i32>} : memref<64xi32, #tpu.memory_space<vmem>>, vector<16xi32>,
      %get3A_697 = vector.shape_cast %get3A_696 : vector<16xi32> to vector<16xi32>
      %sub3A_698 = vector.broadcast %mul3A_0 : i32 to vector<16xi32>
      %sub3A_699 = arith.subi %get3A_697, %sub3A_698 : vector<16xi32>
      %swap3A_700 = arith.constant 16 : index
      %swap3A_701 = tpu.vector_load %arg19[%swap3A_700] {strides = array<i32>} : memref<64xi32, #tpu.memory_space<vmem>>, vector<16xi32>,
      %swap3A_702 = vector.shape_cast %swap3A_701 : vector<16xi32> to vector<16xi32>
      %swap3A_703 = vector.shape_cast %sub3A_699 : vector<16xi32> to vector<16xi32>
      tpu.vector_store %arg19[%swap3A_700], %swap3A_703 {strides = array<i32>} : memref<64xi32, #tpu.memory_space<vmem>>, vector<16xi32>,
      %get3A_704 = arith.constant 32 : index
      %get3A_705 = tpu.vector_load %arg17[%get3A_704] {strides = array<i32>} : memref<64xi32, #tpu.memory_space<vmem>>, vector<16xi32>,
      %get3A_706 = vector.shape_cast %get3A_705 : vector<16xi32> to vector<16xi32>
      %sub3A_707 = vector.broadcast %mul3A_0 : i32 to vector<16xi32>
      %sub3A_708 = arith.subi %get3A_706, %sub3A_707 : vector<16xi32>
      %swap3A_709 = arith.constant 32 : index
      %swap3A_710 = tpu.vector_load %arg19[%swap3A_709] {strides = array<i32>} : memref<64xi32, #tpu.memory_space<vmem>>, vector<16xi32>,
      %swap3A_711 = vector.shape_cast %swap3A_710 : vector<16xi32> to vector<16xi32>
      %swap3A_712 = vector.shape_cast %sub3A_708 : vector<16xi32> to vector<16xi32>
      tpu.vector_store %arg19[%swap3A_709], %swap3A_712 {strides = array<i32>} : memref<64xi32, #tpu.memory_space<vmem>>, vector<16xi32>,
      %get3A_713 = arith.constant 48 : index
      %get3A_714 = tpu.vector_load %arg17[%get3A_713] {strides = array<i32>} : memref<64xi32, #tpu.memory_space<vmem>>, vector<16xi32>,
      %get3A_715 = vector.shape_cast %get3A_714 : vector<16xi32> to vector<16xi32>
      %sub3A_716 = vector.broadcast %mul3A_0 : i32 to vector<16xi32>
      %sub3A_717 = arith.subi %get3A_715, %sub3A_716 : vector<16xi32>
      %swap3A_718 = arith.constant 48 : index
      %swap3A_719 = tpu.vector_load %arg19[%swap3A_718] {strides = array<i32>} : memref<64xi32, #tpu.memory_space<vmem>>, vector<16xi32>,
      %swap3A_720 = vector.shape_cast %swap3A_719 : vector<16xi32> to vector<16xi32>
      %swap3A_721 = vector.shape_cast %sub3A_717 : vector<16xi32> to vector<16xi32>
      tpu.vector_store %arg19[%swap3A_718], %swap3A_721 {strides = array<i32>} : memref<64xi32, #tpu.memory_space<vmem>>, vector<16xi32>,
      %dma_start3A_722 = arith.constant 0 : i32
      %dma_start3A_723 = arith.constant 0 : i32
      %dma_start3A_724 = tpu.memref_slice %arg7[%dma_start3A_722, %dma_start3A_723] : memref<10240x128xf32, #tpu.memory_space<vmem_shared>> -> memref<10240x128xf32, #tpu.memory_space<vmem_shared>>
      tpu.enqueue_indirect_dma source(%arg9 : memref<64x128xf32, #tpu.memory_space<vmem>>) target(%dma_start3A_724 : memref<10240x128xf32, #tpu.memory_space<vmem_shared>>) offsets(%arg19 : memref<64xi32, #tpu.memory_space<vmem>>) semaphore(%arg31 : memref<!tpu.dma_semaphore, #tpu.memory_space<semaphore_mem>>) {add = true}
      %add3A_725 = arith.constant 2 : i32
      %add3A_726 = arith.addi %mul3A_674, %add3A_725 : i32
      %add3A_727 = arith.addi %mul3A_4, %add3A_726 : i32
      %mul3A_728 = arith.constant 2 : i32
      %mul3A_729 = arith.muli %add3A_727, %mul3A_728 : i32
      %mul3A_730 = arith.constant 64 : i32
      %mul3A_731 = arith.muli %mul3A_729, %mul3A_730 : i32
      %dma_wait3A_732 = tpu.memref_slice %arg3[%mul3A_731] : memref<328192xi32, #tpu.memory_space<hbm>> -> memref<128xi32, #tpu.memory_space<hbm>>
      %dma_wait3A_733 = tpu.memref_slice %arg3[%mul3A_731] : memref<328192xi32, #tpu.memory_space<hbm>> -> memref<128xi32, #tpu.memory_space<hbm>>
      tpu.wait_dma2 semaphore(%arg33 : memref<!tpu.dma_semaphore, #tpu.memory_space<semaphore_mem>>) src(%dma_wait3A_733 : memref<128xi32, #tpu.memory_space<hbm>>) dst(%arg13 : memref<128xi32, #tpu.memory_space<vmem>>)
      %get3A_734 = arith.constant 0 : index
      %get3A_735 = tpu.vector_load %arg13[%get3A_734] {strides = array<i32>} : memref<128xi32, #tpu.memory_space<vmem>>, vector<16xi32>,
      %get3A_736 = vector.shape_cast %get3A_735 : vector<16xi32> to vector<16xi32>
      %add3A_737 = vector.broadcast %mul3A_0 : i32 to vector<16xi32>
      %add3A_738 = arith.addi %get3A_736, %add3A_737 : vector<16xi32>
      %swap3A_739 = arith.constant 0 : index
      %swap3A_740 = tpu.vector_load %arg15[%swap3A_739] {strides = array<i32>} : memref<64xi32, #tpu.memory_space<vmem>>, vector<16xi32>,
      %swap3A_741 = vector.shape_cast %swap3A_740 : vector<16xi32> to vector<16xi32>
      %swap3A_742 = vector.shape_cast %add3A_738 : vector<16xi32> to vector<16xi32>
      tpu.vector_store %arg15[%swap3A_739], %swap3A_742 {strides = array<i32>} : memref<64xi32, #tpu.memory_space<vmem>>, vector<16xi32>,
      %get3A_743 = arith.constant 64 : index
      %get3A_744 = tpu.vector_load %arg13[%get3A_743] {strides = array<i32>} : memref<128xi32, #tpu.memory_space<vmem>>, vector<16xi32>,
      %get3A_745 = vector.shape_cast %get3A_744 : vector<16xi32> to vector<16xi32>
      %add3A_746 = vector.broadcast %mul3A_0 : i32 to vector<16xi32>
      %add3A_747 = arith.addi %get3A_745, %add3A_746 : vector<16xi32>
      %swap3A_748 = arith.constant 0 : index
      %swap3A_749 = tpu.vector_load %arg17[%swap3A_748] {strides = array<i32>} : memref<64xi32, #tpu.memory_space<vmem>>, vector<16xi32>,
      %swap3A_750 = vector.shape_cast %swap3A_749 : vector<16xi32> to vector<16xi32>
      %swap3A_751 = vector.shape_cast %add3A_747 : vector<16xi32> to vector<16xi32>
      tpu.vector_store %arg17[%swap3A_748], %swap3A_751 {strides = array<i32>} : memref<64xi32, #tpu.memory_space<vmem>>, vector<16xi32>,
      %get3A_752 = arith.constant 16 : index
      %get3A_753 = tpu.vector_load %arg13[%get3A_752] {strides = array<i32>} : memref<128xi32, #tpu.memory_space<vmem>>, vector<16xi32>,
      %get3A_754 = vector.shape_cast %get3A_753 : vector<16xi32> to vector<16xi32>
      %add3A_755 = vector.broadcast %mul3A_0 : i32 to vector<16xi32>
      %add3A_756 = arith.addi %get3A_754, %add3A_755 : vector<16xi32>
      %swap3A_757 = arith.constant 16 : index
      %swap3A_758 = tpu.vector_load %arg15[%swap3A_757] {strides = array<i32>} : memref<64xi32, #tpu.memory_space<vmem>>, vector<16xi32>,
      %swap3A_759 = vector.shape_cast %swap3A_758 : vector<16xi32> to vector<16xi32>
      %swap3A_760 = vector.shape_cast %add3A_756 : vector<16xi32> to vector<16xi32>
      tpu.vector_store %arg15[%swap3A_757], %swap3A_760 {strides = array<i32>} : memref<64xi32, #tpu.memory_space<vmem>>, vector<16xi32>,
      %get3A_761 = arith.constant 80 : index
      %get3A_762 = tpu.vector_load %arg13[%get3A_761] {strides = array<i32>} : memref<128xi32, #tpu.memory_space<vmem>>, vector<16xi32>,
      %get3A_763 = vector.shape_cast %get3A_762 : vector<16xi32> to vector<16xi32>
      %add3A_764 = vector.broadcast %mul3A_0 : i32 to vector<16xi32>
      %add3A_765 = arith.addi %get3A_763, %add3A_764 : vector<16xi32>
      %swap3A_766 = arith.constant 16 : index
      %swap3A_767 = tpu.vector_load %arg17[%swap3A_766] {strides = array<i32>} : memref<64xi32, #tpu.memory_space<vmem>>, vector<16xi32>,
      %swap3A_768 = vector.shape_cast %swap3A_767 : vector<16xi32> to vector<16xi32>
      %swap3A_769 = vector.shape_cast %add3A_765 : vector<16xi32> to vector<16xi32>
      tpu.vector_store %arg17[%swap3A_766], %swap3A_769 {strides = array<i32>} : memref<64xi32, #tpu.memory_space<vmem>>, vector<16xi32>,
      %get3A_770 = arith.constant 32 : index
      %get3A_771 = tpu.vector_load %arg13[%get3A_770] {strides = array<i32>} : memref<128xi32, #tpu.memory_space<vmem>>, vector<16xi32>,
      %get3A_772 = vector.shape_cast %get3A_771 : vector<16xi32> to vector<16xi32>
      %add3A_773 = vector.broadcast %mul3A_0 : i32 to vector<16xi32>
      %add3A_774 = arith.addi %get3A_772, %add3A_773 : vector<16xi32>
      %swap3A_775 = arith.constant 32 : index
      %swap3A_776 = tpu.vector_load %arg15[%swap3A_775] {strides = array<i32>} : memref<64xi32, #tpu.memory_space<vmem>>, vector<16xi32>,
      %swap3A_777 = vector.shape_cast %swap3A_776 : vector<16xi32> to vector<16xi32>
      %swap3A_778 = vector.shape_cast %add3A_774 : vector<16xi32> to vector<16xi32>
      tpu.vector_store %arg15[%swap3A_775], %swap3A_778 {strides = array<i32>} : memref<64xi32, #tpu.memory_space<vmem>>, vector<16xi32>,
      %get3A_779 = arith.constant 96 : index
      %get3A_780 = tpu.vector_load %arg13[%get3A_779] {strides = array<i32>} : memref<128xi32, #tpu.memory_space<vmem>>, vector<16xi32>,
      %get3A_781 = vector.shape_cast %get3A_780 : vector<16xi32> to vector<16xi32>
      %add3A_782 = vector.broadcast %mul3A_0 : i32 to vector<16xi32>
      %add3A_783 = arith.addi %get3A_781, %add3A_782 : vector<16xi32>
      %swap3A_784 = arith.constant 32 : index
      %swap3A_785 = tpu.vector_load %arg17[%swap3A_784] {strides = array<i32>} : memref<64xi32, #tpu.memory_space<vmem>>, vector<16xi32>,
      %swap3A_786 = vector.shape_cast %swap3A_785 : vector<16xi32> to vector<16xi32>
      %swap3A_787 = vector.shape_cast %add3A_783 : vector<16xi32> to vector<16xi32>
      tpu.vector_store %arg17[%swap3A_784], %swap3A_787 {strides = array<i32>} : memref<64xi32, #tpu.memory_space<vmem>>, vector<16xi32>,
      %get3A_788 = arith.constant 48 : index
      %get3A_789 = tpu.vector_load %arg13[%get3A_788] {strides = array<i32>} : memref<128xi32, #tpu.memory_space<vmem>>, vector<16xi32>,
      %get3A_790 = vector.shape_cast %get3A_789 : vector<16xi32> to vector<16xi32>
      %add3A_791 = vector.broadcast %mul3A_0 : i32 to vector<16xi32>
      %add3A_792 = arith.addi %get3A_790, %add3A_791 : vector<16xi32>
      %swap3A_793 = arith.constant 48 : index
      %swap3A_794 = tpu.vector_load %arg15[%swap3A_793] {strides = array<i32>} : memref<64xi32, #tpu.memory_space<vmem>>, vector<16xi32>,
      %swap3A_795 = vector.shape_cast %swap3A_794 : vector<16xi32> to vector<16xi32>
      %swap3A_796 = vector.shape_cast %add3A_792 : vector<16xi32> to vector<16xi32>
      tpu.vector_store %arg15[%swap3A_793], %swap3A_796 {strides = array<i32>} : memref<64xi32, #tpu.memory_space<vmem>>, vector<16xi32>,
      %get3A_797 = arith.constant 112 : index
      %get3A_798 = tpu.vector_load %arg13[%get3A_797] {strides = array<i32>} : memref<128xi32, #tpu.memory_space<vmem>>, vector<16xi32>,
      %get3A_799 = vector.shape_cast %get3A_798 : vector<16xi32> to vector<16xi32>
      %add3A_800 = vector.broadcast %mul3A_0 : i32 to vector<16xi32>
      %add3A_801 = arith.addi %get3A_799, %add3A_800 : vector<16xi32>
      %swap3A_802 = arith.constant 48 : index
      %swap3A_803 = tpu.vector_load %arg17[%swap3A_802] {strides = array<i32>} : memref<64xi32, #tpu.memory_space<vmem>>, vector<16xi32>,
      %swap3A_804 = vector.shape_cast %swap3A_803 : vector<16xi32> to vector<16xi32>
      %swap3A_805 = vector.shape_cast %add3A_801 : vector<16xi32> to vector<16xi32>
      tpu.vector_store %arg17[%swap3A_802], %swap3A_805 {strides = array<i32>} : memref<64xi32, #tpu.memory_space<vmem>>, vector<16xi32>,
      %dma_start3A_806 = arith.constant 0 : i32
      %dma_start3A_807 = arith.constant 0 : i32
      %dma_start3A_808 = tpu.memref_slice %arg5[%dma_start3A_806, %dma_start3A_807] : memref<20480x128xf32, #tpu.memory_space<hbm>> -> memref<20480x128xf32, #tpu.memory_space<hbm>>
      tpu.enqueue_indirect_dma source(%dma_start3A_808 : memref<20480x128xf32, #tpu.memory_space<hbm>>) target(%arg11 : memref<64x128xf32, #tpu.memory_space<vmem>>) offsets(%arg15 : memref<64xi32, #tpu.memory_space<vmem>>) semaphore(%arg29 : memref<!tpu.dma_semaphore, #tpu.memory_space<semaphore_mem>>)
      %dma_wait3A_809 = arith.constant 0 : i32
      %dma_wait3A_810 = arith.constant 0 : i32
      %dma_wait3A_811 = tpu.memref_slice %arg7[%dma_wait3A_809, %dma_wait3A_810] : memref<10240x128xf32, #tpu.memory_space<vmem_shared>> -> memref<10240x128xf32, #tpu.memory_space<vmem_shared>>
      tpu.wait_indirect_dma semaphore(%arg31 : memref<!tpu.dma_semaphore, #tpu.memory_space<semaphore_mem>>) src(%arg9 : memref<64x128xf32, #tpu.memory_space<vmem>>) dst(%dma_wait3A_811 : memref<10240x128xf32, #tpu.memory_space<vmem_shared>>)
      %dma_start3A_812 = arith.constant 0 : i32
      %dma_start3A_813 = arith.constant 0 : i32
      %dma_start3A_814 = tpu.memref_slice %arg5[%dma_start3A_812, %dma_start3A_813] : memref<20480x128xf32, #tpu.memory_space<hbm>> -> memref<20480x128xf32, #tpu.memory_space<hbm>>
      tpu.enqueue_indirect_dma source(%dma_start3A_814 : memref<20480x128xf32, #tpu.memory_space<hbm>>) target(%arg9 : memref<64x128xf32, #tpu.memory_space<vmem>>) offsets(%arg17 : memref<64xi32, #tpu.memory_space<vmem>>) semaphore(%arg27 : memref<!tpu.dma_semaphore, #tpu.memory_space<semaphore_mem>>)
      %add3A_815 = arith.constant 4 : i32
      %add3A_816 = arith.addi %mul3A_674, %add3A_815 : i32
      %add3A_817 = arith.addi %mul3A_4, %add3A_816 : i32
      %mul3A_818 = arith.constant 2 : i32
      %mul3A_819 = arith.muli %add3A_817, %mul3A_818 : i32
      %mul3A_820 = arith.constant 64 : i32
      %mul3A_821 = arith.muli %mul3A_819, %mul3A_820 : i32
      %dma_start3A_822 = tpu.memref_slice %arg3[%mul3A_821] : memref<328192xi32, #tpu.memory_space<hbm>> -> memref<128xi32, #tpu.memory_space<hbm>>
      %dma_start3A_823 = tpu.memref_slice %arg3[%mul3A_821] : memref<328192xi32, #tpu.memory_space<hbm>> -> memref<128xi32, #tpu.memory_space<hbm>>
      tpu.enqueue_dma source(%dma_start3A_823 : memref<128xi32, #tpu.memory_space<hbm>>) target(%arg13 : memref<128xi32, #tpu.memory_space<vmem>>) target_semaphore(%arg33 : memref<!tpu.dma_semaphore, #tpu.memory_space<semaphore_mem>>)
      %mul3A_824 = arith.constant 2 : i32
      %mul3A_825 = arith.muli %mul3A_824, %scan3A_672 : i32
      %add3A_826 = arith.constant 1 : i32
      %add3A_827 = arith.addi %mul3A_825, %add3A_826 : i32
      %dma_wait3A_828 = arith.constant 0 : i32
      %dma_wait3A_829 = arith.constant 0 : i32
      %dma_wait3A_830 = tpu.memref_slice %arg5[%dma_wait3A_828, %dma_wait3A_829] : memref<20480x128xf32, #tpu.memory_space<hbm>> -> memref<20480x128xf32, #tpu.memory_space<hbm>>
      tpu.wait_indirect_dma semaphore(%arg28 : memref<!tpu.dma_semaphore, #tpu.memory_space<semaphore_mem>>) src(%dma_wait3A_830 : memref<20480x128xf32, #tpu.memory_space<hbm>>) dst(%arg10 : memref<64x128xf32, #tpu.memory_space<vmem>>)
      %dma_wait3A_831 = arith.constant 0 : i32
      %dma_wait3A_832 = arith.constant 0 : i32
      %dma_wait3A_833 = tpu.memref_slice %arg5[%dma_wait3A_831, %dma_wait3A_832] : memref<20480x128xf32, #tpu.memory_space<hbm>> -> memref<20480x128xf32, #tpu.memory_space<hbm>>
      tpu.wait_indirect_dma semaphore(%arg30 : memref<!tpu.dma_semaphore, #tpu.memory_space<semaphore_mem>>) src(%dma_wait3A_833 : memref<20480x128xf32, #tpu.memory_space<hbm>>) dst(%arg12 : memref<64x128xf32, #tpu.memory_space<vmem>>)
      %scan3A_834 = arith.constant 0 : i32
      %scan3A_835 = arith.constant 0 : i32
      %scan3A_836 = arith.constant 64 : i32
      %scan3A_837 = arith.addi %scan3A_835, %scan3A_836 : i32
      %scan3A_838 = arith.constant 1 : i32
      scf.for %scan3A_978 = %scan3A_835 to %scan3A_837 step %scan3A_838  : i32 {
        %get3A_979 = arith.index_cast %scan3A_978 : i32 to index
        %get3A_980 = arith.constant 0 : index
        %get3A_981 = tpu.vector_load %arg10[%get3A_979, %get3A_980] {strides = array<i32>} : memref<64x128xf32, #tpu.memory_space<vmem>>, vector<1x16xf32>,
        %get3A_982 = vector.shape_cast %get3A_981 : vector<1x16xf32> to vector<16xf32>
        %get3A_983 = arith.index_cast %scan3A_978 : i32 to index
        %get3A_984 = arith.constant 0 : index
        %get3A_985 = tpu.vector_load %arg12[%get3A_983, %get3A_984] {strides = array<i32>} : memref<64x128xf32, #tpu.memory_space<vmem>>, vector<1x16xf32>,
        %get3A_986 = vector.shape_cast %get3A_985 : vector<1x16xf32> to vector<16xf32>
        %sub3A_987 = arith.subf %get3A_982, %get3A_986 : vector<16xf32>
        %abs3A = math.absf %sub3A_987 : vector<16xf32>
        %add3A_988 = arith.constant 9.99999971E-10 : f32
        %add3A_989 = vector.broadcast %add3A_988 : f32 to vector<16xf32>
        %add3A_990 = arith.addf %abs3A, %add3A_989 : vector<16xf32>
        %bitcast_convert_type3A = tpu.bitcast %add3A_990 : vector<16xf32> -> vector<16xi32>
        %shift_right_arithmetic3A = arith.constant 1 : i32
        %shift_right_arithmetic3A_991 = vector.broadcast %shift_right_arithmetic3A : i32 to vector<16xi32>
        %shift_right_arithmetic3A_992 = arith.shrsi %bitcast_convert_type3A, %shift_right_arithmetic3A_991 : vector<16xi32>
        %sub3A_993 = arith.constant 1597463007 : i32
        %sub3A_994 = vector.broadcast %sub3A_993 : i32 to vector<16xi32>
        %sub3A_995 = arith.subi %sub3A_994, %shift_right_arithmetic3A_992 : vector<16xi32>
        %bitcast_convert_type3A_996 = tpu.bitcast %sub3A_995 : vector<16xi32> -> vector<16xf32>
        %mul3A_997 = arith.constant 5.000000e-01 : f32
        %mul3A_998 = vector.broadcast %mul3A_997 : f32 to vector<16xf32>
        %mul3A_999 = arith.mulf %add3A_990, %mul3A_998 : vector<16xf32>
        %mul3A_1000 = arith.mulf %mul3A_999, %bitcast_convert_type3A_996 : vector<16xf32>
        %mul3A_1001 = arith.mulf %mul3A_1000, %bitcast_convert_type3A_996 : vector<16xf32>
        %sub3A_1002 = arith.constant 1.500000e+00 : f32
        %sub3A_1003 = vector.broadcast %sub3A_1002 : f32 to vector<16xf32>
        %sub3A_1004 = arith.subf %sub3A_1003, %mul3A_1001 : vector<16xf32>
        %mul3A_1005 = arith.mulf %bitcast_convert_type3A_996, %sub3A_1004 : vector<16xf32>
        %mul3A_1006 = arith.mulf %add3A_990, %mul3A_1005 : vector<16xf32>
        %mul3A_1007 = arith.mulf %mul3A_1006, %sub3A_987 : vector<16xf32>
        %sub3A_1008 = arith.subf %get3A_982, %mul3A_1007 : vector<16xf32>
        %swap3A_1009 = arith.index_cast %scan3A_978 : i32 to index
        %swap3A_1010 = arith.constant 0 : index
        %swap3A_1011 = tpu.vector_load %arg10[%swap3A_1009, %swap3A_1010] {strides = array<i32>} : memref<64x128xf32, #tpu.memory_space<vmem>>, vector<1x16xf32>,
        %swap3A_1012 = vector.shape_cast %swap3A_1011 : vector<1x16xf32> to vector<16xf32>
        %swap3A_1013 = vector.shape_cast %sub3A_1008 : vector<16xf32> to vector<1x16xf32>
        tpu.vector_store %arg10[%swap3A_1009, %swap3A_1010], %swap3A_1013 {strides = array<i32>} : memref<64x128xf32, #tpu.memory_space<vmem>>, vector<1x16xf32>,
        %get3A_1014 = arith.index_cast %scan3A_978 : i32 to index
        %get3A_1015 = arith.constant 16 : index
        %get3A_1016 = tpu.vector_load %arg10[%get3A_1014, %get3A_1015] {strides = array<i32>} : memref<64x128xf32, #tpu.memory_space<vmem>>, vector<1x16xf32>,
        %get3A_1017 = vector.shape_cast %get3A_1016 : vector<1x16xf32> to vector<16xf32>
        %get3A_1018 = arith.index_cast %scan3A_978 : i32 to index
        %get3A_1019 = arith.constant 16 : index
        %get3A_1020 = tpu.vector_load %arg12[%get3A_1018, %get3A_1019] {strides = array<i32>} : memref<64x128xf32, #tpu.memory_space<vmem>>, vector<1x16xf32>,
        %get3A_1021 = vector.shape_cast %get3A_1020 : vector<1x16xf32> to vector<16xf32>
        %sub3A_1022 = arith.subf %get3A_1017, %get3A_1021 : vector<16xf32>
        %abs3A_1023 = math.absf %sub3A_1022 : vector<16xf32>
        %add3A_1024 = arith.constant 9.99999971E-10 : f32
        %add3A_1025 = vector.broadcast %add3A_1024 : f32 to vector<16xf32>
        %add3A_1026 = arith.addf %abs3A_1023, %add3A_1025 : vector<16xf32>
        %bitcast_convert_type3A_1027 = tpu.bitcast %add3A_1026 : vector<16xf32> -> vector<16xi32>
        %shift_right_arithmetic3A_1028 = arith.constant 1 : i32
        %shift_right_arithmetic3A_1029 = vector.broadcast %shift_right_arithmetic3A_1028 : i32 to vector<16xi32>
        %shift_right_arithmetic3A_1030 = arith.shrsi %bitcast_convert_type3A_1027, %shift_right_arithmetic3A_1029 : vector<16xi32>
        %sub3A_1031 = arith.constant 1597463007 : i32
        %sub3A_1032 = vector.broadcast %sub3A_1031 : i32 to vector<16xi32>
        %sub3A_1033 = arith.subi %sub3A_1032, %shift_right_arithmetic3A_1030 : vector<16xi32>
        %bitcast_convert_type3A_1034 = tpu.bitcast %sub3A_1033 : vector<16xi32> -> vector<16xf32>
        %mul3A_1035 = arith.constant 5.000000e-01 : f32
        %mul3A_1036 = vector.broadcast %mul3A_1035 : f32 to vector<16xf32>
        %mul3A_1037 = arith.mulf %add3A_1026, %mul3A_1036 : vector<16xf32>
        %mul3A_1038 = arith.mulf %mul3A_1037, %bitcast_convert_type3A_1034 : vector<16xf32>
        %mul3A_1039 = arith.mulf %mul3A_1038, %bitcast_convert_type3A_1034 : vector<16xf32>
        %sub3A_1040 = arith.constant 1.500000e+00 : f32
        %sub3A_1041 = vector.broadcast %sub3A_1040 : f32 to vector<16xf32>
        %sub3A_1042 = arith.subf %sub3A_1041, %mul3A_1039 : vector<16xf32>
        %mul3A_1043 = arith.mulf %bitcast_convert_type3A_1034, %sub3A_1042 : vector<16xf32>
        %mul3A_1044 = arith.mulf %add3A_1026, %mul3A_1043 : vector<16xf32>
        %mul3A_1045 = arith.mulf %mul3A_1044, %sub3A_1022 : vector<16xf32>
        %sub3A_1046 = arith.subf %get3A_1017, %mul3A_1045 : vector<16xf32>
        %swap3A_1047 = arith.index_cast %scan3A_978 : i32 to index
        %swap3A_1048 = arith.constant 16 : index
        %swap3A_1049 = tpu.vector_load %arg10[%swap3A_1047, %swap3A_1048] {strides = array<i32>} : memref<64x128xf32, #tpu.memory_space<vmem>>, vector<1x16xf32>,
        %swap3A_1050 = vector.shape_cast %swap3A_1049 : vector<1x16xf32> to vector<16xf32>
        %swap3A_1051 = vector.shape_cast %sub3A_1046 : vector<16xf32> to vector<1x16xf32>
        tpu.vector_store %arg10[%swap3A_1047, %swap3A_1048], %swap3A_1051 {strides = array<i32>} : memref<64x128xf32, #tpu.memory_space<vmem>>, vector<1x16xf32>,
        %get3A_1052 = arith.index_cast %scan3A_978 : i32 to index
        %get3A_1053 = arith.constant 32 : index
        %get3A_1054 = tpu.vector_load %arg10[%get3A_1052, %get3A_1053] {strides = array<i32>} : memref<64x128xf32, #tpu.memory_space<vmem>>, vector<1x16xf32>,
        %get3A_1055 = vector.shape_cast %get3A_1054 : vector<1x16xf32> to vector<16xf32>
        %get3A_1056 = arith.index_cast %scan3A_978 : i32 to index
        %get3A_1057 = arith.constant 32 : index
        %get3A_1058 = tpu.vector_load %arg12[%get3A_1056, %get3A_1057] {strides = array<i32>} : memref<64x128xf32, #tpu.memory_space<vmem>>, vector<1x16xf32>,
        %get3A_1059 = vector.shape_cast %get3A_1058 : vector<1x16xf32> to vector<16xf32>
        %sub3A_1060 = arith.subf %get3A_1055, %get3A_1059 : vector<16xf32>
        %abs3A_1061 = math.absf %sub3A_1060 : vector<16xf32>
        %add3A_1062 = arith.constant 9.99999971E-10 : f32
        %add3A_1063 = vector.broadcast %add3A_1062 : f32 to vector<16xf32>
        %add3A_1064 = arith.addf %abs3A_1061, %add3A_1063 : vector<16xf32>
        %bitcast_convert_type3A_1065 = tpu.bitcast %add3A_1064 : vector<16xf32> -> vector<16xi32>
        %shift_right_arithmetic3A_1066 = arith.constant 1 : i32
        %shift_right_arithmetic3A_1067 = vector.broadcast %shift_right_arithmetic3A_1066 : i32 to vector<16xi32>
        %shift_right_arithmetic3A_1068 = arith.shrsi %bitcast_convert_type3A_1065, %shift_right_arithmetic3A_1067 : vector<16xi32>
        %sub3A_1069 = arith.constant 1597463007 : i32
        %sub3A_1070 = vector.broadcast %sub3A_1069 : i32 to vector<16xi32>
        %sub3A_1071 = arith.subi %sub3A_1070, %shift_right_arithmetic3A_1068 : vector<16xi32>
        %bitcast_convert_type3A_1072 = tpu.bitcast %sub3A_1071 : vector<16xi32> -> vector<16xf32>
        %mul3A_1073 = arith.constant 5.000000e-01 : f32
        %mul3A_1074 = vector.broadcast %mul3A_1073 : f32 to vector<16xf32>
        %mul3A_1075 = arith.mulf %add3A_1064, %mul3A_1074 : vector<16xf32>
        %mul3A_1076 = arith.mulf %mul3A_1075, %bitcast_convert_type3A_1072 : vector<16xf32>
        %mul3A_1077 = arith.mulf %mul3A_1076, %bitcast_convert_type3A_1072 : vector<16xf32>
        %sub3A_1078 = arith.constant 1.500000e+00 : f32
        %sub3A_1079 = vector.broadcast %sub3A_1078 : f32 to vector<16xf32>
        %sub3A_1080 = arith.subf %sub3A_1079, %mul3A_1077 : vector<16xf32>
        %mul3A_1081 = arith.mulf %bitcast_convert_type3A_1072, %sub3A_1080 : vector<16xf32>
        %mul3A_1082 = arith.mulf %add3A_1064, %mul3A_1081 : vector<16xf32>
        %mul3A_1083 = arith.mulf %mul3A_1082, %sub3A_1060 : vector<16xf32>
        %sub3A_1084 = arith.subf %get3A_1055, %mul3A_1083 : vector<16xf32>
        %swap3A_1085 = arith.index_cast %scan3A_978 : i32 to index
        %swap3A_1086 = arith.constant 32 : index
        %swap3A_1087 = tpu.vector_load %arg10[%swap3A_1085, %swap3A_1086] {strides = array<i32>} : memref<64x128xf32, #tpu.memory_space<vmem>>, vector<1x16xf32>,
        %swap3A_1088 = vector.shape_cast %swap3A_1087 : vector<1x16xf32> to vector<16xf32>
        %swap3A_1089 = vector.shape_cast %sub3A_1084 : vector<16xf32> to vector<1x16xf32>
        tpu.vector_store %arg10[%swap3A_1085, %swap3A_1086], %swap3A_1089 {strides = array<i32>} : memref<64x128xf32, #tpu.memory_space<vmem>>, vector<1x16xf32>,
        %get3A_1090 = arith.index_cast %scan3A_978 : i32 to index
        %get3A_1091 = arith.constant 48 : index
        %get3A_1092 = tpu.vector_load %arg10[%get3A_1090, %get3A_1091] {strides = array<i32>} : memref<64x128xf32, #tpu.memory_space<vmem>>, vector<1x16xf32>,
        %get3A_1093 = vector.shape_cast %get3A_1092 : vector<1x16xf32> to vector<16xf32>
        %get3A_1094 = arith.index_cast %scan3A_978 : i32 to index
        %get3A_1095 = arith.constant 48 : index
        %get3A_1096 = tpu.vector_load %arg12[%get3A_1094, %get3A_1095] {strides = array<i32>} : memref<64x128xf32, #tpu.memory_space<vmem>>, vector<1x16xf32>,
        %get3A_1097 = vector.shape_cast %get3A_1096 : vector<1x16xf32> to vector<16xf32>
        %sub3A_1098 = arith.subf %get3A_1093, %get3A_1097 : vector<16xf32>
        %abs3A_1099 = math.absf %sub3A_1098 : vector<16xf32>
        %add3A_1100 = arith.constant 9.99999971E-10 : f32
        %add3A_1101 = vector.broadcast %add3A_1100 : f32 to vector<16xf32>
        %add3A_1102 = arith.addf %abs3A_1099, %add3A_1101 : vector<16xf32>
        %bitcast_convert_type3A_1103 = tpu.bitcast %add3A_1102 : vector<16xf32> -> vector<16xi32>
        %shift_right_arithmetic3A_1104 = arith.constant 1 : i32
        %shift_right_arithmetic3A_1105 = vector.broadcast %shift_right_arithmetic3A_1104 : i32 to vector<16xi32>
        %shift_right_arithmetic3A_1106 = arith.shrsi %bitcast_convert_type3A_1103, %shift_right_arithmetic3A_1105 : vector<16xi32>
        %sub3A_1107 = arith.constant 1597463007 : i32
        %sub3A_1108 = vector.broadcast %sub3A_1107 : i32 to vector<16xi32>
        %sub3A_1109 = arith.subi %sub3A_1108, %shift_right_arithmetic3A_1106 : vector<16xi32>
        %bitcast_convert_type3A_1110 = tpu.bitcast %sub3A_1109 : vector<16xi32> -> vector<16xf32>
        %mul3A_1111 = arith.constant 5.000000e-01 : f32
        %mul3A_1112 = vector.broadcast %mul3A_1111 : f32 to vector<16xf32>
        %mul3A_1113 = arith.mulf %add3A_1102, %mul3A_1112 : vector<16xf32>
        %mul3A_1114 = arith.mulf %mul3A_1113, %bitcast_convert_type3A_1110 : vector<16xf32>
        %mul3A_1115 = arith.mulf %mul3A_1114, %bitcast_convert_type3A_1110 : vector<16xf32>
        %sub3A_1116 = arith.constant 1.500000e+00 : f32
        %sub3A_1117 = vector.broadcast %sub3A_1116 : f32 to vector<16xf32>
        %sub3A_1118 = arith.subf %sub3A_1117, %mul3A_1115 : vector<16xf32>
        %mul3A_1119 = arith.mulf %bitcast_convert_type3A_1110, %sub3A_1118 : vector<16xf32>
        %mul3A_1120 = arith.mulf %add3A_1102, %mul3A_1119 : vector<16xf32>
        %mul3A_1121 = arith.mulf %mul3A_1120, %sub3A_1098 : vector<16xf32>
        %sub3A_1122 = arith.subf %get3A_1093, %mul3A_1121 : vector<16xf32>
        %swap3A_1123 = arith.index_cast %scan3A_978 : i32 to index
        %swap3A_1124 = arith.constant 48 : index
        %swap3A_1125 = tpu.vector_load %arg10[%swap3A_1123, %swap3A_1124] {strides = array<i32>} : memref<64x128xf32, #tpu.memory_space<vmem>>, vector<1x16xf32>,
        %swap3A_1126 = vector.shape_cast %swap3A_1125 : vector<1x16xf32> to vector<16xf32>
        %swap3A_1127 = vector.shape_cast %sub3A_1122 : vector<16xf32> to vector<1x16xf32>
        tpu.vector_store %arg10[%swap3A_1123, %swap3A_1124], %swap3A_1127 {strides = array<i32>} : memref<64x128xf32, #tpu.memory_space<vmem>>, vector<1x16xf32>,
        %get3A_1128 = arith.index_cast %scan3A_978 : i32 to index
        %get3A_1129 = arith.constant 64 : index
        %get3A_1130 = tpu.vector_load %arg10[%get3A_1128, %get3A_1129] {strides = array<i32>} : memref<64x128xf32, #tpu.memory_space<vmem>>, vector<1x16xf32>,
        %get3A_1131 = vector.shape_cast %get3A_1130 : vector<1x16xf32> to vector<16xf32>
        %get3A_1132 = arith.index_cast %scan3A_978 : i32 to index
        %get3A_1133 = arith.constant 64 : index
        %get3A_1134 = tpu.vector_load %arg12[%get3A_1132, %get3A_1133] {strides = array<i32>} : memref<64x128xf32, #tpu.memory_space<vmem>>, vector<1x16xf32>,
        %get3A_1135 = vector.shape_cast %get3A_1134 : vector<1x16xf32> to vector<16xf32>
        %sub3A_1136 = arith.subf %get3A_1131, %get3A_1135 : vector<16xf32>
        %abs3A_1137 = math.absf %sub3A_1136 : vector<16xf32>
        %add3A_1138 = arith.constant 9.99999971E-10 : f32
        %add3A_1139 = vector.broadcast %add3A_1138 : f32 to vector<16xf32>
        %add3A_1140 = arith.addf %abs3A_1137, %add3A_1139 : vector<16xf32>
        %bitcast_convert_type3A_1141 = tpu.bitcast %add3A_1140 : vector<16xf32> -> vector<16xi32>
        %shift_right_arithmetic3A_1142 = arith.constant 1 : i32
        %shift_right_arithmetic3A_1143 = vector.broadcast %shift_right_arithmetic3A_1142 : i32 to vector<16xi32>
        %shift_right_arithmetic3A_1144 = arith.shrsi %bitcast_convert_type3A_1141, %shift_right_arithmetic3A_1143 : vector<16xi32>
        %sub3A_1145 = arith.constant 1597463007 : i32
        %sub3A_1146 = vector.broadcast %sub3A_1145 : i32 to vector<16xi32>
        %sub3A_1147 = arith.subi %sub3A_1146, %shift_right_arithmetic3A_1144 : vector<16xi32>
        %bitcast_convert_type3A_1148 = tpu.bitcast %sub3A_1147 : vector<16xi32> -> vector<16xf32>
        %mul3A_1149 = arith.constant 5.000000e-01 : f32
        %mul3A_1150 = vector.broadcast %mul3A_1149 : f32 to vector<16xf32>
        %mul3A_1151 = arith.mulf %add3A_1140, %mul3A_1150 : vector<16xf32>
        %mul3A_1152 = arith.mulf %mul3A_1151, %bitcast_convert_type3A_1148 : vector<16xf32>
        %mul3A_1153 = arith.mulf %mul3A_1152, %bitcast_convert_type3A_1148 : vector<16xf32>
        %sub3A_1154 = arith.constant 1.500000e+00 : f32
        %sub3A_1155 = vector.broadcast %sub3A_1154 : f32 to vector<16xf32>
        %sub3A_1156 = arith.subf %sub3A_1155, %mul3A_1153 : vector<16xf32>
        %mul3A_1157 = arith.mulf %bitcast_convert_type3A_1148, %sub3A_1156 : vector<16xf32>
        %mul3A_1158 = arith.mulf %add3A_1140, %mul3A_1157 : vector<16xf32>
        %mul3A_1159 = arith.mulf %mul3A_1158, %sub3A_1136 : vector<16xf32>
        %sub3A_1160 = arith.subf %get3A_1131, %mul3A_1159 : vector<16xf32>
        %swap3A_1161 = arith.index_cast %scan3A_978 : i32 to index
        %swap3A_1162 = arith.constant 64 : index
        %swap3A_1163 = tpu.vector_load %arg10[%swap3A_1161, %swap3A_1162] {strides = array<i32>} : memref<64x128xf32, #tpu.memory_space<vmem>>, vector<1x16xf32>,
        %swap3A_1164 = vector.shape_cast %swap3A_1163 : vector<1x16xf32> to vector<16xf32>
        %swap3A_1165 = vector.shape_cast %sub3A_1160 : vector<16xf32> to vector<1x16xf32>
        tpu.vector_store %arg10[%swap3A_1161, %swap3A_1162], %swap3A_1165 {strides = array<i32>} : memref<64x128xf32, #tpu.memory_space<vmem>>, vector<1x16xf32>,
        %get3A_1166 = arith.index_cast %scan3A_978 : i32 to index
        %get3A_1167 = arith.constant 80 : index
        %get3A_1168 = tpu.vector_load %arg10[%get3A_1166, %get3A_1167] {strides = array<i32>} : memref<64x128xf32, #tpu.memory_space<vmem>>, vector<1x16xf32>,
        %get3A_1169 = vector.shape_cast %get3A_1168 : vector<1x16xf32> to vector<16xf32>
        %get3A_1170 = arith.index_cast %scan3A_978 : i32 to index
        %get3A_1171 = arith.constant 80 : index
        %get3A_1172 = tpu.vector_load %arg12[%get3A_1170, %get3A_1171] {strides = array<i32>} : memref<64x128xf32, #tpu.memory_space<vmem>>, vector<1x16xf32>,
        %get3A_1173 = vector.shape_cast %get3A_1172 : vector<1x16xf32> to vector<16xf32>
        %sub3A_1174 = arith.subf %get3A_1169, %get3A_1173 : vector<16xf32>
        %abs3A_1175 = math.absf %sub3A_1174 : vector<16xf32>
        %add3A_1176 = arith.constant 9.99999971E-10 : f32
        %add3A_1177 = vector.broadcast %add3A_1176 : f32 to vector<16xf32>
        %add3A_1178 = arith.addf %abs3A_1175, %add3A_1177 : vector<16xf32>
        %bitcast_convert_type3A_1179 = tpu.bitcast %add3A_1178 : vector<16xf32> -> vector<16xi32>
        %shift_right_arithmetic3A_1180 = arith.constant 1 : i32
        %shift_right_arithmetic3A_1181 = vector.broadcast %shift_right_arithmetic3A_1180 : i32 to vector<16xi32>
        %shift_right_arithmetic3A_1182 = arith.shrsi %bitcast_convert_type3A_1179, %shift_right_arithmetic3A_1181 : vector<16xi32>
        %sub3A_1183 = arith.constant 1597463007 : i32
        %sub3A_1184 = vector.broadcast %sub3A_1183 : i32 to vector<16xi32>
        %sub3A_1185 = arith.subi %sub3A_1184, %shift_right_arithmetic3A_1182 : vector<16xi32>
        %bitcast_convert_type3A_1186 = tpu.bitcast %sub3A_1185 : vector<16xi32> -> vector<16xf32>
        %mul3A_1187 = arith.constant 5.000000e-01 : f32
        %mul3A_1188 = vector.broadcast %mul3A_1187 : f32 to vector<16xf32>
        %mul3A_1189 = arith.mulf %add3A_1178, %mul3A_1188 : vector<16xf32>
        %mul3A_1190 = arith.mulf %mul3A_1189, %bitcast_convert_type3A_1186 : vector<16xf32>
        %mul3A_1191 = arith.mulf %mul3A_1190, %bitcast_convert_type3A_1186 : vector<16xf32>
        %sub3A_1192 = arith.constant 1.500000e+00 : f32
        %sub3A_1193 = vector.broadcast %sub3A_1192 : f32 to vector<16xf32>
        %sub3A_1194 = arith.subf %sub3A_1193, %mul3A_1191 : vector<16xf32>
        %mul3A_1195 = arith.mulf %bitcast_convert_type3A_1186, %sub3A_1194 : vector<16xf32>
        %mul3A_1196 = arith.mulf %add3A_1178, %mul3A_1195 : vector<16xf32>
        %mul3A_1197 = arith.mulf %mul3A_1196, %sub3A_1174 : vector<16xf32>
        %sub3A_1198 = arith.subf %get3A_1169, %mul3A_1197 : vector<16xf32>
        %swap3A_1199 = arith.index_cast %scan3A_978 : i32 to index
        %swap3A_1200 = arith.constant 80 : index
        %swap3A_1201 = tpu.vector_load %arg10[%swap3A_1199, %swap3A_1200] {strides = array<i32>} : memref<64x128xf32, #tpu.memory_space<vmem>>, vector<1x16xf32>,
        %swap3A_1202 = vector.shape_cast %swap3A_1201 : vector<1x16xf32> to vector<16xf32>
        %swap3A_1203 = vector.shape_cast %sub3A_1198 : vector<16xf32> to vector<1x16xf32>
        tpu.vector_store %arg10[%swap3A_1199, %swap3A_1200], %swap3A_1203 {strides = array<i32>} : memref<64x128xf32, #tpu.memory_space<vmem>>, vector<1x16xf32>,
        %get3A_1204 = arith.index_cast %scan3A_978 : i32 to index
        %get3A_1205 = arith.constant 96 : index
        %get3A_1206 = tpu.vector_load %arg10[%get3A_1204, %get3A_1205] {strides = array<i32>} : memref<64x128xf32, #tpu.memory_space<vmem>>, vector<1x16xf32>,
        %get3A_1207 = vector.shape_cast %get3A_1206 : vector<1x16xf32> to vector<16xf32>
        %get3A_1208 = arith.index_cast %scan3A_978 : i32 to index
        %get3A_1209 = arith.constant 96 : index
        %get3A_1210 = tpu.vector_load %arg12[%get3A_1208, %get3A_1209] {strides = array<i32>} : memref<64x128xf32, #tpu.memory_space<vmem>>, vector<1x16xf32>,
        %get3A_1211 = vector.shape_cast %get3A_1210 : vector<1x16xf32> to vector<16xf32>
        %sub3A_1212 = arith.subf %get3A_1207, %get3A_1211 : vector<16xf32>
        %abs3A_1213 = math.absf %sub3A_1212 : vector<16xf32>
        %add3A_1214 = arith.constant 9.99999971E-10 : f32
        %add3A_1215 = vector.broadcast %add3A_1214 : f32 to vector<16xf32>
        %add3A_1216 = arith.addf %abs3A_1213, %add3A_1215 : vector<16xf32>
        %bitcast_convert_type3A_1217 = tpu.bitcast %add3A_1216 : vector<16xf32> -> vector<16xi32>
        %shift_right_arithmetic3A_1218 = arith.constant 1 : i32
        %shift_right_arithmetic3A_1219 = vector.broadcast %shift_right_arithmetic3A_1218 : i32 to vector<16xi32>
        %shift_right_arithmetic3A_1220 = arith.shrsi %bitcast_convert_type3A_1217, %shift_right_arithmetic3A_1219 : vector<16xi32>
        %sub3A_1221 = arith.constant 1597463007 : i32
        %sub3A_1222 = vector.broadcast %sub3A_1221 : i32 to vector<16xi32>
        %sub3A_1223 = arith.subi %sub3A_1222, %shift_right_arithmetic3A_1220 : vector<16xi32>
        %bitcast_convert_type3A_1224 = tpu.bitcast %sub3A_1223 : vector<16xi32> -> vector<16xf32>
        %mul3A_1225 = arith.constant 5.000000e-01 : f32
        %mul3A_1226 = vector.broadcast %mul3A_1225 : f32 to vector<16xf32>
        %mul3A_1227 = arith.mulf %add3A_1216, %mul3A_1226 : vector<16xf32>
        %mul3A_1228 = arith.mulf %mul3A_1227, %bitcast_convert_type3A_1224 : vector<16xf32>
        %mul3A_1229 = arith.mulf %mul3A_1228, %bitcast_convert_type3A_1224 : vector<16xf32>
        %sub3A_1230 = arith.constant 1.500000e+00 : f32
        %sub3A_1231 = vector.broadcast %sub3A_1230 : f32 to vector<16xf32>
        %sub3A_1232 = arith.subf %sub3A_1231, %mul3A_1229 : vector<16xf32>
        %mul3A_1233 = arith.mulf %bitcast_convert_type3A_1224, %sub3A_1232 : vector<16xf32>
        %mul3A_1234 = arith.mulf %add3A_1216, %mul3A_1233 : vector<16xf32>
        %mul3A_1235 = arith.mulf %mul3A_1234, %sub3A_1212 : vector<16xf32>
        %sub3A_1236 = arith.subf %get3A_1207, %mul3A_1235 : vector<16xf32>
        %swap3A_1237 = arith.index_cast %scan3A_978 : i32 to index
        %swap3A_1238 = arith.constant 96 : index
        %swap3A_1239 = tpu.vector_load %arg10[%swap3A_1237, %swap3A_1238] {strides = array<i32>} : memref<64x128xf32, #tpu.memory_space<vmem>>, vector<1x16xf32>,
        %swap3A_1240 = vector.shape_cast %swap3A_1239 : vector<1x16xf32> to vector<16xf32>
        %swap3A_1241 = vector.shape_cast %sub3A_1236 : vector<16xf32> to vector<1x16xf32>
        tpu.vector_store %arg10[%swap3A_1237, %swap3A_1238], %swap3A_1241 {strides = array<i32>} : memref<64x128xf32, #tpu.memory_space<vmem>>, vector<1x16xf32>,
        %get3A_1242 = arith.index_cast %scan3A_978 : i32 to index
        %get3A_1243 = arith.constant 112 : index
        %get3A_1244 = tpu.vector_load %arg10[%get3A_1242, %get3A_1243] {strides = array<i32>} : memref<64x128xf32, #tpu.memory_space<vmem>>, vector<1x16xf32>,
        %get3A_1245 = vector.shape_cast %get3A_1244 : vector<1x16xf32> to vector<16xf32>
        %get3A_1246 = arith.index_cast %scan3A_978 : i32 to index
        %get3A_1247 = arith.constant 112 : index
        %get3A_1248 = tpu.vector_load %arg12[%get3A_1246, %get3A_1247] {strides = array<i32>} : memref<64x128xf32, #tpu.memory_space<vmem>>, vector<1x16xf32>,
        %get3A_1249 = vector.shape_cast %get3A_1248 : vector<1x16xf32> to vector<16xf32>
        %sub3A_1250 = arith.subf %get3A_1245, %get3A_1249 : vector<16xf32>
        %abs3A_1251 = math.absf %sub3A_1250 : vector<16xf32>
        %add3A_1252 = arith.constant 9.99999971E-10 : f32
        %add3A_1253 = vector.broadcast %add3A_1252 : f32 to vector<16xf32>
        %add3A_1254 = arith.addf %abs3A_1251, %add3A_1253 : vector<16xf32>
        %bitcast_convert_type3A_1255 = tpu.bitcast %add3A_1254 : vector<16xf32> -> vector<16xi32>
        %shift_right_arithmetic3A_1256 = arith.constant 1 : i32
        %shift_right_arithmetic3A_1257 = vector.broadcast %shift_right_arithmetic3A_1256 : i32 to vector<16xi32>
        %shift_right_arithmetic3A_1258 = arith.shrsi %bitcast_convert_type3A_1255, %shift_right_arithmetic3A_1257 : vector<16xi32>
        %sub3A_1259 = arith.constant 1597463007 : i32
        %sub3A_1260 = vector.broadcast %sub3A_1259 : i32 to vector<16xi32>
        %sub3A_1261 = arith.subi %sub3A_1260, %shift_right_arithmetic3A_1258 : vector<16xi32>
        %bitcast_convert_type3A_1262 = tpu.bitcast %sub3A_1261 : vector<16xi32> -> vector<16xf32>
        %mul3A_1263 = arith.constant 5.000000e-01 : f32
        %mul3A_1264 = vector.broadcast %mul3A_1263 : f32 to vector<16xf32>
        %mul3A_1265 = arith.mulf %add3A_1254, %mul3A_1264 : vector<16xf32>
        %mul3A_1266 = arith.mulf %mul3A_1265, %bitcast_convert_type3A_1262 : vector<16xf32>
        %mul3A_1267 = arith.mulf %mul3A_1266, %bitcast_convert_type3A_1262 : vector<16xf32>
        %sub3A_1268 = arith.constant 1.500000e+00 : f32
        %sub3A_1269 = vector.broadcast %sub3A_1268 : f32 to vector<16xf32>
        %sub3A_1270 = arith.subf %sub3A_1269, %mul3A_1267 : vector<16xf32>
        %mul3A_1271 = arith.mulf %bitcast_convert_type3A_1262, %sub3A_1270 : vector<16xf32>
        %mul3A_1272 = arith.mulf %add3A_1254, %mul3A_1271 : vector<16xf32>
        %mul3A_1273 = arith.mulf %mul3A_1272, %sub3A_1250 : vector<16xf32>
        %sub3A_1274 = arith.subf %get3A_1245, %mul3A_1273 : vector<16xf32>
        %swap3A_1275 = arith.index_cast %scan3A_978 : i32 to index
        %swap3A_1276 = arith.constant 112 : index
        %swap3A_1277 = tpu.vector_load %arg10[%swap3A_1275, %swap3A_1276] {strides = array<i32>} : memref<64x128xf32, #tpu.memory_space<vmem>>, vector<1x16xf32>,
        %swap3A_1278 = vector.shape_cast %swap3A_1277 : vector<1x16xf32> to vector<16xf32>
        %swap3A_1279 = vector.shape_cast %sub3A_1274 : vector<16xf32> to vector<1x16xf32>
        tpu.vector_store %arg10[%swap3A_1275, %swap3A_1276], %swap3A_1279 {strides = array<i32>} : memref<64x128xf32, #tpu.memory_space<vmem>>, vector<1x16xf32>,
      }
      %scan3A_839 = arith.constant 64 : i32
      %get3A_840 = arith.constant 0 : index
      %get3A_841 = tpu.vector_load %arg18[%get3A_840] {strides = array<i32>} : memref<64xi32, #tpu.memory_space<vmem>>, vector<16xi32>,
      %get3A_842 = vector.shape_cast %get3A_841 : vector<16xi32> to vector<16xi32>
      %sub3A_843 = vector.broadcast %mul3A_0 : i32 to vector<16xi32>
      %sub3A_844 = arith.subi %get3A_842, %sub3A_843 : vector<16xi32>
      %swap3A_845 = arith.constant 0 : index
      %swap3A_846 = tpu.vector_load %arg20[%swap3A_845] {strides = array<i32>} : memref<64xi32, #tpu.memory_space<vmem>>, vector<16xi32>,
      %swap3A_847 = vector.shape_cast %swap3A_846 : vector<16xi32> to vector<16xi32>
      %swap3A_848 = vector.shape_cast %sub3A_844 : vector<16xi32> to vector<16xi32>
      tpu.vector_store %arg20[%swap3A_845], %swap3A_848 {strides = array<i32>} : memref<64xi32, #tpu.memory_space<vmem>>, vector<16xi32>,
      %get3A_849 = arith.constant 16 : index
      %get3A_850 = tpu.vector_load %arg18[%get3A_849] {strides = array<i32>} : memref<64xi32, #tpu.memory_space<vmem>>, vector<16xi32>,
      %get3A_851 = vector.shape_cast %get3A_850 : vector<16xi32> to vector<16xi32>
      %sub3A_852 = vector.broadcast %mul3A_0 : i32 to vector<16xi32>
      %sub3A_853 = arith.subi %get3A_851, %sub3A_852 : vector<16xi32>
      %swap3A_854 = arith.constant 16 : index
      %swap3A_855 = tpu.vector_load %arg20[%swap3A_854] {strides = array<i32>} : memref<64xi32, #tpu.memory_space<vmem>>, vector<16xi32>,
      %swap3A_856 = vector.shape_cast %swap3A_855 : vector<16xi32> to vector<16xi32>
      %swap3A_857 = vector.shape_cast %sub3A_853 : vector<16xi32> to vector<16xi32>
      tpu.vector_store %arg20[%swap3A_854], %swap3A_857 {strides = array<i32>} : memref<64xi32, #tpu.memory_space<vmem>>, vector<16xi32>,
      %get3A_858 = arith.constant 32 : index
      %get3A_859 = tpu.vector_load %arg18[%get3A_858] {strides = array<i32>} : memref<64xi32, #tpu.memory_space<vmem>>, vector<16xi32>,
      %get3A_860 = vector.shape_cast %get3A_859 : vector<16xi32> to vector<16xi32>
      %sub3A_861 = vector.broadcast %mul3A_0 : i32 to vector<16xi32>
      %sub3A_862 = arith.subi %get3A_860, %sub3A_861 : vector<16xi32>
      %swap3A_863 = arith.constant 32 : index
      %swap3A_864 = tpu.vector_load %arg20[%swap3A_863] {strides = array<i32>} : memref<64xi32, #tpu.memory_space<vmem>>, vector<16xi32>,
      %swap3A_865 = vector.shape_cast %swap3A_864 : vector<16xi32> to vector<16xi32>
      %swap3A_866 = vector.shape_cast %sub3A_862 : vector<16xi32> to vector<16xi32>
      tpu.vector_store %arg20[%swap3A_863], %swap3A_866 {strides = array<i32>} : memref<64xi32, #tpu.memory_space<vmem>>, vector<16xi32>,
      %get3A_867 = arith.constant 48 : index
      %get3A_868 = tpu.vector_load %arg18[%get3A_867] {strides = array<i32>} : memref<64xi32, #tpu.memory_space<vmem>>, vector<16xi32>,
      %get3A_869 = vector.shape_cast %get3A_868 : vector<16xi32> to vector<16xi32>
      %sub3A_870 = vector.broadcast %mul3A_0 : i32 to vector<16xi32>
      %sub3A_871 = arith.subi %get3A_869, %sub3A_870 : vector<16xi32>
      %swap3A_872 = arith.constant 48 : index
      %swap3A_873 = tpu.vector_load %arg20[%swap3A_872] {strides = array<i32>} : memref<64xi32, #tpu.memory_space<vmem>>, vector<16xi32>,
      %swap3A_874 = vector.shape_cast %swap3A_873 : vector<16xi32> to vector<16xi32>
      %swap3A_875 = vector.shape_cast %sub3A_871 : vector<16xi32> to vector<16xi32>
      tpu.vector_store %arg20[%swap3A_872], %swap3A_875 {strides = array<i32>} : memref<64xi32, #tpu.memory_space<vmem>>, vector<16xi32>,
      %dma_start3A_876 = arith.constant 0 : i32
      %dma_start3A_877 = arith.constant 0 : i32
      %dma_start3A_878 = tpu.memref_slice %arg7[%dma_start3A_876, %dma_start3A_877] : memref<10240x128xf32, #tpu.memory_space<vmem_shared>> -> memref<10240x128xf32, #tpu.memory_space<vmem_shared>>
      tpu.enqueue_indirect_dma source(%arg10 : memref<64x128xf32, #tpu.memory_space<vmem>>) target(%dma_start3A_878 : memref<10240x128xf32, #tpu.memory_space<vmem_shared>>) offsets(%arg20 : memref<64xi32, #tpu.memory_space<vmem>>) semaphore(%arg32 : memref<!tpu.dma_semaphore, #tpu.memory_space<semaphore_mem>>) {add = true}
      %add3A_879 = arith.constant 2 : i32
      %add3A_880 = arith.addi %add3A_827, %add3A_879 : i32
      %add3A_881 = arith.addi %mul3A_4, %add3A_880 : i32
      %mul3A_882 = arith.constant 2 : i32
      %mul3A_883 = arith.muli %add3A_881, %mul3A_882 : i32
      %mul3A_884 = arith.constant 64 : i32
      %mul3A_885 = arith.muli %mul3A_883, %mul3A_884 : i32
      %dma_wait3A_886 = tpu.memref_slice %arg3[%mul3A_885] : memref<328192xi32, #tpu.memory_space<hbm>> -> memref<128xi32, #tpu.memory_space<hbm>>
      %dma_wait3A_887 = tpu.memref_slice %arg3[%mul3A_885] : memref<328192xi32, #tpu.memory_space<hbm>> -> memref<128xi32, #tpu.memory_space<hbm>>
      tpu.wait_dma2 semaphore(%arg34 : memref<!tpu.dma_semaphore, #tpu.memory_space<semaphore_mem>>) src(%dma_wait3A_887 : memref<128xi32, #tpu.memory_space<hbm>>) dst(%arg14 : memref<128xi32, #tpu.memory_space<vmem>>)
      %get3A_888 = arith.constant 0 : index
      %get3A_889 = tpu.vector_load %arg14[%get3A_888] {strides = array<i32>} : memref<128xi32, #tpu.memory_space<vmem>>, vector<16xi32>,
      %get3A_890 = vector.shape_cast %get3A_889 : vector<16xi32> to vector<16xi32>
      %add3A_891 = vector.broadcast %mul3A_0 : i32 to vector<16xi32>
      %add3A_892 = arith.addi %get3A_890, %add3A_891 : vector<16xi32>
      %swap3A_893 = arith.constant 0 : index
      %swap3A_894 = tpu.vector_load %arg16[%swap3A_893] {strides = array<i32>} : memref<64xi32, #tpu.memory_space<vmem>>, vector<16xi32>,
      %swap3A_895 = vector.shape_cast %swap3A_894 : vector<16xi32> to vector<16xi32>
      %swap3A_896 = vector.shape_cast %add3A_892 : vector<16xi32> to vector<16xi32>
      tpu.vector_store %arg16[%swap3A_893], %swap3A_896 {strides = array<i32>} : memref<64xi32, #tpu.memory_space<vmem>>, vector<16xi32>,
      %get3A_897 = arith.constant 64 : index
      %get3A_898 = tpu.vector_load %arg14[%get3A_897] {strides = array<i32>} : memref<128xi32, #tpu.memory_space<vmem>>, vector<16xi32>,
      %get3A_899 = vector.shape_cast %get3A_898 : vector<16xi32> to vector<16xi32>
      %add3A_900 = vector.broadcast %mul3A_0 : i32 to vector<16xi32>
      %add3A_901 = arith.addi %get3A_899, %add3A_900 : vector<16xi32>
      %swap3A_902 = arith.constant 0 : index
      %swap3A_903 = tpu.vector_load %arg18[%swap3A_902] {strides = array<i32>} : memref<64xi32, #tpu.memory_space<vmem>>, vector<16xi32>,
      %swap3A_904 = vector.shape_cast %swap3A_903 : vector<16xi32> to vector<16xi32>
      %swap3A_905 = vector.shape_cast %add3A_901 : vector<16xi32> to vector<16xi32>
      tpu.vector_store %arg18[%swap3A_902], %swap3A_905 {strides = array<i32>} : memref<64xi32, #tpu.memory_space<vmem>>, vector<16xi32>,
      %get3A_906 = arith.constant 16 : index
      %get3A_907 = tpu.vector_load %arg14[%get3A_906] {strides = array<i32>} : memref<128xi32, #tpu.memory_space<vmem>>, vector<16xi32>,
      %get3A_908 = vector.shape_cast %get3A_907 : vector<16xi32> to vector<16xi32>
      %add3A_909 = vector.broadcast %mul3A_0 : i32 to vector<16xi32>
      %add3A_910 = arith.addi %get3A_908, %add3A_909 : vector<16xi32>
      %swap3A_911 = arith.constant 16 : index
      %swap3A_912 = tpu.vector_load %arg16[%swap3A_911] {strides = array<i32>} : memref<64xi32, #tpu.memory_space<vmem>>, vector<16xi32>,
      %swap3A_913 = vector.shape_cast %swap3A_912 : vector<16xi32> to vector<16xi32>
      %swap3A_914 = vector.shape_cast %add3A_910 : vector<16xi32> to vector<16xi32>
      tpu.vector_store %arg16[%swap3A_911], %swap3A_914 {strides = array<i32>} : memref<64xi32, #tpu.memory_space<vmem>>, vector<16xi32>,
      %get3A_915 = arith.constant 80 : index
      %get3A_916 = tpu.vector_load %arg14[%get3A_915] {strides = array<i32>} : memref<128xi32, #tpu.memory_space<vmem>>, vector<16xi32>,
      %get3A_917 = vector.shape_cast %get3A_916 : vector<16xi32> to vector<16xi32>
      %add3A_918 = vector.broadcast %mul3A_0 : i32 to vector<16xi32>
      %add3A_919 = arith.addi %get3A_917, %add3A_918 : vector<16xi32>
      %swap3A_920 = arith.constant 16 : index
      %swap3A_921 = tpu.vector_load %arg18[%swap3A_920] {strides = array<i32>} : memref<64xi32, #tpu.memory_space<vmem>>, vector<16xi32>,
      %swap3A_922 = vector.shape_cast %swap3A_921 : vector<16xi32> to vector<16xi32>
      %swap3A_923 = vector.shape_cast %add3A_919 : vector<16xi32> to vector<16xi32>
      tpu.vector_store %arg18[%swap3A_920], %swap3A_923 {strides = array<i32>} : memref<64xi32, #tpu.memory_space<vmem>>, vector<16xi32>,
      %get3A_924 = arith.constant 32 : index
      %get3A_925 = tpu.vector_load %arg14[%get3A_924] {strides = array<i32>} : memref<128xi32, #tpu.memory_space<vmem>>, vector<16xi32>,
      %get3A_926 = vector.shape_cast %get3A_925 : vector<16xi32> to vector<16xi32>
      %add3A_927 = vector.broadcast %mul3A_0 : i32 to vector<16xi32>
      %add3A_928 = arith.addi %get3A_926, %add3A_927 : vector<16xi32>
      %swap3A_929 = arith.constant 32 : index
      %swap3A_930 = tpu.vector_load %arg16[%swap3A_929] {strides = array<i32>} : memref<64xi32, #tpu.memory_space<vmem>>, vector<16xi32>,
      %swap3A_931 = vector.shape_cast %swap3A_930 : vector<16xi32> to vector<16xi32>
      %swap3A_932 = vector.shape_cast %add3A_928 : vector<16xi32> to vector<16xi32>
      tpu.vector_store %arg16[%swap3A_929], %swap3A_932 {strides = array<i32>} : memref<64xi32, #tpu.memory_space<vmem>>, vector<16xi32>,
      %get3A_933 = arith.constant 96 : index
      %get3A_934 = tpu.vector_load %arg14[%get3A_933] {strides = array<i32>} : memref<128xi32, #tpu.memory_space<vmem>>, vector<16xi32>,
      %get3A_935 = vector.shape_cast %get3A_934 : vector<16xi32> to vector<16xi32>
      %add3A_936 = vector.broadcast %mul3A_0 : i32 to vector<16xi32>
      %add3A_937 = arith.addi %get3A_935, %add3A_936 : vector<16xi32>
      %swap3A_938 = arith.constant 32 : index
      %swap3A_939 = tpu.vector_load %arg18[%swap3A_938] {strides = array<i32>} : memref<64xi32, #tpu.memory_space<vmem>>, vector<16xi32>,
      %swap3A_940 = vector.shape_cast %swap3A_939 : vector<16xi32> to vector<16xi32>
      %swap3A_941 = vector.shape_cast %add3A_937 : vector<16xi32> to vector<16xi32>
      tpu.vector_store %arg18[%swap3A_938], %swap3A_941 {strides = array<i32>} : memref<64xi32, #tpu.memory_space<vmem>>, vector<16xi32>,
      %get3A_942 = arith.constant 48 : index
      %get3A_943 = tpu.vector_load %arg14[%get3A_942] {strides = array<i32>} : memref<128xi32, #tpu.memory_space<vmem>>, vector<16xi32>,
      %get3A_944 = vector.shape_cast %get3A_943 : vector<16xi32> to vector<16xi32>
      %add3A_945 = vector.broadcast %mul3A_0 : i32 to vector<16xi32>
      %add3A_946 = arith.addi %get3A_944, %add3A_945 : vector<16xi32>
      %swap3A_947 = arith.constant 48 : index
      %swap3A_948 = tpu.vector_load %arg16[%swap3A_947] {strides = array<i32>} : memref<64xi32, #tpu.memory_space<vmem>>, vector<16xi32>,
      %swap3A_949 = vector.shape_cast %swap3A_948 : vector<16xi32> to vector<16xi32>
      %swap3A_950 = vector.shape_cast %add3A_946 : vector<16xi32> to vector<16xi32>
      tpu.vector_store %arg16[%swap3A_947], %swap3A_950 {strides = array<i32>} : memref<64xi32, #tpu.memory_space<vmem>>, vector<16xi32>,
      %get3A_951 = arith.constant 112 : index
      %get3A_952 = tpu.vector_load %arg14[%get3A_951] {strides = array<i32>} : memref<128xi32, #tpu.memory_space<vmem>>, vector<16xi32>,
      %get3A_953 = vector.shape_cast %get3A_952 : vector<16xi32> to vector<16xi32>
      %add3A_954 = vector.broadcast %mul3A_0 : i32 to vector<16xi32>
      %add3A_955 = arith.addi %get3A_953, %add3A_954 : vector<16xi32>
      %swap3A_956 = arith.constant 48 : index
      %swap3A_957 = tpu.vector_load %arg18[%swap3A_956] {strides = array<i32>} : memref<64xi32, #tpu.memory_space<vmem>>, vector<16xi32>,
      %swap3A_958 = vector.shape_cast %swap3A_957 : vector<16xi32> to vector<16xi32>
      %swap3A_959 = vector.shape_cast %add3A_955 : vector<16xi32> to vector<16xi32>
      tpu.vector_store %arg18[%swap3A_956], %swap3A_959 {strides = array<i32>} : memref<64xi32, #tpu.memory_space<vmem>>, vector<16xi32>,
      %dma_start3A_960 = arith.constant 0 : i32
      %dma_start3A_961 = arith.constant 0 : i32
      %dma_start3A_962 = tpu.memref_slice %arg5[%dma_start3A_960, %dma_start3A_961] : memref<20480x128xf32, #tpu.memory_space<hbm>> -> memref<20480x128xf32, #tpu.memory_space<hbm>>
      tpu.enqueue_indirect_dma source(%dma_start3A_962 : memref<20480x128xf32, #tpu.memory_space<hbm>>) target(%arg12 : memref<64x128xf32, #tpu.memory_space<vmem>>) offsets(%arg16 : memref<64xi32, #tpu.memory_space<vmem>>) semaphore(%arg30 : memref<!tpu.dma_semaphore, #tpu.memory_space<semaphore_mem>>)
      %dma_wait3A_963 = arith.constant 0 : i32
      %dma_wait3A_964 = arith.constant 0 : i32
      %dma_wait3A_965 = tpu.memref_slice %arg7[%dma_wait3A_963, %dma_wait3A_964] : memref<10240x128xf32, #tpu.memory_space<vmem_shared>> -> memref<10240x128xf32, #tpu.memory_space<vmem_shared>>
      tpu.wait_indirect_dma semaphore(%arg32 : memref<!tpu.dma_semaphore, #tpu.memory_space<semaphore_mem>>) src(%arg10 : memref<64x128xf32, #tpu.memory_space<vmem>>) dst(%dma_wait3A_965 : memref<10240x128xf32, #tpu.memory_space<vmem_shared>>)
      %dma_start3A_966 = arith.constant 0 : i32
      %dma_start3A_967 = arith.constant 0 : i32
      %dma_start3A_968 = tpu.memref_slice %arg5[%dma_start3A_966, %dma_start3A_967] : memref<20480x128xf32, #tpu.memory_space<hbm>> -> memref<20480x128xf32, #tpu.memory_space<hbm>>
      tpu.enqueue_indirect_dma source(%dma_start3A_968 : memref<20480x128xf32, #tpu.memory_space<hbm>>) target(%arg10 : memref<64x128xf32, #tpu.memory_space<vmem>>) offsets(%arg18 : memref<64xi32, #tpu.memory_space<vmem>>) semaphore(%arg28 : memref<!tpu.dma_semaphore, #tpu.memory_space<semaphore_mem>>)
      %add3A_969 = arith.constant 4 : i32
      %add3A_970 = arith.addi %add3A_827, %add3A_969 : i32
      %add3A_971 = arith.addi %mul3A_4, %add3A_970 : i32
      %mul3A_972 = arith.constant 2 : i32
      %mul3A_973 = arith.muli %add3A_971, %mul3A_972 : i32
      %mul3A_974 = arith.constant 64 : i32
      %mul3A_975 = arith.muli %mul3A_973, %mul3A_974 : i32
      %dma_start3A_976 = tpu.memref_slice %arg3[%mul3A_975] : memref<328192xi32, #tpu.memory_space<hbm>> -> memref<128xi32, #tpu.memory_space<hbm>>
      %dma_start3A_977 = tpu.memref_slice %arg3[%mul3A_975] : memref<328192xi32, #tpu.memory_space<hbm>> -> memref<128xi32, #tpu.memory_space<hbm>>
      tpu.enqueue_dma source(%dma_start3A_977 : memref<128xi32, #tpu.memory_space<hbm>>) target(%arg14 : memref<128xi32, #tpu.memory_space<vmem>>) target_semaphore(%arg34 : memref<!tpu.dma_semaphore, #tpu.memory_space<semaphore_mem>>)
    }
    %scan3A_596 = arith.constant 80 : i32
    %dma_wait3A_597 = arith.constant 0 : i32
    %dma_wait3A_598 = arith.constant 0 : i32
    %dma_wait3A_599 = tpu.memref_slice %arg5[%dma_wait3A_597, %dma_wait3A_598] : memref<20480x128xf32, #tpu.memory_space<hbm>> -> memref<20480x128xf32, #tpu.memory_space<hbm>>
    tpu.wait_indirect_dma semaphore(%arg27 : memref<!tpu.dma_semaphore, #tpu.memory_space<semaphore_mem>>) src(%dma_wait3A_599 : memref<20480x128xf32, #tpu.memory_space<hbm>>) dst(%arg9 : memref<64x128xf32, #tpu.memory_space<vmem>>)
    %dma_wait3A_600 = arith.constant 0 : i32
    %dma_wait3A_601 = arith.constant 0 : i32
    %dma_wait3A_602 = tpu.memref_slice %arg5[%dma_wait3A_600, %dma_wait3A_601] : memref<20480x128xf32, #tpu.memory_space<hbm>> -> memref<20480x128xf32, #tpu.memory_space<hbm>>
    tpu.wait_indirect_dma semaphore(%arg29 : memref<!tpu.dma_semaphore, #tpu.memory_space<semaphore_mem>>) src(%dma_wait3A_602 : memref<20480x128xf32, #tpu.memory_space<hbm>>) dst(%arg11 : memref<64x128xf32, #tpu.memory_space<vmem>>)
    %add3A_603 = arith.constant 162 : i32
    %add3A_604 = arith.addi %mul3A_4, %add3A_603 : i32
    %mul3A_605 = arith.constant 2 : i32
    %mul3A_606 = arith.muli %add3A_604, %mul3A_605 : i32
    %mul3A_607 = arith.constant 64 : i32
    %mul3A_608 = arith.muli %mul3A_606, %mul3A_607 : i32
    %dma_wait3A_609 = tpu.memref_slice %arg3[%mul3A_608] : memref<328192xi32, #tpu.memory_space<hbm>> -> memref<128xi32, #tpu.memory_space<hbm>>
    %dma_wait3A_610 = tpu.memref_slice %arg3[%mul3A_608] : memref<328192xi32, #tpu.memory_space<hbm>> -> memref<128xi32, #tpu.memory_space<hbm>>
    tpu.wait_dma2 semaphore(%arg33 : memref<!tpu.dma_semaphore, #tpu.memory_space<semaphore_mem>>) src(%dma_wait3A_610 : memref<128xi32, #tpu.memory_space<hbm>>) dst(%arg13 : memref<128xi32, #tpu.memory_space<vmem>>)
    %dma_wait3A_611 = arith.constant 0 : i32
    %dma_wait3A_612 = arith.constant 0 : i32
    %dma_wait3A_613 = tpu.memref_slice %arg5[%dma_wait3A_611, %dma_wait3A_612] : memref<20480x128xf32, #tpu.memory_space<hbm>> -> memref<20480x128xf32, #tpu.memory_space<hbm>>
    tpu.wait_indirect_dma semaphore(%arg28 : memref<!tpu.dma_semaphore, #tpu.memory_space<semaphore_mem>>) src(%dma_wait3A_613 : memref<20480x128xf32, #tpu.memory_space<hbm>>) dst(%arg10 : memref<64x128xf32, #tpu.memory_space<vmem>>)
    %dma_wait3A_614 = arith.constant 0 : i32
    %dma_wait3A_615 = arith.constant 0 : i32
    %dma_wait3A_616 = tpu.memref_slice %arg5[%dma_wait3A_614, %dma_wait3A_615] : memref<20480x128xf32, #tpu.memory_space<hbm>> -> memref<20480x128xf32, #tpu.memory_space<hbm>>
    tpu.wait_indirect_dma semaphore(%arg30 : memref<!tpu.dma_semaphore, #tpu.memory_space<semaphore_mem>>) src(%dma_wait3A_616 : memref<20480x128xf32, #tpu.memory_space<hbm>>) dst(%arg12 : memref<64x128xf32, #tpu.memory_space<vmem>>)
    %add3A_617 = arith.constant 163 : i32
    %add3A_618 = arith.addi %mul3A_4, %add3A_617 : i32
    %mul3A_619 = arith.constant 2 : i32
    %mul3A_620 = arith.muli %add3A_618, %mul3A_619 : i32
    %mul3A_621 = arith.constant 64 : i32
    %mul3A_622 = arith.muli %mul3A_620, %mul3A_621 : i32
    %dma_wait3A_623 = tpu.memref_slice %arg3[%mul3A_622] : memref<328192xi32, #tpu.memory_space<hbm>> -> memref<128xi32, #tpu.memory_space<hbm>>
    %dma_wait3A_624 = tpu.memref_slice %arg3[%mul3A_622] : memref<328192xi32, #tpu.memory_space<hbm>> -> memref<128xi32, #tpu.memory_space<hbm>>
    tpu.wait_dma2 semaphore(%arg34 : memref<!tpu.dma_semaphore, #tpu.memory_space<semaphore_mem>>) src(%dma_wait3A_624 : memref<128xi32, #tpu.memory_space<hbm>>) dst(%arg14 : memref<128xi32, #tpu.memory_space<vmem>>)
    %barrier3A_625 = arith.constant 0 : index
    tpu.barrier barrier_id(%barrier3A_625)
    %min3A_626 = arith.constant 0 : i32
    %min3A_627 = arith.constant 79 : i32
    %min3A_628 = arith.minsi %min3A_626, %min3A_627 : i32
    %mul3A_629 = arith.constant 8 : i32
    %mul3A_630 = arith.muli %min3A_628, %mul3A_629 : i32
    %add3A_631 = arith.addi %mul3A_2, %mul3A_630 : i32
    %dma_start3A_632 = arith.constant 0 : i32
    %dma_start3A_633 = tpu.memref_slice %arg7[%add3A_631, %dma_start3A_632] : memref<10240x128xf32, #tpu.memory_space<vmem_shared>> -> memref<8x128xf32, #tpu.memory_space<vmem_shared>>
    %dma_start3A_634 = arith.constant 0 : i32
    %dma_start3A_635 = tpu.memref_slice %arg7[%add3A_631, %dma_start3A_634] : memref<10240x128xf32, #tpu.memory_space<vmem_shared>> -> memref<8x128xf32, #tpu.memory_space<vmem_shared>>
    tpu.enqueue_dma source(%dma_start3A_635 : memref<8x128xf32, #tpu.memory_space<vmem_shared>>) target(%arg23 : memref<8x128xf32, #tpu.memory_space<vmem>>) target_semaphore(%arg27 : memref<!tpu.dma_semaphore, #tpu.memory_space<semaphore_mem>>)
    %min3A_636 = arith.constant 1 : i32
    %min3A_637 = arith.constant 79 : i32
    %min3A_638 = arith.minsi %min3A_636, %min3A_637 : i32
    %mul3A_639 = arith.constant 8 : i32
    %mul3A_640 = arith.muli %min3A_638, %mul3A_639 : i32
    %add3A_641 = arith.addi %mul3A_2, %mul3A_640 : i32
    %dma_start3A_642 = arith.constant 0 : i32
    %dma_start3A_643 = tpu.memref_slice %arg7[%add3A_641, %dma_start3A_642] : memref<10240x128xf32, #tpu.memory_space<vmem_shared>> -> memref<8x128xf32, #tpu.memory_space<vmem_shared>>
    %dma_start3A_644 = arith.constant 0 : i32
    %dma_start3A_645 = tpu.memref_slice %arg7[%add3A_641, %dma_start3A_644] : memref<10240x128xf32, #tpu.memory_space<vmem_shared>> -> memref<8x128xf32, #tpu.memory_space<vmem_shared>>
    tpu.enqueue_dma source(%dma_start3A_645 : memref<8x128xf32, #tpu.memory_space<vmem_shared>>) target(%arg24 : memref<8x128xf32, #tpu.memory_space<vmem>>) target_semaphore(%arg28 : memref<!tpu.dma_semaphore, #tpu.memory_space<semaphore_mem>>)
    %scan3A_646 = arith.constant 0 : i32
    %scan3A_647 = arith.constant 0 : i32
    %scan3A_648 = arith.constant 40 : i32
    %scan3A_649 = arith.addi %scan3A_647, %scan3A_648 : i32
    %scan3A_650 = arith.constant 1 : i32
    scf.for %scan3A_672 = %scan3A_647 to %scan3A_649 step %scan3A_650  : i32 {
      %mul3A_673 = arith.constant 2 : i32
      %mul3A_674 = arith.muli %mul3A_673, %scan3A_672 : i32
      %add3A_675 = arith.constant 0 : i32
      %add3A_676 = arith.addi %mul3A_674, %add3A_675 : i32
      %min3A_677 = arith.constant 79 : i32
      %min3A_678 = arith.minsi %add3A_676, %min3A_677 : i32
      %mul3A_679 = arith.constant 8 : i32
      %mul3A_680 = arith.muli %min3A_678, %mul3A_679 : i32
      %add3A_681 = arith.addi %mul3A_2, %mul3A_680 : i32
      %dma_wait3A_682 = arith.constant 0 : i32
      %dma_wait3A_683 = tpu.memref_slice %arg7[%add3A_681, %dma_wait3A_682] : memref<10240x128xf32, #tpu.memory_space<vmem_shared>> -> memref<8x128xf32, #tpu.memory_space<vmem_shared>>
      %dma_wait3A_684 = arith.constant 0 : i32
      %dma_wait3A_685 = tpu.memref_slice %arg7[%add3A_681, %dma_wait3A_684] : memref<10240x128xf32, #tpu.memory_space<vmem_shared>> -> memref<8x128xf32, #tpu.memory_space<vmem_shared>>
      tpu.wait_dma2 semaphore(%arg27 : memref<!tpu.dma_semaphore, #tpu.memory_space<semaphore_mem>>) src(%dma_wait3A_685 : memref<8x128xf32, #tpu.memory_space<vmem_shared>>) dst(%arg23 : memref<8x128xf32, #tpu.memory_space<vmem>>)
      %scan3A_686 = arith.constant 0 : i32
      %scan3A_687 = arith.constant 0 : i32
      %scan3A_688 = arith.constant 8 : i32
      %scan3A_689 = arith.addi %scan3A_687, %scan3A_688 : i32
      %scan3A_690 = arith.constant 1 : i32
      scf.for %scan3A_761 = %scan3A_687 to %scan3A_689 step %scan3A_690  : i32 {
        %min3A_762 = arith.constant 79 : i32
        %min3A_763 = arith.minsi %add3A_676, %min3A_762 : i32
        %mul3A_764 = arith.constant 8 : i32
        %mul3A_765 = arith.muli %min3A_763, %mul3A_764 : i32
        %add3A_766 = arith.addi %mul3A_765, %scan3A_761 : i32
        %get3A_767 = arith.index_cast %add3A_766 : i32 to index
        %get3A_768 = tpu.vector_load %arg22[%get3A_767] {strides = array<i32>} : memref<656xf32, #tpu.memory_space<vmem>>, vector<16xf32>,
        %get3A_769 = vector.shape_cast %get3A_768 : vector<16xf32> to vector<16xf32>
        %slice3A = vector.extract_strided_slice %get3A_769 {offsets = [0], sizes = [1], strides = [1]} : vector<16xf32> to vector<1xf32>
        %squeeze3A = vector.extract %slice3A[0] : f32 from vector<1xf32>
        %get3A_770 = arith.index_cast %scan3A_761 : i32 to index
        %get3A_771 = arith.constant 0 : index
        %get3A_772 = tpu.vector_load %arg23[%get3A_770, %get3A_771] {strides = array<i32>} : memref<8x128xf32, #tpu.memory_space<vmem>>, vector<1x16xf32>,
        %get3A_773 = vector.shape_cast %get3A_772 : vector<1x16xf32> to vector<16xf32>
        %mul3A_774 = vector.broadcast %squeeze3A : f32 to vector<16xf32>
        %mul3A_775 = arith.mulf %get3A_773, %mul3A_774 : vector<16xf32>
        %swap3A_776 = arith.index_cast %scan3A_761 : i32 to index
        %swap3A_777 = arith.constant 0 : index
        %swap3A_778 = tpu.vector_load %arg23[%swap3A_776, %swap3A_777] {strides = array<i32>} : memref<8x128xf32, #tpu.memory_space<vmem>>, vector<1x16xf32>,
        %swap3A_779 = vector.shape_cast %swap3A_778 : vector<1x16xf32> to vector<16xf32>
        %swap3A_780 = vector.shape_cast %mul3A_775 : vector<16xf32> to vector<1x16xf32>
        tpu.vector_store %arg23[%swap3A_776, %swap3A_777], %swap3A_780 {strides = array<i32>} : memref<8x128xf32, #tpu.memory_space<vmem>>, vector<1x16xf32>,
        %get3A_781 = arith.index_cast %scan3A_761 : i32 to index
        %get3A_782 = arith.constant 16 : index
        %get3A_783 = tpu.vector_load %arg23[%get3A_781, %get3A_782] {strides = array<i32>} : memref<8x128xf32, #tpu.memory_space<vmem>>, vector<1x16xf32>,
        %get3A_784 = vector.shape_cast %get3A_783 : vector<1x16xf32> to vector<16xf32>
        %mul3A_785 = vector.broadcast %squeeze3A : f32 to vector<16xf32>
        %mul3A_786 = arith.mulf %get3A_784, %mul3A_785 : vector<16xf32>
        %swap3A_787 = arith.index_cast %scan3A_761 : i32 to index
        %swap3A_788 = arith.constant 16 : index
        %swap3A_789 = tpu.vector_load %arg23[%swap3A_787, %swap3A_788] {strides = array<i32>} : memref<8x128xf32, #tpu.memory_space<vmem>>, vector<1x16xf32>,
        %swap3A_790 = vector.shape_cast %swap3A_789 : vector<1x16xf32> to vector<16xf32>
        %swap3A_791 = vector.shape_cast %mul3A_786 : vector<16xf32> to vector<1x16xf32>
        tpu.vector_store %arg23[%swap3A_787, %swap3A_788], %swap3A_791 {strides = array<i32>} : memref<8x128xf32, #tpu.memory_space<vmem>>, vector<1x16xf32>,
        %get3A_792 = arith.index_cast %scan3A_761 : i32 to index
        %get3A_793 = arith.constant 32 : index
        %get3A_794 = tpu.vector_load %arg23[%get3A_792, %get3A_793] {strides = array<i32>} : memref<8x128xf32, #tpu.memory_space<vmem>>, vector<1x16xf32>,
        %get3A_795 = vector.shape_cast %get3A_794 : vector<1x16xf32> to vector<16xf32>
        %mul3A_796 = vector.broadcast %squeeze3A : f32 to vector<16xf32>
        %mul3A_797 = arith.mulf %get3A_795, %mul3A_796 : vector<16xf32>
        %swap3A_798 = arith.index_cast %scan3A_761 : i32 to index
        %swap3A_799 = arith.constant 32 : index
        %swap3A_800 = tpu.vector_load %arg23[%swap3A_798, %swap3A_799] {strides = array<i32>} : memref<8x128xf32, #tpu.memory_space<vmem>>, vector<1x16xf32>,
        %swap3A_801 = vector.shape_cast %swap3A_800 : vector<1x16xf32> to vector<16xf32>
        %swap3A_802 = vector.shape_cast %mul3A_797 : vector<16xf32> to vector<1x16xf32>
        tpu.vector_store %arg23[%swap3A_798, %swap3A_799], %swap3A_802 {strides = array<i32>} : memref<8x128xf32, #tpu.memory_space<vmem>>, vector<1x16xf32>,
        %get3A_803 = arith.index_cast %scan3A_761 : i32 to index
        %get3A_804 = arith.constant 48 : index
        %get3A_805 = tpu.vector_load %arg23[%get3A_803, %get3A_804] {strides = array<i32>} : memref<8x128xf32, #tpu.memory_space<vmem>>, vector<1x16xf32>,
        %get3A_806 = vector.shape_cast %get3A_805 : vector<1x16xf32> to vector<16xf32>
        %mul3A_807 = vector.broadcast %squeeze3A : f32 to vector<16xf32>
        %mul3A_808 = arith.mulf %get3A_806, %mul3A_807 : vector<16xf32>
        %swap3A_809 = arith.index_cast %scan3A_761 : i32 to index
        %swap3A_810 = arith.constant 48 : index
        %swap3A_811 = tpu.vector_load %arg23[%swap3A_809, %swap3A_810] {strides = array<i32>} : memref<8x128xf32, #tpu.memory_space<vmem>>, vector<1x16xf32>,
        %swap3A_812 = vector.shape_cast %swap3A_811 : vector<1x16xf32> to vector<16xf32>
        %swap3A_813 = vector.shape_cast %mul3A_808 : vector<16xf32> to vector<1x16xf32>
        tpu.vector_store %arg23[%swap3A_809, %swap3A_810], %swap3A_813 {strides = array<i32>} : memref<8x128xf32, #tpu.memory_space<vmem>>, vector<1x16xf32>,
        %get3A_814 = arith.index_cast %scan3A_761 : i32 to index
        %get3A_815 = arith.constant 64 : index
        %get3A_816 = tpu.vector_load %arg23[%get3A_814, %get3A_815] {strides = array<i32>} : memref<8x128xf32, #tpu.memory_space<vmem>>, vector<1x16xf32>,
        %get3A_817 = vector.shape_cast %get3A_816 : vector<1x16xf32> to vector<16xf32>
        %mul3A_818 = vector.broadcast %squeeze3A : f32 to vector<16xf32>
        %mul3A_819 = arith.mulf %get3A_817, %mul3A_818 : vector<16xf32>
        %swap3A_820 = arith.index_cast %scan3A_761 : i32 to index
        %swap3A_821 = arith.constant 64 : index
        %swap3A_822 = tpu.vector_load %arg23[%swap3A_820, %swap3A_821] {strides = array<i32>} : memref<8x128xf32, #tpu.memory_space<vmem>>, vector<1x16xf32>,
        %swap3A_823 = vector.shape_cast %swap3A_822 : vector<1x16xf32> to vector<16xf32>
        %swap3A_824 = vector.shape_cast %mul3A_819 : vector<16xf32> to vector<1x16xf32>
        tpu.vector_store %arg23[%swap3A_820, %swap3A_821], %swap3A_824 {strides = array<i32>} : memref<8x128xf32, #tpu.memory_space<vmem>>, vector<1x16xf32>,
        %get3A_825 = arith.index_cast %scan3A_761 : i32 to index
        %get3A_826 = arith.constant 80 : index
        %get3A_827 = tpu.vector_load %arg23[%get3A_825, %get3A_826] {strides = array<i32>} : memref<8x128xf32, #tpu.memory_space<vmem>>, vector<1x16xf32>,
        %get3A_828 = vector.shape_cast %get3A_827 : vector<1x16xf32> to vector<16xf32>
        %mul3A_829 = vector.broadcast %squeeze3A : f32 to vector<16xf32>
        %mul3A_830 = arith.mulf %get3A_828, %mul3A_829 : vector<16xf32>
        %swap3A_831 = arith.index_cast %scan3A_761 : i32 to index
        %swap3A_832 = arith.constant 80 : index
        %swap3A_833 = tpu.vector_load %arg23[%swap3A_831, %swap3A_832] {strides = array<i32>} : memref<8x128xf32, #tpu.memory_space<vmem>>, vector<1x16xf32>,
        %swap3A_834 = vector.shape_cast %swap3A_833 : vector<1x16xf32> to vector<16xf32>
        %swap3A_835 = vector.shape_cast %mul3A_830 : vector<16xf32> to vector<1x16xf32>
        tpu.vector_store %arg23[%swap3A_831, %swap3A_832], %swap3A_835 {strides = array<i32>} : memref<8x128xf32, #tpu.memory_space<vmem>>, vector<1x16xf32>,
        %get3A_836 = arith.index_cast %scan3A_761 : i32 to index
        %get3A_837 = arith.constant 96 : index
        %get3A_838 = tpu.vector_load %arg23[%get3A_836, %get3A_837] {strides = array<i32>} : memref<8x128xf32, #tpu.memory_space<vmem>>, vector<1x16xf32>,
        %get3A_839 = vector.shape_cast %get3A_838 : vector<1x16xf32> to vector<16xf32>
        %mul3A_840 = vector.broadcast %squeeze3A : f32 to vector<16xf32>
        %mul3A_841 = arith.mulf %get3A_839, %mul3A_840 : vector<16xf32>
        %swap3A_842 = arith.index_cast %scan3A_761 : i32 to index
        %swap3A_843 = arith.constant 96 : index
        %swap3A_844 = tpu.vector_load %arg23[%swap3A_842, %swap3A_843] {strides = array<i32>} : memref<8x128xf32, #tpu.memory_space<vmem>>, vector<1x16xf32>,
        %swap3A_845 = vector.shape_cast %swap3A_844 : vector<1x16xf32> to vector<16xf32>
        %swap3A_846 = vector.shape_cast %mul3A_841 : vector<16xf32> to vector<1x16xf32>
        tpu.vector_store %arg23[%swap3A_842, %swap3A_843], %swap3A_846 {strides = array<i32>} : memref<8x128xf32, #tpu.memory_space<vmem>>, vector<1x16xf32>,
        %get3A_847 = arith.index_cast %scan3A_761 : i32 to index
        %get3A_848 = arith.constant 112 : index
        %get3A_849 = tpu.vector_load %arg23[%get3A_847, %get3A_848] {strides = array<i32>} : memref<8x128xf32, #tpu.memory_space<vmem>>, vector<1x16xf32>,
        %get3A_850 = vector.shape_cast %get3A_849 : vector<1x16xf32> to vector<16xf32>
        %mul3A_851 = vector.broadcast %squeeze3A : f32 to vector<16xf32>
        %mul3A_852 = arith.mulf %get3A_850, %mul3A_851 : vector<16xf32>
        %swap3A_853 = arith.index_cast %scan3A_761 : i32 to index
        %swap3A_854 = arith.constant 112 : index
        %swap3A_855 = tpu.vector_load %arg23[%swap3A_853, %swap3A_854] {strides = array<i32>} : memref<8x128xf32, #tpu.memory_space<vmem>>, vector<1x16xf32>,
        %swap3A_856 = vector.shape_cast %swap3A_855 : vector<1x16xf32> to vector<16xf32>
        %swap3A_857 = vector.shape_cast %mul3A_852 : vector<16xf32> to vector<1x16xf32>
        tpu.vector_store %arg23[%swap3A_853, %swap3A_854], %swap3A_857 {strides = array<i32>} : memref<8x128xf32, #tpu.memory_space<vmem>>, vector<1x16xf32>,
      }
      %scan3A_691 = arith.constant 8 : i32
      %add3A_692 = arith.addi %mul3A_0, %mul3A_2 : i32
      %min3A_693 = arith.constant 79 : i32
      %min3A_694 = arith.minsi %add3A_676, %min3A_693 : i32
      %mul3A_695 = arith.constant 8 : i32
      %mul3A_696 = arith.muli %min3A_694, %mul3A_695 : i32
      %add3A_697 = arith.addi %add3A_692, %mul3A_696 : i32
      %dma_start3A_698 = arith.constant 0 : i32
      %dma_start3A_699 = tpu.memref_slice %arg4[%add3A_697, %dma_start3A_698] : memref<20480x128xf32, #tpu.memory_space<hbm>> -> memref<8x128xf32, #tpu.memory_space<hbm>>
      %dma_start3A_700 = arith.constant 0 : i32
      %dma_start3A_701 = tpu.memref_slice %arg4[%add3A_697, %dma_start3A_700] : memref<20480x128xf32, #tpu.memory_space<hbm>> -> memref<8x128xf32, #tpu.memory_space<hbm>>
      tpu.enqueue_dma source(%arg23 : memref<8x128xf32, #tpu.memory_space<vmem>>) target(%dma_start3A_701 : memref<8x128xf32, #tpu.memory_space<hbm>>) target_semaphore(%arg31 : memref<!tpu.dma_semaphore, #tpu.memory_space<semaphore_mem>>)
      %dma_wait3A_702 = arith.constant 0 : i32
      %dma_wait3A_703 = tpu.memref_slice %arg4[%add3A_697, %dma_wait3A_702] : memref<20480x128xf32, #tpu.memory_space<hbm>> -> memref<8x128xf32, #tpu.memory_space<hbm>>
      %dma_wait3A_704 = arith.constant 0 : i32
      %dma_wait3A_705 = tpu.memref_slice %arg4[%add3A_697, %dma_wait3A_704] : memref<20480x128xf32, #tpu.memory_space<hbm>> -> memref<8x128xf32, #tpu.memory_space<hbm>>
      tpu.wait_dma2 semaphore(%arg31 : memref<!tpu.dma_semaphore, #tpu.memory_space<semaphore_mem>>) src(%arg23 : memref<8x128xf32, #tpu.memory_space<vmem>>) dst(%dma_wait3A_705 : memref<8x128xf32, #tpu.memory_space<hbm>>)
      %add3A_706 = arith.constant 2 : i32
      %add3A_707 = arith.addi %add3A_676, %add3A_706 : i32
      %min3A_708 = arith.constant 79 : i32
      %min3A_709 = arith.minsi %add3A_707, %min3A_708 : i32
      %mul3A_710 = arith.constant 8 : i32
      %mul3A_711 = arith.muli %min3A_709, %mul3A_710 : i32
      %add3A_712 = arith.addi %mul3A_2, %mul3A_711 : i32
      %dma_start3A_713 = arith.constant 0 : i32
      %dma_start3A_714 = tpu.memref_slice %arg7[%add3A_712, %dma_start3A_713] : memref<10240x128xf32, #tpu.memory_space<vmem_shared>> -> memref<8x128xf32, #tpu.memory_space<vmem_shared>>
      %dma_start3A_715 = arith.constant 0 : i32
      %dma_start3A_716 = tpu.memref_slice %arg7[%add3A_712, %dma_start3A_715] : memref<10240x128xf32, #tpu.memory_space<vmem_shared>> -> memref<8x128xf32, #tpu.memory_space<vmem_shared>>
      tpu.enqueue_dma source(%dma_start3A_716 : memref<8x128xf32, #tpu.memory_space<vmem_shared>>) target(%arg23 : memref<8x128xf32, #tpu.memory_space<vmem>>) target_semaphore(%arg27 : memref<!tpu.dma_semaphore, #tpu.memory_space<semaphore_mem>>)
      %mul3A_717 = arith.constant 2 : i32
      %mul3A_718 = arith.muli %mul3A_717, %scan3A_672 : i32
      %add3A_719 = arith.constant 1 : i32
      %add3A_720 = arith.addi %mul3A_718, %add3A_719 : i32
      %min3A_721 = arith.constant 79 : i32
      %min3A_722 = arith.minsi %add3A_720, %min3A_721 : i32
      %mul3A_723 = arith.constant 8 : i32
      %mul3A_724 = arith.muli %min3A_722, %mul3A_723 : i32
      %add3A_725 = arith.addi %mul3A_2, %mul3A_724 : i32
      %dma_wait3A_726 = arith.constant 0 : i32
      %dma_wait3A_727 = tpu.memref_slice %arg7[%add3A_725, %dma_wait3A_726] : memref<10240x128xf32, #tpu.memory_space<vmem_shared>> -> memref<8x128xf32, #tpu.memory_space<vmem_shared>>
      %dma_wait3A_728 = arith.constant 0 : i32
      %dma_wait3A_729 = tpu.memref_slice %arg7[%add3A_725, %dma_wait3A_728] : memref<10240x128xf32, #tpu.memory_space<vmem_shared>> -> memref<8x128xf32, #tpu.memory_space<vmem_shared>>
      tpu.wait_dma2 semaphore(%arg28 : memref<!tpu.dma_semaphore, #tpu.memory_space<semaphore_mem>>) src(%dma_wait3A_729 : memref<8x128xf32, #tpu.memory_space<vmem_shared>>) dst(%arg24 : memref<8x128xf32, #tpu.memory_space<vmem>>)
      %scan3A_730 = arith.constant 0 : i32
      %scan3A_731 = arith.constant 0 : i32
      %scan3A_732 = arith.constant 8 : i32
      %scan3A_733 = arith.addi %scan3A_731, %scan3A_732 : i32
      %scan3A_734 = arith.constant 1 : i32
      scf.for %scan3A_761 = %scan3A_731 to %scan3A_733 step %scan3A_734  : i32 {
        %min3A_762 = arith.constant 79 : i32
        %min3A_763 = arith.minsi %add3A_720, %min3A_762 : i32
        %mul3A_764 = arith.constant 8 : i32
        %mul3A_765 = arith.muli %min3A_763, %mul3A_764 : i32
        %add3A_766 = arith.addi %mul3A_765, %scan3A_761 : i32
        %get3A_767 = arith.index_cast %add3A_766 : i32 to index
        %get3A_768 = tpu.vector_load %arg22[%get3A_767] {strides = array<i32>} : memref<656xf32, #tpu.memory_space<vmem>>, vector<16xf32>,
        %get3A_769 = vector.shape_cast %get3A_768 : vector<16xf32> to vector<16xf32>
        %slice3A = vector.extract_strided_slice %get3A_769 {offsets = [0], sizes = [1], strides = [1]} : vector<16xf32> to vector<1xf32>
        %squeeze3A = vector.extract %slice3A[0] : f32 from vector<1xf32>
        %get3A_770 = arith.index_cast %scan3A_761 : i32 to index
        %get3A_771 = arith.constant 0 : index
        %get3A_772 = tpu.vector_load %arg24[%get3A_770, %get3A_771] {strides = array<i32>} : memref<8x128xf32, #tpu.memory_space<vmem>>, vector<1x16xf32>,
        %get3A_773 = vector.shape_cast %get3A_772 : vector<1x16xf32> to vector<16xf32>
        %mul3A_774 = vector.broadcast %squeeze3A : f32 to vector<16xf32>
        %mul3A_775 = arith.mulf %get3A_773, %mul3A_774 : vector<16xf32>
        %swap3A_776 = arith.index_cast %scan3A_761 : i32 to index
        %swap3A_777 = arith.constant 0 : index
        %swap3A_778 = tpu.vector_load %arg24[%swap3A_776, %swap3A_777] {strides = array<i32>} : memref<8x128xf32, #tpu.memory_space<vmem>>, vector<1x16xf32>,
        %swap3A_779 = vector.shape_cast %swap3A_778 : vector<1x16xf32> to vector<16xf32>
        %swap3A_780 = vector.shape_cast %mul3A_775 : vector<16xf32> to vector<1x16xf32>
        tpu.vector_store %arg24[%swap3A_776, %swap3A_777], %swap3A_780 {strides = array<i32>} : memref<8x128xf32, #tpu.memory_space<vmem>>, vector<1x16xf32>,
        %get3A_781 = arith.index_cast %scan3A_761 : i32 to index
        %get3A_782 = arith.constant 16 : index
        %get3A_783 = tpu.vector_load %arg24[%get3A_781, %get3A_782] {strides = array<i32>} : memref<8x128xf32, #tpu.memory_space<vmem>>, vector<1x16xf32>,
        %get3A_784 = vector.shape_cast %get3A_783 : vector<1x16xf32> to vector<16xf32>
        %mul3A_785 = vector.broadcast %squeeze3A : f32 to vector<16xf32>
        %mul3A_786 = arith.mulf %get3A_784, %mul3A_785 : vector<16xf32>
        %swap3A_787 = arith.index_cast %scan3A_761 : i32 to index
        %swap3A_788 = arith.constant 16 : index
        %swap3A_789 = tpu.vector_load %arg24[%swap3A_787, %swap3A_788] {strides = array<i32>} : memref<8x128xf32, #tpu.memory_space<vmem>>, vector<1x16xf32>,
        %swap3A_790 = vector.shape_cast %swap3A_789 : vector<1x16xf32> to vector<16xf32>
        %swap3A_791 = vector.shape_cast %mul3A_786 : vector<16xf32> to vector<1x16xf32>
        tpu.vector_store %arg24[%swap3A_787, %swap3A_788], %swap3A_791 {strides = array<i32>} : memref<8x128xf32, #tpu.memory_space<vmem>>, vector<1x16xf32>,
        %get3A_792 = arith.index_cast %scan3A_761 : i32 to index
        %get3A_793 = arith.constant 32 : index
        %get3A_794 = tpu.vector_load %arg24[%get3A_792, %get3A_793] {strides = array<i32>} : memref<8x128xf32, #tpu.memory_space<vmem>>, vector<1x16xf32>,
        %get3A_795 = vector.shape_cast %get3A_794 : vector<1x16xf32> to vector<16xf32>
        %mul3A_796 = vector.broadcast %squeeze3A : f32 to vector<16xf32>
        %mul3A_797 = arith.mulf %get3A_795, %mul3A_796 : vector<16xf32>
        %swap3A_798 = arith.index_cast %scan3A_761 : i32 to index
        %swap3A_799 = arith.constant 32 : index
        %swap3A_800 = tpu.vector_load %arg24[%swap3A_798, %swap3A_799] {strides = array<i32>} : memref<8x128xf32, #tpu.memory_space<vmem>>, vector<1x16xf32>,
        %swap3A_801 = vector.shape_cast %swap3A_800 : vector<1x16xf32> to vector<16xf32>
        %swap3A_802 = vector.shape_cast %mul3A_797 : vector<16xf32> to vector<1x16xf32>
        tpu.vector_store %arg24[%swap3A_798, %swap3A_799], %swap3A_802 {strides = array<i32>} : memref<8x128xf32, #tpu.memory_space<vmem>>, vector<1x16xf32>,
        %get3A_803 = arith.index_cast %scan3A_761 : i32 to index
        %get3A_804 = arith.constant 48 : index
        %get3A_805 = tpu.vector_load %arg24[%get3A_803, %get3A_804] {strides = array<i32>} : memref<8x128xf32, #tpu.memory_space<vmem>>, vector<1x16xf32>,
        %get3A_806 = vector.shape_cast %get3A_805 : vector<1x16xf32> to vector<16xf32>
        %mul3A_807 = vector.broadcast %squeeze3A : f32 to vector<16xf32>
        %mul3A_808 = arith.mulf %get3A_806, %mul3A_807 : vector<16xf32>
        %swap3A_809 = arith.index_cast %scan3A_761 : i32 to index
        %swap3A_810 = arith.constant 48 : index
        %swap3A_811 = tpu.vector_load %arg24[%swap3A_809, %swap3A_810] {strides = array<i32>} : memref<8x128xf32, #tpu.memory_space<vmem>>, vector<1x16xf32>,
        %swap3A_812 = vector.shape_cast %swap3A_811 : vector<1x16xf32> to vector<16xf32>
        %swap3A_813 = vector.shape_cast %mul3A_808 : vector<16xf32> to vector<1x16xf32>
        tpu.vector_store %arg24[%swap3A_809, %swap3A_810], %swap3A_813 {strides = array<i32>} : memref<8x128xf32, #tpu.memory_space<vmem>>, vector<1x16xf32>,
        %get3A_814 = arith.index_cast %scan3A_761 : i32 to index
        %get3A_815 = arith.constant 64 : index
        %get3A_816 = tpu.vector_load %arg24[%get3A_814, %get3A_815] {strides = array<i32>} : memref<8x128xf32, #tpu.memory_space<vmem>>, vector<1x16xf32>,
        %get3A_817 = vector.shape_cast %get3A_816 : vector<1x16xf32> to vector<16xf32>
        %mul3A_818 = vector.broadcast %squeeze3A : f32 to vector<16xf32>
        %mul3A_819 = arith.mulf %get3A_817, %mul3A_818 : vector<16xf32>
        %swap3A_820 = arith.index_cast %scan3A_761 : i32 to index
        %swap3A_821 = arith.constant 64 : index
        %swap3A_822 = tpu.vector_load %arg24[%swap3A_820, %swap3A_821] {strides = array<i32>} : memref<8x128xf32, #tpu.memory_space<vmem>>, vector<1x16xf32>,
        %swap3A_823 = vector.shape_cast %swap3A_822 : vector<1x16xf32> to vector<16xf32>
        %swap3A_824 = vector.shape_cast %mul3A_819 : vector<16xf32> to vector<1x16xf32>
        tpu.vector_store %arg24[%swap3A_820, %swap3A_821], %swap3A_824 {strides = array<i32>} : memref<8x128xf32, #tpu.memory_space<vmem>>, vector<1x16xf32>,
        %get3A_825 = arith.index_cast %scan3A_761 : i32 to index
        %get3A_826 = arith.constant 80 : index
        %get3A_827 = tpu.vector_load %arg24[%get3A_825, %get3A_826] {strides = array<i32>} : memref<8x128xf32, #tpu.memory_space<vmem>>, vector<1x16xf32>,
        %get3A_828 = vector.shape_cast %get3A_827 : vector<1x16xf32> to vector<16xf32>
        %mul3A_829 = vector.broadcast %squeeze3A : f32 to vector<16xf32>
        %mul3A_830 = arith.mulf %get3A_828, %mul3A_829 : vector<16xf32>
        %swap3A_831 = arith.index_cast %scan3A_761 : i32 to index
        %swap3A_832 = arith.constant 80 : index
        %swap3A_833 = tpu.vector_load %arg24[%swap3A_831, %swap3A_832] {strides = array<i32>} : memref<8x128xf32, #tpu.memory_space<vmem>>, vector<1x16xf32>,
        %swap3A_834 = vector.shape_cast %swap3A_833 : vector<1x16xf32> to vector<16xf32>
        %swap3A_835 = vector.shape_cast %mul3A_830 : vector<16xf32> to vector<1x16xf32>
        tpu.vector_store %arg24[%swap3A_831, %swap3A_832], %swap3A_835 {strides = array<i32>} : memref<8x128xf32, #tpu.memory_space<vmem>>, vector<1x16xf32>,
        %get3A_836 = arith.index_cast %scan3A_761 : i32 to index
        %get3A_837 = arith.constant 96 : index
        %get3A_838 = tpu.vector_load %arg24[%get3A_836, %get3A_837] {strides = array<i32>} : memref<8x128xf32, #tpu.memory_space<vmem>>, vector<1x16xf32>,
        %get3A_839 = vector.shape_cast %get3A_838 : vector<1x16xf32> to vector<16xf32>
        %mul3A_840 = vector.broadcast %squeeze3A : f32 to vector<16xf32>
        %mul3A_841 = arith.mulf %get3A_839, %mul3A_840 : vector<16xf32>
        %swap3A_842 = arith.index_cast %scan3A_761 : i32 to index
        %swap3A_843 = arith.constant 96 : index
        %swap3A_844 = tpu.vector_load %arg24[%swap3A_842, %swap3A_843] {strides = array<i32>} : memref<8x128xf32, #tpu.memory_space<vmem>>, vector<1x16xf32>,
        %swap3A_845 = vector.shape_cast %swap3A_844 : vector<1x16xf32> to vector<16xf32>
        %swap3A_846 = vector.shape_cast %mul3A_841 : vector<16xf32> to vector<1x16xf32>
        tpu.vector_store %arg24[%swap3A_842, %swap3A_843], %swap3A_846 {strides = array<i32>} : memref<8x128xf32, #tpu.memory_space<vmem>>, vector<1x16xf32>,
        %get3A_847 = arith.index_cast %scan3A_761 : i32 to index
        %get3A_848 = arith.constant 112 : index
        %get3A_849 = tpu.vector_load %arg24[%get3A_847, %get3A_848] {strides = array<i32>} : memref<8x128xf32, #tpu.memory_space<vmem>>, vector<1x16xf32>,
        %get3A_850 = vector.shape_cast %get3A_849 : vector<1x16xf32> to vector<16xf32>
        %mul3A_851 = vector.broadcast %squeeze3A : f32 to vector<16xf32>
        %mul3A_852 = arith.mulf %get3A_850, %mul3A_851 : vector<16xf32>
        %swap3A_853 = arith.index_cast %scan3A_761 : i32 to index
        %swap3A_854 = arith.constant 112 : index
        %swap3A_855 = tpu.vector_load %arg24[%swap3A_853, %swap3A_854] {strides = array<i32>} : memref<8x128xf32, #tpu.memory_space<vmem>>, vector<1x16xf32>,
        %swap3A_856 = vector.shape_cast %swap3A_855 : vector<1x16xf32> to vector<16xf32>
        %swap3A_857 = vector.shape_cast %mul3A_852 : vector<16xf32> to vector<1x16xf32>
        tpu.vector_store %arg24[%swap3A_853, %swap3A_854], %swap3A_857 {strides = array<i32>} : memref<8x128xf32, #tpu.memory_space<vmem>>, vector<1x16xf32>,
      }
      %scan3A_735 = arith.constant 8 : i32
      %add3A_736 = arith.addi %mul3A_0, %mul3A_2 : i32
      %min3A_737 = arith.constant 79 : i32
      %min3A_738 = arith.minsi %add3A_720, %min3A_737 : i32
      %mul3A_739 = arith.constant 8 : i32
      %mul3A_740 = arith.muli %min3A_738, %mul3A_739 : i32
      %add3A_741 = arith.addi %add3A_736, %mul3A_740 : i32
      %dma_start3A_742 = arith.constant 0 : i32
      %dma_start3A_743 = tpu.memref_slice %arg4[%add3A_741, %dma_start3A_742] : memref<20480x128xf32, #tpu.memory_space<hbm>> -> memref<8x128xf32, #tpu.memory_space<hbm>>
      %dma_start3A_744 = arith.constant 0 : i32
      %dma_start3A_745 = tpu.memref_slice %arg4[%add3A_741, %dma_start3A_744] : memref<20480x128xf32, #tpu.memory_space<hbm>> -> memref<8x128xf32, #tpu.memory_space<hbm>>
      tpu.enqueue_dma source(%arg24 : memref<8x128xf32, #tpu.memory_space<vmem>>) target(%dma_start3A_745 : memref<8x128xf32, #tpu.memory_space<hbm>>) target_semaphore(%arg32 : memref<!tpu.dma_semaphore, #tpu.memory_space<semaphore_mem>>)
      %dma_wait3A_746 = arith.constant 0 : i32
      %dma_wait3A_747 = tpu.memref_slice %arg4[%add3A_741, %dma_wait3A_746] : memref<20480x128xf32, #tpu.memory_space<hbm>> -> memref<8x128xf32, #tpu.memory_space<hbm>>
      %dma_wait3A_748 = arith.constant 0 : i32
      %dma_wait3A_749 = tpu.memref_slice %arg4[%add3A_741, %dma_wait3A_748] : memref<20480x128xf32, #tpu.memory_space<hbm>> -> memref<8x128xf32, #tpu.memory_space<hbm>>
      tpu.wait_dma2 semaphore(%arg32 : memref<!tpu.dma_semaphore, #tpu.memory_space<semaphore_mem>>) src(%arg24 : memref<8x128xf32, #tpu.memory_space<vmem>>) dst(%dma_wait3A_749 : memref<8x128xf32, #tpu.memory_space<hbm>>)
      %add3A_750 = arith.constant 2 : i32
      %add3A_751 = arith.addi %add3A_720, %add3A_750 : i32
      %min3A_752 = arith.constant 79 : i32
      %min3A_753 = arith.minsi %add3A_751, %min3A_752 : i32
      %mul3A_754 = arith.constant 8 : i32
      %mul3A_755 = arith.muli %min3A_753, %mul3A_754 : i32
      %add3A_756 = arith.addi %mul3A_2, %mul3A_755 : i32
      %dma_start3A_757 = arith.constant 0 : i32
      %dma_start3A_758 = tpu.memref_slice %arg7[%add3A_756, %dma_start3A_757] : memref<10240x128xf32, #tpu.memory_space<vmem_shared>> -> memref<8x128xf32, #tpu.memory_space<vmem_shared>>
      %dma_start3A_759 = arith.constant 0 : i32
      %dma_start3A_760 = tpu.memref_slice %arg7[%add3A_756, %dma_start3A_759] : memref<10240x128xf32, #tpu.memory_space<vmem_shared>> -> memref<8x128xf32, #tpu.memory_space<vmem_shared>>
      tpu.enqueue_dma source(%dma_start3A_760 : memref<8x128xf32, #tpu.memory_space<vmem_shared>>) target(%arg24 : memref<8x128xf32, #tpu.memory_space<vmem>>) target_semaphore(%arg28 : memref<!tpu.dma_semaphore, #tpu.memory_space<semaphore_mem>>)
    }
    %scan3A_651 = arith.constant 40 : i32
    %min3A_652 = arith.constant 0 : i32
    %min3A_653 = arith.constant 79 : i32
    %min3A_654 = arith.minsi %min3A_652, %min3A_653 : i32
    %mul3A_655 = arith.constant 8 : i32
    %mul3A_656 = arith.muli %min3A_654, %mul3A_655 : i32
    %add3A_657 = arith.addi %mul3A_2, %mul3A_656 : i32
    %dma_wait3A_658 = arith.constant 0 : i32
    %dma_wait3A_659 = tpu.memref_slice %arg7[%add3A_657, %dma_wait3A_658] : memref<10240x128xf32, #tpu.memory_space<vmem_shared>> -> memref<8x128xf32, #tpu.memory_space<vmem_shared>>
    %dma_wait3A_660 = arith.constant 0 : i32
    %dma_wait3A_661 = tpu.memref_slice %arg7[%add3A_657, %dma_wait3A_660] : memref<10240x128xf32, #tpu.memory_space<vmem_shared>> -> memref<8x128xf32, #tpu.memory_space<vmem_shared>>
    tpu.wait_dma2 semaphore(%arg27 : memref<!tpu.dma_semaphore, #tpu.memory_space<semaphore_mem>>) src(%dma_wait3A_661 : memref<8x128xf32, #tpu.memory_space<vmem_shared>>) dst(%arg23 : memref<8x128xf32, #tpu.memory_space<vmem>>)
    %min3A_662 = arith.constant 0 : i32
    %min3A_663 = arith.constant 79 : i32
    %min3A_664 = arith.minsi %min3A_662, %min3A_663 : i32
    %mul3A_665 = arith.constant 8 : i32
    %mul3A_666 = arith.muli %min3A_664, %mul3A_665 : i32
    %add3A_667 = arith.addi %mul3A_2, %mul3A_666 : i32
    %dma_wait3A_668 = arith.constant 0 : i32
    %dma_wait3A_669 = tpu.memref_slice %arg7[%add3A_667, %dma_wait3A_668] : memref<10240x128xf32, #tpu.memory_space<vmem_shared>> -> memref<8x128xf32, #tpu.memory_space<vmem_shared>>
    %dma_wait3A_670 = arith.constant 0 : i32
    %dma_wait3A_671 = tpu.memref_slice %arg7[%add3A_667, %dma_wait3A_670] : memref<10240x128xf32, #tpu.memory_space<vmem_shared>> -> memref<8x128xf32, #tpu.memory_space<vmem_shared>>
    tpu.wait_dma2 semaphore(%arg28 : memref<!tpu.dma_semaphore, #tpu.memory_space<semaphore_mem>>) src(%dma_wait3A_671 : memref<8x128xf32, #tpu.memory_space<vmem_shared>>) dst(%arg24 : memref<8x128xf32, #tpu.memory_space<vmem>>)
    return
  }
}

module attributes {stable_mosaic.version = 14 : i64} {
  func.func @_tc_body(%arg0: i32, %arg1: memref<1x3xf32, #tpu.memory_space<vmem>>, %arg2: memref<1x256xf32, #tpu.memory_space<vmem>>, %arg3: memref<1000x1xf32, #tpu.memory_space<vmem>>, %arg4: memref<1000x128xf32, #tpu.memory_space<vmem>>, %arg5: memref<1000x128xf32, #tpu.memory_space<vmem>>, %arg6: memref<1000x128xf32, #tpu.memory_space<vmem>>, %arg7: memref<1000x128xf32, #tpu.memory_space<vmem>>, %arg8: memref<1000x128xf32, #tpu.memory_space<vmem>>, %arg9: memref<1000x128xf32, #tpu.memory_space<vmem>>, %arg10: memref<256x256xf32, #tpu.memory_space<vmem>>, %arg11: memref<1000x256xf32, #tpu.memory_space<vmem>>) attributes {dimension_semantics = [#tpu.dimension_semantics<arbitrary>], iteration_bounds = array<i64: 10>, scalar_prefetch = 0 : i64, scratch_operands = 0 : i64, tpu.core_type = #tpu.core_type<tc>, window_params = [{pipeline_mode = #tpu.pipeline_mode<synchronous>, transform_indices = @transform_0, window_bounds = array<i64: 1, 3>}, {pipeline_mode = #tpu.pipeline_mode<synchronous>, transform_indices = @transform_1, window_bounds = array<i64: 1, 256>}, {transform_indices = @transform_2, window_bounds = array<i64: 1000, 1>}, {transform_indices = @transform_3, window_bounds = array<i64: 1000, 128>}, {transform_indices = @transform_4, window_bounds = array<i64: 1000, 128>}, {transform_indices = @transform_5, window_bounds = array<i64: 1000, 128>}, {transform_indices = @transform_6, window_bounds = array<i64: 1000, 128>}, {transform_indices = @transform_7, window_bounds = array<i64: 1000, 128>}, {transform_indices = @transform_8, window_bounds = array<i64: 1000, 128>}, {pipeline_mode = #tpu.pipeline_mode<synchronous>, transform_indices = @transform_9, window_bounds = array<i64: 256, 256>}, {transform_indices = @transform_10, window_bounds = array<i64: 1000, 256>}]} {
    %get3A = arith.constant 0 : index
    %get3A_0 = arith.constant 0 : index
    %get3A_1 = vector.load %arg1[%get3A, %get3A_0] : memref<1x3xf32, #tpu.memory_space<vmem>>, vector<1x1xf32>
    %get3A_2 = vector.extract %get3A_1[0, 0] : f32 from vector<1x1xf32>
    %get3A_3 = arith.constant 0 : index
    %get3A_4 = arith.constant 1 : index
    %get3A_5 = vector.load %arg1[%get3A_3, %get3A_4] : memref<1x3xf32, #tpu.memory_space<vmem>>, vector<1x1xf32>
    %get3A_6 = vector.extract %get3A_5[0, 0] : f32 from vector<1x1xf32>
    %get3A_7 = arith.constant 0 : index
    %get3A_8 = arith.constant 2 : index
    %get3A_9 = vector.load %arg1[%get3A_7, %get3A_8] : memref<1x3xf32, #tpu.memory_space<vmem>>, vector<1x1xf32>
    %get3A_10 = vector.extract %get3A_9[0, 0] : f32 from vector<1x1xf32>
    %get3A_11 = arith.constant 0 : index
    %get3A_12 = arith.constant 0 : index
    %get3A_13 = vector.load %arg3[%get3A_11, %get3A_12] : memref<1000x1xf32, #tpu.memory_space<vmem>>, vector<1000x1xf32>
    %div3A = vector.broadcast %get3A_6 : f32 to vector<1000x1xf32>
    %div3A_14 = arith.divf %div3A, %get3A_13 : vector<1000x1xf32>
    %get3A_15 = arith.constant 0 : index
    %get3A_16 = arith.constant 0 : index
    %get3A_17 = vector.load %arg4[%get3A_15, %get3A_16] : memref<1000x128xf32, #tpu.memory_space<vmem>>, vector<1000x128xf32>
    %mul3A = vector.broadcast %get3A_2 : f32 to vector<1000x128xf32>
    %mul3A_18 = arith.mulf %mul3A, %get3A_17 : vector<1000x128xf32>
    %get3A_19 = arith.constant 0 : index
    %get3A_20 = arith.constant 0 : index
    %get3A_21 = vector.load %arg6[%get3A_19, %get3A_20] : memref<1000x128xf32, #tpu.memory_space<vmem>>, vector<1000x128xf32>
    %mul3A_22 = vector.broadcast %div3A_14 : vector<1000x1xf32> to vector<1000x128xf32>
    %mul3A_23 = arith.mulf %mul3A_22, %get3A_21 : vector<1000x128xf32>
    %add3A = arith.addf %mul3A_18, %mul3A_23 : vector<1000x128xf32>
    %get3A_24 = arith.constant 0 : index
    %get3A_25 = arith.constant 0 : index
    %get3A_26 = vector.load %arg8[%get3A_24, %get3A_25] : memref<1000x128xf32, #tpu.memory_space<vmem>>, vector<1000x128xf32>
    %mul3A_27 = vector.broadcast %get3A_10 : f32 to vector<1000x128xf32>
    %mul3A_28 = arith.mulf %mul3A_27, %get3A_26 : vector<1000x128xf32>
    %add3A_29 = arith.addf %add3A, %mul3A_28 : vector<1000x128xf32>
    %get3A_30 = arith.constant 0 : index
    %get3A_31 = arith.constant 0 : index
    %get3A_32 = vector.load %arg5[%get3A_30, %get3A_31] : memref<1000x128xf32, #tpu.memory_space<vmem>>, vector<1000x128xf32>
    %mul3A_33 = vector.broadcast %get3A_2 : f32 to vector<1000x128xf32>
    %mul3A_34 = arith.mulf %mul3A_33, %get3A_32 : vector<1000x128xf32>
    %get3A_35 = arith.constant 0 : index
    %get3A_36 = arith.constant 0 : index
    %get3A_37 = vector.load %arg7[%get3A_35, %get3A_36] : memref<1000x128xf32, #tpu.memory_space<vmem>>, vector<1000x128xf32>
    %mul3A_38 = vector.broadcast %div3A_14 : vector<1000x1xf32> to vector<1000x128xf32>
    %mul3A_39 = arith.mulf %mul3A_38, %get3A_37 : vector<1000x128xf32>
    %add3A_40 = arith.addf %mul3A_34, %mul3A_39 : vector<1000x128xf32>
    %get3A_41 = arith.constant 0 : index
    %get3A_42 = arith.constant 0 : index
    %get3A_43 = vector.load %arg9[%get3A_41, %get3A_42] : memref<1000x128xf32, #tpu.memory_space<vmem>>, vector<1000x128xf32>
    %mul3A_44 = vector.broadcast %get3A_10 : f32 to vector<1000x128xf32>
    %mul3A_45 = arith.mulf %mul3A_44, %get3A_43 : vector<1000x128xf32>
    %add3A_46 = arith.addf %add3A_40, %mul3A_45 : vector<1000x128xf32>
    %get3A_47 = arith.constant 0 : index
    %get3A_48 = arith.constant 0 : index
    %get3A_49 = vector.load %arg10[%get3A_47, %get3A_48] : memref<256x256xf32, #tpu.memory_space<vmem>>, vector<256x128xf32>
    %get3A_50 = arith.constant 0 : index
    %get3A_51 = arith.constant 128 : index
    %get3A_52 = vector.load %arg10[%get3A_50, %get3A_51] : memref<256x256xf32, #tpu.memory_space<vmem>>, vector<256x128xf32>
    %dot_general3A = arith.constant dense<0.000000e+00> : vector<1000x256xf32>
    %dot_general3A_53 = tpu.matmul %add3A_29, %get3A_49, %dot_general3A {dimension_numbers = #tpu.dot_dimension_numbers<[1], [1], [0], [0], [0, 0, 1, 0], [], []>, precision = #tpu.contract_precision<fp32>, transpose_lhs_hint = false} : vector<1000x128xf32>, vector<256x128xf32>, vector<1000x256xf32> -> vector<1000x256xf32>
    %dot_general3A_54 = arith.constant dense<0.000000e+00> : vector<1000x256xf32>
    %dot_general3A_55 = tpu.matmul %add3A_46, %get3A_52, %dot_general3A_54 {dimension_numbers = #tpu.dot_dimension_numbers<[1], [1], [0], [0], [0, 0, 1, 0], [], []>, precision = #tpu.contract_precision<fp32>, transpose_lhs_hint = false} : vector<1000x128xf32>, vector<256x128xf32>, vector<1000x256xf32> -> vector<1000x256xf32>
    %add3A_56 = arith.addf %dot_general3A_53, %dot_general3A_55 : vector<1000x256xf32>
    %get3A_57 = arith.constant 0 : index
    %get3A_58 = arith.constant 0 : index
    %get3A_59 = vector.load %arg2[%get3A_57, %get3A_58] : memref<1x256xf32, #tpu.memory_space<vmem>>, vector<1x256xf32>
    %mul3A_60 = arith.constant 3.000000e+00 : f32
    %mul3A_61 = vector.broadcast %mul3A_60 : f32 to vector<1x256xf32>
    %mul3A_62 = arith.mulf %mul3A_61, %get3A_59 : vector<1x256xf32>
    %add3A_63 = vector.broadcast %mul3A_62 : vector<1x256xf32> to vector<1000x256xf32>
    %add3A_64 = arith.addf %add3A_56, %add3A_63 : vector<1000x256xf32>
    %swap3A = arith.constant 0 : index
    %swap3A_65 = arith.constant 0 : index
    %swap3A_66 = vector.load %arg11[%swap3A, %swap3A_65] : memref<1000x256xf32, #tpu.memory_space<vmem>>, vector<1000x256xf32>
    tpu.vector_store %arg11[%swap3A, %swap3A_65], %add3A_64 {strides = array<i32>} : memref<1000x256xf32, #tpu.memory_space<vmem>>, vector<1000x256xf32>,
    return
  }
  func.func @transform_0(%arg0: i32) -> (i32, i32) {
    %c0_i32 = arith.constant 0 : i32
    %c0_i32_0 = arith.constant 0 : i32
    %c0_i32_1 = arith.constant 0 : i32
    return %c0_i32, %c0_i32_0 : i32, i32
  }
  func.func @transform_1(%arg0: i32) -> (i32, i32) {
    %c0_i32 = arith.constant 0 : i32
    %c0_i32_0 = arith.constant 0 : i32
    %c0_i32_1 = arith.constant 0 : i32
    return %c0_i32, %c0_i32_0 : i32, i32
  }
  func.func @transform_2(%arg0: i32) -> (i32, i32) {
    %c0_i32 = arith.constant 0 : i32
    %c0_i32_0 = arith.constant 0 : i32
    return %arg0, %c0_i32 : i32, i32
  }
  func.func @transform_3(%arg0: i32) -> (i32, i32) {
    %c0_i32 = arith.constant 0 : i32
    %c0_i32_0 = arith.constant 0 : i32
    return %arg0, %c0_i32 : i32, i32
  }
  func.func @transform_4(%arg0: i32) -> (i32, i32) {
    %c0_i32 = arith.constant 0 : i32
    %c0_i32_0 = arith.constant 0 : i32
    return %arg0, %c0_i32 : i32, i32
  }
  func.func @transform_5(%arg0: i32) -> (i32, i32) {
    %c0_i32 = arith.constant 0 : i32
    %c0_i32_0 = arith.constant 0 : i32
    return %arg0, %c0_i32 : i32, i32
  }
  func.func @transform_6(%arg0: i32) -> (i32, i32) {
    %c0_i32 = arith.constant 0 : i32
    %c0_i32_0 = arith.constant 0 : i32
    return %arg0, %c0_i32 : i32, i32
  }
  func.func @transform_7(%arg0: i32) -> (i32, i32) {
    %c0_i32 = arith.constant 0 : i32
    %c0_i32_0 = arith.constant 0 : i32
    return %arg0, %c0_i32 : i32, i32
  }
  func.func @transform_8(%arg0: i32) -> (i32, i32) {
    %c0_i32 = arith.constant 0 : i32
    %c0_i32_0 = arith.constant 0 : i32
    return %arg0, %c0_i32 : i32, i32
  }
  func.func @transform_9(%arg0: i32) -> (i32, i32) {
    %c0_i32 = arith.constant 0 : i32
    %c0_i32_0 = arith.constant 0 : i32
    %c0_i32_1 = arith.constant 0 : i32
    return %c0_i32, %c0_i32_0 : i32, i32
  }
  func.func @transform_10(%arg0: i32) -> (i32, i32) {
    %c0_i32 = arith.constant 0 : i32
    %c0_i32_0 = arith.constant 0 : i32
    return %arg0, %c0_i32 : i32, i32
  }
}

</mosaic_0001>

<sc_bundles>
// kernel: kernel.4.cloned.1.call-start
scs
__scs_entry_jumppad:
0x0: {  	(pc) =	sbr.rel $0x88, $3  }
0x1: {  	(tag) =	ssettag $0x0;
	lr =	simm.s32 $0x1  }
0x2: {  	[smem:$0x3F9C] =	sst lr;
	_ =	strace $0xD0000000  }
0x3: {  	_ = 	snop  }
0x4: {  	_ = 	snop  }
0x5: {  	_ = 	snop  }
0x6: {  	_ = 	snop  }
0x7: {  	_ = 	snop  }
__scs_overlays_trampoline_lowered:
0x8: {  	[smem:$0x3FAB] =	sst s0  }
0x9: {  	[smem:$0x3FAC] =	sst s1  }
0xa: {  	[smem:$0x3FAD] =	sst s2  }
0xb: {  	[smem:$0x3FAE] =	sst s3  }
0xc: {  	[smem:$0x3FAF] =	sst s4  }
0xd: {  	[smem:$0x3FB0] =	sst s5  }
0xe: {  	[smem:$0x3FB1] =	sst s6  }
0xf: {  	[smem:$0x3FB2] =	sst s7  }
0x10: {  	[smem:$0x3FB3] =	sst s8  }
0x11: {  	[smem:$0x3FB4] =	sst s9;
	s0 =	simm.s32 @!p0 $0x0  }
0x12: {  	s1 =	sld [smem:$0x3F9A];
	s0 =	simm.s32 @p0 $0x1  }
0x13: {  	[smem:$0x3FB5] =	sst s0;
	s0 =	simm.s32 @!p1 $0x0  }
0x14: {  	s2 =	sld [smem:$0x3F99];
	s0 =	simm.s32 @p1 $0x1  }
0x15: {  	[smem:$0x3FB6] =	sst s0;
	s0 =	simm.s32 @!p2 $0x0  }
0x16: {  	s3 =	sld [smem:$0x3FDB];
	s0 =	simm.s32 @p2 $0x1  }
0x17: {  	s4 =	simm.s32 $0x1BF5;
	[smem:$0x3FB8] =	sst s0  }
0x18: {  	s0 =	sld [smem:$0x3F9B];
	_ =	swait.ge [sflag:s4], $0x0  }
0x19: {  	s7 =	sld [smem:$0x3F9C]  }
0x1a: {  	s8 =	sadd.s32 $0xFFFFE003, lr  }
0x1b: {  	s9 =	sadd.s32 $0xFFFFFEF7, lr;
	s5 =	simm.s32 $0xFFFFFFFF;
	p2 =	slt.u32 s8, $0xFFFFF086  }
0x1c: {  	p1 =	slt.u32 s9, $0xF7A;
	s5 =	simm.s32 @!p2 $0x0  }
0x1d: {  	s5 =	simm.s32 @p1 $0x1;
	p0 =	seq.s32 s7, s2  }
0x1e: {  	s7 =	smul.u32 @!p0 $0xF7A, s2;
	p2 =	seq.s32 @!p0 s5, $0x0  }
0x1f: {  	s9 =	smul.u32 $0xF7A, s1;
	s8 =	simm.s32 @!p0 $0x1BF5;
	p2 =	por !p2, p0  }
0x20: {  	[sflag:s8] =	ssyncset.s32 @!p0 $0xFFFFF086;
	s6 =	sadd.s32 @!p0 s3, s7;
	s7 =	simm.s32 @!p0 $0x108  }
0x21: {  	s3 =	sadd.s32 s3, s9;
	s6 =	sadd.s32 @!p0 $0x88, s6;
	s7 =	simm.s32 @p2 $0x1082  }
0x22: {  	[simem:s7], [sflag:s8] =	dma.local @!p0 [hbm:s6], $0xF7A  }
0x23: {  	s9 =	sor.u32 $0xD0000000, s2;
	s6 =	simm.s32 $0x108;
	_ =	swait.ge @!p0 [sflag:s8], $0x0  }
0x24: {  	s3 =	sadd.s32 $0x88, s3;
	s6 =	simm.s32 @!p1 $0x1082;
	[sflag:s4] =	ssyncset.s32 $0xFFFFF086  }
0x25: {  	[simem:s6], [sflag:s4] =	dma.local [hbm:s3], $0xF7A  }
0x26: {  	[smem:$0x3F9C] =	sst s1;
	(tag) =	ssettag s2;
	_ =	strace s9  }
0x27: {  	s1 =	sld [smem:$0x3FAC]  }
0x28: {  	s2 =	sld [smem:$0x3FAD]  }
0x29: {  	s4 =	sld [smem:$0x3FAF]  }
0x2a: {  	p0 =	seq.s32 s5, $0x0;
	s5 =	sld [smem:$0x3FB0]  }
0x2b: {  	s6 =	sld [smem:$0x3FB1]  }
0x2c: {  	s7 =	sld [smem:$0x3FB2]  }
0x2d: {  	s3 =	simm.s32 $0x108;
	s8 =	sld [smem:$0x3FB3]  }
0x2e: {  	s3 =	simm.s32 @!p0 $0x1082;
	s9 =	sld [smem:$0x3FB4]  }
0x2f: {  	lr =	sadd.s32 s0, s3;
	s0 =	sld [smem:$0x3FAB]  }
0x30: {  	s3 =	sld [smem:$0x3FAE]  }
0x31: {  	[smem:$0x3FB7] =	sst s10  }
0x32: {  	s10 =	sld [smem:$0x3FB5];
	_ =	sdelay $0x3  }
0x33: {  	p0 =	seq.s32 s10, $0x1;
	s10 =	sld [smem:$0x3FB7];
	_ =	sdelay $0x3  }
0x34: {  	[smem:$0x3FB7] =	sst s10  }
0x35: {  	s10 =	sld [smem:$0x3FB6];
	_ =	sdelay $0x3  }
0x36: {  	p1 =	seq.s32 s10, $0x1;
	s10 =	sld [smem:$0x3FB7];
	_ =	sdelay $0x3  }
0x37: {  	[smem:$0x3FB7] =	sst s10  }
0x38: {  	s10 =	sld [smem:$0x3FB8]  }
0x39: {  	_ = 	snop;
	(pc) =	sbr.ind lr, $3  }
0x3a: {  	_ = 	snop  }
0x3b: {  	_ = 	snop  }
0x3c: {  	p2 =	seq.s32 s10, $0x1;
	s10 =	sld [smem:$0x3FB7]  }
0x3d: {  	_ =	shalt  }
0x3e: {  	_ =	shalt  }
0x3f: {  	_ =	shalt  }
0x40: {  	_ =	shalt  }
0x41: {  	_ =	shalt  }
0x42: {  	_ =	shalt  }
0x43: {  	_ =	shalt  }
0x44: {  	_ =	shalt  }
0x45: {  	_ =	shalt  }
0x46: {  	_ =	shalt  }
0x47: {  	_ =	shalt  }
0x48: {  	_ =	shalt  }
0x49: {  	_ =	shalt  }
0x4a: {  	_ =	shalt  }
0x4b: {  	_ =	shalt  }
0x4c: {  	_ =	shalt  }
0x4d: {  	_ =	shalt  }
0x4e: {  	_ =	shalt  }
0x4f: {  	_ =	shalt  }
0x50: {  	_ =	shalt  }
0x51: {  	_ =	shalt  }
0x52: {  	_ =	shalt  }
0x53: {  	_ =	shalt  }
0x54: {  	_ =	shalt  }
0x55: {  	_ =	shalt  }
0x56: {  	_ =	shalt  }
0x57: {  	_ =	shalt  }
0x58: {  	_ =	shalt  }
0x59: {  	_ =	shalt  }
0x5a: {  	_ =	shalt  }
0x5b: {  	_ =	shalt  }
0x5c: {  	_ =	shalt  }
0x5d: {  	_ =	shalt  }
0x5e: {  	_ =	shalt  }
0x5f: {  	_ =	shalt  }
0x60: {  	_ =	shalt  }
0x61: {  	_ =	shalt  }
0x62: {  	_ =	shalt  }
0x63: {  	_ =	shalt  }
0x64: {  	_ =	shalt  }
0x65: {  	_ =	shalt  }
0x66: {  	_ =	shalt  }
0x67: {  	_ =	shalt  }
0x68: {  	_ =	shalt  }
0x69: {  	_ =	shalt  }
0x6a: {  	_ =	shalt  }
0x6b: {  	_ =	shalt  }
0x6c: {  	_ =	shalt  }
0x6d: {  	_ =	shalt  }
0x6e: {  	_ =	shalt  }
0x6f: {  	_ =	shalt  }
0x70: {  	_ =	shalt  }
0x71: {  	_ =	shalt  }
0x72: {  	_ =	shalt  }
0x73: {  	_ =	shalt  }
0x74: {  	_ =	shalt  }
0x75: {  	_ =	shalt  }
0x76: {  	_ =	shalt  }
0x77: {  	_ =	shalt  }
0x78: {  	_ =	shalt  }
0x79: {  	_ =	shalt  }
0x7a: {  	_ =	shalt  }
0x7b: {  	_ =	shalt  }
0x7c: {  	_ =	shalt  }
0x7d: {  	_ =	shalt  }
0x7e: {  	_ =	shalt  }
0x7f: {  	_ =	shalt  }
0x80: {  	_ =	shalt  }
0x81: {  	_ =	shalt  }
0x82: {  	_ =	shalt  }
0x83: {  	_ =	shalt  }
0x84: {  	_ =	shalt  }
0x85: {  	_ =	shalt  }
0x86: {  	_ =	shalt  }
0x87: {  	_ =	shalt  }
.Lfunc_end0:
.L_simem_size_0:
called_computation_lowered:
.L_overlay_start_0:
0x88: {  	s2 =	sld [smem:$0x3FD9]  }
0x89: {  	s3 =	sld [smem:$0x3FFE];
	_ =	sdelay $0x1  }
0x8a: {  	s1 =	srdreg.scid  }
0x8b: {  	s0 =	sand.u32 $0x1, s1  }
0x8c: {  	s17 =	sshll.u32 s0, $0xA;
	s2 =	sadd.s32 s3, s2  }
0x8d: {  	s2 =	sadd.s32 s2, s17  }
0x8e: {  	[smem:$0x3FC3] =	sst s2  }
0x8f: {  	_ = 	snop  }
0x90: {  	s2 =	sld [smem:$0x3FD0];
	(tm) =	ssettm $0x1  }
0x91: {  	s18 =	sld [smem:$0x3FFB];
	_ =	sdelay $0x3  }
0x92: {  	_ =	strace s18  }
0x93: {  	s3 =	sld [smem:$0x3FFC];
	_ =	sdelay $0x3  }
0x94: {  	_ =	strace s3  }
0x95: {  	s3 =	sld [smem:$0x3FFD];
	_ =	sdelay $0x3  }
0x96: {  	_ =	strace s3  }
0x97: {  	_ =	strace $0x8FFFFFFF  }
0x98: {  	s19 =	sld [smem:$0x3FDB];
	_ =	sdelay $0x1  }
0x99: {  	s4 =	simm.s32 $_scs_section_size  }
0x9a: {  	s5 =	simm.s32 $_size__tile_overlayer_lowered;
	s6 =	simm.s32 $_tile_overlayer_lowered  }
0x9b: {  	s22 =	simm.s32 $0x1BFF;
	s21 =	sshll.u32 s6, $0x1;
	s3 =	sadd.s32 s4, s19  }
0x9c: {  	s7 =	simm.s32 $0x0;
	s20 =	sshll.u32 s5, $0x1;
	s5 =	sadd.s32 s21, s3  }
0x9d: {  	[timem:s7], [sflag:s22] =	dma.local [hbm:s5], s20  }
0x9e: {  	_ =	swait.ge [sflag:s22], s20  }
0x9f: {  	s4 =	ssub.s32 $0x0, s20;
	[sflag:s22] =	ssyncset.done $0x0  }
0xa0: {  	[sflag:s22] =	ssyncadd.s32 s4;
	_ =	sdelay $0x1  }
0xa1: {  	s23 =	simm.s32 $0x1B8B  }
0xa2: {  	_ =	swait.ge [sflag:s23], $0x1  }
0xa3: {  	[sflag:s23] =	ssyncset.done $0x0  }
0xa4: {  	s25 =	simm.s32 $0x1B8E;
	s24 =	sld [smem:$0x3FFE];
	[sflag:s23] =	ssyncadd.s32 $0xFFFFFFFF  }
0xa5: {  	s26 =	simm.s32 $execute0_lowered;
	[smem:$0x3FD2] =	sst s25  }
0xa6: {  	s5 =	sshll.u32 s26, $0x1;
	_ =	strace $0x80000046;
	[dreg:$0x1] =	wrdreg $0xFFFFFFFF  }
0xa7: {  	s28 =	simm.s32 $_size_execute0_lowered;
	s3 =	sadd.s32 s3, s5;
	[dreg:$0x0] =	wrdreg $0x0  }
0xa8: {  	s5 =	sshll.u32 s28, $0x1;
	[dreg:$0x2] =	wrdreg s3  }
0xa9: {  	[dreg:$0x3] =	wrdreg s5  }
0xaa: {  	[dreg:$0x4] =	wrdreg $0xC0  }
0xab: {  	_ =	task [dreg:s7], $0x5FFFF  }
0xac: {  	[dreg:$0x1] =	wrdreg $0xFFFFFFFF  }
0xad: {  	[dreg:$0x0] =	wrdreg $0x60  }
0xae: {  	[dreg:$0x2] =	wrdreg s24  }
0xaf: {  	[dreg:$0x3] =	wrdreg s2  }
0xb0: {  	[dreg:$0x4] =	wrdreg $0x0  }
0xb1: {  	[dreg:$0x5] =	wrdreg $0x140000  }
0xb2: {  	[dreg:$0x6] =	wrdreg $0x9  }
0xb3: {  	_ =	task.clear_ibuf [dreg:s7], $0x7FFFF;
	_ =	strace $0x90000046  }
0xb4: {  	s29 =	simm.s32 $0x9;
	_ =	strace $0x80000048  }
0xb5: {  	_ =	swait.ge [sflag:s29], $0x1  }
0xb6: {  	[sflag:s29] =	ssyncadd.s32 $0xFFFFFFFF  }
0xb7: {  	_ =	strace $0x90000048  }
0xb8: {  	_ =	sfence  }
0xb9: {  	s30 =	sld [smem:$0x0];
	_ =	sdelay $0x2  }
0xba: {  	s31 =	sshll.u32 s1, $0xD;
	s1 =	sshrl.u32 s1, $0x2  }
0xbb: {  	s3 =	sand.u32 $0x4000, s31;
	s1 =	sadd.s32 s1, s30  }
0xbc: {  	s0 =	sor.u32 s3, s0;
	s1 =	sshll.u32 s1, $0x11  }
0xbd: {  	s0 =	sor.u32 s1, s0  }
0xbe: {  	s0 =	sadd.s32 $0x8F2B, s0  }
0xbf: {  	[sflag:s0] =	ssyncadd.remote.s32 $0x1  }
0xc0: {  	_ =	sfence.sel $0xFFFF  }
0xc1: {  	[dreg:$0x0] =	wrdreg $0xFFFFFFFF;
	(pc) =	sbr.abs _section_cstart, $3  }
0xc2: {  	[dreg:$0x1] =	wrdreg $0xFFFFFFFF  }
0xc3: {  	_ =	task.clear_ibuf [dreg:s7], $0x2FFFF;
	_ =	strace $0x9FFFFFFF  }
0xc4: {  	(tm) =	ssettm $0x7FFFFFFF  }
0xc5: {  	_ =	shalt  }
tec
execute0_lowered:
.L_overlay_start_1:
0x0: {  	(tag) =	ssettag $0x1  }
0x1: {  	s0 =	rddreg [dreg:$0x0]  }
0x2: {  	s13 =	rddreg [dreg:$0x1]  }
0x3: {  	s2 =	rddreg [dreg:$0x2]  }
0x4: {  	s3 =	rddreg [dreg:$0x3]  }
0x5: {  	s5 =	simm.s32 $0x0;
	s11 =	stileid.u32;
	s1 =	srdreg.scid  }
0x6: {  	s30 =	simm.s32 $0x1D200;
	s31 =	simm.s32 $0x9;
	s16 =	simm.s32 $0x40  }
0x7: {  	s17 =	simm.s32 $0x6;
	s28 =	simm.s32 $0x2;
	s14 =	smul.u32 $0x280, s11  }
0x8: {  	[smem:$0x7FF] =	sst s5;
	s15 =	sadd.s32 $0x1800, s0;
	s7 =	smul.u32 $0x50000, s11  }
0x9: {  	s4 =	sadd.s32 $0x51E00, s0;
	s9 =	sadd.s32 $0xA1E00, s0;
	s20 =	smul.u32 $0xA00, s11  }
0xa: {  	s1 =	sand.u32 $0x1, s1;
	s22 =	smul.u32 $0xA0, s11;
	_ =	strace $0x80000047  }
0xb: {  	[dreg:$0x7] =	wrdreg s4;
	s6 =	ssub.s32 $0x2, s1;
	s8 =	smul.u32 $0x2800, s1  }
0xc: {  	[dreg:$0x5] =	wrdreg s15;
	p0 =	sne.s32 s1, $0x0;
	s18 =	sshrl.u32 s14, $0x3  }
0xd: {  	s19 =	sshrl.u32 s6, $0x1;
	s10 =	sshrl.u32 s7, $0x2;
	[dreg:$0x6] =	wrdreg s14  }
0xe: {  	s21 =	sadd.s32 s14, s3;
	s1 =	sor.u32 $0x4, s22;
	s7 =	simm.s32 $0x0  }
0xf: {  	s12 =	sadd.s32 s14, s8;
	s14 =	sadd.s32 s13, s20;
	[dreg:$0x10] =	wrdreg s1  }
0x10: {  	s0 =	sadd.s32 s18, s0;
	[dreg:$0x8] =	wrdreg s21;
	s13 =	sadd.s32 $0x8, s14  }
0x11: {  	s4 =	ssub.s32 s6, s19;
	s24 =	sadd.s32 $0x18, s14;
	[dreg:$0x9] =	wrdreg s13  }
0x12: {  	s23 =	sshll.u32 s12, $0x4;
	s0 =	sadd.s32 $0x51800, s0;
	[dreg:$0xa] =	wrdreg s24  }
0x13: {  	s26 =	sshrl.u32 s12, $0x3;
	s6 =	sadd.s32 s15, s23;
	[dreg:$0xc] =	wrdreg s0  }
0x14: {  	s11 =	sadd.s32 s10, s2;
	s29 =	sor.u32 $0x2, s26;
	[dreg:$0xb] =	wrdreg s6  }
0x15: {  	s18 =	simm.s32 $0x1C680;
	s0 =	sor.u32 $0x3, s26;
	[dreg:$0xe] =	wrdreg s29  }
0x16: {  	s19 =	simm.s32 $0x8;
	s23 =	smax.u32 s4, $0x1;
	[dreg:$0xf] =	wrdreg s0  }
0x17: {  	s20 =	simm.s32 $0x1CA00;
	s24 =	sadd.s32 $0x10, s14;
	[dreg:$0x12] =	wrdreg s23  }
0x18: {  	s1 =	simm.s32 $0x16280;
	s26 =	sadd.s32 $0x30, s14;
	[dreg:$0x13] =	wrdreg s24  }
0x19: {  	s4 =	simm.s32 $0x1C580;
	s25 =	sadd.s32 $0x80, s6;
	[dreg:$0x15] =	wrdreg s26  }
0x1a: {  	s15 =	simm.s32 $0x7;
	s29 =	sadd.s32 $0x400, s11;
	[dreg:$0xd] =	wrdreg s25  }
0x1b: {  	s6 =	sor.u32 $0x5, s22;
	s0 =	simm.s32 $0x1C600;
	[dreg:$0x16] =	wrdreg s29  }
0x1c: {  	s24 =	simm.s32 $0x5;
	s25 =	sadd.s32 $0x20, s14;
	[dreg:$0x11] =	wrdreg s6  }
0x1d: {  	v1 =	vimm.f32 $0.0e+00;
	v2 =	vimm.f32 $1.000000000e+00;
	v0 =	vmov s8;
	s22 =	simm.s32 $0x1CE00;
	s26 =	simm.s32 $0x1;
	[dreg:$0x14] =	wrdreg s25  }
.LBB2_1:
0x1e: {  	[tilespmem:$0x1D200] =	vst v1  }
0x1f: {  	[tilespmem:$0x1D210] =	vst v1  }
0x20: {  	[tilespmem:$0x1D220] =	vst v1  }
0x21: {  	[tilespmem:$0x1D230] =	vst v1  }
0x22: {  	[tilespmem:$0x1D240] =	vst v1  }
0x23: {  	[tilespmem:$0x1D250] =	vst v1  }
0x24: {  	[tilespmem:$0x1D260] =	vst v1  }
0x25: {  	[tilespmem:$0x1D270] =	vst v1  }
0x26: {  	[tilespmem:$0x1D280] =	vst v1  }
0x27: {  	[tilespmem:$0x1D290] =	vst v1  }
0x28: {  	[tilespmem:$0x1D2A0] =	vst v1  }
0x29: {  	[tilespmem:$0x1D2B0] =	vst v1  }
0x2a: {  	[tilespmem:$0x1D2C0] =	vst v1  }
0x2b: {  	[tilespmem:$0x1D2D0] =	vst v1  }
0x2c: {  	[tilespmem:$0x1D2E0] =	vst v1  }
0x2d: {  	[tilespmem:$0x1D2F0] =	vst v1  }
0x2e: {  	[tilespmem:$0x1D300] =	vst v1  }
0x2f: {  	[tilespmem:$0x1D310] =	vst v1  }
0x30: {  	[tilespmem:$0x1D320] =	vst v1  }
0x31: {  	[tilespmem:$0x1D330] =	vst v1  }
0x32: {  	[tilespmem:$0x1D340] =	vst v1  }
0x33: {  	[tilespmem:$0x1D350] =	vst v1  }
0x34: {  	[tilespmem:$0x1D360] =	vst v1  }
0x35: {  	[tilespmem:$0x1D370] =	vst v1  }
0x36: {  	[tilespmem:$0x1D380] =	vst v1  }
0x37: {  	[tilespmem:$0x1D390] =	vst v1  }
0x38: {  	[tilespmem:$0x1D3A0] =	vst v1  }
0x39: {  	[tilespmem:$0x1D3B0] =	vst v1  }
0x3a: {  	[tilespmem:$0x1D3C0] =	vst v1  }
0x3b: {  	[tilespmem:$0x1D3D0] =	vst v1  }
0x3c: {  	[tilespmem:$0x1D3E0] =	vst v1  }
0x3d: {  	[tilespmem:$0x1D3F0] =	vst v1  }
0x3e: {  	[tilespmem:$0x1D400] =	vst v1  }
0x3f: {  	[tilespmem:$0x1D410] =	vst v1  }
0x40: {  	[tilespmem:$0x1D420] =	vst v1  }
0x41: {  	[tilespmem:$0x1D430] =	vst v1  }
0x42: {  	[tilespmem:$0x1D440] =	vst v1  }
0x43: {  	[tilespmem:$0x1D450] =	vst v1  }
0x44: {  	[tilespmem:$0x1D460] =	vst v1  }
0x45: {  	[tilespmem:$0x1D470] =	vst v1  }
0x46: {  	[tilespmem:$0x1D480] =	vst v1  }
0x47: {  	[tilespmem:$0x1D490] =	vst v1  }
0x48: {  	[tilespmem:$0x1D4A0] =	vst v1  }
0x49: {  	[tilespmem:$0x1D4B0] =	vst v1  }
0x4a: {  	[tilespmem:$0x1D4C0] =	vst v1  }
0x4b: {  	[tilespmem:$0x1D4D0] =	vst v1  }
0x4c: {  	[tilespmem:$0x1D4E0] =	vst v1  }
0x4d: {  	[tilespmem:$0x1D4F0] =	vst v1  }
0x4e: {  	[tilespmem:$0x1D500] =	vst v1  }
0x4f: {  	[tilespmem:$0x1D510] =	vst v1  }
0x50: {  	[tilespmem:$0x1D520] =	vst v1  }
0x51: {  	[tilespmem:$0x1D530] =	vst v1  }
0x52: {  	[tilespmem:$0x1D540] =	vst v1  }
0x53: {  	[tilespmem:$0x1D550] =	vst v1  }
0x54: {  	[tilespmem:$0x1D560] =	vst v1  }
0x55: {  	[tilespmem:$0x1D570] =	vst v1  }
0x56: {  	[tilespmem:$0x1D580] =	vst v1  }
0x57: {  	[tilespmem:$0x1D590] =	vst v1  }
0x58: {  	[tilespmem:$0x1D5A0] =	vst v1  }
0x59: {  	[tilespmem:$0x1D5B0] =	vst v1  }
0x5a: {  	[tilespmem:$0x1D5C0] =	vst v1  }
0x5b: {  	[tilespmem:$0x1D5D0] =	vst v1  }
0x5c: {  	[tilespmem:$0x1D5E0] =	vst v1  }
0x5d: {  	[tilespmem:$0x1D5F0] =	vst v1  }
0x5e: {  	[tilespmem:$0x1D600] =	vst v1  }
0x5f: {  	[tilespmem:$0x1D610] =	vst v1  }
0x60: {  	[tilespmem:$0x1D620] =	vst v1  }
0x61: {  	[tilespmem:$0x1D630] =	vst v1  }
0x62: {  	[tilespmem:$0x1D640] =	vst v1  }
0x63: {  	[tilespmem:$0x1D650] =	vst v1  }
0x64: {  	[tilespmem:$0x1D660] =	vst v1  }
0x65: {  	[tilespmem:$0x1D670] =	vst v1  }
0x66: {  	[tilespmem:$0x1D680] =	vst v1  }
0x67: {  	[tilespmem:$0x1D690] =	vst v1  }
0x68: {  	[tilespmem:$0x1D6A0] =	vst v1  }
0x69: {  	[tilespmem:$0x1D6B0] =	vst v1  }
0x6a: {  	[tilespmem:$0x1D6C0] =	vst v1  }
0x6b: {  	[tilespmem:$0x1D6D0] =	vst v1  }
0x6c: {  	[tilespmem:$0x1D6E0] =	vst v1  }
0x6d: {  	[tilespmem:$0x1D6F0] =	vst v1  }
0x6e: {  	[tilespmem:$0x1D700] =	vst v1  }
0x6f: {  	[tilespmem:$0x1D710] =	vst v1  }
0x70: {  	[tilespmem:$0x1D720] =	vst v1  }
0x71: {  	[tilespmem:$0x1D730] =	vst v1  }
0x72: {  	[tilespmem:$0x1D740] =	vst v1  }
0x73: {  	[tilespmem:$0x1D750] =	vst v1  }
0x74: {  	[tilespmem:$0x1D760] =	vst v1  }
0x75: {  	[tilespmem:$0x1D770] =	vst v1  }
0x76: {  	[tilespmem:$0x1D780] =	vst v1  }
0x77: {  	[tilespmem:$0x1D790] =	vst v1  }
0x78: {  	[tilespmem:$0x1D7A0] =	vst v1  }
0x79: {  	[tilespmem:$0x1D7B0] =	vst v1  }
0x7a: {  	[tilespmem:$0x1D7C0] =	vst v1  }
0x7b: {  	[tilespmem:$0x1D7D0] =	vst v1  }
0x7c: {  	[tilespmem:$0x1D7E0] =	vst v1  }
0x7d: {  	[tilespmem:$0x1D7F0] =	vst v1  }
0x7e: {  	[tilespmem:$0x1D800] =	vst v1  }
0x7f: {  	[tilespmem:$0x1D810] =	vst v1  }
0x80: {  	[tilespmem:$0x1D820] =	vst v1  }
0x81: {  	[tilespmem:$0x1D830] =	vst v1  }
0x82: {  	[tilespmem:$0x1D840] =	vst v1  }
0x83: {  	[tilespmem:$0x1D850] =	vst v1  }
0x84: {  	[tilespmem:$0x1D860] =	vst v1  }
0x85: {  	[tilespmem:$0x1D870] =	vst v1  }
0x86: {  	[tilespmem:$0x1C680] =	vst v2  }
0x87: {  	[tilespmem:$0x1C690] =	vst v2  }
0x88: {  	[tilespmem:$0x1C6A0] =	vst v2  }
0x89: {  	[dreg:$0x17] =	wrdreg s7;
	[tilespmem:$0x1C6B0] =	vst v2;
	s6 =	sadd.s32 $0x0, s11  }
0x8a: {  	[spmem:s6] =	stream.linear.scatter [tilespmem:s30], [sflag:$0x9], $0x400, $0x38;
	[tilespmem:$0x1D880] =	vst v63  }
0x8b: {  	s6 =	simm.s32 $0x1000;
	_ =	swait.ge [sflag:s31], $0x400  }
.LBB2_2:
0x8c: {  	s7 =	sshra.s32 s6, $0x2;
	[sflag:s31] =	ssyncset.done $0x0;
	p1 =	sne.s32 s6, $0x4F000  }
.Ltmp0:
0x8d: {  	s7 =	sadd.s32 s7, s11;
	[sflag:s31] =	ssyncadd.s32 $0xFFFFFC00;
	(pc) =	sbr.rel @p1 .LBB2_2-.Ltmp0, $3  }
0x8e: {  	[spmem:s7] =	stream.linear.scatter [tilespmem:s30], [sflag:$0x9], $0x400, $0x38;
	[tilespmem:$0x1D880] =	vst v63  }
0x8f: {  	s6 =	sadd.s32 $0x1000, s6;
	_ =	sdelay $0x1  }
0x90: {  	_ =	swait.ge [sflag:s31], $0x400  }
0x91: {  	[sflag:s31] =	ssyncset.done $0x0  }
0x92: {  	s6 =	simm.s32 $0x1D600;
	[sflag:s31] =	ssyncadd.s32 $0xFFFFFC00  }
0x93: {  	[spmem:s21] =	stream.linear.scatter [tilespmem:s6], [sflag:$0x9], $0x280, $0x38;
	[tilespmem:$0x1D880] =	vst v63  }
0x94: {  	_ =	swait.ge [sflag:s31], $0x280  }
0x95: {  	[sflag:s31] =	ssyncset.done $0x0  }
0x96: {  	[sflag:s31] =	ssyncadd.s32 $0xFFFFFD80  }
0x97: {  	[bflag:$0x0] =	sbarrier.arrive $0xFFFF  }
0x98: {  	s23 =	rddreg [dreg:$0x9]  }
0x99: {  	[tilespmem:s4], [sflag:$0x7] =	stream.linear.gather [hbm4b:s23+s5], $0x40, $0x38;
	[tilespmem:$0x1D880] =	vst v63  }
0x9a: {  	s25 =	rddreg [dreg:$0xa]  }
0x9b: {  	[tilespmem:s0], [sflag:$0x8] =	stream.linear.gather [hbm4b:s25+s5], $0x40, $0x38;
	[tilespmem:$0x1D880] =	vst v63  }
0x9c: {  	_ =	swait.ge [sflag:s15], $0x40  }
0x9d: {  	[sflag:s15] =	ssyncset.done $0x0  }
0x9e: {  	[sflag:s15] =	ssyncadd.s32 $0xFFFFFFC0  }
0x9f: {  	[spmem:s3] =	stream.indirect.scatter.add.f32 [tilespmem:s18], [sflag:$0x5], $0x1, s4, s16, $0xb8;
	[tilespmem:$0x1D880] =	vst v63  }
0xa0: {  	_ =	swait.ge [sflag:s19], $0x40  }
0xa1: {  	[sflag:s19] =	ssyncset.done $0x0  }
0xa2: {  	[sflag:s19] =	ssyncadd.s32 $0xFFFFFFC0  }
0xa3: {  	[spmem:s3] =	stream.indirect.scatter.add.f32 [tilespmem:s18], [sflag:$0x6], $0x1, s0, s16, $0xb8;
	[tilespmem:$0x1D880] =	vst v63  }
0xa4: {  	_ =	swait.ge [sflag:s24], $0x40  }
0xa5: {  	s7 =	sadd.s32 $0xFFFFF600, s14;
	[sflag:s24] =	ssyncset.done $0x0  }
0xa6: {  	s29 =	sadd.s32 $0xA28, s7;
	[sflag:s24] =	ssyncadd.s32 $0xFFFFFFC0  }
0xa7: {  	[tilespmem:s4], [sflag:$0x7] =	stream.linear.gather [hbm4b:s29+s5], $0x40, $0x38;
	[tilespmem:$0x1D880] =	vst v63  }
0xa8: {  	_ =	swait.ge [sflag:s17], $0x40  }
0xa9: {  	[sflag:s17] =	ssyncset.done $0x0  }
0xaa: {  	s7 =	sadd.s32 $0xA38, s7;
	s6 =	simm.s32 $0xFFFFF620;
	[sflag:s17] =	ssyncadd.s32 $0xFFFFFFC0  }
.LBB2_4:
0xab: {  	[tilespmem:s0], [sflag:$0x8] =	stream.linear.gather [hbm4b:s7+s5], $0x40, $0x38;
	[tilespmem:$0x1D880] =	vst v63  }
0xac: {  	s7 =	smov.u32 s6  }
0xad: {  	p1 =	sne.s32 s6, $0xFFFFFFE0;
	s6 =	sadd.s32 $0x20, s6;
	_ =	swait.ge [sflag:s15], $0x40  }
0xae: {  	[sflag:s15] =	ssyncset.done $0x0  }
0xaf: {  	[sflag:s15] =	ssyncadd.s32 $0xFFFFFFC0  }
0xb0: {  	[spmem:s3] =	stream.indirect.scatter.add.f32 [tilespmem:s18], [sflag:$0x5], $0x1, s4, s16, $0xb8;
	[tilespmem:$0x1D880] =	vst v63  }
0xb1: {  	_ =	swait.ge [sflag:s19], $0x40  }
0xb2: {  	[sflag:s19] =	ssyncset.done $0x0  }
0xb3: {  	[sflag:s19] =	ssyncadd.s32 $0xFFFFFFC0  }
0xb4: {  	[spmem:s3] =	stream.indirect.scatter.add.f32 [tilespmem:s18], [sflag:$0x6], $0x1, s0, s16, $0xb8;
	[tilespmem:$0x1D880] =	vst v63  }
0xb5: {  	_ =	swait.ge [sflag:s24], $0x40  }
0xb6: {  	s7 =	sadd.s32 s7, s14;
	[sflag:s24] =	ssyncset.done $0x0  }
.Ltmp1:
0xb7: {  	s8 =	sadd.s32 $0xA28, s7;
	[sflag:s24] =	ssyncadd.s32 $0xFFFFFFC0;
	(pc) =	sbr.rel @p1 .LBB2_4-.Ltmp1, $4  }
0xb8: {  	[tilespmem:s4], [sflag:$0x7] =	stream.linear.gather [hbm4b:s8+s5], $0x40, $0x38;
	[tilespmem:$0x1D880] =	vst v63  }
0xb9: {  	_ =	swait.ge [sflag:s17], $0x40  }
0xba: {  	[sflag:s17] =	ssyncset.done $0x0  }
0xbb: {  	s7 =	sadd.s32 $0xA38, s7;
	[sflag:s17] =	ssyncadd.s32 $0xFFFFFFC0  }
0xbc: {  	[tilespmem:s0], [sflag:$0x8] =	stream.linear.gather [hbm4b:s7+s5], $0x40, $0x38;
	[tilespmem:$0x1D880] =	vst v63  }
0xbd: {  	_ =	swait.ge [sflag:s15], $0x40  }
0xbe: {  	[sflag:s15] =	ssyncset.done $0x0  }
0xbf: {  	[sflag:s15] =	ssyncadd.s32 $0xFFFFFFC0  }
0xc0: {  	_ =	swait.ge [sflag:s19], $0x40  }
0xc1: {  	[sflag:s19] =	ssyncset.done $0x0  }
0xc2: {  	[sflag:s19] =	ssyncadd.s32 $0xFFFFFFC0  }
0xc3: {  	s6 =	simm.s32 $0x1C700;
	[bflag:$0x0] =	sbarrier.arrive $0xFFFF  }
0xc4: {  	[tilespmem:s6], [sflag:$0x9] =	stream.linear.gather [spmem:s21], $0x280, $0x38;
	[tilespmem:$0x1D880] =	vst v63  }
0xc5: {  	_ =	swait.ge [sflag:s31], $0x280  }
0xc6: {  	[sflag:s31] =	ssyncset.done $0x0  }
0xc7: {  	s7 =	simm.s32 $0x40;
	s6 =	simm.s32 $0x0;
	[sflag:s31] =	ssyncadd.s32 $0xFFFFFD80  }
.LBB2_6:
0xc8: {  	p1 =	sne.s32 s7, $0x9C0;
	v3 =	vld [tilespmem:s6+$0x1C700];
	_ =	sdelay $0x4  }
0xc9: {  	v3 =	vmax.f32 v3, $1.000000000e+00  }
0xca: {  	v4 =	vshra.s32 v3, $0x1;
	v3 =	vmul.f32 $5.000000000e-01, v3  }
0xcb: {  	v4 =	vsub.s32 $0x5F3759DF, v4  }
0xcc: {  	v5 =	vmul.f32 v4, v3;
	_ =	sdelay $0x1  }
0xcd: {  	v5 =	vmul.f32 v4, v5;
	_ =	sdelay $0x1  }
0xce: {  	v5 =	vsub.f32 $1.500000000e+00, v5;
	_ =	sdelay $0x1  }
0xcf: {  	v4 =	vmul.f32 v4, v5;
	_ =	sdelay $0x1  }
0xd0: {  	v5 =	vmul.f32 v4, v3;
	_ =	sdelay $0x1  }
0xd1: {  	v5 =	vmul.f32 v5, v4;
	_ =	sdelay $0x1  }
0xd2: {  	v5 =	vsub.f32 $1.500000000e+00, v5;
	_ =	sdelay $0x1  }
0xd3: {  	v4 =	vmul.f32 v5, v4;
	_ =	sdelay $0x1  }
0xd4: {  	v3 =	vmul.f32 v4, v3;
	_ =	sdelay $0x1  }
0xd5: {  	v3 =	vmul.f32 v3, v4;
	_ =	sdelay $0x1  }
.Ltmp2:
0xd6: {  	v3 =	vsub.f32 $1.500000000e+00, v3;
	(pc) =	sbr.rel @p1 .LBB2_6-.Ltmp2, $3  }
0xd7: {  	_ = 	snop  }
0xd8: {  	v3 =	vmul.f32 v3, v4;
	_ =	sdelay $0x1  }
0xd9: {  	[tilespmem:s6+$0x1C700] =	vst v3;
	s6 =	sshra.s32 s7, $0x2;
	s7 =	sadd.s32 $0x40, s7  }
0xda: {  	v3 =	vld [tilespmem:s6+$0x1C700];
	_ =	sdelay $0x4  }
0xdb: {  	v3 =	vmax.f32 v3, $1.000000000e+00  }
0xdc: {  	v4 =	vshra.s32 v3, $0x1;
	v3 =	vmul.f32 $5.000000000e-01, v3  }
0xdd: {  	v4 =	vsub.s32 $0x5F3759DF, v4  }
0xde: {  	v5 =	vmul.f32 v4, v3;
	_ =	sdelay $0x1  }
0xdf: {  	v5 =	vmul.f32 v4, v5;
	_ =	sdelay $0x1  }
0xe0: {  	v5 =	vsub.f32 $1.500000000e+00, v5;
	_ =	sdelay $0x1  }
0xe1: {  	v4 =	vmul.f32 v4, v5;
	_ =	sdelay $0x1  }
0xe2: {  	v5 =	vmul.f32 v4, v3;
	_ =	sdelay $0x1  }
0xe3: {  	v5 =	vmul.f32 v5, v4;
	_ =	sdelay $0x1  }
0xe4: {  	v5 =	vsub.f32 $1.500000000e+00, v5;
	_ =	sdelay $0x1  }
0xe5: {  	v4 =	vmul.f32 v5, v4;
	_ =	sdelay $0x1  }
0xe6: {  	v3 =	vmul.f32 v4, v3;
	_ =	sdelay $0x1  }
0xe7: {  	v3 =	vmul.f32 v3, v4;
	_ =	sdelay $0x1  }
0xe8: {  	v3 =	vsub.f32 $1.500000000e+00, v3;
	_ =	sdelay $0x1  }
0xe9: {  	v3 =	vmul.f32 v3, v4;
	_ =	sdelay $0x1  }
0xea: {  	s7 =	simm.s32 @!p0 $0x1C700;
	s8 =	rddreg [dreg:$0xc];
	[tilespmem:s6+$0x1C700] =	vst v3;
	s6 =	simm.s32 @!p0 $0x0  }
0xeb: {  	[hbm4b:s8+s6] =	stream.linear.scatter @!p0 [tilespmem:s7], [sflag:$0x9], $0x280, $0x38;
	[tilespmem:$0x1D880] =	vst v63  }
0xec: {  	s6 =	simm.s32 @!p0 $0x9  }
0xed: {  	_ =	swait.ge @!p0 [sflag:s6], $0x280  }
0xee: {  	[sflag:s6] =	ssyncset.done @!p0 $0x0  }
0xef: {  	s25 =	rddreg [dreg:$0xb];
	[sflag:s6] =	ssyncadd.s32 @!p0 $0xFFFFFD80;
	s6 =	simm.s32 $0x0  }
0xf0: {  	[tilespmem:s20], [sflag:$0x1] =	stream.linear.gather [hbm4b:s25+s6], $0x400, $0x38;
	[tilespmem:$0x1D880] =	vst v63  }
0xf1: {  	s7 =	simm.s32 $0x1C700;
	s8 =	simm.s32 $0x1C708;
	s29 =	rddreg [dreg:$0xd]  }
0xf2: {  	[tilespmem:s22], [sflag:$0x2] =	stream.linear.gather [hbm4b:s29+s6], $0x400, $0x38;
	[tilespmem:$0x1D880] =	vst v63  }
.LBB2_8:
0xf3: {  	_ =	swait.ge [sflag:s26], $0x400  }
0xf4: {  	[sflag:s26] =	ssyncset.done $0x0  }
0xf5: {  	s21 =	simm.s32 $0x1CA40;
	[sflag:s26] =	ssyncadd.s32 $0xFFFFFC00  }
0xf6: {  	v7 =	vld [tilespmem:s21+$0x30]  }
0xf7: {  	v10 =	vld [tilespmem:s21+$0x10]  }
0xf8: {  	s13 =	sadd.s32 $0x0, s7;
	v8 =	vld [tilespmem:s21+$0xFFFFFFC0]  }
0xf9: {  	v4 =	vld.msk [tilespmem:s13+$0x0 ss:$0x0], $0xffff  }
0xfa: {  	v12 =	vld [tilespmem:s21+$0xFFFFFFE0]  }
0xfb: {  	v3 =	vld [tilespmem:s21+$0xFFFFFFF0]  }
0xfc: {  	v5 =	vld [tilespmem:s21+$0x20]  }
0xfd: {  	v6 =	vld [tilespmem:s21+$0xFFFFFFD0]  }
0xfe: {  	v11 =	vmul.f32 v7, v4;
	v7 =	vld [tilespmem:s21+$0x0]  }
0xff: {  	v9 =	vmul.f32 v4, v8  }
0x100: {  	s22 =	sshll.u32 s6, $0x4;
	s23 =	simm.s32 $0x4;
	s29 =	simm.s32 $0x1CA40;
	v8 =	vmul.f32 v12, v4;
	v10 =	vmul.f32 v10, v4  }
.LBB2_9:
0x101: {  	p1 =	sne.s32 s23, $0x1C  }
0x102: {  	v6 =	vmul.f32 v6, v4;
	v5 =	vmul.f32 v5, v4;
	[tilespmem:s21+$0x30] =	vst v11;
	s29 =	sadd.s32 $0x80, s29;
	s13 =	smov.u32 s23;
	s23 =	sadd.s32 $0x4, s23  }
0x103: {  	[tilespmem:s21+$0xFFFFFFC0] =	vst v9;
	v9 =	vmul.f32 v3, v4;
	v4 =	vmul.f32 v7, v4  }
0x104: {  	[tilespmem:s21+$0x10] =	vst v10  }
0x105: {  	[tilespmem:s21+$0xFFFFFFE0] =	vst v8  }
0x106: {  	v3 =	vld [tilespmem:s29+$0xFFFFFFF0];
	[tilespmem:s21+$0xFFFFFFF0] =	vst v9  }
0x107: {  	v8 =	vld [tilespmem:s29+$0x30];
	[tilespmem:s21+$0x0] =	vst v4  }
0x108: {  	s13 =	sshra.s32 s13, $0x2;
	v10 =	vld [tilespmem:s29+$0x10];
	[tilespmem:s21+$0x20] =	vst v5  }
0x109: {  	s13 =	sadd.s32 s13, s7;
	v9 =	vld [tilespmem:s29+$0xFFFFFFC0];
	[tilespmem:s21+$0xFFFFFFD0] =	vst v6;
	s21 =	smov.u32 s29  }
0x10a: {  	v4 =	vld.msk [tilespmem:s13+$0x0 ss:$0x0], $0xffff  }
0x10b: {  	v12 =	vld [tilespmem:s29+$0xFFFFFFE0]  }
0x10c: {  	v5 =	vld [tilespmem:s29+$0x20]  }
.Ltmp3:
0x10d: {  	v6 =	vld [tilespmem:s29+$0xFFFFFFD0];
	(pc) =	sbr.rel @p1 .LBB2_9-.Ltmp3, $3  }
0x10e: {  	v7 =	vld [tilespmem:s29+$0x0];
	_ =	sdelay $0x1  }
0x10f: {  	v9 =	vmul.f32 v4, v9;
	v11 =	vmul.f32 v8, v4  }
0x110: {  	v10 =	vmul.f32 v10, v4;
	v8 =	vmul.f32 v12, v4  }
0x111: {  	[tilespmem:s21+$0x30] =	vst v11  }
0x112: {  	[tilespmem:s21+$0xFFFFFFC0] =	vst v9  }
0x113: {  	v3 =	vmul.f32 v3, v4;
	[tilespmem:s21+$0x10] =	vst v10  }
0x114: {  	v5 =	vmul.f32 v5, v4;
	[tilespmem:s21+$0xFFFFFFE0] =	vst v8  }
0x115: {  	v7 =	vmul.f32 v7, v4;
	[tilespmem:s21+$0xFFFFFFF0] =	vst v3  }
0x116: {  	s13 =	sadd.s32 s12, s22;
	v3 =	vmul.f32 v6, v4;
	[tilespmem:s21+$0x20] =	vst v5  }
0x117: {  	s13 =	sshll.u32 s13, $0x4;
	[tilespmem:s21+$0x0] =	vst v7  }
0x118: {  	s23 =	simm.s32 $0x0;
	s20 =	simm.s32 $0x1CA00;
	s13 =	sadd.s32 s9, s13;
	[tilespmem:s21+$0xFFFFFFD0] =	vst v3  }
0x119: {  	[hbm4b:s13+s23] =	stream.linear.scatter [tilespmem:s20], [sflag:$0x5], $0x400, $0x38;
	[tilespmem:$0x1D880] =	vst v63  }
0x11a: {  	s21 =	sshll.u32 s6, $0x1;
	_ =	swait.ge [sflag:s24], $0x400  }
0x11b: {  	s13 =	smin.u32 s21, $0x4D;
	s25 =	rddreg [dreg:$0xe]  }
0x11c: {  	s13 =	sadd.s32 s13, s25  }
0x11d: {  	[sflag:s24] =	ssyncset.done $0x0;
	s25 =	rddreg [dreg:$0x5];
	s13 =	sshll.u32 s13, $0x7  }
0x11e: {  	[sflag:s24] =	ssyncadd.s32 $0xFFFFFC00;
	s13 =	sadd.s32 s25, s13  }
0x11f: {  	[tilespmem:s20], [sflag:$0x1] =	stream.linear.gather [hbm4b:s13+s23], $0x400, $0x38;
	[tilespmem:$0x1D880] =	vst v63  }
0x120: {  	_ =	swait.ge [sflag:s28], $0x400  }
0x121: {  	[sflag:s28] =	ssyncset.done $0x0  }
0x122: {  	s23 =	simm.s32 $0x1CE40;
	[sflag:s28] =	ssyncadd.s32 $0xFFFFFC00  }
0x123: {  	v7 =	vld [tilespmem:s23+$0x30]  }
0x124: {  	v10 =	vld [tilespmem:s23+$0x10]  }
0x125: {  	s25 =	sadd.s32 $0x0, s8;
	v8 =	vld [tilespmem:s23+$0xFFFFFFC0]  }
0x126: {  	v4 =	vld.msk [tilespmem:s25+$0x0 ss:$0x0], $0xffff  }
0x127: {  	v12 =	vld [tilespmem:s23+$0xFFFFFFE0]  }
0x128: {  	v3 =	vld [tilespmem:s23+$0xFFFFFFF0]  }
0x129: {  	v5 =	vld [tilespmem:s23+$0x20]  }
0x12a: {  	v6 =	vld [tilespmem:s23+$0xFFFFFFD0]  }
0x12b: {  	v11 =	vmul.f32 v7, v4;
	v7 =	vld [tilespmem:s23+$0x0]  }
0x12c: {  	v9 =	vmul.f32 v4, v8  }
0x12d: {  	s22 =	sor.u32 $0x8, s22;
	s29 =	simm.s32 $0x4;
	s13 =	simm.s32 $0x1CE40;
	v8 =	vmul.f32 v12, v4;
	v10 =	vmul.f32 v10, v4  }
.LBB2_11:
0x12e: {  	p1 =	sne.s32 s29, $0x1C  }
0x12f: {  	v6 =	vmul.f32 v6, v4;
	v5 =	vmul.f32 v5, v4;
	[tilespmem:s23+$0x30] =	vst v11;
	s13 =	sadd.s32 $0x80, s13;
	s25 =	smov.u32 s29;
	s29 =	sadd.s32 $0x4, s29  }
0x130: {  	[tilespmem:s23+$0xFFFFFFC0] =	vst v9;
	v9 =	vmul.f32 v3, v4;
	v4 =	vmul.f32 v7, v4  }
0x131: {  	[tilespmem:s23+$0x10] =	vst v10  }
0x132: {  	[tilespmem:s23+$0xFFFFFFE0] =	vst v8  }
0x133: {  	v3 =	vld [tilespmem:s13+$0xFFFFFFF0];
	[tilespmem:s23+$0xFFFFFFF0] =	vst v9  }
0x134: {  	v8 =	vld [tilespmem:s13+$0x30];
	[tilespmem:s23+$0x0] =	vst v4  }
0x135: {  	s25 =	sshra.s32 s25, $0x2;
	v10 =	vld [tilespmem:s13+$0x10];
	[tilespmem:s23+$0x20] =	vst v5  }
0x136: {  	s25 =	sadd.s32 s25, s8;
	v9 =	vld [tilespmem:s13+$0xFFFFFFC0];
	[tilespmem:s23+$0xFFFFFFD0] =	vst v6;
	s23 =	smov.u32 s13  }
0x137: {  	v4 =	vld.msk [tilespmem:s25+$0x0 ss:$0x0], $0xffff  }
0x138: {  	v12 =	vld [tilespmem:s13+$0xFFFFFFE0]  }
0x139: {  	v5 =	vld [tilespmem:s13+$0x20]  }
.Ltmp4:
0x13a: {  	v6 =	vld [tilespmem:s13+$0xFFFFFFD0];
	(pc) =	sbr.rel @p1 .LBB2_11-.Ltmp4, $3  }
0x13b: {  	v7 =	vld [tilespmem:s13+$0x0];
	_ =	sdelay $0x1  }
0x13c: {  	v9 =	vmul.f32 v4, v9;
	v11 =	vmul.f32 v8, v4  }
0x13d: {  	v10 =	vmul.f32 v10, v4;
	v8 =	vmul.f32 v12, v4  }
0x13e: {  	[tilespmem:s23+$0x30] =	vst v11  }
0x13f: {  	[tilespmem:s23+$0xFFFFFFC0] =	vst v9  }
0x140: {  	v3 =	vmul.f32 v3, v4;
	[tilespmem:s23+$0x10] =	vst v10  }
0x141: {  	v5 =	vmul.f32 v5, v4;
	[tilespmem:s23+$0xFFFFFFE0] =	vst v8  }
0x142: {  	v7 =	vmul.f32 v7, v4;
	[tilespmem:s23+$0xFFFFFFF0] =	vst v3  }
0x143: {  	s13 =	sadd.s32 s12, s22;
	v3 =	vmul.f32 v6, v4;
	[tilespmem:s23+$0x20] =	vst v5  }
0x144: {  	s13 =	sshll.u32 s13, $0x4;
	[tilespmem:s23+$0x0] =	vst v7  }
0x145: {  	s22 =	simm.s32 $0x1CE00;
	s6 =	sadd.s32 $0x1, s6;
	s13 =	sadd.s32 s9, s13;
	[tilespmem:s23+$0xFFFFFFD0] =	vst v3  }
0x146: {  	[hbm4b:s13+s5] =	stream.linear.scatter [tilespmem:s22], [sflag:$0x6], $0x400, $0x38;
	[tilespmem:$0x1D880] =	vst v63  }
0x147: {  	p1 =	sne.s32 s6, $0x28;
	_ =	swait.ge [sflag:s17], $0x400  }
.Ltmp5:
0x148: {  	s23 =	smin.u32 s21, $0x4C;
	s25 =	rddreg [dreg:$0xf];
	(pc) =	sbr.rel @p1 .LBB2_8-.Ltmp5, $4  }
0x149: {  	s20 =	simm.s32 $0x1CE00;
	s7 =	sadd.s32 $0x10, s7;
	s13 =	sadd.s32 s23, s25  }
0x14a: {  	[sflag:s17] =	ssyncset.done $0x0;
	s29 =	rddreg [dreg:$0x5];
	s13 =	sshll.u32 s13, $0x7  }
0x14b: {  	s8 =	sadd.s32 $0x10, s8;
	[sflag:s17] =	ssyncadd.s32 $0xFFFFFC00;
	s13 =	sadd.s32 s29, s13  }
0x14c: {  	[tilespmem:s22], [sflag:$0x2] =	stream.linear.gather [hbm4b:s13+s5], $0x400, $0x38;
	[tilespmem:$0x1D880] =	vst v63  }
0x14d: {  	_ =	swait.ge [sflag:s26], $0x400  }
0x14e: {  	[sflag:s26] =	ssyncset.done $0x0  }
0x14f: {  	[sflag:s26] =	ssyncadd.s32 $0xFFFFFC00  }
0x150: {  	_ =	swait.ge [sflag:s28], $0x400  }
0x151: {  	[sflag:s28] =	ssyncset.done $0x0  }
0x152: {  	[sflag:s28] =	ssyncadd.s32 $0xFFFFFC00  }
0x153: {  	s6 =	simm.s32 $0x0;
	s8 =	simm.s32 $0x1C280;
	[bflag:$0x0] =	sbarrier.arrive $0xFFFF  }
0x154: {  	[tilespmem:s8], [sflag:$0x9] =	stream.linear.gather [hbm4b:s14+s6], $0x80, $0x38;
	[tilespmem:$0x1D880] =	vst v63  }
0x155: {  	_ =	swait.ge [sflag:s31], $0x80  }
0x156: {  	[sflag:s31] =	ssyncset.done $0x0  }
0x157: {  	[sflag:s31] =	ssyncadd.s32 $0xFFFFFF80  }
0x158: {  	v3 =	vld [tilespmem:$0x1C280]  }
0x159: {  	v4 =	vld [tilespmem:$0x1C2C0]  }
0x15a: {  	v5 =	vld [tilespmem:$0x1C290]  }
0x15b: {  	v6 =	vld [tilespmem:$0x1C2D0]  }
0x15c: {  	v7 =	vld [tilespmem:$0x1C2A0]  }
0x15d: {  	v8 =	vld [tilespmem:$0x1C2E0];
	v3 =	vadd.s32 v0, v3  }
0x15e: {  	v55 =	vld [tilespmem:$0x1C2B0];
	[tilespmem:$0x1C380] =	vst v3;
	v3 =	vadd.s32 v0, v4  }
0x15f: {  	v56 =	vld [tilespmem:$0x1C2F0];
	[tilespmem:$0x1C480] =	vst v3;
	v3 =	vadd.s32 v0, v5  }
0x160: {  	[tilespmem:$0x1C390] =	vst v3;
	v3 =	vadd.s32 v0, v6  }
0x161: {  	[tilespmem:$0x1C490] =	vst v3;
	v3 =	vadd.s32 v0, v7  }
0x162: {  	[tilespmem:$0x1C3A0] =	vst v3;
	v3 =	vadd.s32 v0, v8  }
0x163: {  	[tilespmem:$0x1C4A0] =	vst v3;
	v3 =	vadd.s32 v0, v55  }
0x164: {  	[tilespmem:$0x1C3B0] =	vst v3;
	v3 =	vadd.s32 v0, v56  }
0x165: {  	s7 =	simm.s32 $0x1C380;
	s13 =	simm.s32 $0x18280;
	[tilespmem:$0x1C4B0] =	vst v3  }
0x166: {  	[tilespmem:s13], [sflag:$0x3] =	stream.indirect.gather [hbm4b:s9+s16], $0x80, s7, s16, $0xb8;
	[tilespmem:$0x1D880] =	vst v63  }
0x167: {  	s21 =	simm.s32 $0x1C480;
	s22 =	simm.s32 $0x14280  }
0x168: {  	[tilespmem:s22], [sflag:$0x1] =	stream.indirect.gather [hbm4b:s9+s16], $0x80, s21, s16, $0xb8;
	[tilespmem:$0x1D880] =	vst v63  }
0x169: {  	s23 =	rddreg [dreg:$0x13];
	s13 =	simm.s32 $0x1C300  }
0x16a: {  	[tilespmem:s13], [sflag:$0x9] =	stream.linear.gather [hbm4b:s23+s6], $0x80, $0x38;
	[tilespmem:$0x1D880] =	vst v63  }
0x16b: {  	_ =	swait.ge [sflag:s31], $0x80  }
0x16c: {  	[sflag:s31] =	ssyncset.done $0x0  }
0x16d: {  	[sflag:s31] =	ssyncadd.s32 $0xFFFFFF80  }
0x16e: {  	v3 =	vld [tilespmem:$0x1C300]  }
0x16f: {  	v57 =	vld [tilespmem:$0x1C340]  }
0x170: {  	v58 =	vld [tilespmem:$0x1C310]  }
0x171: {  	v59 =	vld [tilespmem:$0x1C350]  }
0x172: {  	v60 =	vld [tilespmem:$0x1C320]  }
0x173: {  	v61 =	vld [tilespmem:$0x1C360];
	v3 =	vadd.s32 v0, v3  }
0x174: {  	v62 =	vld [tilespmem:$0x1C330];
	[tilespmem:$0x1C400] =	vst v3;
	v3 =	vadd.s32 v0, v57  }
0x175: {  	v63 =	vld [tilespmem:$0x1C370];
	[tilespmem:$0x1C500] =	vst v3;
	v3 =	vadd.s32 v0, v58  }
0x176: {  	[tilespmem:$0x1C410] =	vst v3;
	v3 =	vadd.s32 v0, v59  }
0x177: {  	[tilespmem:$0x1C510] =	vst v3;
	v3 =	vadd.s32 v0, v60  }
0x178: {  	[tilespmem:$0x1C420] =	vst v3;
	v3 =	vadd.s32 v0, v61  }
0x179: {  	[tilespmem:$0x1C520] =	vst v3;
	v3 =	vadd.s32 v0, v62  }
0x17a: {  	[tilespmem:$0x1C430] =	vst v3;
	v3 =	vadd.s32 v0, v63  }
0x17b: {  	s25 =	simm.s32 $0x1C400;
	s21 =	simm.s32 $0x1A280;
	s23 =	rddreg [dreg:$0x14];
	[tilespmem:$0x1C530] =	vst v3  }
0x17c: {  	[tilespmem:s21], [sflag:$0x4] =	stream.indirect.gather [hbm4b:s9+s16], $0x80, s25, s16, $0xb8;
	[tilespmem:$0x1D880] =	vst v63  }
0x17d: {  	s22 =	simm.s32 $0x1C500;
	s29 =	rddreg [dreg:$0x11]  }
0x17e: {  	[tilespmem:s1], [sflag:$0x2] =	stream.indirect.gather [hbm4b:s9+s16], $0x80, s22, s16, $0xb8;
	[tilespmem:$0x1D880] =	vst v63  }
0x17f: {  	s25 =	rddreg [dreg:$0x15]  }
0x180: {  	[tilespmem:s8], [sflag:$0x7] =	stream.linear.gather [hbm4b:s23+s6], $0x80, $0x38;
	[tilespmem:$0x1D880] =	vst v63  }
0x181: {  	s21 =	rddreg [dreg:$0x10]  }
0x182: {  	[tilespmem:s13], [sflag:$0x8] =	stream.linear.gather [hbm4b:s25+s6], $0x80, $0x38;
	[tilespmem:$0x1D880] =	vst v63  }
0x183: {  	s25 =	rddreg [dreg:$0x1]  }
.LBB2_14:
0x184: {  	_ =	swait.ge [sflag:s26], $0x2000  }
0x185: {  	[sflag:s26] =	ssyncset.done $0x0  }
0x186: {  	s1 =	simm.s32 $0x3;
	[sflag:s26] =	ssyncadd.s32 $0xFFFFE000  }
0x187: {  	_ =	swait.ge [sflag:s1], $0x2000  }
0x188: {  	[sflag:s1] =	ssyncset.done $0x0  }
0x189: {  	s7 =	simm.s32 $0x0;
	[sflag:s1] =	ssyncadd.s32 $0xFFFFE000  }
0x18a: {  	v4 =	vld [tilespmem:s7+$0x18280]  }
0x18b: {  	v12 =	vld [tilespmem:s7+$0x14280];
	_ =	sdelay $0x1  }
0x18c: {  	v5 =	vld [tilespmem:s7+$0x182F0]  }
0x18d: {  	v3 =	vld [tilespmem:s7+$0x142F0]  }
0x18e: {  	v8 =	vld [tilespmem:s7+$0x142A0]  }
0x18f: {  	v13 =	vsub.f32 v12, v4;
	v4 =	vld [tilespmem:s7+$0x182A0];
	_ =	sdelay $0x1  }
0x190: {  	v7 =	vld [tilespmem:s7+$0x182E0];
	v6 =	vand.u32 $0x7FFFFFFF, v13  }
0x191: {  	v14 =	vld [tilespmem:s7+$0x18290];
	v9 =	vadd.f32 $9.999999710e-10, v6  }
0x192: {  	v10 =	vsub.f32 v3, v5;
	v5 =	vld [tilespmem:s7+$0x14290]  }
0x193: {  	v6 =	vshra.s32 v9, $0x1;
	v11 =	vmul.f32 $5.000000000e-01, v9;
	v16 =	vsub.f32 v8, v4;
	v4 =	vld [tilespmem:s7+$0x142E0]  }
0x194: {  	v15 =	vsub.s32 $0x5F3759DF, v6  }
0x195: {  	v6 =	vmul.f32 v15, v11;
	v11 =	vand.u32 $0x7FFFFFFF, v10  }
0x196: {  	v18 =	vadd.f32 $9.999999710e-10, v11;
	v11 =	vand.u32 $0x7FFFFFFF, v16  }
0x197: {  	v14 =	vsub.f32 v5, v14;
	v19 =	vmul.f32 v15, v6;
	v20 =	vadd.f32 $9.999999710e-10, v11  }
0x198: {  	v17 =	vld [tilespmem:s7+$0x182D0];
	v21 =	vshra.s32 v18, $0x1;
	v22 =	vmul.f32 $5.000000000e-01, v18;
	v11 =	vsub.f32 v4, v7  }
0x199: {  	v6 =	vld [tilespmem:s7+$0x142D0];
	v19 =	vsub.f32 $1.500000000e+00, v19;
	v23 =	vmul.f32 $5.000000000e-01, v20;
	v7 =	vshra.s32 v20, $0x1  }
0x19a: {  	v30 =	vsub.s32 $0x5F3759DF, v21;
	v21 =	vand.u32 $0x7FFFFFFF, v14;
	v27 =	vsub.s32 $0x5F3759DF, v7  }
0x19b: {  	v24 =	vld [tilespmem:s7+$0x182B0];
	v22 =	vmul.f32 v30, v22;
	v21 =	vadd.f32 $9.999999710e-10, v21;
	v15 =	vmul.f32 v15, v19  }
0x19c: {  	v26 =	vld [tilespmem:s7+$0x182C0];
	v19 =	vand.u32 $0x7FFFFFFF, v11;
	v23 =	vmul.f32 v27, v23  }
0x19d: {  	v7 =	vld [tilespmem:s7+$0x142C0];
	v28 =	vmul.f32 v30, v22;
	v29 =	vshra.s32 v21, $0x1;
	v25 =	vmul.f32 v15, v9  }
0x19e: {  	v32 =	vmul.f32 $5.000000000e-01, v21;
	v9 =	vld [tilespmem:s7+$0x142B0];
	v15 =	vsub.f32 v6, v17;
	v17 =	vadd.f32 $9.999999710e-10, v19  }
0x19f: {  	v23 =	vmul.f32 v27, v23;
	v34 =	vsub.f32 $1.500000000e+00, v28;
	v13 =	vmul.f32 v25, v13  }
0x1a0: {  	v19 =	vand.u32 $0x7FFFFFFF, v15;
	v22 =	vshra.s32 v17, $0x1;
	v25 =	vmul.f32 $5.000000000e-01, v17  }
0x1a1: {  	v23 =	vsub.f32 $1.500000000e+00, v23;
	v19 =	vadd.f32 $9.999999710e-10, v19;
	v22 =	vsub.s32 $0x5F3759DF, v22  }
0x1a2: {  	v30 =	vmul.f32 v30, v34;
	v31 =	vsub.f32 v12, v13;
	v12 =	vsub.f32 v7, v26  }
0x1a3: {  	v13 =	vsub.f32 v9, v24;
	v33 =	vshra.s32 v19, $0x1;
	v24 =	vsub.s32 $0x5F3759DF, v29  }
0x1a4: {  	v29 =	vmul.f32 v27, v23;
	v27 =	vmul.f32 $5.000000000e-01, v19;
	v26 =	vand.u32 $0x7FFFFFFF, v12  }
0x1a5: {  	s8 =	simm.s32 $0x200;
	[tilespmem:s7+$0x14280] =	vst v31;
	v31 =	vmul.f32 v24, v32;
	v23 =	vsub.s32 $0x5F3759DF, v33;
	v28 =	vand.u32 $0x7FFFFFFF, v13  }
.LBB2_15:
0x1a6: {  	s22 =	sshra.s32 s8, $0x2;
	p1 =	sne.s32 s8, $0x7E00;
	s8 =	sadd.s32 $0x200, s8;
	v20 =	vmul.f32 v29, v20;
	v28 =	vadd.f32 $9.999999710e-10, v28;
	v25 =	vmul.f32 v22, v25  }
0x1a7: {  	v29 =	vld [tilespmem:s22+$0x182F0];
	v31 =	vmul.f32 v24, v31;
	v18 =	vmul.f32 v30, v18  }
0x1a8: {  	v30 =	vld [tilespmem:s22+$0x182E0];
	v16 =	vmul.f32 v20, v16;
	v20 =	vadd.f32 $9.999999710e-10, v26;
	v26 =	vmul.f32 v23, v27  }
0x1a9: {  	v25 =	vmul.f32 v22, v25;
	v27 =	vld [tilespmem:s22+$0x18280];
	v31 =	vsub.f32 $1.500000000e+00, v31;
	v10 =	vmul.f32 v18, v10  }
0x1aa: {  	v18 =	vmul.f32 $5.000000000e-01, v28;
	v32 =	vld [tilespmem:s22+$0x182D0];
	v8 =	vsub.f32 v8, v16;
	v16 =	vshra.s32 v28, $0x1  }
0x1ab: {  	v24 =	vmul.f32 v24, v31;
	v31 =	vmul.f32 $5.000000000e-01, v20;
	v3 =	vsub.f32 v3, v10  }
0x1ac: {  	v16 =	vsub.s32 $0x5F3759DF, v16;
	v10 =	vsub.f32 $1.500000000e+00, v25;
	v33 =	vld [tilespmem:s22+$0x14280];
	[tilespmem:s7+$0x142A0] =	vst v8;
	v8 =	vmul.f32 v23, v26  }
0x1ad: {  	v18 =	vmul.f32 v16, v18;
	v21 =	vmul.f32 v24, v21;
	v24 =	vshra.s32 v20, $0x1;
	[tilespmem:s7+$0x142F0] =	vst v3  }
0x1ae: {  	v10 =	vmul.f32 v22, v10;
	v3 =	vld [tilespmem:s22+$0x142F0];
	v24 =	vsub.s32 $0x5F3759DF, v24;
	v8 =	vsub.f32 $1.500000000e+00, v8  }
0x1af: {  	v14 =	vmul.f32 v21, v14;
	v21 =	vmul.f32 v24, v31  }
0x1b0: {  	v10 =	vmul.f32 v10, v17;
	v22 =	vmul.f32 v23, v8  }
0x1b1: {  	v18 =	vmul.f32 v16, v18;
	v23 =	vsub.f32 v33, v27;
	v17 =	vld [tilespmem:s22+$0x182A0];
	v21 =	vmul.f32 v24, v21  }
0x1b2: {  	v5 =	vsub.f32 v5, v14;
	v11 =	vmul.f32 v10, v11;
	v8 =	vld [tilespmem:s22+$0x142A0];
	v14 =	vmul.f32 v22, v19  }
0x1b3: {  	v18 =	vsub.f32 $1.500000000e+00, v18;
	v19 =	vand.u32 $0x7FFFFFFF, v23;
	v10 =	vsub.f32 v3, v29  }
0x1b4: {  	v21 =	vsub.f32 $1.500000000e+00, v21;
	v19 =	vadd.f32 $9.999999710e-10, v19;
	v14 =	vmul.f32 v14, v15  }
0x1b5: {  	v22 =	vmul.f32 v16, v18;
	v4 =	vsub.f32 v4, v11;
	v15 =	vand.u32 $0x7FFFFFFF, v10;
	[tilespmem:s7+$0x14290] =	vst v5  }
0x1b6: {  	v21 =	vmul.f32 v24, v21;
	v5 =	vshra.s32 v19, $0x1;
	v11 =	vmul.f32 $5.000000000e-01, v19;
	v25 =	vld [tilespmem:s22+$0x18290]  }
0x1b7: {  	v6 =	vsub.f32 v6, v14;
	v24 =	vsub.s32 $0x5F3759DF, v5;
	v5 =	vld [tilespmem:s22+$0x14290];
	v16 =	vsub.f32 v8, v17;
	[tilespmem:s7+$0x142E0] =	vst v4  }
0x1b8: {  	v18 =	vadd.f32 $9.999999710e-10, v15;
	v14 =	vmul.f32 v21, v20;
	v11 =	vmul.f32 v24, v11;
	v4 =	vld [tilespmem:s22+$0x142E0]  }
0x1b9: {  	v17 =	vmul.f32 v22, v28;
	v15 =	vand.u32 $0x7FFFFFFF, v16;
	[tilespmem:s7+$0x142D0] =	vst v6  }
0x1ba: {  	v21 =	vshra.s32 v18, $0x1;
	v6 =	vmul.f32 v24, v11;
	v11 =	vmul.f32 v14, v12  }
0x1bb: {  	v13 =	vmul.f32 v17, v13;
	v20 =	vadd.f32 $9.999999710e-10, v15;
	v12 =	vmul.f32 $5.000000000e-01, v18  }
0x1bc: {  	v15 =	vsub.f32 $1.500000000e+00, v6;
	v6 =	vld [tilespmem:s22+$0x142D0];
	v7 =	vsub.f32 v7, v11  }
0x1bd: {  	v14 =	vsub.f32 v5, v25;
	v11 =	vsub.f32 v4, v30  }
0x1be: {  	v9 =	vsub.f32 v9, v13;
	v22 =	vmul.f32 $5.000000000e-01, v20;
	v30 =	vsub.s32 $0x5F3759DF, v21;
	v26 =	vld [tilespmem:s22+$0x182B0];
	[tilespmem:s7+$0x142C0] =	vst v7  }
0x1bf: {  	v13 =	vmul.f32 v24, v15;
	v7 =	vshra.s32 v20, $0x1;
	v24 =	vld [tilespmem:s22+$0x182C0];
	v15 =	vand.u32 $0x7FFFFFFF, v11  }
0x1c0: {  	v12 =	vmul.f32 v30, v12;
	v27 =	vsub.s32 $0x5F3759DF, v7;
	v7 =	vld [tilespmem:s22+$0x142C0];
	v17 =	vadd.f32 $9.999999710e-10, v15;
	[tilespmem:s7+$0x142B0] =	vst v9;
	s7 =	smov.u32 s22  }
0x1c1: {  	v13 =	vmul.f32 v13, v19;
	v19 =	vand.u32 $0x7FFFFFFF, v14;
	v9 =	vld [tilespmem:s7+$0x142B0];
	v15 =	vsub.f32 v6, v32  }
0x1c2: {  	v22 =	vmul.f32 v27, v22;
	v28 =	vmul.f32 v30, v12;
	v21 =	vadd.f32 $9.999999710e-10, v19  }
0x1c3: {  	v12 =	vmul.f32 v13, v23;
	v13 =	vand.u32 $0x7FFFFFFF, v15  }
0x1c4: {  	v23 =	vshra.s32 v17, $0x1;
	v25 =	vmul.f32 $5.000000000e-01, v17;
	v19 =	vadd.f32 $9.999999710e-10, v13  }
0x1c5: {  	v22 =	vmul.f32 v27, v22;
	v29 =	vsub.f32 v33, v12;
	v12 =	vsub.f32 v7, v24  }
.Ltmp6:
0x1c6: {  	v31 =	vmul.f32 $5.000000000e-01, v21;
	v24 =	vshra.s32 v21, $0x1;
	v13 =	vsub.f32 v9, v26;
	(pc) =	sbr.rel @p1 .LBB2_15-.Ltmp6, $4  }
0x1c7: {  	v32 =	vshra.s32 v19, $0x1;
	[tilespmem:s7+$0x14280] =	vst v29;
	v29 =	vsub.f32 $1.500000000e+00, v22;
	v26 =	vand.u32 $0x7FFFFFFF, v12  }
0x1c8: {  	v33 =	vsub.f32 $1.500000000e+00, v28;
	v24 =	vsub.s32 $0x5F3759DF, v24;
	v22 =	vsub.s32 $0x5F3759DF, v23  }
0x1c9: {  	v28 =	vand.u32 $0x7FFFFFFF, v13;
	v29 =	vmul.f32 v27, v29;
	v27 =	vmul.f32 $5.000000000e-01, v19  }
0x1ca: {  	v30 =	vmul.f32 v30, v33;
	v31 =	vmul.f32 v24, v31;
	v23 =	vsub.s32 $0x5F3759DF, v32  }
0x1cb: {  	v20 =	vmul.f32 v29, v20;
	v25 =	vmul.f32 v22, v25  }
0x1cc: {  	v26 =	vadd.f32 $9.999999710e-10, v26;
	v27 =	vmul.f32 v23, v27;
	v29 =	vmul.f32 v24, v31  }
0x1cd: {  	v28 =	vadd.f32 $9.999999710e-10, v28;
	v18 =	vmul.f32 v30, v18;
	v25 =	vmul.f32 v22, v25  }
0x1ce: {  	v30 =	vmul.f32 $5.000000000e-01, v26;
	v31 =	vshra.s32 v26, $0x1;
	v29 =	vsub.f32 $1.500000000e+00, v29  }
0x1cf: {  	v32 =	vshra.s32 v28, $0x1;
	v33 =	vmul.f32 $5.000000000e-01, v28;
	v31 =	vsub.s32 $0x5F3759DF, v31  }
0x1d0: {  	v30 =	vmul.f32 v31, v30;
	v24 =	vmul.f32 v24, v29;
	v29 =	vsub.s32 $0x5F3759DF, v32  }
0x1d1: {  	v27 =	vmul.f32 v23, v27;
	v32 =	vmul.f32 v29, v33  }
0x1d2: {  	v16 =	vmul.f32 v20, v16;
	v20 =	vsub.f32 $1.500000000e+00, v25;
	v25 =	vmul.f32 v31, v30  }
0x1d3: {  	v21 =	vmul.f32 v24, v21;
	v24 =	vsub.f32 $1.500000000e+00, v27;
	v27 =	vmul.f32 v29, v32  }
0x1d4: {  	v10 =	vmul.f32 v18, v10;
	v18 =	vmul.f32 v22, v20;
	v20 =	vsub.f32 $1.500000000e+00, v25  }
0x1d5: {  	v14 =	vmul.f32 v21, v14;
	v21 =	vmul.f32 v23, v24;
	v22 =	vsub.f32 $1.500000000e+00, v27  }
0x1d6: {  	v17 =	vmul.f32 v18, v17;
	v18 =	vmul.f32 v31, v20  }
0x1d7: {  	v8 =	vsub.f32 v8, v16;
	v16 =	vmul.f32 v21, v19;
	v19 =	vmul.f32 v29, v22  }
0x1d8: {  	v3 =	vsub.f32 v3, v10;
	v10 =	vmul.f32 v17, v11;
	v11 =	vmul.f32 v18, v26  }
0x1d9: {  	[tilespmem:s7+$0x142A0] =	vst v8;
	v5 =	vsub.f32 v5, v14;
	v8 =	vmul.f32 v16, v15;
	v14 =	vmul.f32 v19, v28  }
0x1da: {  	[tilespmem:s7+$0x142F0] =	vst v3;
	v3 =	vsub.f32 v4, v10;
	v4 =	vmul.f32 v11, v12  }
0x1db: {  	[tilespmem:s7+$0x14290] =	vst v5;
	v5 =	vsub.f32 v6, v8;
	v6 =	vmul.f32 v14, v13  }
0x1dc: {  	[tilespmem:s7+$0x142E0] =	vst v3;
	v3 =	vsub.f32 v7, v4  }
0x1dd: {  	[tilespmem:s7+$0x142D0] =	vst v5;
	v4 =	vsub.f32 v9, v6  }
0x1de: {  	[tilespmem:s7+$0x142C0] =	vst v3  }
0x1df: {  	[tilespmem:s7+$0x142B0] =	vst v4  }
0x1e0: {  	v3 =	vld [tilespmem:$0x1C480]  }
0x1e1: {  	v4 =	vld [tilespmem:$0x1C490]  }
0x1e2: {  	v5 =	vld [tilespmem:$0x1C4A0]  }
0x1e3: {  	v6 =	vld [tilespmem:$0x1C4B0];
	_ =	sdelay $0x1  }
0x1e4: {  	v3 =	vsub.s32 v3, v0  }
0x1e5: {  	[tilespmem:$0x1C580] =	vst v3;
	v3 =	vsub.s32 v4, v0  }
0x1e6: {  	[tilespmem:$0x1C590] =	vst v3;
	v3 =	vsub.s32 v5, v0  }
0x1e7: {  	[tilespmem:$0x1C5A0] =	vst v3;
	v3 =	vsub.s32 v6, v0  }
0x1e8: {  	s13 =	simm.s32 $0x14280;
	[tilespmem:$0x1C5B0] =	vst v3  }
0x1e9: {  	[spmem:s2] =	stream.indirect.scatter.add.f32 [tilespmem:s13], [sflag:$0x5], $0x80, s4, s16, $0xb8;
	[tilespmem:$0x1D880] =	vst v63  }
0x1ea: {  	_ =	swait.ge [sflag:s15], $0x80  }
0x1eb: {  	[sflag:s15] =	ssyncset.done $0x0  }
0x1ec: {  	[sflag:s15] =	ssyncadd.s32 $0xFFFFFF80  }
0x1ed: {  	v3 =	vld [tilespmem:$0x1C280]  }
0x1ee: {  	v4 =	vld [tilespmem:$0x1C2C0]  }
0x1ef: {  	v5 =	vld [tilespmem:$0x1C290]  }
0x1f0: {  	v6 =	vld [tilespmem:$0x1C2D0]  }
0x1f1: {  	v7 =	vld [tilespmem:$0x1C2A0]  }
0x1f2: {  	v8 =	vld [tilespmem:$0x1C2E0];
	v3 =	vadd.s32 v0, v3  }
0x1f3: {  	[tilespmem:$0x1C380] =	vst v3;
	v3 =	vadd.s32 v0, v4;
	v4 =	vld [tilespmem:$0x1C2B0]  }
0x1f4: {  	[tilespmem:$0x1C480] =	vst v3;
	v3 =	vadd.s32 v0, v5;
	v5 =	vld [tilespmem:$0x1C2F0]  }
0x1f5: {  	[tilespmem:$0x1C390] =	vst v3;
	v3 =	vadd.s32 v0, v6  }
0x1f6: {  	[tilespmem:$0x1C490] =	vst v3;
	v3 =	vadd.s32 v0, v7  }
0x1f7: {  	[tilespmem:$0x1C3A0] =	vst v3;
	v3 =	vadd.s32 v0, v8  }
0x1f8: {  	[tilespmem:$0x1C4A0] =	vst v3;
	v3 =	vadd.s32 v0, v4  }
0x1f9: {  	[tilespmem:$0x1C3B0] =	vst v3;
	v3 =	vadd.s32 v0, v5  }
0x1fa: {  	s23 =	simm.s32 $0x1C380;
	s8 =	simm.s32 $0x18280;
	[tilespmem:$0x1C4B0] =	vst v3  }
0x1fb: {  	[tilespmem:s8], [sflag:$0x3] =	stream.indirect.gather [hbm4b:s9+s16], $0x80, s23, s16, $0xb8;
	[tilespmem:$0x1D880] =	vst v63  }
0x1fc: {  	s8 =	sshll.u32 s6, $0x1;
	_ =	swait.ge [sflag:s24], $0x2000  }
0x1fd: {  	s22 =	sadd.s32 s8, s21;
	[sflag:s24] =	ssyncset.done $0x0  }
0x1fe: {  	s1 =	simm.s32 $0x1C480;
	s7 =	sshll.u32 s22, $0x4;
	[sflag:s24] =	ssyncadd.s32 $0xFFFFE000  }
0x1ff: {  	[tilespmem:s13], [sflag:$0x1] =	stream.indirect.gather [hbm4b:s9+s16], $0x80, s1, s16, $0xb8;
	[tilespmem:$0x1D880] =	vst v63  }
0x200: {  	s23 =	simm.s32 $0x0;
	s22 =	simm.s32 $0x1C280;
	s7 =	sadd.s32 s25, s7  }
0x201: {  	[tilespmem:s22], [sflag:$0x7] =	stream.linear.gather [hbm4b:s7+s23], $0x80, $0x38;
	[tilespmem:$0x1D880] =	vst v63  }
0x202: {  	_ =	swait.ge [sflag:s28], $0x2000  }
0x203: {  	[sflag:s28] =	ssyncset.done $0x0  }
0x204: {  	s1 =	simm.s32 $0x4;
	[sflag:s28] =	ssyncadd.s32 $0xFFFFE000  }
0x205: {  	_ =	swait.ge [sflag:s1], $0x2000  }
0x206: {  	[sflag:s1] =	ssyncset.done $0x0  }
0x207: {  	s7 =	simm.s32 $0x0;
	[sflag:s1] =	ssyncadd.s32 $0xFFFFE000  }
0x208: {  	v4 =	vld [tilespmem:s7+$0x1A280]  }
0x209: {  	v12 =	vld [tilespmem:s7+$0x16280];
	_ =	sdelay $0x1  }
0x20a: {  	v5 =	vld [tilespmem:s7+$0x1A2F0]  }
0x20b: {  	v3 =	vld [tilespmem:s7+$0x162F0]  }
0x20c: {  	v8 =	vld [tilespmem:s7+$0x162A0]  }
0x20d: {  	v13 =	vsub.f32 v12, v4;
	v4 =	vld [tilespmem:s7+$0x1A2A0];
	_ =	sdelay $0x1  }
0x20e: {  	v7 =	vld [tilespmem:s7+$0x1A2E0];
	v6 =	vand.u32 $0x7FFFFFFF, v13  }
0x20f: {  	v14 =	vld [tilespmem:s7+$0x1A290];
	v9 =	vadd.f32 $9.999999710e-10, v6  }
0x210: {  	v10 =	vsub.f32 v3, v5;
	v5 =	vld [tilespmem:s7+$0x16290]  }
0x211: {  	v6 =	vshra.s32 v9, $0x1;
	v11 =	vmul.f32 $5.000000000e-01, v9;
	v16 =	vsub.f32 v8, v4;
	v4 =	vld [tilespmem:s7+$0x162E0]  }
0x212: {  	v15 =	vsub.s32 $0x5F3759DF, v6  }
0x213: {  	v6 =	vmul.f32 v15, v11;
	v11 =	vand.u32 $0x7FFFFFFF, v10  }
0x214: {  	v18 =	vadd.f32 $9.999999710e-10, v11;
	v11 =	vand.u32 $0x7FFFFFFF, v16  }
0x215: {  	v14 =	vsub.f32 v5, v14;
	v19 =	vmul.f32 v15, v6;
	v20 =	vadd.f32 $9.999999710e-10, v11  }
0x216: {  	v17 =	vld [tilespmem:s7+$0x1A2D0];
	v21 =	vshra.s32 v18, $0x1;
	v22 =	vmul.f32 $5.000000000e-01, v18;
	v11 =	vsub.f32 v4, v7  }
0x217: {  	v6 =	vld [tilespmem:s7+$0x162D0];
	v19 =	vsub.f32 $1.500000000e+00, v19;
	v23 =	vmul.f32 $5.000000000e-01, v20;
	v7 =	vshra.s32 v20, $0x1  }
0x218: {  	v30 =	vsub.s32 $0x5F3759DF, v21;
	v21 =	vand.u32 $0x7FFFFFFF, v14;
	v27 =	vsub.s32 $0x5F3759DF, v7  }
0x219: {  	v24 =	vld [tilespmem:s7+$0x1A2B0];
	v22 =	vmul.f32 v30, v22;
	v21 =	vadd.f32 $9.999999710e-10, v21;
	v15 =	vmul.f32 v15, v19  }
0x21a: {  	v26 =	vld [tilespmem:s7+$0x1A2C0];
	v19 =	vand.u32 $0x7FFFFFFF, v11;
	v23 =	vmul.f32 v27, v23  }
0x21b: {  	v7 =	vld [tilespmem:s7+$0x162C0];
	v28 =	vmul.f32 v30, v22;
	v29 =	vshra.s32 v21, $0x1;
	v25 =	vmul.f32 v15, v9  }
0x21c: {  	v62 =	vmul.f32 $5.000000000e-01, v21;
	v9 =	vld [tilespmem:s7+$0x162B0];
	v15 =	vsub.f32 v6, v17;
	v17 =	vadd.f32 $9.999999710e-10, v19  }
0x21d: {  	v23 =	vmul.f32 v27, v23;
	v34 =	vsub.f32 $1.500000000e+00, v28;
	v13 =	vmul.f32 v25, v13  }
0x21e: {  	v19 =	vand.u32 $0x7FFFFFFF, v15;
	v22 =	vshra.s32 v17, $0x1;
	v25 =	vmul.f32 $5.000000000e-01, v17  }
0x21f: {  	v23 =	vsub.f32 $1.500000000e+00, v23;
	v19 =	vadd.f32 $9.999999710e-10, v19;
	v22 =	vsub.s32 $0x5F3759DF, v22  }
0x220: {  	v30 =	vmul.f32 v30, v34;
	v31 =	vsub.f32 v12, v13;
	v12 =	vsub.f32 v7, v26  }
0x221: {  	v13 =	vsub.f32 v9, v24;
	v63 =	vshra.s32 v19, $0x1;
	v24 =	vsub.s32 $0x5F3759DF, v29  }
0x222: {  	v29 =	vmul.f32 v27, v23;
	v27 =	vmul.f32 $5.000000000e-01, v19;
	v26 =	vand.u32 $0x7FFFFFFF, v12  }
0x223: {  	s22 =	simm.s32 $0x200;
	[tilespmem:s7+$0x16280] =	vst v31;
	v31 =	vmul.f32 v24, v62;
	v23 =	vsub.s32 $0x5F3759DF, v63;
	v28 =	vand.u32 $0x7FFFFFFF, v13  }
.LBB2_17:
0x224: {  	s23 =	sshra.s32 s22, $0x2;
	p1 =	sne.s32 s22, $0x7E00;
	s22 =	sadd.s32 $0x200, s22;
	v20 =	vmul.f32 v29, v20;
	v28 =	vadd.f32 $9.999999710e-10, v28;
	v25 =	vmul.f32 v22, v25  }
0x225: {  	v29 =	vld [tilespmem:s23+$0x1A2F0];
	v31 =	vmul.f32 v24, v31;
	v18 =	vmul.f32 v30, v18  }
0x226: {  	v30 =	vld [tilespmem:s23+$0x1A2E0];
	v16 =	vmul.f32 v20, v16;
	v20 =	vadd.f32 $9.999999710e-10, v26;
	v26 =	vmul.f32 v23, v27  }
0x227: {  	v25 =	vmul.f32 v22, v25;
	v27 =	vld [tilespmem:s23+$0x1A280];
	v31 =	vsub.f32 $1.500000000e+00, v31;
	v10 =	vmul.f32 v18, v10  }
0x228: {  	v18 =	vmul.f32 $5.000000000e-01, v28;
	v32 =	vld [tilespmem:s23+$0x1A2D0];
	v8 =	vsub.f32 v8, v16;
	v16 =	vshra.s32 v28, $0x1  }
0x229: {  	v24 =	vmul.f32 v24, v31;
	v31 =	vmul.f32 $5.000000000e-01, v20;
	v3 =	vsub.f32 v3, v10  }
0x22a: {  	v16 =	vsub.s32 $0x5F3759DF, v16;
	v10 =	vsub.f32 $1.500000000e+00, v25;
	v33 =	vld [tilespmem:s23+$0x16280];
	[tilespmem:s7+$0x162A0] =	vst v8;
	v8 =	vmul.f32 v23, v26  }
0x22b: {  	v18 =	vmul.f32 v16, v18;
	v21 =	vmul.f32 v24, v21;
	v24 =	vshra.s32 v20, $0x1;
	[tilespmem:s7+$0x162F0] =	vst v3  }
0x22c: {  	v10 =	vmul.f32 v22, v10;
	v3 =	vld [tilespmem:s23+$0x162F0];
	v24 =	vsub.s32 $0x5F3759DF, v24;
	v8 =	vsub.f32 $1.500000000e+00, v8  }
0x22d: {  	v14 =	vmul.f32 v21, v14;
	v21 =	vmul.f32 v24, v31  }
0x22e: {  	v10 =	vmul.f32 v10, v17;
	v22 =	vmul.f32 v23, v8  }
0x22f: {  	v18 =	vmul.f32 v16, v18;
	v23 =	vsub.f32 v33, v27;
	v17 =	vld [tilespmem:s23+$0x1A2A0];
	v21 =	vmul.f32 v24, v21  }
0x230: {  	v5 =	vsub.f32 v5, v14;
	v11 =	vmul.f32 v10, v11;
	v8 =	vld [tilespmem:s23+$0x162A0];
	v14 =	vmul.f32 v22, v19  }
0x231: {  	v18 =	vsub.f32 $1.500000000e+00, v18;
	v19 =	vand.u32 $0x7FFFFFFF, v23;
	v10 =	vsub.f32 v3, v29  }
0x232: {  	v21 =	vsub.f32 $1.500000000e+00, v21;
	v19 =	vadd.f32 $9.999999710e-10, v19;
	v14 =	vmul.f32 v14, v15  }
0x233: {  	v22 =	vmul.f32 v16, v18;
	v4 =	vsub.f32 v4, v11;
	v15 =	vand.u32 $0x7FFFFFFF, v10;
	[tilespmem:s7+$0x16290] =	vst v5  }
0x234: {  	v21 =	vmul.f32 v24, v21;
	v5 =	vshra.s32 v19, $0x1;
	v11 =	vmul.f32 $5.000000000e-01, v19;
	v25 =	vld [tilespmem:s23+$0x1A290]  }
0x235: {  	v6 =	vsub.f32 v6, v14;
	v24 =	vsub.s32 $0x5F3759DF, v5;
	v5 =	vld [tilespmem:s23+$0x16290];
	v16 =	vsub.f32 v8, v17;
	[tilespmem:s7+$0x162E0] =	vst v4  }
0x236: {  	v18 =	vadd.f32 $9.999999710e-10, v15;
	v14 =	vmul.f32 v21, v20;
	v11 =	vmul.f32 v24, v11;
	v4 =	vld [tilespmem:s23+$0x162E0]  }
0x237: {  	v17 =	vmul.f32 v22, v28;
	v15 =	vand.u32 $0x7FFFFFFF, v16;
	[tilespmem:s7+$0x162D0] =	vst v6  }
0x238: {  	v21 =	vshra.s32 v18, $0x1;
	v6 =	vmul.f32 v24, v11;
	v11 =	vmul.f32 v14, v12  }
0x239: {  	v13 =	vmul.f32 v17, v13;
	v20 =	vadd.f32 $9.999999710e-10, v15;
	v12 =	vmul.f32 $5.000000000e-01, v18  }
0x23a: {  	v15 =	vsub.f32 $1.500000000e+00, v6;
	v6 =	vld [tilespmem:s23+$0x162D0];
	v7 =	vsub.f32 v7, v11  }
0x23b: {  	v14 =	vsub.f32 v5, v25;
	v11 =	vsub.f32 v4, v30  }
0x23c: {  	v9 =	vsub.f32 v9, v13;
	v22 =	vmul.f32 $5.000000000e-01, v20;
	v30 =	vsub.s32 $0x5F3759DF, v21;
	v26 =	vld [tilespmem:s23+$0x1A2B0];
	[tilespmem:s7+$0x162C0] =	vst v7  }
0x23d: {  	v13 =	vmul.f32 v24, v15;
	v7 =	vshra.s32 v20, $0x1;
	v24 =	vld [tilespmem:s23+$0x1A2C0];
	v15 =	vand.u32 $0x7FFFFFFF, v11  }
0x23e: {  	v12 =	vmul.f32 v30, v12;
	v27 =	vsub.s32 $0x5F3759DF, v7;
	v7 =	vld [tilespmem:s23+$0x162C0];
	v17 =	vadd.f32 $9.999999710e-10, v15;
	[tilespmem:s7+$0x162B0] =	vst v9;
	s7 =	smov.u32 s23  }
0x23f: {  	v13 =	vmul.f32 v13, v19;
	v19 =	vand.u32 $0x7FFFFFFF, v14;
	v9 =	vld [tilespmem:s7+$0x162B0];
	v15 =	vsub.f32 v6, v32  }
0x240: {  	v22 =	vmul.f32 v27, v22;
	v28 =	vmul.f32 v30, v12;
	v21 =	vadd.f32 $9.999999710e-10, v19  }
0x241: {  	v12 =	vmul.f32 v13, v23;
	v13 =	vand.u32 $0x7FFFFFFF, v15  }
0x242: {  	v23 =	vshra.s32 v17, $0x1;
	v25 =	vmul.f32 $5.000000000e-01, v17;
	v19 =	vadd.f32 $9.999999710e-10, v13  }
0x243: {  	v22 =	vmul.f32 v27, v22;
	v29 =	vsub.f32 v33, v12;
	v12 =	vsub.f32 v7, v24  }
.Ltmp7:
0x244: {  	v31 =	vmul.f32 $5.000000000e-01, v21;
	v24 =	vshra.s32 v21, $0x1;
	v13 =	vsub.f32 v9, v26;
	(pc) =	sbr.rel @p1 .LBB2_17-.Ltmp7, $4  }
0x245: {  	v32 =	vshra.s32 v19, $0x1;
	[tilespmem:s7+$0x16280] =	vst v29;
	v29 =	vsub.f32 $1.500000000e+00, v22;
	v26 =	vand.u32 $0x7FFFFFFF, v12  }
0x246: {  	v33 =	vsub.f32 $1.500000000e+00, v28;
	v24 =	vsub.s32 $0x5F3759DF, v24;
	v22 =	vsub.s32 $0x5F3759DF, v23  }
0x247: {  	v28 =	vand.u32 $0x7FFFFFFF, v13;
	v29 =	vmul.f32 v27, v29;
	v27 =	vmul.f32 $5.000000000e-01, v19  }
0x248: {  	v30 =	vmul.f32 v30, v33;
	v31 =	vmul.f32 v24, v31;
	v23 =	vsub.s32 $0x5F3759DF, v32  }
0x249: {  	v20 =	vmul.f32 v29, v20;
	v28 =	vadd.f32 $9.999999710e-10, v28  }
0x24a: {  	v25 =	vmul.f32 v22, v25;
	v26 =	vadd.f32 $9.999999710e-10, v26;
	v27 =	vmul.f32 v23, v27  }
0x24b: {  	v60 =	vmul.f32 v24, v31;
	v18 =	vmul.f32 v30, v18;
	v61 =	vshra.s32 v28, $0x1  }
0x24c: {  	v62 =	vmul.f32 $5.000000000e-01, v26;
	v32 =	vshra.s32 v26, $0x1;
	v36 =	vmul.f32 $5.000000000e-01, v28  }
0x24d: {  	v25 =	vmul.f32 v22, v25;
	v29 =	vsub.f32 $1.500000000e+00, v60;
	v32 =	vsub.s32 $0x5F3759DF, v32  }
0x24e: {  	v27 =	vmul.f32 v23, v27;
	v30 =	vsub.s32 $0x5F3759DF, v61;
	v31 =	vmul.f32 v32, v62  }
0x24f: {  	v37 =	vsub.f32 $1.500000000e+00, v25;
	v63 =	vmul.f32 v24, v29;
	v29 =	vmul.f32 v30, v36  }
0x250: {  	v16 =	vmul.f32 v20, v16;
	v39 =	vsub.f32 $1.500000000e+00, v27;
	v38 =	vmul.f32 v32, v31  }
0x251: {  	v41 =	vmul.f32 v22, v37;
	v40 =	vmul.f32 v30, v29  }
0x252: {  	v10 =	vmul.f32 v18, v10;
	v43 =	vmul.f32 v23, v39;
	v42 =	vsub.f32 $1.500000000e+00, v38  }
0x253: {  	v21 =	vmul.f32 v63, v21;
	v17 =	vmul.f32 v41, v17;
	v44 =	vsub.f32 $1.500000000e+00, v40  }
0x254: {  	v46 =	vmul.f32 v43, v19;
	v45 =	vmul.f32 v32, v42  }
0x255: {  	v8 =	vsub.f32 v8, v16;
	v14 =	vmul.f32 v21, v14;
	v47 =	vmul.f32 v30, v44  }
0x256: {  	v3 =	vsub.f32 v3, v10;
	v48 =	vmul.f32 v17, v11;
	v49 =	vmul.f32 v45, v26  }
0x257: {  	[tilespmem:s7+$0x162A0] =	vst v8;
	v50 =	vmul.f32 v46, v15;
	v5 =	vsub.f32 v5, v14;
	v51 =	vmul.f32 v47, v28  }
0x258: {  	[tilespmem:s7+$0x162F0] =	vst v3;
	v3 =	vsub.f32 v4, v48;
	v52 =	vmul.f32 v49, v12  }
0x259: {  	v53 =	vsub.f32 v6, v50;
	[tilespmem:s7+$0x16290] =	vst v5;
	v54 =	vmul.f32 v51, v13  }
0x25a: {  	[tilespmem:s7+$0x162E0] =	vst v3;
	v3 =	vsub.f32 v7, v52  }
0x25b: {  	[tilespmem:s7+$0x162D0] =	vst v53;
	v55 =	vsub.f32 v9, v54  }
0x25c: {  	[tilespmem:s7+$0x162C0] =	vst v3  }
0x25d: {  	[tilespmem:s7+$0x162B0] =	vst v55  }
0x25e: {  	v3 =	vld [tilespmem:$0x1C500]  }
0x25f: {  	v4 =	vld [tilespmem:$0x1C510]  }
0x260: {  	v5 =	vld [tilespmem:$0x1C520]  }
0x261: {  	v56 =	vld [tilespmem:$0x1C530];
	_ =	sdelay $0x1  }
0x262: {  	v3 =	vsub.s32 v3, v0  }
0x263: {  	[tilespmem:$0x1C600] =	vst v3;
	v3 =	vsub.s32 v4, v0  }
0x264: {  	[tilespmem:$0x1C610] =	vst v3;
	v3 =	vsub.s32 v5, v0  }
0x265: {  	[tilespmem:$0x1C620] =	vst v3;
	v3 =	vsub.s32 v56, v0  }
0x266: {  	s22 =	simm.s32 $0x16280;
	[tilespmem:$0x1C630] =	vst v3  }
0x267: {  	[spmem:s2] =	stream.indirect.scatter.add.f32 [tilespmem:s22], [sflag:$0x6], $0x80, s0, s16, $0xb8;
	[tilespmem:$0x1D880] =	vst v63  }
0x268: {  	_ =	swait.ge [sflag:s19], $0x80  }
0x269: {  	[sflag:s19] =	ssyncset.done $0x0  }
0x26a: {  	[sflag:s19] =	ssyncadd.s32 $0xFFFFFF80  }
0x26b: {  	v3 =	vld [tilespmem:$0x1C300]  }
0x26c: {  	v57 =	vld [tilespmem:$0x1C340]  }
0x26d: {  	v58 =	vld [tilespmem:$0x1C310]  }
0x26e: {  	v59 =	vld [tilespmem:$0x1C350]  }
0x26f: {  	v60 =	vld [tilespmem:$0x1C320]  }
0x270: {  	v61 =	vld [tilespmem:$0x1C360];
	v3 =	vadd.s32 v0, v3  }
0x271: {  	v62 =	vld [tilespmem:$0x1C330];
	[tilespmem:$0x1C400] =	vst v3;
	v3 =	vadd.s32 v0, v57  }
0x272: {  	v63 =	vld [tilespmem:$0x1C370];
	[tilespmem:$0x1C500] =	vst v3;
	v3 =	vadd.s32 v0, v58  }
0x273: {  	[tilespmem:$0x1C410] =	vst v3;
	v3 =	vadd.s32 v0, v59  }
0x274: {  	[tilespmem:$0x1C510] =	vst v3;
	v3 =	vadd.s32 v0, v60  }
0x275: {  	[tilespmem:$0x1C420] =	vst v3;
	v3 =	vadd.s32 v0, v61  }
0x276: {  	[tilespmem:$0x1C520] =	vst v3;
	v3 =	vadd.s32 v0, v62  }
0x277: {  	[tilespmem:$0x1C430] =	vst v3;
	v3 =	vadd.s32 v0, v63  }
0x278: {  	s1 =	simm.s32 $0x1C400;
	s13 =	simm.s32 $0x1A280;
	[tilespmem:$0x1C530] =	vst v3  }
0x279: {  	[tilespmem:s13], [sflag:$0x4] =	stream.indirect.gather [hbm4b:s9+s16], $0x80, s1, s16, $0xb8;
	[tilespmem:$0x1D880] =	vst v63  }
0x27a: {  	_ =	swait.ge [sflag:s17], $0x2000  }
0x27b: {  	s6 =	sadd.s32 $0x1, s6;
	[sflag:s17] =	ssyncset.done $0x0  }
0x27c: {  	p1 =	sne.s32 s6, $0x50;
	s13 =	simm.s32 $0x1C500;
	[sflag:s17] =	ssyncadd.s32 $0xFFFFE000  }
0x27d: {  	[tilespmem:s22], [sflag:$0x2] =	stream.indirect.gather [hbm4b:s9+s16], $0x80, s13, s16, $0xb8;
	[tilespmem:$0x1D880] =	vst v63  }
.Ltmp8:
0x27e: {  	_ = 	snop;
	(pc) =	sbr.rel @p1 .LBB2_14-.Ltmp8, $4  }
0x27f: {  	s22 =	sadd.s32 s8, s29  }
0x280: {  	s7 =	sshll.u32 s22, $0x4  }
0x281: {  	s23 =	simm.s32 $0x1C300;
	s1 =	simm.s32 $0x16280;
	s7 =	sadd.s32 s25, s7  }
0x282: {  	[tilespmem:s23], [sflag:$0x8] =	stream.linear.gather [hbm4b:s7+s5], $0x80, $0x38;
	[tilespmem:$0x1D880] =	vst v63  }
0x283: {  	_ =	swait.ge [sflag:s26], $0x2000  }
0x284: {  	[sflag:s26] =	ssyncset.done $0x0  }
0x285: {  	s6 =	simm.s32 $0x3;
	[sflag:s26] =	ssyncadd.s32 $0xFFFFE000  }
0x286: {  	_ =	swait.ge [sflag:s6], $0x2000  }
0x287: {  	[sflag:s6] =	ssyncset.done $0x0  }
0x288: {  	[sflag:s6] =	ssyncadd.s32 $0xFFFFE000  }
0x289: {  	_ =	swait.ge [sflag:s15], $0x80  }
0x28a: {  	[sflag:s15] =	ssyncset.done $0x0  }
0x28b: {  	[sflag:s15] =	ssyncadd.s32 $0xFFFFFF80  }
0x28c: {  	_ =	swait.ge [sflag:s28], $0x2000  }
0x28d: {  	[sflag:s28] =	ssyncset.done $0x0  }
0x28e: {  	s22 =	simm.s32 $0x4;
	[sflag:s28] =	ssyncadd.s32 $0xFFFFE000  }
0x28f: {  	_ =	swait.ge [sflag:s22], $0x2000  }
0x290: {  	[sflag:s22] =	ssyncset.done $0x0  }
0x291: {  	[sflag:s22] =	ssyncadd.s32 $0xFFFFE000  }
0x292: {  	_ =	swait.ge [sflag:s19], $0x80  }
0x293: {  	[sflag:s19] =	ssyncset.done $0x0  }
0x294: {  	[sflag:s19] =	ssyncadd.s32 $0xFFFFFF80  }
0x295: {  	s23 =	simm.s32 $0x1CA00;
	s8 =	simm.s32 $0x1C700;
	[bflag:$0x0] =	sbarrier.arrive $0xFFFF  }
0x296: {  	[tilespmem:s23], [sflag:$0x1] =	stream.linear.gather [spmem:s11], $0x400, $0x38;
	[tilespmem:$0x1D880] =	vst v63  }
0x297: {  	s7 =	simm.s32 $0x1C708;
	s6 =	simm.s32 $0x0;
	s29 =	rddreg [dreg:$0x16]  }
0x298: {  	[tilespmem:s20], [sflag:$0x2] =	stream.linear.gather [spmem:s29], $0x400, $0x38;
	[tilespmem:$0x1D880] =	vst v63  }
.LBB2_20:
0x299: {  	v3 =	vmov s8;
	_ =	sdelay $0x1  }
0x29a: {  	_ =	swait.ge [sflag:s26], $0x400  }
0x29b: {  	[sflag:s26] =	ssyncset.done $0x0  }
0x29c: {  	s13 =	simm.s32 $0x0;
	[sflag:s26] =	ssyncadd.s32 $0xFFFFFC00  }
0x29d: {  	v4 =	vld.idx.msk [tilespmem:v3+s13+$0x0 ss:$0x1], $0xffff;
	_ =	sdelay $0x4  }
0x29e: {  	(v2sf) =	vpush v4, $0x0;
	_ =	sdelay $0xb  }
0x29f: {  	s22 =	simm.s32 $0x1CA40  }
0x2a0: {  	v4 =	vld [tilespmem:s22+$0xFFFFFFC0]  }
0x2a1: {  	v5 =	vld [tilespmem:s22+$0xFFFFFFD0]  }
0x2a2: {  	v6 =	vld [tilespmem:s22+$0xFFFFFFE0];
	s29 =	spop (v2sf)  }
0x2a3: {  	v9 =	vld [tilespmem:s22+$0x10];
	s13 =	smul.f32 s29, s29  }
0x2a4: {  	v7 =	vld [tilespmem:s22+$0xFFFFFFF0]  }
0x2a5: {  	v8 =	vld [tilespmem:s22+$0x0];
	v4 =	vmul.f32 s13, v4  }
0x2a6: {  	v10 =	vld [tilespmem:s22+$0x20];
	v5 =	vmul.f32 s13, v5  }
0x2a7: {  	v11 =	vld [tilespmem:s22+$0x30];
	v6 =	vmul.f32 s13, v6;
	[tilespmem:s22+$0xFFFFFFC0] =	vst v4  }
0x2a8: {  	v63 =	vmul.f32 s13, v9;
	[tilespmem:s22+$0xFFFFFFD0] =	vst v5  }
0x2a9: {  	v4 =	vmul.f32 s13, v7;
	[tilespmem:s22+$0xFFFFFFE0] =	vst v6  }
0x2aa: {  	v5 =	vmul.f32 s13, v8;
	[tilespmem:s22+$0x10] =	vst v63  }
0x2ab: {  	[tilespmem:s22+$0xFFFFFFF0] =	vst v4;
	v4 =	vmul.f32 s13, v10  }
0x2ac: {  	[tilespmem:s22+$0x0] =	vst v5;
	v5 =	vmul.f32 s13, v11  }
0x2ad: {  	[tilespmem:s22+$0x20] =	vst v4  }
0x2ae: {  	s23 =	sshll.u32 s6, $0x4;
	s21 =	simm.s32 $0x8;
	s13 =	simm.s32 $0x1;
	[tilespmem:s22+$0x30] =	vst v5  }
.LBB2_21:
0x2af: {  	p1 =	sne.s32 s21, $0x1C;
	v4 =	vld.idx.msk [tilespmem:v3+s13+$0x0 ss:$0x1], $0xffff;
	_ =	sdelay $0x5  }
0x2b0: {  	(v2sf) =	vpush v4, $0x0;
	_ =	sdelay $0x7  }
0x2b1: {  	s22 =	sadd.s32 $0x80, s22  }
0x2b2: {  	v4 =	vld [tilespmem:s22+$0xFFFFFFF0]  }
0x2b3: {  	v5 =	vld [tilespmem:s22+$0x30]  }
0x2b4: {  	v6 =	vld [tilespmem:s22+$0x10]  }
0x2b5: {  	v7 =	vld [tilespmem:s22+$0xFFFFFFD0]  }
0x2b6: {  	v8 =	vld [tilespmem:s22+$0xFFFFFFC0]  }
0x2b7: {  	v9 =	vld [tilespmem:s22+$0xFFFFFFE0]  }
0x2b8: {  	v10 =	vld [tilespmem:s22+$0x0];
	s13 =	spop (v2sf)  }
0x2b9: {  	s13 =	smul.f32 s13, s13;
	v11 =	vld [tilespmem:s22+$0x20];
	_ =	sdelay $0x1  }
0x2ba: {  	v8 =	vmul.f32 s13, v8;
	v7 =	vmul.f32 s13, v7  }
0x2bb: {  	v4 =	vmul.f32 s13, v4;
	v9 =	vmul.f32 s13, v9  }
0x2bc: {  	v6 =	vmul.f32 s13, v6;
	[tilespmem:s22+$0xFFFFFFC0] =	vst v8;
	v8 =	vmul.f32 s13, v10  }
0x2bd: {  	v5 =	vmul.f32 s13, v5;
	[tilespmem:s22+$0xFFFFFFD0] =	vst v7;
	v7 =	vmul.f32 s13, v11  }
0x2be: {  	[tilespmem:s22+$0xFFFFFFE0] =	vst v9  }
.Ltmp9:
0x2bf: {  	[tilespmem:s22+$0xFFFFFFF0] =	vst v4;
	(pc) =	sbr.rel @p1 .LBB2_21-.Ltmp9, $4  }
0x2c0: {  	[tilespmem:s22+$0x0] =	vst v8  }
0x2c1: {  	[tilespmem:s22+$0x10] =	vst v6  }
0x2c2: {  	[tilespmem:s22+$0x20] =	vst v7  }
0x2c3: {  	s13 =	sshra.s32 s21, $0x2;
	s21 =	sadd.s32 $0x4, s21;
	[tilespmem:s22+$0x30] =	vst v5  }
0x2c4: {  	_ =	sdelay $0x3  }
0x2c5: {  	v3 =	vld.idx.msk [tilespmem:v3+s13+$0x0 ss:$0x1], $0xffff;
	_ =	sdelay $0x4  }
0x2c6: {  	(v2sf) =	vpush v3, $0x0;
	_ =	sdelay $0xb  }
0x2c7: {  	s13 =	sadd.s32 $0x80, s22  }
0x2c8: {  	v3 =	vld [tilespmem:s13+$0xFFFFFFC0]  }
0x2c9: {  	v4 =	vld [tilespmem:s13+$0xFFFFFFD0]  }
0x2ca: {  	v5 =	vld [tilespmem:s13+$0xFFFFFFE0];
	s21 =	spop (v2sf)  }
0x2cb: {  	v6 =	vld [tilespmem:s13+$0xFFFFFFF0];
	s21 =	smul.f32 s21, s21  }
0x2cc: {  	v7 =	vld [tilespmem:s13+$0x0]  }
0x2cd: {  	v8 =	vld [tilespmem:s13+$0x10];
	v3 =	vmul.f32 s21, v3  }
0x2ce: {  	v9 =	vld [tilespmem:s13+$0x20];
	v4 =	vmul.f32 s21, v4  }
0x2cf: {  	v10 =	vld [tilespmem:s13+$0x30];
	v5 =	vmul.f32 s21, v5;
	[tilespmem:s13+$0xFFFFFFC0] =	vst v3  }
0x2d0: {  	v3 =	vmul.f32 s21, v6;
	[tilespmem:s13+$0xFFFFFFD0] =	vst v4  }
0x2d1: {  	v4 =	vmul.f32 s21, v7;
	[tilespmem:s13+$0xFFFFFFE0] =	vst v5  }
0x2d2: {  	v5 =	vmul.f32 s21, v8;
	[tilespmem:s13+$0xFFFFFFF0] =	vst v3  }
0x2d3: {  	s22 =	rddreg [dreg:$0x6];
	v3 =	vmul.f32 s21, v9;
	[tilespmem:s13+$0x0] =	vst v4  }
0x2d4: {  	s20 =	sadd.s32 s12, s23;
	v4 =	vmul.f32 s21, v10;
	[tilespmem:s13+$0x10] =	vst v5;
	s21 =	sadd.s32 s22, s23  }
0x2d5: {  	s22 =	sshll.u32 s20, $0x4;
	s20 =	simm.s32 $0x1CA00;
	s21 =	sshll.u32 s21, $0x7;
	[tilespmem:s13+$0x20] =	vst v3  }
0x2d6: {  	[tilespmem:s13+$0x30] =	vst v4;
	s13 =	sand.u32 $0x3FFFFF80, s21;
	s21 =	sadd.s32 s9, s22;
	s22 =	simm.s32 $0x0  }
0x2d7: {  	[hbm4b:s21+s22] =	stream.linear.scatter [tilespmem:s20], [sflag:$0x5], $0x400, $0x38;
	[tilespmem:$0x1D880] =	vst v63  }
0x2d8: {  	s13 =	sadd.s32 s13, s2  }
0x2d9: {  	[spmem:s13] =	stream.linear.scatter [tilespmem:s30], [sflag:$0x7], $0x400, $0x38;
	[tilespmem:$0x1D880] =	vst v63  }
0x2da: {  	s22 =	sshll.u32 s6, $0x1;
	_ =	swait.ge [sflag:s24], $0x400  }
0x2db: {  	s21 =	smin.u32 s22, $0x4D;
	[sflag:s24] =	ssyncset.done $0x0  }
0x2dc: {  	s13 =	sshll.u32 s21, $0xA;
	[sflag:s24] =	ssyncadd.s32 $0xFFFFFC00  }
0x2dd: {  	s13 =	sadd.s32 s13, s2;
	_ =	swait.ge [sflag:s15], $0x400  }
0x2de: {  	s13 =	sadd.s32 s10, s13;
	[sflag:s15] =	ssyncset.done $0x0  }
0x2df: {  	v3 =	vmov s7;
	s13 =	sadd.s32 $0x800, s13;
	[sflag:s15] =	ssyncadd.s32 $0xFFFFFC00  }
0x2e0: {  	[tilespmem:s20], [sflag:$0x1] =	stream.linear.gather [spmem:s13], $0x400, $0x38;
	[tilespmem:$0x1D880] =	vst v63  }
0x2e1: {  	_ =	swait.ge [sflag:s28], $0x400  }
0x2e2: {  	[sflag:s28] =	ssyncset.done $0x0  }
0x2e3: {  	s21 =	simm.s32 $0x0;
	[sflag:s28] =	ssyncadd.s32 $0xFFFFFC00  }
0x2e4: {  	v4 =	vld.idx.msk [tilespmem:v3+s21+$0x0 ss:$0x1], $0xffff;
	_ =	sdelay $0x4  }
0x2e5: {  	(v2sf) =	vpush v4, $0x0;
	_ =	sdelay $0xb  }
0x2e6: {  	s21 =	simm.s32 $0x1CE40  }
0x2e7: {  	v4 =	vld [tilespmem:s21+$0xFFFFFFC0]  }
0x2e8: {  	v5 =	vld [tilespmem:s21+$0xFFFFFFD0]  }
0x2e9: {  	v58 =	vld [tilespmem:s21+$0xFFFFFFE0];
	s20 =	spop (v2sf)  }
0x2ea: {  	v61 =	vld [tilespmem:s21+$0x10];
	s13 =	smul.f32 s20, s20  }
0x2eb: {  	v59 =	vld [tilespmem:s21+$0xFFFFFFF0]  }
0x2ec: {  	v60 =	vld [tilespmem:s21+$0x0];
	v4 =	vmul.f32 s13, v4  }
0x2ed: {  	v62 =	vld [tilespmem:s21+$0x20];
	v5 =	vmul.f32 s13, v5  }
0x2ee: {  	v11 =	vld [tilespmem:s21+$0x30];
	v6 =	vmul.f32 s13, v58;
	[tilespmem:s21+$0xFFFFFFC0] =	vst v4  }
0x2ef: {  	v63 =	vmul.f32 s13, v61;
	[tilespmem:s21+$0xFFFFFFD0] =	vst v5  }
0x2f0: {  	v4 =	vmul.f32 s13, v59;
	[tilespmem:s21+$0xFFFFFFE0] =	vst v6  }
0x2f1: {  	v5 =	vmul.f32 s13, v60;
	[tilespmem:s21+$0x10] =	vst v63  }
0x2f2: {  	[tilespmem:s21+$0xFFFFFFF0] =	vst v4;
	v4 =	vmul.f32 s13, v62  }
0x2f3: {  	[tilespmem:s21+$0x0] =	vst v5;
	v5 =	vmul.f32 s13, v11  }
0x2f4: {  	[tilespmem:s21+$0x20] =	vst v4  }
0x2f5: {  	s29 =	simm.s32 $0x8;
	s23 =	sor.u32 $0x8, s23;
	s13 =	simm.s32 $0x1;
	[tilespmem:s21+$0x30] =	vst v5  }
.LBB2_23:
0x2f6: {  	p1 =	sne.s32 s29, $0x1C;
	v4 =	vld.idx.msk [tilespmem:v3+s13+$0x0 ss:$0x1], $0xffff;
	_ =	sdelay $0x5  }
0x2f7: {  	(v2sf) =	vpush v4, $0x0;
	_ =	sdelay $0x7  }
0x2f8: {  	s21 =	sadd.s32 $0x80, s21  }
0x2f9: {  	v4 =	vld [tilespmem:s21+$0xFFFFFFF0]  }
0x2fa: {  	v5 =	vld [tilespmem:s21+$0x30]  }
0x2fb: {  	v6 =	vld [tilespmem:s21+$0x10]  }
0x2fc: {  	v7 =	vld [tilespmem:s21+$0xFFFFFFD0]  }
0x2fd: {  	v8 =	vld [tilespmem:s21+$0xFFFFFFC0]  }
0x2fe: {  	v9 =	vld [tilespmem:s21+$0xFFFFFFE0]  }
0x2ff: {  	v10 =	vld [tilespmem:s21+$0x0];
	s13 =	spop (v2sf)  }
0x300: {  	s13 =	smul.f32 s13, s13;
	v11 =	vld [tilespmem:s21+$0x20];
	_ =	sdelay $0x1  }
0x301: {  	v8 =	vmul.f32 s13, v8;
	v7 =	vmul.f32 s13, v7  }
0x302: {  	v4 =	vmul.f32 s13, v4;
	v9 =	vmul.f32 s13, v9  }
0x303: {  	v6 =	vmul.f32 s13, v6;
	[tilespmem:s21+$0xFFFFFFC0] =	vst v8;
	v8 =	vmul.f32 s13, v10  }
0x304: {  	v5 =	vmul.f32 s13, v5;
	[tilespmem:s21+$0xFFFFFFD0] =	vst v7;
	v7 =	vmul.f32 s13, v11  }
0x305: {  	[tilespmem:s21+$0xFFFFFFE0] =	vst v9  }
.Ltmp10:
0x306: {  	[tilespmem:s21+$0xFFFFFFF0] =	vst v4;
	(pc) =	sbr.rel @p1 .LBB2_23-.Ltmp10, $4  }
0x307: {  	[tilespmem:s21+$0x0] =	vst v8  }
0x308: {  	[tilespmem:s21+$0x10] =	vst v6  }
0x309: {  	[tilespmem:s21+$0x20] =	vst v7  }
0x30a: {  	s13 =	sshra.s32 s29, $0x2;
	s29 =	sadd.s32 $0x4, s29;
	[tilespmem:s21+$0x30] =	vst v5  }
0x30b: {  	_ =	sdelay $0x3  }
0x30c: {  	v3 =	vld.idx.msk [tilespmem:v3+s13+$0x0 ss:$0x1], $0xffff;
	_ =	sdelay $0x4  }
0x30d: {  	(v2sf) =	vpush v3, $0x0;
	_ =	sdelay $0xb  }
0x30e: {  	s13 =	sadd.s32 $0x80, s21  }
0x30f: {  	v3 =	vld [tilespmem:s13+$0xFFFFFFC0]  }
0x310: {  	v4 =	vld [tilespmem:s13+$0xFFFFFFD0]  }
0x311: {  	v5 =	vld [tilespmem:s13+$0xFFFFFFE0];
	s20 =	spop (v2sf)  }
0x312: {  	v7 =	vld [tilespmem:s13+$0x0];
	s21 =	smul.f32 s20, s20  }
0x313: {  	v8 =	vld [tilespmem:s13+$0x10]  }
0x314: {  	v6 =	vld [tilespmem:s13+$0xFFFFFFF0];
	v3 =	vmul.f32 s21, v3  }
0x315: {  	v10 =	vld [tilespmem:s13+$0x30];
	v4 =	vmul.f32 s21, v4  }
0x316: {  	v9 =	vld [tilespmem:s13+$0x20];
	v5 =	vmul.f32 s21, v5;
	[tilespmem:s13+$0xFFFFFFC0] =	vst v3  }
0x317: {  	v61 =	vmul.f32 s21, v7;
	[tilespmem:s13+$0xFFFFFFD0] =	vst v4  }
0x318: {  	v62 =	vmul.f32 s21, v8;
	[tilespmem:s13+$0xFFFFFFE0] =	vst v5  }
0x319: {  	v3 =	vmul.f32 s21, v6;
	[tilespmem:s13+$0x0] =	vst v61  }
0x31a: {  	s29 =	rddreg [dreg:$0x6];
	v63 =	vmul.f32 s21, v10;
	[tilespmem:s13+$0x10] =	vst v62  }
0x31b: {  	s20 =	sadd.s32 s12, s23;
	[tilespmem:s13+$0xFFFFFFF0] =	vst v3;
	v3 =	vmul.f32 s21, v9;
	s21 =	sadd.s32 s29, s23  }
0x31c: {  	[tilespmem:s13+$0x30] =	vst v63;
	s23 =	sshll.u32 s20, $0x4;
	s21 =	sshll.u32 s21, $0x7  }
0x31d: {  	s20 =	sadd.s32 s9, s23;
	s23 =	simm.s32 $0x1CE00;
	[tilespmem:s13+$0x20] =	vst v3;
	s29 =	sand.u32 $0x3FFFFF80, s21  }
0x31e: {  	[hbm4b:s20+s5] =	stream.linear.scatter [tilespmem:s23], [sflag:$0x6], $0x400, $0x38;
	[tilespmem:$0x1D880] =	vst v63  }
0x31f: {  	s13 =	sadd.s32 s29, s2  }
0x320: {  	[spmem:s13] =	stream.linear.scatter [tilespmem:s30], [sflag:$0x8], $0x400, $0x38;
	[tilespmem:$0x1D880] =	vst v63  }
0x321: {  	s6 =	sadd.s32 $0x1, s6;
	_ =	swait.ge [sflag:s17], $0x400  }
0x322: {  	p1 =	sne.s32 s6, $0x28;
	s29 =	smin.u32 s22, $0x4C;
	[sflag:s17] =	ssyncset.done $0x0  }
.Ltmp11:
0x323: {  	s13 =	sshll.u32 s29, $0xA;
	[sflag:s17] =	ssyncadd.s32 $0xFFFFFC00;
	(pc) =	sbr.rel @p1 .LBB2_20-.Ltmp11, $4  }
0x324: {  	s8 =	sadd.s32 $0x10, s8;
	s13 =	sadd.s32 s13, s2;
	_ =	swait.ge [sflag:s19], $0x400  }
0x325: {  	s7 =	sadd.s32 $0x10, s7;
	s13 =	sadd.s32 s10, s13;
	[sflag:s19] =	ssyncset.done $0x0  }
0x326: {  	s20 =	simm.s32 $0x1CE00;
	s13 =	sadd.s32 $0xC00, s13;
	[sflag:s19] =	ssyncadd.s32 $0xFFFFFC00  }
0x327: {  	[tilespmem:s23], [sflag:$0x2] =	stream.linear.gather [spmem:s13], $0x400, $0x38;
	[tilespmem:$0x1D880] =	vst v63  }
0x328: {  	_ =	swait.ge [sflag:s26], $0x400  }
0x329: {  	[sflag:s26] =	ssyncset.done $0x0  }
0x32a: {  	[sflag:s26] =	ssyncadd.s32 $0xFFFFFC00  }
0x32b: {  	_ =	swait.ge [sflag:s28], $0x400  }
0x32c: {  	[sflag:s28] =	ssyncset.done $0x0  }
0x32d: {  	[sflag:s28] =	ssyncadd.s32 $0xFFFFFC00  }
0x32e: {  	s6 =	simm.s32 $0x0;
	s8 =	simm.s32 $0x1C280;
	[bflag:$0x0] =	sbarrier.arrive $0xFFFF  }
0x32f: {  	[tilespmem:s8], [sflag:$0x9] =	stream.linear.gather [hbm4b:s14+s6], $0x80, $0x38;
	[tilespmem:$0x1D880] =	vst v63  }
0x330: {  	_ =	swait.ge [sflag:s31], $0x80  }
0x331: {  	[sflag:s31] =	ssyncset.done $0x0  }
0x332: {  	[sflag:s31] =	ssyncadd.s32 $0xFFFFFF80  }
0x333: {  	v3 =	vld [tilespmem:$0x1C280]  }
0x334: {  	v4 =	vld [tilespmem:$0x1C2C0]  }
0x335: {  	v5 =	vld [tilespmem:$0x1C290]  }
0x336: {  	v6 =	vld [tilespmem:$0x1C2D0]  }
0x337: {  	v7 =	vld [tilespmem:$0x1C2A0]  }
0x338: {  	v8 =	vld [tilespmem:$0x1C2E0];
	v3 =	vadd.s32 v0, v3  }
0x339: {  	v55 =	vld [tilespmem:$0x1C2B0];
	[tilespmem:$0x1C380] =	vst v3;
	v3 =	vadd.s32 v0, v4  }
0x33a: {  	v56 =	vld [tilespmem:$0x1C2F0];
	[tilespmem:$0x1C480] =	vst v3;
	v3 =	vadd.s32 v0, v5  }
0x33b: {  	[tilespmem:$0x1C390] =	vst v3;
	v3 =	vadd.s32 v0, v6  }
0x33c: {  	[tilespmem:$0x1C490] =	vst v3;
	v3 =	vadd.s32 v0, v7  }
0x33d: {  	[tilespmem:$0x1C3A0] =	vst v3;
	v3 =	vadd.s32 v0, v8  }
0x33e: {  	[tilespmem:$0x1C4A0] =	vst v3;
	v3 =	vadd.s32 v0, v55  }
0x33f: {  	[tilespmem:$0x1C3B0] =	vst v3;
	v3 =	vadd.s32 v0, v56  }
0x340: {  	s7 =	simm.s32 $0x1C380;
	s13 =	simm.s32 $0x18280;
	[tilespmem:$0x1C4B0] =	vst v3  }
0x341: {  	[tilespmem:s13], [sflag:$0x3] =	stream.indirect.gather [hbm4b:s9+s16], $0x80, s7, s16, $0xb8;
	[tilespmem:$0x1D880] =	vst v63  }
0x342: {  	s21 =	simm.s32 $0x14280;
	s13 =	simm.s32 $0x1C480  }
0x343: {  	[tilespmem:s21], [sflag:$0x1] =	stream.indirect.gather [hbm4b:s9+s16], $0x80, s13, s16, $0xb8;
	[tilespmem:$0x1D880] =	vst v63  }
0x344: {  	s22 =	rddreg [dreg:$0x13];
	s13 =	simm.s32 $0x1C300  }
0x345: {  	[tilespmem:s13], [sflag:$0x9] =	stream.linear.gather [hbm4b:s22+s6], $0x80, $0x38;
	[tilespmem:$0x1D880] =	vst v63  }
0x346: {  	_ =	swait.ge [sflag:s31], $0x80  }
0x347: {  	[sflag:s31] =	ssyncset.done $0x0  }
0x348: {  	[sflag:s31] =	ssyncadd.s32 $0xFFFFFF80  }
0x349: {  	v3 =	vld [tilespmem:$0x1C300]  }
0x34a: {  	v57 =	vld [tilespmem:$0x1C340]  }
0x34b: {  	v58 =	vld [tilespmem:$0x1C310]  }
0x34c: {  	v59 =	vld [tilespmem:$0x1C350]  }
0x34d: {  	v60 =	vld [tilespmem:$0x1C320]  }
0x34e: {  	v61 =	vld [tilespmem:$0x1C360];
	v3 =	vadd.s32 v0, v3  }
0x34f: {  	v62 =	vld [tilespmem:$0x1C330];
	[tilespmem:$0x1C400] =	vst v3;
	v3 =	vadd.s32 v0, v57  }
0x350: {  	v63 =	vld [tilespmem:$0x1C370];
	[tilespmem:$0x1C500] =	vst v3;
	v3 =	vadd.s32 v0, v58  }
0x351: {  	[tilespmem:$0x1C410] =	vst v3;
	v3 =	vadd.s32 v0, v59  }
0x352: {  	[tilespmem:$0x1C510] =	vst v3;
	v3 =	vadd.s32 v0, v60  }
0x353: {  	[tilespmem:$0x1C420] =	vst v3;
	v3 =	vadd.s32 v0, v61  }
0x354: {  	[tilespmem:$0x1C520] =	vst v3;
	v3 =	vadd.s32 v0, v62  }
0x355: {  	[tilespmem:$0x1C430] =	vst v3;
	v3 =	vadd.s32 v0, v63  }
0x356: {  	s23 =	simm.s32 $0x1C400;
	s21 =	simm.s32 $0x1A280;
	s22 =	rddreg [dreg:$0x14];
	[tilespmem:$0x1C530] =	vst v3  }
0x357: {  	[tilespmem:s21], [sflag:$0x4] =	stream.indirect.gather [hbm4b:s9+s16], $0x80, s23, s16, $0xb8;
	[tilespmem:$0x1D880] =	vst v63  }
0x358: {  	s29 =	rddreg [dreg:$0x11];
	s21 =	simm.s32 $0x1C500  }
0x359: {  	[tilespmem:s1], [sflag:$0x2] =	stream.indirect.gather [hbm4b:s9+s16], $0x80, s21, s16, $0xb8;
	[tilespmem:$0x1D880] =	vst v63  }
0x35a: {  	s23 =	rddreg [dreg:$0x15]  }
0x35b: {  	[tilespmem:s8], [sflag:$0x7] =	stream.linear.gather [hbm4b:s22+s6], $0x80, $0x38;
	[tilespmem:$0x1D880] =	vst v63  }
0x35c: {  	s21 =	rddreg [dreg:$0x10]  }
0x35d: {  	[tilespmem:s13], [sflag:$0x8] =	stream.linear.gather [hbm4b:s23+s6], $0x80, $0x38;
	[tilespmem:$0x1D880] =	vst v63  }
.LBB2_26:
0x35e: {  	_ =	swait.ge [sflag:s26], $0x2000  }
0x35f: {  	[sflag:s26] =	ssyncset.done $0x0  }
0x360: {  	s1 =	simm.s32 $0x3;
	[sflag:s26] =	ssyncadd.s32 $0xFFFFE000  }
0x361: {  	_ =	swait.ge [sflag:s1], $0x2000  }
0x362: {  	[sflag:s1] =	ssyncset.done $0x0  }
0x363: {  	s7 =	simm.s32 $0x0;
	[sflag:s1] =	ssyncadd.s32 $0xFFFFE000  }
0x364: {  	v4 =	vld [tilespmem:s7+$0x18280]  }
0x365: {  	v12 =	vld [tilespmem:s7+$0x14280];
	_ =	sdelay $0x1  }
0x366: {  	v5 =	vld [tilespmem:s7+$0x182F0]  }
0x367: {  	v3 =	vld [tilespmem:s7+$0x142F0]  }
0x368: {  	v8 =	vld [tilespmem:s7+$0x142A0]  }
0x369: {  	v13 =	vsub.f32 v12, v4;
	v4 =	vld [tilespmem:s7+$0x182A0];
	_ =	sdelay $0x1  }
0x36a: {  	v7 =	vld [tilespmem:s7+$0x182E0];
	v6 =	vand.u32 $0x7FFFFFFF, v13  }
0x36b: {  	v14 =	vld [tilespmem:s7+$0x18290];
	v9 =	vadd.f32 $9.999999710e-10, v6  }
0x36c: {  	v10 =	vsub.f32 v3, v5;
	v5 =	vld [tilespmem:s7+$0x14290]  }
0x36d: {  	v6 =	vshra.s32 v9, $0x1;
	v11 =	vmul.f32 $5.000000000e-01, v9;
	v16 =	vsub.f32 v8, v4;
	v4 =	vld [tilespmem:s7+$0x142E0]  }
0x36e: {  	v15 =	vsub.s32 $0x5F3759DF, v6  }
0x36f: {  	v6 =	vmul.f32 v15, v11;
	v11 =	vand.u32 $0x7FFFFFFF, v10  }
0x370: {  	v18 =	vadd.f32 $9.999999710e-10, v11;
	v11 =	vand.u32 $0x7FFFFFFF, v16  }
0x371: {  	v14 =	vsub.f32 v5, v14;
	v19 =	vmul.f32 v15, v6;
	v20 =	vadd.f32 $9.999999710e-10, v11  }
0x372: {  	v17 =	vld [tilespmem:s7+$0x182D0];
	v21 =	vshra.s32 v18, $0x1;
	v22 =	vmul.f32 $5.000000000e-01, v18;
	v11 =	vsub.f32 v4, v7  }
0x373: {  	v6 =	vld [tilespmem:s7+$0x142D0];
	v19 =	vsub.f32 $1.500000000e+00, v19;
	v23 =	vmul.f32 $5.000000000e-01, v20;
	v7 =	vshra.s32 v20, $0x1  }
0x374: {  	v30 =	vsub.s32 $0x5F3759DF, v21;
	v21 =	vand.u32 $0x7FFFFFFF, v14;
	v27 =	vsub.s32 $0x5F3759DF, v7  }
0x375: {  	v24 =	vld [tilespmem:s7+$0x182B0];
	v22 =	vmul.f32 v30, v22;
	v21 =	vadd.f32 $9.999999710e-10, v21;
	v15 =	vmul.f32 v15, v19  }
0x376: {  	v26 =	vld [tilespmem:s7+$0x182C0];
	v19 =	vand.u32 $0x7FFFFFFF, v11;
	v23 =	vmul.f32 v27, v23  }
0x377: {  	v7 =	vld [tilespmem:s7+$0x142C0];
	v28 =	vmul.f32 v30, v22;
	v29 =	vshra.s32 v21, $0x1;
	v25 =	vmul.f32 v15, v9  }
0x378: {  	v32 =	vmul.f32 $5.000000000e-01, v21;
	v9 =	vld [tilespmem:s7+$0x142B0];
	v15 =	vsub.f32 v6, v17;
	v17 =	vadd.f32 $9.999999710e-10, v19  }
0x379: {  	v23 =	vmul.f32 v27, v23;
	v34 =	vsub.f32 $1.500000000e+00, v28;
	v13 =	vmul.f32 v25, v13  }
0x37a: {  	v19 =	vand.u32 $0x7FFFFFFF, v15;
	v22 =	vshra.s32 v17, $0x1;
	v25 =	vmul.f32 $5.000000000e-01, v17  }
0x37b: {  	v23 =	vsub.f32 $1.500000000e+00, v23;
	v19 =	vadd.f32 $9.999999710e-10, v19;
	v22 =	vsub.s32 $0x5F3759DF, v22  }
0x37c: {  	v30 =	vmul.f32 v30, v34;
	v31 =	vsub.f32 v12, v13;
	v12 =	vsub.f32 v7, v26  }
0x37d: {  	v13 =	vsub.f32 v9, v24;
	v33 =	vshra.s32 v19, $0x1;
	v24 =	vsub.s32 $0x5F3759DF, v29  }
0x37e: {  	v29 =	vmul.f32 v27, v23;
	v27 =	vmul.f32 $5.000000000e-01, v19;
	v26 =	vand.u32 $0x7FFFFFFF, v12  }
0x37f: {  	s8 =	simm.s32 $0x200;
	[tilespmem:s7+$0x14280] =	vst v31;
	v31 =	vmul.f32 v24, v32;
	v23 =	vsub.s32 $0x5F3759DF, v33;
	v28 =	vand.u32 $0x7FFFFFFF, v13  }
.LBB2_27:
0x380: {  	s22 =	sshra.s32 s8, $0x2;
	p1 =	sne.s32 s8, $0x7E00;
	s8 =	sadd.s32 $0x200, s8;
	v20 =	vmul.f32 v29, v20;
	v28 =	vadd.f32 $9.999999710e-10, v28;
	v25 =	vmul.f32 v22, v25  }
0x381: {  	v29 =	vld [tilespmem:s22+$0x182F0];
	v31 =	vmul.f32 v24, v31;
	v18 =	vmul.f32 v30, v18  }
0x382: {  	v30 =	vld [tilespmem:s22+$0x182E0];
	v16 =	vmul.f32 v20, v16;
	v20 =	vadd.f32 $9.999999710e-10, v26;
	v26 =	vmul.f32 v23, v27  }
0x383: {  	v25 =	vmul.f32 v22, v25;
	v27 =	vld [tilespmem:s22+$0x18280];
	v31 =	vsub.f32 $1.500000000e+00, v31;
	v10 =	vmul.f32 v18, v10  }
0x384: {  	v18 =	vmul.f32 $5.000000000e-01, v28;
	v32 =	vld [tilespmem:s22+$0x182D0];
	v8 =	vsub.f32 v8, v16;
	v16 =	vshra.s32 v28, $0x1  }
0x385: {  	v24 =	vmul.f32 v24, v31;
	v31 =	vmul.f32 $5.000000000e-01, v20;
	v3 =	vsub.f32 v3, v10  }
0x386: {  	v16 =	vsub.s32 $0x5F3759DF, v16;
	v10 =	vsub.f32 $1.500000000e+00, v25;
	v33 =	vld [tilespmem:s22+$0x14280];
	[tilespmem:s7+$0x142A0] =	vst v8;
	v8 =	vmul.f32 v23, v26  }
0x387: {  	v18 =	vmul.f32 v16, v18;
	v21 =	vmul.f32 v24, v21;
	v24 =	vshra.s32 v20, $0x1;
	[tilespmem:s7+$0x142F0] =	vst v3  }
0x388: {  	v10 =	vmul.f32 v22, v10;
	v3 =	vld [tilespmem:s22+$0x142F0];
	v24 =	vsub.s32 $0x5F3759DF, v24;
	v8 =	vsub.f32 $1.500000000e+00, v8  }
0x389: {  	v14 =	vmul.f32 v21, v14;
	v21 =	vmul.f32 v24, v31  }
0x38a: {  	v10 =	vmul.f32 v10, v17;
	v22 =	vmul.f32 v23, v8  }
0x38b: {  	v18 =	vmul.f32 v16, v18;
	v23 =	vsub.f32 v33, v27;
	v17 =	vld [tilespmem:s22+$0x182A0];
	v21 =	vmul.f32 v24, v21  }
0x38c: {  	v5 =	vsub.f32 v5, v14;
	v11 =	vmul.f32 v10, v11;
	v8 =	vld [tilespmem:s22+$0x142A0];
	v14 =	vmul.f32 v22, v19  }
0x38d: {  	v18 =	vsub.f32 $1.500000000e+00, v18;
	v19 =	vand.u32 $0x7FFFFFFF, v23;
	v10 =	vsub.f32 v3, v29  }
0x38e: {  	v21 =	vsub.f32 $1.500000000e+00, v21;
	v19 =	vadd.f32 $9.999999710e-10, v19;
	v14 =	vmul.f32 v14, v15  }
0x38f: {  	v22 =	vmul.f32 v16, v18;
	v4 =	vsub.f32 v4, v11;
	v15 =	vand.u32 $0x7FFFFFFF, v10;
	[tilespmem:s7+$0x14290] =	vst v5  }
0x390: {  	v21 =	vmul.f32 v24, v21;
	v5 =	vshra.s32 v19, $0x1;
	v11 =	vmul.f32 $5.000000000e-01, v19;
	v25 =	vld [tilespmem:s22+$0x18290]  }
0x391: {  	v6 =	vsub.f32 v6, v14;
	v24 =	vsub.s32 $0x5F3759DF, v5;
	v5 =	vld [tilespmem:s22+$0x14290];
	v16 =	vsub.f32 v8, v17;
	[tilespmem:s7+$0x142E0] =	vst v4  }
0x392: {  	v18 =	vadd.f32 $9.999999710e-10, v15;
	v14 =	vmul.f32 v21, v20;
	v11 =	vmul.f32 v24, v11;
	v4 =	vld [tilespmem:s22+$0x142E0]  }
0x393: {  	v17 =	vmul.f32 v22, v28;
	v15 =	vand.u32 $0x7FFFFFFF, v16;
	[tilespmem:s7+$0x142D0] =	vst v6  }
0x394: {  	v21 =	vshra.s32 v18, $0x1;
	v6 =	vmul.f32 v24, v11;
	v11 =	vmul.f32 v14, v12  }
0x395: {  	v13 =	vmul.f32 v17, v13;
	v20 =	vadd.f32 $9.999999710e-10, v15;
	v12 =	vmul.f32 $5.000000000e-01, v18  }
0x396: {  	v15 =	vsub.f32 $1.500000000e+00, v6;
	v6 =	vld [tilespmem:s22+$0x142D0];
	v7 =	vsub.f32 v7, v11  }
0x397: {  	v14 =	vsub.f32 v5, v25;
	v11 =	vsub.f32 v4, v30  }
0x398: {  	v9 =	vsub.f32 v9, v13;
	v22 =	vmul.f32 $5.000000000e-01, v20;
	v30 =	vsub.s32 $0x5F3759DF, v21;
	v26 =	vld [tilespmem:s22+$0x182B0];
	[tilespmem:s7+$0x142C0] =	vst v7  }
0x399: {  	v13 =	vmul.f32 v24, v15;
	v7 =	vshra.s32 v20, $0x1;
	v24 =	vld [tilespmem:s22+$0x182C0];
	v15 =	vand.u32 $0x7FFFFFFF, v11  }
0x39a: {  	v12 =	vmul.f32 v30, v12;
	v27 =	vsub.s32 $0x5F3759DF, v7;
	v7 =	vld [tilespmem:s22+$0x142C0];
	v17 =	vadd.f32 $9.999999710e-10, v15;
	[tilespmem:s7+$0x142B0] =	vst v9;
	s7 =	smov.u32 s22  }
0x39b: {  	v13 =	vmul.f32 v13, v19;
	v19 =	vand.u32 $0x7FFFFFFF, v14;
	v9 =	vld [tilespmem:s7+$0x142B0];
	v15 =	vsub.f32 v6, v32  }
0x39c: {  	v22 =	vmul.f32 v27, v22;
	v28 =	vmul.f32 v30, v12;
	v21 =	vadd.f32 $9.999999710e-10, v19  }
0x39d: {  	v12 =	vmul.f32 v13, v23;
	v13 =	vand.u32 $0x7FFFFFFF, v15  }
0x39e: {  	v23 =	vshra.s32 v17, $0x1;
	v25 =	vmul.f32 $5.000000000e-01, v17;
	v19 =	vadd.f32 $9.999999710e-10, v13  }
0x39f: {  	v22 =	vmul.f32 v27, v22;
	v29 =	vsub.f32 v33, v12;
	v12 =	vsub.f32 v7, v24  }
.Ltmp12:
0x3a0: {  	v31 =	vmul.f32 $5.000000000e-01, v21;
	v24 =	vshra.s32 v21, $0x1;
	v13 =	vsub.f32 v9, v26;
	(pc) =	sbr.rel @p1 .LBB2_27-.Ltmp12, $4  }
0x3a1: {  	v32 =	vshra.s32 v19, $0x1;
	[tilespmem:s7+$0x14280] =	vst v29;
	v29 =	vsub.f32 $1.500000000e+00, v22;
	v26 =	vand.u32 $0x7FFFFFFF, v12  }
0x3a2: {  	v33 =	vsub.f32 $1.500000000e+00, v28;
	v24 =	vsub.s32 $0x5F3759DF, v24;
	v22 =	vsub.s32 $0x5F3759DF, v23  }
0x3a3: {  	v28 =	vand.u32 $0x7FFFFFFF, v13;
	v29 =	vmul.f32 v27, v29;
	v27 =	vmul.f32 $5.000000000e-01, v19  }
0x3a4: {  	v30 =	vmul.f32 v30, v33;
	v31 =	vmul.f32 v24, v31;
	v23 =	vsub.s32 $0x5F3759DF, v32  }
0x3a5: {  	v20 =	vmul.f32 v29, v20;
	v25 =	vmul.f32 v22, v25  }
0x3a6: {  	v26 =	vadd.f32 $9.999999710e-10, v26;
	v27 =	vmul.f32 v23, v27;
	v29 =	vmul.f32 v24, v31  }
0x3a7: {  	v28 =	vadd.f32 $9.999999710e-10, v28;
	v18 =	vmul.f32 v30, v18;
	v25 =	vmul.f32 v22, v25  }
0x3a8: {  	v30 =	vmul.f32 $5.000000000e-01, v26;
	v31 =	vshra.s32 v26, $0x1;
	v29 =	vsub.f32 $1.500000000e+00, v29  }
0x3a9: {  	v32 =	vshra.s32 v28, $0x1;
	v33 =	vmul.f32 $5.000000000e-01, v28;
	v31 =	vsub.s32 $0x5F3759DF, v31  }
0x3aa: {  	v30 =	vmul.f32 v31, v30;
	v24 =	vmul.f32 v24, v29;
	v29 =	vsub.s32 $0x5F3759DF, v32  }
0x3ab: {  	v27 =	vmul.f32 v23, v27;
	v32 =	vmul.f32 v29, v33  }
0x3ac: {  	v16 =	vmul.f32 v20, v16;
	v20 =	vsub.f32 $1.500000000e+00, v25;
	v25 =	vmul.f32 v31, v30  }
0x3ad: {  	v21 =	vmul.f32 v24, v21;
	v24 =	vsub.f32 $1.500000000e+00, v27;
	v27 =	vmul.f32 v29, v32  }
0x3ae: {  	v10 =	vmul.f32 v18, v10;
	v18 =	vmul.f32 v22, v20;
	v20 =	vsub.f32 $1.500000000e+00, v25  }
0x3af: {  	v14 =	vmul.f32 v21, v14;
	v21 =	vmul.f32 v23, v24;
	v22 =	vsub.f32 $1.500000000e+00, v27  }
0x3b0: {  	v17 =	vmul.f32 v18, v17;
	v18 =	vmul.f32 v31, v20  }
0x3b1: {  	v8 =	vsub.f32 v8, v16;
	v16 =	vmul.f32 v21, v19;
	v19 =	vmul.f32 v29, v22  }
0x3b2: {  	v3 =	vsub.f32 v3, v10;
	v10 =	vmul.f32 v17, v11;
	v11 =	vmul.f32 v18, v26  }
0x3b3: {  	[tilespmem:s7+$0x142A0] =	vst v8;
	v5 =	vsub.f32 v5, v14;
	v8 =	vmul.f32 v16, v15;
	v14 =	vmul.f32 v19, v28  }
0x3b4: {  	[tilespmem:s7+$0x142F0] =	vst v3;
	v3 =	vsub.f32 v4, v10;
	v4 =	vmul.f32 v11, v12  }
0x3b5: {  	[tilespmem:s7+$0x14290] =	vst v5;
	v5 =	vsub.f32 v6, v8;
	v6 =	vmul.f32 v14, v13  }
0x3b6: {  	[tilespmem:s7+$0x142E0] =	vst v3;
	v3 =	vsub.f32 v7, v4  }
0x3b7: {  	[tilespmem:s7+$0x142D0] =	vst v5;
	v4 =	vsub.f32 v9, v6  }
0x3b8: {  	[tilespmem:s7+$0x142C0] =	vst v3  }
0x3b9: {  	[tilespmem:s7+$0x142B0] =	vst v4  }
0x3ba: {  	v3 =	vld [tilespmem:$0x1C480]  }
0x3bb: {  	v4 =	vld [tilespmem:$0x1C490]  }
0x3bc: {  	v5 =	vld [tilespmem:$0x1C4A0]  }
0x3bd: {  	v6 =	vld [tilespmem:$0x1C4B0];
	_ =	sdelay $0x1  }
0x3be: {  	v3 =	vsub.s32 v3, v0  }
0x3bf: {  	[tilespmem:$0x1C580] =	vst v3;
	v3 =	vsub.s32 v4, v0  }
0x3c0: {  	[tilespmem:$0x1C590] =	vst v3;
	v3 =	vsub.s32 v5, v0  }
0x3c1: {  	[tilespmem:$0x1C5A0] =	vst v3;
	v3 =	vsub.s32 v6, v0  }
0x3c2: {  	s13 =	simm.s32 $0x14280;
	[tilespmem:$0x1C5B0] =	vst v3  }
0x3c3: {  	[spmem:s2] =	stream.indirect.scatter.add.f32 [tilespmem:s13], [sflag:$0x5], $0x80, s4, s16, $0xb8;
	[tilespmem:$0x1D880] =	vst v63  }
0x3c4: {  	_ =	swait.ge [sflag:s15], $0x80  }
0x3c5: {  	[sflag:s15] =	ssyncset.done $0x0  }
0x3c6: {  	[sflag:s15] =	ssyncadd.s32 $0xFFFFFF80  }
0x3c7: {  	v3 =	vld [tilespmem:$0x1C280]  }
0x3c8: {  	v4 =	vld [tilespmem:$0x1C2C0]  }
0x3c9: {  	v5 =	vld [tilespmem:$0x1C290]  }
0x3ca: {  	v6 =	vld [tilespmem:$0x1C2D0]  }
0x3cb: {  	v7 =	vld [tilespmem:$0x1C2A0]  }
0x3cc: {  	v8 =	vld [tilespmem:$0x1C2E0];
	v3 =	vadd.s32 v0, v3  }
0x3cd: {  	[tilespmem:$0x1C380] =	vst v3;
	v3 =	vadd.s32 v0, v4;
	v4 =	vld [tilespmem:$0x1C2B0]  }
0x3ce: {  	[tilespmem:$0x1C480] =	vst v3;
	v3 =	vadd.s32 v0, v5;
	v5 =	vld [tilespmem:$0x1C2F0]  }
0x3cf: {  	[tilespmem:$0x1C390] =	vst v3;
	v3 =	vadd.s32 v0, v6  }
0x3d0: {  	[tilespmem:$0x1C490] =	vst v3;
	v3 =	vadd.s32 v0, v7  }
0x3d1: {  	[tilespmem:$0x1C3A0] =	vst v3;
	v3 =	vadd.s32 v0, v8  }
0x3d2: {  	[tilespmem:$0x1C4A0] =	vst v3;
	v3 =	vadd.s32 v0, v4  }
0x3d3: {  	[tilespmem:$0x1C3B0] =	vst v3;
	v3 =	vadd.s32 v0, v5  }
0x3d4: {  	s23 =	simm.s32 $0x1C380;
	s8 =	simm.s32 $0x18280;
	[tilespmem:$0x1C4B0] =	vst v3  }
0x3d5: {  	[tilespmem:s8], [sflag:$0x3] =	stream.indirect.gather [hbm4b:s9+s16], $0x80, s23, s16, $0xb8;
	[tilespmem:$0x1D880] =	vst v63  }
0x3d6: {  	s8 =	sshll.u32 s6, $0x1;
	_ =	swait.ge [sflag:s24], $0x2000  }
0x3d7: {  	s22 =	sadd.s32 s8, s21;
	[sflag:s24] =	ssyncset.done $0x0  }
0x3d8: {  	s1 =	simm.s32 $0x1C480;
	s7 =	sshll.u32 s22, $0x4;
	[sflag:s24] =	ssyncadd.s32 $0xFFFFE000  }
0x3d9: {  	[tilespmem:s13], [sflag:$0x1] =	stream.indirect.gather [hbm4b:s9+s16], $0x80, s1, s16, $0xb8;
	[tilespmem:$0x1D880] =	vst v63  }
0x3da: {  	s23 =	simm.s32 $0x0;
	s22 =	simm.s32 $0x1C280;
	s7 =	sadd.s32 s25, s7  }
0x3db: {  	[tilespmem:s22], [sflag:$0x7] =	stream.linear.gather [hbm4b:s7+s23], $0x80, $0x38;
	[tilespmem:$0x1D880] =	vst v63  }
0x3dc: {  	_ =	swait.ge [sflag:s28], $0x2000  }
0x3dd: {  	[sflag:s28] =	ssyncset.done $0x0  }
0x3de: {  	s1 =	simm.s32 $0x4;
	[sflag:s28] =	ssyncadd.s32 $0xFFFFE000  }
0x3df: {  	_ =	swait.ge [sflag:s1], $0x2000  }
0x3e0: {  	[sflag:s1] =	ssyncset.done $0x0  }
0x3e1: {  	s7 =	simm.s32 $0x0;
	[sflag:s1] =	ssyncadd.s32 $0xFFFFE000  }
0x3e2: {  	v4 =	vld [tilespmem:s7+$0x1A280]  }
0x3e3: {  	v12 =	vld [tilespmem:s7+$0x16280];
	_ =	sdelay $0x1  }
0x3e4: {  	v5 =	vld [tilespmem:s7+$0x1A2F0]  }
0x3e5: {  	v3 =	vld [tilespmem:s7+$0x162F0]  }
0x3e6: {  	v8 =	vld [tilespmem:s7+$0x162A0]  }
0x3e7: {  	v13 =	vsub.f32 v12, v4;
	v4 =	vld [tilespmem:s7+$0x1A2A0];
	_ =	sdelay $0x1  }
0x3e8: {  	v7 =	vld [tilespmem:s7+$0x1A2E0];
	v6 =	vand.u32 $0x7FFFFFFF, v13  }
0x3e9: {  	v14 =	vld [tilespmem:s7+$0x1A290];
	v9 =	vadd.f32 $9.999999710e-10, v6  }
0x3ea: {  	v10 =	vsub.f32 v3, v5;
	v5 =	vld [tilespmem:s7+$0x16290]  }
0x3eb: {  	v6 =	vshra.s32 v9, $0x1;
	v11 =	vmul.f32 $5.000000000e-01, v9;
	v16 =	vsub.f32 v8, v4;
	v4 =	vld [tilespmem:s7+$0x162E0]  }
0x3ec: {  	v15 =	vsub.s32 $0x5F3759DF, v6  }
0x3ed: {  	v6 =	vmul.f32 v15, v11;
	v11 =	vand.u32 $0x7FFFFFFF, v10  }
0x3ee: {  	v18 =	vadd.f32 $9.999999710e-10, v11;
	v11 =	vand.u32 $0x7FFFFFFF, v16  }
0x3ef: {  	v14 =	vsub.f32 v5, v14;
	v19 =	vmul.f32 v15, v6;
	v20 =	vadd.f32 $9.999999710e-10, v11  }
0x3f0: {  	v17 =	vld [tilespmem:s7+$0x1A2D0];
	v21 =	vshra.s32 v18, $0x1;
	v22 =	vmul.f32 $5.000000000e-01, v18;
	v11 =	vsub.f32 v4, v7  }
0x3f1: {  	v6 =	vld [tilespmem:s7+$0x162D0];
	v19 =	vsub.f32 $1.500000000e+00, v19;
	v23 =	vmul.f32 $5.000000000e-01, v20;
	v7 =	vshra.s32 v20, $0x1  }
0x3f2: {  	v30 =	vsub.s32 $0x5F3759DF, v21;
	v21 =	vand.u32 $0x7FFFFFFF, v14;
	v27 =	vsub.s32 $0x5F3759DF, v7  }
0x3f3: {  	v24 =	vld [tilespmem:s7+$0x1A2B0];
	v22 =	vmul.f32 v30, v22;
	v21 =	vadd.f32 $9.999999710e-10, v21;
	v15 =	vmul.f32 v15, v19  }
0x3f4: {  	v26 =	vld [tilespmem:s7+$0x1A2C0];
	v19 =	vand.u32 $0x7FFFFFFF, v11;
	v23 =	vmul.f32 v27, v23  }
0x3f5: {  	v7 =	vld [tilespmem:s7+$0x162C0];
	v28 =	vmul.f32 v30, v22;
	v29 =	vshra.s32 v21, $0x1;
	v25 =	vmul.f32 v15, v9  }
0x3f6: {  	v62 =	vmul.f32 $5.000000000e-01, v21;
	v9 =	vld [tilespmem:s7+$0x162B0];
	v15 =	vsub.f32 v6, v17;
	v17 =	vadd.f32 $9.999999710e-10, v19  }
0x3f7: {  	v23 =	vmul.f32 v27, v23;
	v34 =	vsub.f32 $1.500000000e+00, v28;
	v13 =	vmul.f32 v25, v13  }
0x3f8: {  	v19 =	vand.u32 $0x7FFFFFFF, v15;
	v22 =	vshra.s32 v17, $0x1;
	v25 =	vmul.f32 $5.000000000e-01, v17  }
0x3f9: {  	v23 =	vsub.f32 $1.500000000e+00, v23;
	v19 =	vadd.f32 $9.999999710e-10, v19;
	v22 =	vsub.s32 $0x5F3759DF, v22  }
0x3fa: {  	v30 =	vmul.f32 v30, v34;
	v31 =	vsub.f32 v12, v13;
	v12 =	vsub.f32 v7, v26  }
0x3fb: {  	v13 =	vsub.f32 v9, v24;
	v63 =	vshra.s32 v19, $0x1;
	v24 =	vsub.s32 $0x5F3759DF, v29  }
0x3fc: {  	v29 =	vmul.f32 v27, v23;
	v27 =	vmul.f32 $5.000000000e-01, v19;
	v26 =	vand.u32 $0x7FFFFFFF, v12  }
0x3fd: {  	s22 =	simm.s32 $0x200;
	[tilespmem:s7+$0x16280] =	vst v31;
	v31 =	vmul.f32 v24, v62;
	v23 =	vsub.s32 $0x5F3759DF, v63;
	v28 =	vand.u32 $0x7FFFFFFF, v13  }
.LBB2_29:
0x3fe: {  	s23 =	sshra.s32 s22, $0x2;
	p1 =	sne.s32 s22, $0x7E00;
	s22 =	sadd.s32 $0x200, s22;
	v20 =	vmul.f32 v29, v20;
	v28 =	vadd.f32 $9.999999710e-10, v28;
	v25 =	vmul.f32 v22, v25  }
0x3ff: {  	v29 =	vld [tilespmem:s23+$0x1A2F0];
	v31 =	vmul.f32 v24, v31;
	v18 =	vmul.f32 v30, v18  }
0x400: {  	v30 =	vld [tilespmem:s23+$0x1A2E0];
	v16 =	vmul.f32 v20, v16;
	v20 =	vadd.f32 $9.999999710e-10, v26;
	v26 =	vmul.f32 v23, v27  }
0x401: {  	v25 =	vmul.f32 v22, v25;
	v27 =	vld [tilespmem:s23+$0x1A280];
	v31 =	vsub.f32 $1.500000000e+00, v31;
	v10 =	vmul.f32 v18, v10  }
0x402: {  	v18 =	vmul.f32 $5.000000000e-01, v28;
	v32 =	vld [tilespmem:s23+$0x1A2D0];
	v8 =	vsub.f32 v8, v16;
	v16 =	vshra.s32 v28, $0x1  }
0x403: {  	v24 =	vmul.f32 v24, v31;
	v31 =	vmul.f32 $5.000000000e-01, v20;
	v3 =	vsub.f32 v3, v10  }
0x404: {  	v16 =	vsub.s32 $0x5F3759DF, v16;
	v10 =	vsub.f32 $1.500000000e+00, v25;
	v33 =	vld [tilespmem:s23+$0x16280];
	[tilespmem:s7+$0x162A0] =	vst v8;
	v8 =	vmul.f32 v23, v26  }
0x405: {  	v18 =	vmul.f32 v16, v18;
	v21 =	vmul.f32 v24, v21;
	v24 =	vshra.s32 v20, $0x1;
	[tilespmem:s7+$0x162F0] =	vst v3  }
0x406: {  	v10 =	vmul.f32 v22, v10;
	v3 =	vld [tilespmem:s23+$0x162F0];
	v24 =	vsub.s32 $0x5F3759DF, v24;
	v8 =	vsub.f32 $1.500000000e+00, v8  }
0x407: {  	v14 =	vmul.f32 v21, v14;
	v21 =	vmul.f32 v24, v31  }
0x408: {  	v10 =	vmul.f32 v10, v17;
	v22 =	vmul.f32 v23, v8  }
0x409: {  	v18 =	vmul.f32 v16, v18;
	v23 =	vsub.f32 v33, v27;
	v17 =	vld [tilespmem:s23+$0x1A2A0];
	v21 =	vmul.f32 v24, v21  }
0x40a: {  	v5 =	vsub.f32 v5, v14;
	v11 =	vmul.f32 v10, v11;
	v8 =	vld [tilespmem:s23+$0x162A0];
	v14 =	vmul.f32 v22, v19  }
0x40b: {  	v18 =	vsub.f32 $1.500000000e+00, v18;
	v19 =	vand.u32 $0x7FFFFFFF, v23;
	v10 =	vsub.f32 v3, v29  }
0x40c: {  	v21 =	vsub.f32 $1.500000000e+00, v21;
	v19 =	vadd.f32 $9.999999710e-10, v19;
	v14 =	vmul.f32 v14, v15  }
0x40d: {  	v22 =	vmul.f32 v16, v18;
	v4 =	vsub.f32 v4, v11;
	v15 =	vand.u32 $0x7FFFFFFF, v10;
	[tilespmem:s7+$0x16290] =	vst v5  }
0x40e: {  	v21 =	vmul.f32 v24, v21;
	v5 =	vshra.s32 v19, $0x1;
	v11 =	vmul.f32 $5.000000000e-01, v19;
	v25 =	vld [tilespmem:s23+$0x1A290]  }
0x40f: {  	v6 =	vsub.f32 v6, v14;
	v24 =	vsub.s32 $0x5F3759DF, v5;
	v5 =	vld [tilespmem:s23+$0x16290];
	v16 =	vsub.f32 v8, v17;
	[tilespmem:s7+$0x162E0] =	vst v4  }
0x410: {  	v18 =	vadd.f32 $9.999999710e-10, v15;
	v14 =	vmul.f32 v21, v20;
	v11 =	vmul.f32 v24, v11;
	v4 =	vld [tilespmem:s23+$0x162E0]  }
0x411: {  	v17 =	vmul.f32 v22, v28;
	v15 =	vand.u32 $0x7FFFFFFF, v16;
	[tilespmem:s7+$0x162D0] =	vst v6  }
0x412: {  	v21 =	vshra.s32 v18, $0x1;
	v6 =	vmul.f32 v24, v11;
	v11 =	vmul.f32 v14, v12  }
0x413: {  	v13 =	vmul.f32 v17, v13;
	v20 =	vadd.f32 $9.999999710e-10, v15;
	v12 =	vmul.f32 $5.000000000e-01, v18  }
0x414: {  	v15 =	vsub.f32 $1.500000000e+00, v6;
	v6 =	vld [tilespmem:s23+$0x162D0];
	v7 =	vsub.f32 v7, v11  }
0x415: {  	v14 =	vsub.f32 v5, v25;
	v11 =	vsub.f32 v4, v30  }
0x416: {  	v9 =	vsub.f32 v9, v13;
	v22 =	vmul.f32 $5.000000000e-01, v20;
	v30 =	vsub.s32 $0x5F3759DF, v21;
	v26 =	vld [tilespmem:s23+$0x1A2B0];
	[tilespmem:s7+$0x162C0] =	vst v7  }
0x417: {  	v13 =	vmul.f32 v24, v15;
	v7 =	vshra.s32 v20, $0x1;
	v24 =	vld [tilespmem:s23+$0x1A2C0];
	v15 =	vand.u32 $0x7FFFFFFF, v11  }
0x418: {  	v12 =	vmul.f32 v30, v12;
	v27 =	vsub.s32 $0x5F3759DF, v7;
	v7 =	vld [tilespmem:s23+$0x162C0];
	v17 =	vadd.f32 $9.999999710e-10, v15;
	[tilespmem:s7+$0x162B0] =	vst v9;
	s7 =	smov.u32 s23  }
0x419: {  	v13 =	vmul.f32 v13, v19;
	v19 =	vand.u32 $0x7FFFFFFF, v14;
	v9 =	vld [tilespmem:s7+$0x162B0];
	v15 =	vsub.f32 v6, v32  }
0x41a: {  	v22 =	vmul.f32 v27, v22;
	v28 =	vmul.f32 v30, v12;
	v21 =	vadd.f32 $9.999999710e-10, v19  }
0x41b: {  	v12 =	vmul.f32 v13, v23;
	v13 =	vand.u32 $0x7FFFFFFF, v15  }
0x41c: {  	v23 =	vshra.s32 v17, $0x1;
	v25 =	vmul.f32 $5.000000000e-01, v17;
	v19 =	vadd.f32 $9.999999710e-10, v13  }
0x41d: {  	v22 =	vmul.f32 v27, v22;
	v29 =	vsub.f32 v33, v12;
	v12 =	vsub.f32 v7, v24  }
.Ltmp13:
0x41e: {  	v31 =	vmul.f32 $5.000000000e-01, v21;
	v24 =	vshra.s32 v21, $0x1;
	v13 =	vsub.f32 v9, v26;
	(pc) =	sbr.rel @p1 .LBB2_29-.Ltmp13, $4  }
0x41f: {  	v32 =	vshra.s32 v19, $0x1;
	[tilespmem:s7+$0x16280] =	vst v29;
	v29 =	vsub.f32 $1.500000000e+00, v22;
	v26 =	vand.u32 $0x7FFFFFFF, v12  }
0x420: {  	v33 =	vsub.f32 $1.500000000e+00, v28;
	v24 =	vsub.s32 $0x5F3759DF, v24;
	v22 =	vsub.s32 $0x5F3759DF, v23  }
0x421: {  	v28 =	vand.u32 $0x7FFFFFFF, v13;
	v29 =	vmul.f32 v27, v29;
	v27 =	vmul.f32 $5.000000000e-01, v19  }
0x422: {  	v30 =	vmul.f32 v30, v33;
	v31 =	vmul.f32 v24, v31;
	v23 =	vsub.s32 $0x5F3759DF, v32  }
0x423: {  	v20 =	vmul.f32 v29, v20;
	v28 =	vadd.f32 $9.999999710e-10, v28  }
0x424: {  	v25 =	vmul.f32 v22, v25;
	v26 =	vadd.f32 $9.999999710e-10, v26;
	v27 =	vmul.f32 v23, v27  }
0x425: {  	v60 =	vmul.f32 v24, v31;
	v18 =	vmul.f32 v30, v18;
	v61 =	vshra.s32 v28, $0x1  }
0x426: {  	v62 =	vmul.f32 $5.000000000e-01, v26;
	v32 =	vshra.s32 v26, $0x1;
	v36 =	vmul.f32 $5.000000000e-01, v28  }
0x427: {  	v25 =	vmul.f32 v22, v25;
	v29 =	vsub.f32 $1.500000000e+00, v60;
	v32 =	vsub.s32 $0x5F3759DF, v32  }
0x428: {  	v27 =	vmul.f32 v23, v27;
	v30 =	vsub.s32 $0x5F3759DF, v61;
	v31 =	vmul.f32 v32, v62  }
0x429: {  	v37 =	vsub.f32 $1.500000000e+00, v25;
	v63 =	vmul.f32 v24, v29;
	v29 =	vmul.f32 v30, v36  }
0x42a: {  	v16 =	vmul.f32 v20, v16;
	v39 =	vsub.f32 $1.500000000e+00, v27;
	v38 =	vmul.f32 v32, v31  }
0x42b: {  	v41 =	vmul.f32 v22, v37;
	v40 =	vmul.f32 v30, v29  }
0x42c: {  	v10 =	vmul.f32 v18, v10;
	v43 =	vmul.f32 v23, v39;
	v42 =	vsub.f32 $1.500000000e+00, v38  }
0x42d: {  	v21 =	vmul.f32 v63, v21;
	v17 =	vmul.f32 v41, v17;
	v44 =	vsub.f32 $1.500000000e+00, v40  }
0x42e: {  	v46 =	vmul.f32 v43, v19;
	v45 =	vmul.f32 v32, v42  }
0x42f: {  	v8 =	vsub.f32 v8, v16;
	v14 =	vmul.f32 v21, v14;
	v47 =	vmul.f32 v30, v44  }
0x430: {  	v3 =	vsub.f32 v3, v10;
	v48 =	vmul.f32 v17, v11;
	v49 =	vmul.f32 v45, v26  }
0x431: {  	[tilespmem:s7+$0x162A0] =	vst v8;
	v50 =	vmul.f32 v46, v15;
	v5 =	vsub.f32 v5, v14;
	v51 =	vmul.f32 v47, v28  }
0x432: {  	[tilespmem:s7+$0x162F0] =	vst v3;
	v3 =	vsub.f32 v4, v48;
	v52 =	vmul.f32 v49, v12  }
0x433: {  	v53 =	vsub.f32 v6, v50;
	[tilespmem:s7+$0x16290] =	vst v5;
	v54 =	vmul.f32 v51, v13  }
0x434: {  	[tilespmem:s7+$0x162E0] =	vst v3;
	v3 =	vsub.f32 v7, v52  }
0x435: {  	[tilespmem:s7+$0x162D0] =	vst v53;
	v55 =	vsub.f32 v9, v54  }
0x436: {  	[tilespmem:s7+$0x162C0] =	vst v3  }
0x437: {  	[tilespmem:s7+$0x162B0] =	vst v55  }
0x438: {  	v3 =	vld [tilespmem:$0x1C500]  }
0x439: {  	v4 =	vld [tilespmem:$0x1C510]  }
0x43a: {  	v5 =	vld [tilespmem:$0x1C520]  }
0x43b: {  	v56 =	vld [tilespmem:$0x1C530];
	_ =	sdelay $0x1  }
0x43c: {  	v3 =	vsub.s32 v3, v0  }
0x43d: {  	[tilespmem:$0x1C600] =	vst v3;
	v3 =	vsub.s32 v4, v0  }
0x43e: {  	[tilespmem:$0x1C610] =	vst v3;
	v3 =	vsub.s32 v5, v0  }
0x43f: {  	[tilespmem:$0x1C620] =	vst v3;
	v3 =	vsub.s32 v56, v0  }
0x440: {  	s22 =	simm.s32 $0x16280;
	[tilespmem:$0x1C630] =	vst v3  }
0x441: {  	[spmem:s2] =	stream.indirect.scatter.add.f32 [tilespmem:s22], [sflag:$0x6], $0x80, s0, s16, $0xb8;
	[tilespmem:$0x1D880] =	vst v63  }
0x442: {  	_ =	swait.ge [sflag:s19], $0x80  }
0x443: {  	[sflag:s19] =	ssyncset.done $0x0  }
0x444: {  	[sflag:s19] =	ssyncadd.s32 $0xFFFFFF80  }
0x445: {  	v3 =	vld [tilespmem:$0x1C300]  }
0x446: {  	v57 =	vld [tilespmem:$0x1C340]  }
0x447: {  	v58 =	vld [tilespmem:$0x1C310]  }
0x448: {  	v59 =	vld [tilespmem:$0x1C350]  }
0x449: {  	v60 =	vld [tilespmem:$0x1C320]  }
0x44a: {  	v61 =	vld [tilespmem:$0x1C360];
	v3 =	vadd.s32 v0, v3  }
0x44b: {  	v62 =	vld [tilespmem:$0x1C330];
	[tilespmem:$0x1C400] =	vst v3;
	v3 =	vadd.s32 v0, v57  }
0x44c: {  	v63 =	vld [tilespmem:$0x1C370];
	[tilespmem:$0x1C500] =	vst v3;
	v3 =	vadd.s32 v0, v58  }
0x44d: {  	[tilespmem:$0x1C410] =	vst v3;
	v3 =	vadd.s32 v0, v59  }
0x44e: {  	[tilespmem:$0x1C510] =	vst v3;
	v3 =	vadd.s32 v0, v60  }
0x44f: {  	[tilespmem:$0x1C420] =	vst v3;
	v3 =	vadd.s32 v0, v61  }
0x450: {  	[tilespmem:$0x1C520] =	vst v3;
	v3 =	vadd.s32 v0, v62  }
0x451: {  	[tilespmem:$0x1C430] =	vst v3;
	v3 =	vadd.s32 v0, v63  }
0x452: {  	s1 =	simm.s32 $0x1C400;
	s13 =	simm.s32 $0x1A280;
	[tilespmem:$0x1C530] =	vst v3  }
0x453: {  	[tilespmem:s13], [sflag:$0x4] =	stream.indirect.gather [hbm4b:s9+s16], $0x80, s1, s16, $0xb8;
	[tilespmem:$0x1D880] =	vst v63  }
0x454: {  	_ =	swait.ge [sflag:s17], $0x2000  }
0x455: {  	s6 =	sadd.s32 $0x1, s6;
	[sflag:s17] =	ssyncset.done $0x0  }
0x456: {  	p1 =	sne.s32 s6, $0x50;
	s13 =	simm.s32 $0x1C500;
	[sflag:s17] =	ssyncadd.s32 $0xFFFFE000  }
0x457: {  	[tilespmem:s22], [sflag:$0x2] =	stream.indirect.gather [hbm4b:s9+s16], $0x80, s13, s16, $0xb8;
	[tilespmem:$0x1D880] =	vst v63  }
.Ltmp14:
0x458: {  	_ = 	snop;
	(pc) =	sbr.rel @p1 .LBB2_26-.Ltmp14, $4  }
0x459: {  	s22 =	sadd.s32 s8, s29  }
0x45a: {  	s7 =	sshll.u32 s22, $0x4  }
0x45b: {  	s23 =	simm.s32 $0x1C300;
	s1 =	simm.s32 $0x16280;
	s7 =	sadd.s32 s25, s7  }
0x45c: {  	[tilespmem:s23], [sflag:$0x8] =	stream.linear.gather [hbm4b:s7+s5], $0x80, $0x38;
	[tilespmem:$0x1D880] =	vst v63  }
0x45d: {  	_ =	swait.ge [sflag:s26], $0x2000  }
0x45e: {  	[sflag:s26] =	ssyncset.done $0x0  }
0x45f: {  	s6 =	simm.s32 $0x3;
	[sflag:s26] =	ssyncadd.s32 $0xFFFFE000  }
0x460: {  	_ =	swait.ge [sflag:s6], $0x2000  }
0x461: {  	[sflag:s6] =	ssyncset.done $0x0  }
0x462: {  	[sflag:s6] =	ssyncadd.s32 $0xFFFFE000  }
0x463: {  	_ =	swait.ge [sflag:s15], $0x80  }
0x464: {  	[sflag:s15] =	ssyncset.done $0x0  }
0x465: {  	[sflag:s15] =	ssyncadd.s32 $0xFFFFFF80  }
0x466: {  	_ =	swait.ge [sflag:s28], $0x2000  }
0x467: {  	[sflag:s28] =	ssyncset.done $0x0  }
0x468: {  	s23 =	simm.s32 $0x4;
	[sflag:s28] =	ssyncadd.s32 $0xFFFFE000  }
0x469: {  	_ =	swait.ge [sflag:s23], $0x2000  }
0x46a: {  	[sflag:s23] =	ssyncset.done $0x0  }
0x46b: {  	[sflag:s23] =	ssyncadd.s32 $0xFFFFE000  }
0x46c: {  	_ =	swait.ge [sflag:s19], $0x80  }
0x46d: {  	[sflag:s19] =	ssyncset.done $0x0  }
0x46e: {  	[sflag:s19] =	ssyncadd.s32 $0xFFFFFF80  }
0x46f: {  	s25 =	simm.s32 $0x1CA00;
	s7 =	simm.s32 $0x1C700;
	[bflag:$0x0] =	sbarrier.arrive $0xFFFF  }
0x470: {  	[tilespmem:s25], [sflag:$0x1] =	stream.linear.gather [spmem:s11], $0x400, $0x38;
	[tilespmem:$0x1D880] =	vst v63  }
0x471: {  	s8 =	simm.s32 $0x1C708;
	s6 =	simm.s32 $0x0;
	s29 =	rddreg [dreg:$0x16]  }
0x472: {  	[tilespmem:s20], [sflag:$0x2] =	stream.linear.gather [spmem:s29], $0x400, $0x38;
	[tilespmem:$0x1D880] =	vst v63  }
.LBB2_32:
0x473: {  	_ =	swait.ge [sflag:s26], $0x400  }
0x474: {  	[sflag:s26] =	ssyncset.done $0x0  }
0x475: {  	s22 =	simm.s32 $0x1CA40;
	[sflag:s26] =	ssyncadd.s32 $0xFFFFFC00  }
0x476: {  	v7 =	vld [tilespmem:s22+$0x30]  }
0x477: {  	v10 =	vld [tilespmem:s22+$0x10]  }
0x478: {  	s13 =	sadd.s32 $0x0, s7;
	v8 =	vld [tilespmem:s22+$0xFFFFFFC0]  }
0x479: {  	v4 =	vld.msk [tilespmem:s13+$0x0 ss:$0x0], $0xffff  }
0x47a: {  	v12 =	vld [tilespmem:s22+$0xFFFFFFE0]  }
0x47b: {  	v3 =	vld [tilespmem:s22+$0xFFFFFFF0]  }
0x47c: {  	v5 =	vld [tilespmem:s22+$0x20]  }
0x47d: {  	v6 =	vld [tilespmem:s22+$0xFFFFFFD0]  }
0x47e: {  	v11 =	vmul.f32 v7, v4;
	v7 =	vld [tilespmem:s22+$0x0]  }
0x47f: {  	v9 =	vmul.f32 v4, v8  }
0x480: {  	s21 =	sshll.u32 s6, $0x4;
	s23 =	simm.s32 $0x4;
	s13 =	simm.s32 $0x1CA40;
	v8 =	vmul.f32 v12, v4;
	v10 =	vmul.f32 v10, v4  }
.LBB2_33:
0x481: {  	p1 =	sne.s32 s23, $0x1C  }
0x482: {  	v6 =	vmul.f32 v6, v4;
	v5 =	vmul.f32 v5, v4;
	[tilespmem:s22+$0x30] =	vst v11;
	s13 =	sadd.s32 $0x80, s13;
	s25 =	smov.u32 s23;
	s23 =	sadd.s32 $0x4, s23  }
0x483: {  	[tilespmem:s22+$0xFFFFFFC0] =	vst v9;
	v9 =	vmul.f32 v3, v4;
	v4 =	vmul.f32 v7, v4  }
0x484: {  	[tilespmem:s22+$0x10] =	vst v10  }
0x485: {  	[tilespmem:s22+$0xFFFFFFE0] =	vst v8  }
0x486: {  	v3 =	vld [tilespmem:s13+$0xFFFFFFF0];
	[tilespmem:s22+$0xFFFFFFF0] =	vst v9  }
0x487: {  	v8 =	vld [tilespmem:s13+$0x30];
	[tilespmem:s22+$0x0] =	vst v4  }
0x488: {  	s25 =	sshra.s32 s25, $0x2;
	v10 =	vld [tilespmem:s13+$0x10];
	[tilespmem:s22+$0x20] =	vst v5  }
0x489: {  	s25 =	sadd.s32 s25, s7;
	v9 =	vld [tilespmem:s13+$0xFFFFFFC0];
	[tilespmem:s22+$0xFFFFFFD0] =	vst v6;
	s22 =	smov.u32 s13  }
0x48a: {  	v4 =	vld.msk [tilespmem:s25+$0x0 ss:$0x0], $0xffff  }
0x48b: {  	v12 =	vld [tilespmem:s13+$0xFFFFFFE0]  }
0x48c: {  	v5 =	vld [tilespmem:s13+$0x20]  }
.Ltmp15:
0x48d: {  	v6 =	vld [tilespmem:s13+$0xFFFFFFD0];
	(pc) =	sbr.rel @p1 .LBB2_33-.Ltmp15, $3  }
0x48e: {  	v7 =	vld [tilespmem:s13+$0x0];
	_ =	sdelay $0x1  }
0x48f: {  	v9 =	vmul.f32 v4, v9;
	v11 =	vmul.f32 v8, v4  }
0x490: {  	v10 =	vmul.f32 v10, v4;
	v8 =	vmul.f32 v12, v4  }
0x491: {  	[tilespmem:s22+$0x30] =	vst v11  }
0x492: {  	[tilespmem:s22+$0xFFFFFFC0] =	vst v9  }
0x493: {  	v3 =	vmul.f32 v3, v4;
	[tilespmem:s22+$0x10] =	vst v10  }
0x494: {  	v5 =	vmul.f32 v5, v4;
	[tilespmem:s22+$0xFFFFFFE0] =	vst v8  }
0x495: {  	v7 =	vmul.f32 v7, v4;
	[tilespmem:s22+$0xFFFFFFF0] =	vst v3  }
0x496: {  	s13 =	sadd.s32 s12, s21;
	v3 =	vmul.f32 v6, v4;
	[tilespmem:s22+$0x20] =	vst v5  }
0x497: {  	s23 =	rddreg [dreg:$0x7];
	s20 =	simm.s32 $0x0;
	s13 =	sshll.u32 s13, $0x4;
	[tilespmem:s22+$0x0] =	vst v7  }
0x498: {  	s25 =	simm.s32 $0x1CA00;
	s13 =	sadd.s32 s23, s13;
	[tilespmem:s22+$0xFFFFFFD0] =	vst v3;
	s22 =	sshll.u32 s6, $0x1  }
0x499: {  	[hbm4b:s13+s20] =	stream.linear.scatter [tilespmem:s25], [sflag:$0x5], $0x400, $0x38;
	[tilespmem:$0x1D880] =	vst v63  }
0x49a: {  	s23 =	smin.u32 s22, $0x4D  }
0x49b: {  	s13 =	sshll.u32 s23, $0xA  }
0x49c: {  	_ =	swait.ge [sflag:s24], $0x400;
	s13 =	sadd.s32 s13, s2  }
0x49d: {  	[sflag:s24] =	ssyncset.done $0x0;
	s13 =	sadd.s32 s10, s13  }
0x49e: {  	[sflag:s24] =	ssyncadd.s32 $0xFFFFFC00;
	s13 =	sadd.s32 $0x800, s13  }
0x49f: {  	[tilespmem:s25], [sflag:$0x1] =	stream.linear.gather [spmem:s13], $0x400, $0x38;
	[tilespmem:$0x1D880] =	vst v63  }
0x4a0: {  	_ =	swait.ge [sflag:s28], $0x400  }
0x4a1: {  	[sflag:s28] =	ssyncset.done $0x0  }
0x4a2: {  	s23 =	simm.s32 $0x1CE40;
	[sflag:s28] =	ssyncadd.s32 $0xFFFFFC00  }
0x4a3: {  	v7 =	vld [tilespmem:s23+$0x30]  }
0x4a4: {  	v10 =	vld [tilespmem:s23+$0x10]  }
0x4a5: {  	s25 =	sadd.s32 $0x0, s8;
	v8 =	vld [tilespmem:s23+$0xFFFFFFC0]  }
0x4a6: {  	v4 =	vld.msk [tilespmem:s25+$0x0 ss:$0x0], $0xffff  }
0x4a7: {  	v12 =	vld [tilespmem:s23+$0xFFFFFFE0]  }
0x4a8: {  	v3 =	vld [tilespmem:s23+$0xFFFFFFF0]  }
0x4a9: {  	v5 =	vld [tilespmem:s23+$0x20]  }
0x4aa: {  	v6 =	vld [tilespmem:s23+$0xFFFFFFD0]  }
0x4ab: {  	v11 =	vmul.f32 v7, v4;
	v7 =	vld [tilespmem:s23+$0x0]  }
0x4ac: {  	s21 =	sor.u32 $0x8, s21;
	v9 =	vmul.f32 v4, v8  }
0x4ad: {  	s29 =	simm.s32 $0x4;
	s20 =	simm.s32 $0x1CA00;
	s13 =	simm.s32 $0x1CE40;
	v8 =	vmul.f32 v12, v4;
	v10 =	vmul.f32 v10, v4  }
.LBB2_35:
0x4ae: {  	p1 =	sne.s32 s29, $0x1C  }
0x4af: {  	v6 =	vmul.f32 v6, v4;
	v5 =	vmul.f32 v5, v4;
	[tilespmem:s23+$0x30] =	vst v11;
	s13 =	sadd.s32 $0x80, s13;
	s25 =	smov.u32 s29;
	s29 =	sadd.s32 $0x4, s29  }
0x4b0: {  	[tilespmem:s23+$0xFFFFFFC0] =	vst v9;
	v9 =	vmul.f32 v3, v4;
	v4 =	vmul.f32 v7, v4  }
0x4b1: {  	[tilespmem:s23+$0x10] =	vst v10  }
0x4b2: {  	[tilespmem:s23+$0xFFFFFFE0] =	vst v8  }
0x4b3: {  	v3 =	vld [tilespmem:s13+$0xFFFFFFF0];
	[tilespmem:s23+$0xFFFFFFF0] =	vst v9  }
0x4b4: {  	v8 =	vld [tilespmem:s13+$0x30];
	[tilespmem:s23+$0x0] =	vst v4  }
0x4b5: {  	s25 =	sshra.s32 s25, $0x2;
	v10 =	vld [tilespmem:s13+$0x10];
	[tilespmem:s23+$0x20] =	vst v5  }
0x4b6: {  	s25 =	sadd.s32 s25, s8;
	v9 =	vld [tilespmem:s13+$0xFFFFFFC0];
	[tilespmem:s23+$0xFFFFFFD0] =	vst v6;
	s23 =	smov.u32 s13  }
0x4b7: {  	v4 =	vld.msk [tilespmem:s25+$0x0 ss:$0x0], $0xffff  }
0x4b8: {  	v12 =	vld [tilespmem:s13+$0xFFFFFFE0]  }
0x4b9: {  	v5 =	vld [tilespmem:s13+$0x20]  }
.Ltmp16:
0x4ba: {  	v6 =	vld [tilespmem:s13+$0xFFFFFFD0];
	(pc) =	sbr.rel @p1 .LBB2_35-.Ltmp16, $3  }
0x4bb: {  	v7 =	vld [tilespmem:s13+$0x0];
	_ =	sdelay $0x1  }
0x4bc: {  	v9 =	vmul.f32 v4, v9;
	v11 =	vmul.f32 v8, v4  }
0x4bd: {  	v10 =	vmul.f32 v10, v4;
	v8 =	vmul.f32 v12, v4  }
0x4be: {  	[tilespmem:s23+$0x30] =	vst v11  }
0x4bf: {  	[tilespmem:s23+$0xFFFFFFC0] =	vst v9  }
0x4c0: {  	v3 =	vmul.f32 v3, v4;
	[tilespmem:s23+$0x10] =	vst v10  }
0x4c1: {  	v5 =	vmul.f32 v5, v4;
	[tilespmem:s23+$0xFFFFFFE0] =	vst v8  }
0x4c2: {  	v7 =	vmul.f32 v7, v4;
	[tilespmem:s23+$0xFFFFFFF0] =	vst v3  }
0x4c3: {  	v3 =	vmul.f32 v6, v4;
	[tilespmem:s23+$0x20] =	vst v5  }
0x4c4: {  	s13 =	sadd.s32 s12, s21;
	s25 =	simm.s32 $0x1CE00;
	[tilespmem:s23+$0x0] =	vst v7  }
0x4c5: {  	s6 =	sadd.s32 $0x1, s6;
	s13 =	sshll.u32 s13, $0x4;
	[tilespmem:s23+$0xFFFFFFD0] =	vst v3;
	s23 =	rddreg [dreg:$0x7]  }
0x4c6: {  	s29 =	smin.u32 s22, $0x4C;
	p1 =	sne.s32 s6, $0x28;
	s13 =	sadd.s32 s23, s13  }
0x4c7: {  	[hbm4b:s13+s5] =	stream.linear.scatter [tilespmem:s25], [sflag:$0x6], $0x400, $0x38;
	[tilespmem:$0x1D880] =	vst v63  }
.Ltmp17:
0x4c8: {  	s13 =	sshll.u32 s29, $0xA;
	(pc) =	sbr.rel @p1 .LBB2_32-.Ltmp17, $4  }
0x4c9: {  	s22 =	simm.s32 $0x1CE00;
	_ =	swait.ge [sflag:s17], $0x400;
	s13 =	sadd.s32 s13, s2  }
0x4ca: {  	s7 =	sadd.s32 $0x10, s7;
	[sflag:s17] =	ssyncset.done $0x0;
	s13 =	sadd.s32 s10, s13  }
0x4cb: {  	s8 =	sadd.s32 $0x10, s8;
	[sflag:s17] =	ssyncadd.s32 $0xFFFFFC00;
	s13 =	sadd.s32 $0xC00, s13  }
0x4cc: {  	[tilespmem:s25], [sflag:$0x2] =	stream.linear.gather [spmem:s13], $0x400, $0x38;
	[tilespmem:$0x1D880] =	vst v63  }
0x4cd: {  	_ =	swait.ge [sflag:s26], $0x400  }
0x4ce: {  	[sflag:s26] =	ssyncset.done $0x0  }
0x4cf: {  	[sflag:s26] =	ssyncadd.s32 $0xFFFFFC00  }
0x4d0: {  	_ =	swait.ge [sflag:s28], $0x400  }
0x4d1: {  	s7 =	rddreg [dreg:$0x17]  }
0x4d2: {  	s6 =	rddreg [dreg:$0x12];
	s7 =	sadd.s32 $0x1, s7  }
0x4d3: {  	p1 =	sne.s32 s7, s6  }
.Ltmp18:
0x4d4: {  	_ = 	snop;
	(pc) =	sbr.rel @p1 .LBB2_1-.Ltmp18, $3  }
0x4d5: {  	_ =	sdelay $0x1  }
0x4d6: {  	[sflag:s28] =	ssyncset.done $0x0  }
0x4d7: {  	s21 =	rddreg [dreg:$0x8];
	[sflag:s28] =	ssyncadd.s32 $0xFFFFFC00  }
0x4d8: {  	_ =	sfence.sel $0x180000  }
0x4d9: {  	[bflag:$0x0] =	sbarrier.arrive $0xFFFF  }
0x4da: {  	_ =	strace $0x90000047  }
0x4db: {  	s0 =	stileid.u32;
	[bflag:$0x2] =	sbarrier.arrive $0xFFFF  }
0x4dc: {  	p0 =	sne.s32 s0, $0x0;
	s0 =	rddreg [dreg:$0x4]  }
0x4dd: {  	s0 =	sadd.s32 @!p0 $0x100000, s0  }
0x4de: {  	[sflag:s0] =	ssyncadd.tile.s32 @!p0 $0x1;
	_ =	shalt  }
.Lfunc_end2:
_tile_overlayer_lowered:
.L_overlay_start_2:
0x4df: {  	(tag) =	ssettag $0x2  }
0x4e0: {  	s0 =	rddreg [dreg:$0x0];
	s2 =	stileid.u32  }
0x4e1: {  	s1 =	rddreg [dreg:$0x1];
	p0 =	sne.s32 s2, $0x0  }
0x4e2: {  	s3 =	rddreg [dreg:$0x2];
	[bflag:$0x3] =	sbarrier.arrive $0xFFFF;
	s2 =	simm.s32 @!p0 $0x1C09  }
0x4e3: {  	[timem:s3], [sflag:s2] =	dma.local @!p0 [hbm:s0], s1  }
0x4e4: {  	s0 =	simm.s32 @!p0 $0x9  }
0x4e5: {  	_ =	swait.ge @!p0 [sflag:s0], s1  }
0x4e6: {  	s1 =	ssub.s32 @!p0 $0x0, s1;
	[sflag:s0] =	ssyncset.done @!p0 $0x0  }
0x4e7: {  	[sflag:s0] =	ssyncadd.s32 @!p0 s1  }
0x4e8: {  	[bflag:$0x3] =	sbarrier.arrive $0xFFFF  }
0x4e9: {  	_ =	shalt  }

</sc_bundles>
